<compile_context>
chip_gen: v7x
topology: tpu7x:2x2x1
jax: 0.10.2.dev20260603
libtpu: 0.0.44.dev20260713+nightly
codegen_flags: <defaults>
</compile_context>

<pallas_src>
import functools

import jax
import jax.numpy as jnp
from jax import lax
from jax.experimental import pallas as pl
from jax.experimental.pallas import tpu as pltpu
from jax.experimental.pallas import tpu_sc as plsc

_NC = 2
_NS = 16
_NW = _NC * _NS
_LANES = 16
_K = 128


def _chunk_sizes(total, step):
    out = []
    while total > 0:
        out.append(min(step, total))
        total -= out[-1]
    return out


@functools.lru_cache(maxsize=None)
def _make_sc_agg(N, D, CH0, CH1):
    CH = max(CH0, CH1)
    NPAD = -(-(N + 1) // (_NS * 8)) * (_NS * 8)
    RZ = NPAD // _NS
    mesh = plsc.VectorSubcoreMesh(core_axis_name="c", subcore_axis_name="s")

    @functools.partial(
        pl.kernel,
        mesh=mesh,
        out_type=jax.ShapeDtypeStruct((_NC, NPAD, D), jnp.float32),
        scratch_types=[
            pltpu.VMEM((CH, _K), jnp.int32),
            pltpu.VMEM((2, _K), jnp.int32),
            pltpu.VMEM((2, _K), jnp.int32),
            pltpu.VMEM((_K, D), jnp.float32),
            pltpu.VMEM((_K, D), jnp.float32),
            pltpu.VMEM_SHARED((NPAD, D), jnp.float32),
            pltpu.SemaphoreType.DMA,
            pltpu.SemaphoreType.DMA,
        ],
    )
    def sc_agg(x_hbm, pk_hbm, out_hbm, pk_v, src2, dst2, buf0, buf1,
               acc, sem0, sem1):
        c = lax.axis_index("c")
        s = lax.axis_index("s")
        wid = c * _NS + s

        pltpu.sync_copy(pk_hbm.at[wid], pk_v)
        nkv = _K // _LANES

        def _unpack(j, par):
            for q in range(nkv):
                v = pk_v[j, pl.ds(q * _LANES, _LANES)]
                src2[par, pl.ds(q * _LANES, _LANES)] = (
                    lax.shift_right_logical(v, 14))
                dst2[par, pl.ds(q * _LANES, _LANES)] = (
                    lax.bitwise_and(v, 16383))

        zeros = jnp.zeros((_LANES,), jnp.float32)
        nvec = D // _LANES

        def _zb(i, _):
            buf0[i // nvec, pl.ds((i % nvec) * _LANES, _LANES)] = zeros
            return 0

        lax.fori_loop(0, _K * nvec, _zb, 0)
        off = 0
        for sz in _chunk_sizes(RZ, _K):
            pltpu.sync_copy(buf0.at[pl.ds(0, sz)],
                            acc.at[pl.ds(s * RZ + off, sz)])
            off += sz
        plsc.subcore_barrier()

        def _gather(par, buf, sem):
            pltpu.async_copy(x_hbm.at[src2.at[par]], buf, sem)

        def _wait(buf, sem):
            pltpu.make_async_copy(x_hbm.at[pl.ds(0, _K)], buf, sem).wait()

        CHc = jnp.where(c == 0, CH0, CH1)
        _unpack(0, 0)
        _gather(0, buf0, sem0)

        def _step(t, _):
            j0 = 2 * t

            @pl.when(j0 + 1 < CHc)
            def _():
                _unpack(j0 + 1, 1)
                _gather(1, buf1, sem1)

            _wait(buf0, sem0)
            pltpu.sync_copy(buf0, acc.at[dst2.at[0]], add=True)

            @pl.when(j0 + 2 < CHc)
            def _():
                _unpack(j0 + 2, 0)
                _gather(0, buf0, sem0)

            @pl.when(j0 + 1 < CHc)
            def _():
                _wait(buf1, sem1)
                pltpu.sync_copy(buf1, acc.at[dst2.at[1]], add=True)

            return 0

        lax.fori_loop(0, (CHc + 1) // 2, _step, 0)
        plsc.subcore_barrier()

        off = 0
        for sz in _chunk_sizes(RZ, _K):
            pltpu.sync_copy(acc.at[pl.ds(s * RZ + off, sz)],
                            out_hbm.at[c, pl.ds(s * RZ + off, sz)])
            off += sz

    return sc_agg


def _mlp_body(parts_ref, x_ref, w1_ref, b1_ref, g_ref, be_ref, w2_ref,
              b2_ref, o_ref):
    n = x_ref.shape[0]
    p = parts_ref[...]
    h0 = p[0, :n] + p[1, :n] + x_ref[...]
    h1 = jnp.dot(h0, w1_ref[...], preferred_element_type=jnp.float32)
    h1 = h1 + b1_ref[...]
    mu = jnp.mean(h1, axis=0, keepdims=True)
    var = jnp.mean(jnp.square(h1 - mu), axis=0, keepdims=True)
    h1 = (h1 - mu) * lax.rsqrt(var + 1e-5) * g_ref[...] + be_ref[...]
    h1 = jnp.maximum(h1, 0.0)
    h2 = jnp.dot(h1, w2_ref[...], preferred_element_type=jnp.float32)
    h2 = h2 + b2_ref[...]
    o_ref[...] = jnp.maximum(h2, 0.0)


def _pool_body(x_ref, batch_ref, w3_ref, b3_ref, w4_ref, b4_ref, o_ref, *,
               G):
    n = x_ref.shape[0]
    gid = lax.broadcasted_iota(jnp.int32, (G, n), 0)
    onehot = jnp.where(gid == batch_ref[...], 1.0, 0.0)
    seg = jnp.dot(onehot, x_ref[...], preferred_element_type=jnp.float32)
    cnt = jnp.sum(onehot, axis=1, keepdims=True)
    pooled = seg / jnp.maximum(cnt, 1.0)
    h = jnp.dot(pooled, w3_ref[...], preferred_element_type=jnp.float32)
    h = jnp.maximum(h + b3_ref[...], 0.0)
    o_ref[...] = jnp.dot(h, w4_ref[...],
                         preferred_element_type=jnp.float32) + b4_ref[...]


def kernel(x, edge_index, batch, params, final_params):
    N, D = x.shape
    G = 64
    src = edge_index[0].astype(jnp.int32)
    dst = edge_index[1].astype(jnp.int32)
    E = src.shape[0]

    TCH = -(-E // _K)
    per_w = -(-TCH // _NS)
    CH0 = max(1, min(per_w - 1, round(per_w * 0.715)))
    CH1 = per_w - CH0
    EP = _NS * per_w * _K
    pk = src * 16384 + dst
    pkc = jnp.concatenate(
        [pk, jnp.full((EP - E,), N, jnp.int32)]).reshape(_NS * per_w, _K)
    blocks = [pkc[w * CH0:(w + 1) * CH0] for w in range(_NS)]
    base1 = _NS * CH0
    fill = jnp.zeros((CH0 - CH1, _K), jnp.int32)
    for w in range(_NS):
        blocks.append(jnp.concatenate(
            [pkc[base1 + w * CH1:base1 + (w + 1) * CH1], fill]))
    pk_p = jnp.stack(blocks)

    sc_agg = _make_sc_agg(N, D, CH0, CH1)

    H = params[0][0].shape[1]
    mlp_call = pl.pallas_call(
        _mlp_body,
        out_shape=jax.ShapeDtypeStruct((N, H), jnp.float32),
    )

    h = x
    for (W1, b1, gamma, beta, W2, b2) in params:
        parts = sc_agg(h, pk_p)
        h = mlp_call(parts, h, W1, b1.reshape(1, -1), gamma.reshape(1, -1),
                     beta.reshape(1, -1), W2, b2.reshape(1, -1))

    W3, b3, W4, b4 = final_params
    OUT = W4.shape[1]
    pool_call = pl.pallas_call(
        functools.partial(_pool_body, G=G),
        out_shape=jax.ShapeDtypeStruct((G, OUT), jnp.float32),
    )
    return pool_call(h, batch.reshape(1, -1).astype(jnp.int32), W3,
                     b3.reshape(1, -1), W4, b4.reshape(1, -1))

# --- scband reference (transcript-rebuilt; emitter-appended) ---
"""Pipeline reference for scband-gin-20890720928310 (READ-ONLY COPY).

The authoritative reference and input builder live on the scoring server;
editing this copy changes nothing except your own understanding.
"""

import jax, jax.numpy as jnp
import numpy as np

N, E, D, H, OUT, L, G = 10000, 320000, 128, 128, 10, 3, 64


def setup_inputs(seed: int = 0):
    key = jax.random.key(seed)
    ks = jax.random.split(key, 8 + 4 * L)
    x = jax.random.normal(ks[0], (N, D), dtype=jnp.float32)
    edge_index = jax.random.randint(ks[1], (2, E), 0, N)
    batch = jnp.sort(jax.random.randint(ks[2], (N,), 0, G))
    layers = []
    c = D
    ki = 3
    for l in range(L):
        W1 = jax.random.normal(ks[ki], (c, H), dtype=jnp.float32) / np.sqrt(c)
        b1 = jnp.zeros((H,), dtype=jnp.float32)
        gamma = jnp.ones((H,), dtype=jnp.float32)
        beta = jnp.zeros((H,), dtype=jnp.float32)
        W2 = jax.random.normal(ks[ki + 1], (H, H), dtype=jnp.float32) / np.sqrt(H)
        b2 = jnp.zeros((H,), dtype=jnp.float32)
        layers.append((W1, b1, gamma, beta, W2, b2))
        c = H
        ki += 2
    W3 = jax.random.normal(ks[ki], (H, H), dtype=jnp.float32) / np.sqrt(H)
    b3 = jnp.zeros((H,), dtype=jnp.float32)
    W4 = jax.random.normal(ks[ki + 1], (H, OUT), dtype=jnp.float32) / np.sqrt(H)
    b4 = jnp.zeros((OUT,), dtype=jnp.float32)
    final_params = (W3, b3, W4, b4)
    return {"x": x, "edge_index": edge_index, "batch": batch,
            "params": tuple(layers), "final_params": final_params}


def _bn(h, gamma, beta):
    # PyG MLP default BatchNorm1d, training-mode batch statistics
    mean = jnp.mean(h, axis=0)
    var = jnp.var(h, axis=0)
    return (h - mean) / jnp.sqrt(var + 1e-5) * gamma + beta


def _gin_forward(x, edge_index, batch, params, final_params):
    src = edge_index[0]
    dst = edge_index[1]
    for (W1, b1, gamma, beta, W2, b2) in params:
        # GINConv (train_eps=False -> eps=0): nn((1+eps)*x + sum_{j in N(i)} x_j)
        msgs = jnp.take(x, src, axis=0)
        agg = jax.ops.segment_sum(msgs, dst, num_segments=N)
        h0 = agg + x
        h1 = h0 @ W1 + b1
        h1 = jax.nn.relu(_bn(h1, gamma, beta))
        h2 = h1 @ W2 + b2
        x = jax.nn.relu(h2)  # .relu() after conv in GIN.forward
    # global_mean_pool
    s = jax.ops.segment_sum(x, batch, num_segments=G)
    cnt = jax.ops.segment_sum(jnp.ones((x.shape[0],), dtype=x.dtype), batch, num_segments=G)
    pooled = s / jnp.maximum(cnt, 1.0)[:, None]
    # final MLP (norm=None, dropout=0.4 -> identity in eval mode)
    W3, b3, W4, b4 = final_params
    h = jax.nn.relu(pooled @ W3 + b3)
    return h @ W4 + b4


def reference(x, edge_index, batch, params, final_params):
    return _gin_forward(x, edge_index, batch, params, final_params)

if __name__ == "__main__":
    import jax
    _d = setup_inputs()
    print(jax.jit(kernel)(*tuple(_d.values())))

</pallas_src>

<mosaic_0001>
#map = affine_map<(d0, d1) -> (0, 0)>
#map1 = affine_map<(d0, d1) -> (0, 0, 0)>
module attributes {stable_mosaic.version = 14 : i64} {
  func.func @sc_agg(%arg0: i32, %arg1: i32, %arg2: memref<10000x128xf32, #tpu.memory_space<hbm>>, %arg3: memref<32x112x128xi32, #tpu.memory_space<hbm>>, %arg4: memref<2x10112x128xf32, #tpu.memory_space<hbm>>, %arg5: memref<112x128xi32, #tpu.memory_space<vmem>>, %arg6: memref<2x128xi32, #tpu.memory_space<vmem>>, %arg7: memref<2x128xi32, #tpu.memory_space<vmem>>, %arg8: memref<128x128xf32, #tpu.memory_space<vmem>>, %arg9: memref<128x128xf32, #tpu.memory_space<vmem>>, %arg10: memref<10112x128xf32, #tpu.memory_space<vmem_shared>>, %arg11: memref<!tpu.dma_semaphore, #tpu.memory_space<semaphore_mem>>, %arg12: memref<!tpu.dma_semaphore, #tpu.memory_space<semaphore_mem>>) attributes {dimension_semantics = [#tpu.dimension_semantics<core_parallel>, #tpu.dimension_semantics<subcore_parallel>], iteration_bounds = array<i64: 2, 16>, scalar_prefetch = 0 : i64, scratch_operands = 8 : i64, tpu.core_type = #tpu.core_type<sc_vector_subcore>, window_params = [{transform_indices = #map}, {transform_indices = #map1}, {transform_indices = #map1}]} {
    %mul3A = arith.constant 16 : i32
    %mul3A_0 = arith.muli %arg0, %mul3A : i32
    %add3A = arith.addi %mul3A_0, %arg1 : i32
    "tpu.region"() ({
      %run_scoped3A = tpu.sem_alloc : memref<!tpu.dma_semaphore, #tpu.memory_space<semaphore_mem>>
      %dma_start3A_289 = arith.constant 0 : i32
      %dma_start3A_290 = arith.constant 0 : i32
      %dma_start3A_291 = tpu.memref_slice %arg3[%add3A, %dma_start3A_289, %dma_start3A_290] : memref<32x112x128xi32, #tpu.memory_space<hbm>> -> memref<1x112x128xi32, #tpu.memory_space<hbm>>
      %dma_start3A_292 = tpu.memref_squeeze %dma_start3A_291 : memref<1x112x128xi32, #tpu.memory_space<hbm>> -> memref<112x128xi32, #tpu.memory_space<hbm>>
      %dma_start3A_293 = arith.constant 0 : i32
      %dma_start3A_294 = arith.constant 0 : i32
      %dma_start3A_295 = tpu.memref_slice %arg3[%add3A, %dma_start3A_293, %dma_start3A_294] : memref<32x112x128xi32, #tpu.memory_space<hbm>> -> memref<1x112x128xi32, #tpu.memory_space<hbm>>
      %dma_start3A_296 = tpu.memref_squeeze %dma_start3A_295 : memref<1x112x128xi32, #tpu.memory_space<hbm>> -> memref<112x128xi32, #tpu.memory_space<hbm>>
      tpu.enqueue_dma source(%dma_start3A_296 : memref<112x128xi32, #tpu.memory_space<hbm>>) target(%arg5 : memref<112x128xi32, #tpu.memory_space<vmem>>) target_semaphore(%run_scoped3A : memref<!tpu.dma_semaphore, #tpu.memory_space<semaphore_mem>>)
      %dma_wait3A = arith.constant 0 : i32
      %dma_wait3A_297 = arith.constant 0 : i32
      %dma_wait3A_298 = tpu.memref_slice %arg3[%add3A, %dma_wait3A, %dma_wait3A_297] : memref<32x112x128xi32, #tpu.memory_space<hbm>> -> memref<1x112x128xi32, #tpu.memory_space<hbm>>
      %dma_wait3A_299 = tpu.memref_squeeze %dma_wait3A_298 : memref<1x112x128xi32, #tpu.memory_space<hbm>> -> memref<112x128xi32, #tpu.memory_space<hbm>>
      %dma_wait3A_300 = arith.constant 0 : i32
      %dma_wait3A_301 = arith.constant 0 : i32
      %dma_wait3A_302 = tpu.memref_slice %arg3[%add3A, %dma_wait3A_300, %dma_wait3A_301] : memref<32x112x128xi32, #tpu.memory_space<hbm>> -> memref<1x112x128xi32, #tpu.memory_space<hbm>>
      %dma_wait3A_303 = tpu.memref_squeeze %dma_wait3A_302 : memref<1x112x128xi32, #tpu.memory_space<hbm>> -> memref<112x128xi32, #tpu.memory_space<hbm>>
      tpu.wait_dma2 semaphore(%run_scoped3A : memref<!tpu.dma_semaphore, #tpu.memory_space<semaphore_mem>>) src(%dma_wait3A_303 : memref<112x128xi32, #tpu.memory_space<hbm>>) dst(%arg5 : memref<112x128xi32, #tpu.memory_space<vmem>>)
      tpu.yield
    }) : () -> ()
    %broadcast_in_dim3A = arith.constant 0.000000e+00 : f32
    %broadcast_in_dim3A_1 = vector.broadcast %broadcast_in_dim3A : f32 to vector<16xf32>
    %scan3A = arith.constant 0 : i32
    %scan3A_2 = arith.constant 0 : i32
    %scan3A_3 = arith.constant 1024 : i32
    %scan3A_4 = arith.addi %scan3A_2, %scan3A_3 : i32
    %scan3A_5 = arith.constant 1 : i32
    %scan3A_6 = scf.for %scan3A_289 = %scan3A_2 to %scan3A_4 step %scan3A_5 iter_args(%scan3A_290 = %scan3A) -> (i32)  : i32 {
      %jit3A_291 = arith.constant 8 : i32
      %div3A_292 = arith.divsi %scan3A_289, %jit3A_291 : i32
      %sign3A_293 = arith.constant 0 : i32
      %sign3A_294 = arith.cmpi sgt, %scan3A_289, %sign3A_293 : i32
      %sign3A_295 = arith.extui %sign3A_294 : i1 to i32
      %sign3A_296 = arith.constant 0 : i32
      %sign3A_297 = arith.cmpi slt, %scan3A_289, %sign3A_296 : i32
      %sign3A_298 = arith.extui %sign3A_297 : i1 to i32
      %sign3A_299 = arith.subi %sign3A_295, %sign3A_298 : i32
      %sign3A_300 = arith.constant 0 : i32
      %sign3A_301 = arith.cmpi sgt, %jit3A_291, %sign3A_300 : i32
      %sign3A_302 = arith.extui %sign3A_301 : i1 to i32
      %sign3A_303 = arith.constant 0 : i32
      %sign3A_304 = arith.cmpi slt, %jit3A_291, %sign3A_303 : i32
      %sign3A_305 = arith.extui %sign3A_304 : i1 to i32
      %sign3A_306 = arith.subi %sign3A_302, %sign3A_305 : i32
      %ne3A_307 = arith.cmpi ne, %sign3A_299, %sign3A_306 : i32
      %rem3A_308 = arith.remsi %scan3A_289, %jit3A_291 : i32
      %ne3A_309 = arith.constant 0 : i32
      %ne3A_310 = arith.cmpi ne, %rem3A_308, %ne3A_309 : i32
      %and3A_311 = arith.andi %ne3A_307, %ne3A_310 : i1
      %sub3A_312 = arith.constant 1 : i32
      %sub3A_313 = arith.subi %div3A_292, %sub3A_312 : i32
      %select_n3A_314 = arith.select %and3A_311, %sub3A_313, %div3A_292 : i32
      %jit3A_315 = arith.constant 8 : i32
      %eq3A_316 = arith.constant 0 : i32
      %eq3A_317 = arith.cmpi eq, %jit3A_315, %eq3A_316 : i32
      %jit3A_318 = arith.constant 1 : i32
      %select_n3A_319 = arith.select %eq3A_317, %jit3A_318, %jit3A_315 : i32
      %rem3A_320 = arith.remsi %scan3A_289, %select_n3A_319 : i32
      %ne3A_321 = arith.constant 0 : i32
      %ne3A_322 = arith.cmpi ne, %rem3A_320, %ne3A_321 : i32
      %lt3A = arith.constant 0 : i32
      %lt3A_323 = arith.cmpi slt, %rem3A_320, %lt3A : i32
      %lt3A_324 = arith.constant 0 : i32
      %lt3A_325 = arith.cmpi slt, %select_n3A_319, %lt3A_324 : i32
      %ne3A_326 = arith.xori %lt3A_323, %lt3A_325 : i1
      %and3A_327 = arith.andi %ne3A_326, %ne3A_322 : i1
      %add3A_328 = arith.addi %rem3A_320, %select_n3A_319 : i32
      %select_n3A_329 = arith.select %and3A_327, %add3A_328, %rem3A_320 : i32
      %mul3A_330 = arith.constant 16 : i32
      %mul3A_331 = arith.muli %select_n3A_329, %mul3A_330 : i32
      %swap3A_332 = arith.index_cast %select_n3A_314 : i32 to index
      %swap3A_333 = arith.index_cast %mul3A_331 : i32 to index
      %swap3A_334 = tpu.vector_load %arg8[%swap3A_332, %swap3A_333] {strides = array<i32>} : memref<128x128xf32, #tpu.memory_space<vmem>>, vector<1x16xf32>,
      %swap3A_335 = vector.shape_cast %swap3A_334 : vector<1x16xf32> to vector<16xf32>
      %swap3A_336 = vector.shape_cast %broadcast_in_dim3A_1 : vector<16xf32> to vector<1x16xf32>
      tpu.vector_store %arg8[%swap3A_332, %swap3A_333], %swap3A_336 {strides = array<i32>} : memref<128x128xf32, #tpu.memory_space<vmem>>, vector<1x16xf32>,
      %scan3A_337 = arith.constant 0 : i32
      scf.yield %scan3A_337 : i32
    }
    %scan3A_7 = arith.constant 1024 : i32
    %mul3A_8 = arith.constant 632 : i32
    %mul3A_9 = arith.muli %arg1, %mul3A_8 : i32
    %add3A_10 = arith.constant 0 : i32
    %add3A_11 = arith.addi %mul3A_9, %add3A_10 : i32
    "tpu.region"() ({
      %run_scoped3A = tpu.sem_alloc : memref<!tpu.dma_semaphore, #tpu.memory_space<semaphore_mem>>
      %dma_start3A_289 = arith.constant 0 : i32
      %dma_start3A_290 = arith.constant 0 : i32
      %dma_start3A_291 = tpu.memref_slice %arg8[%dma_start3A_289, %dma_start3A_290] : memref<128x128xf32, #tpu.memory_space<vmem>> -> memref<128x128xf32, #tpu.memory_space<vmem>>
      %dma_start3A_292 = arith.constant 0 : i32
      %dma_start3A_293 = tpu.memref_slice %arg10[%add3A_11, %dma_start3A_292] : memref<10112x128xf32, #tpu.memory_space<vmem_shared>> -> memref<128x128xf32, #tpu.memory_space<vmem_shared>>
      %dma_start3A_294 = arith.constant 0 : i32
      %dma_start3A_295 = tpu.memref_slice %arg10[%add3A_11, %dma_start3A_294] : memref<10112x128xf32, #tpu.memory_space<vmem_shared>> -> memref<128x128xf32, #tpu.memory_space<vmem_shared>>
      %dma_start3A_296 = arith.constant 0 : i32
      %dma_start3A_297 = arith.constant 0 : i32
      %dma_start3A_298 = tpu.memref_slice %arg8[%dma_start3A_296, %dma_start3A_297] : memref<128x128xf32, #tpu.memory_space<vmem>> -> memref<128x128xf32, #tpu.memory_space<vmem>>
      tpu.enqueue_dma source(%dma_start3A_298 : memref<128x128xf32, #tpu.memory_space<vmem>>) target(%dma_start3A_295 : memref<128x128xf32, #tpu.memory_space<vmem_shared>>) target_semaphore(%run_scoped3A : memref<!tpu.dma_semaphore, #tpu.memory_space<semaphore_mem>>)
      %dma_wait3A = arith.constant 0 : i32
      %dma_wait3A_299 = arith.constant 0 : i32
      %dma_wait3A_300 = tpu.memref_slice %arg8[%dma_wait3A, %dma_wait3A_299] : memref<128x128xf32, #tpu.memory_space<vmem>> -> memref<128x128xf32, #tpu.memory_space<vmem>>
      %dma_wait3A_301 = arith.constant 0 : i32
      %dma_wait3A_302 = tpu.memref_slice %arg10[%add3A_11, %dma_wait3A_301] : memref<10112x128xf32, #tpu.memory_space<vmem_shared>> -> memref<128x128xf32, #tpu.memory_space<vmem_shared>>
      %dma_wait3A_303 = arith.constant 0 : i32
      %dma_wait3A_304 = tpu.memref_slice %arg10[%add3A_11, %dma_wait3A_303] : memref<10112x128xf32, #tpu.memory_space<vmem_shared>> -> memref<128x128xf32, #tpu.memory_space<vmem_shared>>
      %dma_wait3A_305 = arith.constant 0 : i32
      %dma_wait3A_306 = arith.constant 0 : i32
      %dma_wait3A_307 = tpu.memref_slice %arg8[%dma_wait3A_305, %dma_wait3A_306] : memref<128x128xf32, #tpu.memory_space<vmem>> -> memref<128x128xf32, #tpu.memory_space<vmem>>
      tpu.wait_dma2 semaphore(%run_scoped3A : memref<!tpu.dma_semaphore, #tpu.memory_space<semaphore_mem>>) src(%dma_wait3A_307 : memref<128x128xf32, #tpu.memory_space<vmem>>) dst(%dma_wait3A_304 : memref<128x128xf32, #tpu.memory_space<vmem_shared>>)
      tpu.yield
    }) : () -> ()
    %mul3A_12 = arith.constant 632 : i32
    %mul3A_13 = arith.muli %arg1, %mul3A_12 : i32
    %add3A_14 = arith.constant 128 : i32
    %add3A_15 = arith.addi %mul3A_13, %add3A_14 : i32
    "tpu.region"() ({
      %run_scoped3A = tpu.sem_alloc : memref<!tpu.dma_semaphore, #tpu.memory_space<semaphore_mem>>
      %dma_start3A_289 = arith.constant 0 : i32
      %dma_start3A_290 = arith.constant 0 : i32
      %dma_start3A_291 = tpu.memref_slice %arg8[%dma_start3A_289, %dma_start3A_290] : memref<128x128xf32, #tpu.memory_space<vmem>> -> memref<128x128xf32, #tpu.memory_space<vmem>>
      %dma_start3A_292 = arith.constant 0 : i32
      %dma_start3A_293 = tpu.memref_slice %arg10[%add3A_15, %dma_start3A_292] : memref<10112x128xf32, #tpu.memory_space<vmem_shared>> -> memref<128x128xf32, #tpu.memory_space<vmem_shared>>
      %dma_start3A_294 = arith.constant 0 : i32
      %dma_start3A_295 = tpu.memref_slice %arg10[%add3A_15, %dma_start3A_294] : memref<10112x128xf32, #tpu.memory_space<vmem_shared>> -> memref<128x128xf32, #tpu.memory_space<vmem_shared>>
      %dma_start3A_296 = arith.constant 0 : i32
      %dma_start3A_297 = arith.constant 0 : i32
      %dma_start3A_298 = tpu.memref_slice %arg8[%dma_start3A_296, %dma_start3A_297] : memref<128x128xf32, #tpu.memory_space<vmem>> -> memref<128x128xf32, #tpu.memory_space<vmem>>
      tpu.enqueue_dma source(%dma_start3A_298 : memref<128x128xf32, #tpu.memory_space<vmem>>) target(%dma_start3A_295 : memref<128x128xf32, #tpu.memory_space<vmem_shared>>) target_semaphore(%run_scoped3A : memref<!tpu.dma_semaphore, #tpu.memory_space<semaphore_mem>>)
      %dma_wait3A = arith.constant 0 : i32
      %dma_wait3A_299 = arith.constant 0 : i32
      %dma_wait3A_300 = tpu.memref_slice %arg8[%dma_wait3A, %dma_wait3A_299] : memref<128x128xf32, #tpu.memory_space<vmem>> -> memref<128x128xf32, #tpu.memory_space<vmem>>
      %dma_wait3A_301 = arith.constant 0 : i32
      %dma_wait3A_302 = tpu.memref_slice %arg10[%add3A_15, %dma_wait3A_301] : memref<10112x128xf32, #tpu.memory_space<vmem_shared>> -> memref<128x128xf32, #tpu.memory_space<vmem_shared>>
      %dma_wait3A_303 = arith.constant 0 : i32
      %dma_wait3A_304 = tpu.memref_slice %arg10[%add3A_15, %dma_wait3A_303] : memref<10112x128xf32, #tpu.memory_space<vmem_shared>> -> memref<128x128xf32, #tpu.memory_space<vmem_shared>>
      %dma_wait3A_305 = arith.constant 0 : i32
      %dma_wait3A_306 = arith.constant 0 : i32
      %dma_wait3A_307 = tpu.memref_slice %arg8[%dma_wait3A_305, %dma_wait3A_306] : memref<128x128xf32, #tpu.memory_space<vmem>> -> memref<128x128xf32, #tpu.memory_space<vmem>>
      tpu.wait_dma2 semaphore(%run_scoped3A : memref<!tpu.dma_semaphore, #tpu.memory_space<semaphore_mem>>) src(%dma_wait3A_307 : memref<128x128xf32, #tpu.memory_space<vmem>>) dst(%dma_wait3A_304 : memref<128x128xf32, #tpu.memory_space<vmem_shared>>)
      tpu.yield
    }) : () -> ()
    %mul3A_16 = arith.constant 632 : i32
    %mul3A_17 = arith.muli %arg1, %mul3A_16 : i32
    %add3A_18 = arith.constant 256 : i32
    %add3A_19 = arith.addi %mul3A_17, %add3A_18 : i32
    "tpu.region"() ({
      %run_scoped3A = tpu.sem_alloc : memref<!tpu.dma_semaphore, #tpu.memory_space<semaphore_mem>>
      %dma_start3A_289 = arith.constant 0 : i32
      %dma_start3A_290 = arith.constant 0 : i32
      %dma_start3A_291 = tpu.memref_slice %arg8[%dma_start3A_289, %dma_start3A_290] : memref<128x128xf32, #tpu.memory_space<vmem>> -> memref<128x128xf32, #tpu.memory_space<vmem>>
      %dma_start3A_292 = arith.constant 0 : i32
      %dma_start3A_293 = tpu.memref_slice %arg10[%add3A_19, %dma_start3A_292] : memref<10112x128xf32, #tpu.memory_space<vmem_shared>> -> memref<128x128xf32, #tpu.memory_space<vmem_shared>>
      %dma_start3A_294 = arith.constant 0 : i32
      %dma_start3A_295 = tpu.memref_slice %arg10[%add3A_19, %dma_start3A_294] : memref<10112x128xf32, #tpu.memory_space<vmem_shared>> -> memref<128x128xf32, #tpu.memory_space<vmem_shared>>
      %dma_start3A_296 = arith.constant 0 : i32
      %dma_start3A_297 = arith.constant 0 : i32
      %dma_start3A_298 = tpu.memref_slice %arg8[%dma_start3A_296, %dma_start3A_297] : memref<128x128xf32, #tpu.memory_space<vmem>> -> memref<128x128xf32, #tpu.memory_space<vmem>>
      tpu.enqueue_dma source(%dma_start3A_298 : memref<128x128xf32, #tpu.memory_space<vmem>>) target(%dma_start3A_295 : memref<128x128xf32, #tpu.memory_space<vmem_shared>>) target_semaphore(%run_scoped3A : memref<!tpu.dma_semaphore, #tpu.memory_space<semaphore_mem>>)
      %dma_wait3A = arith.constant 0 : i32
      %dma_wait3A_299 = arith.constant 0 : i32
      %dma_wait3A_300 = tpu.memref_slice %arg8[%dma_wait3A, %dma_wait3A_299] : memref<128x128xf32, #tpu.memory_space<vmem>> -> memref<128x128xf32, #tpu.memory_space<vmem>>
      %dma_wait3A_301 = arith.constant 0 : i32
      %dma_wait3A_302 = tpu.memref_slice %arg10[%add3A_19, %dma_wait3A_301] : memref<10112x128xf32, #tpu.memory_space<vmem_shared>> -> memref<128x128xf32, #tpu.memory_space<vmem_shared>>
      %dma_wait3A_303 = arith.constant 0 : i32
      %dma_wait3A_304 = tpu.memref_slice %arg10[%add3A_19, %dma_wait3A_303] : memref<10112x128xf32, #tpu.memory_space<vmem_shared>> -> memref<128x128xf32, #tpu.memory_space<vmem_shared>>
      %dma_wait3A_305 = arith.constant 0 : i32
      %dma_wait3A_306 = arith.constant 0 : i32
      %dma_wait3A_307 = tpu.memref_slice %arg8[%dma_wait3A_305, %dma_wait3A_306] : memref<128x128xf32, #tpu.memory_space<vmem>> -> memref<128x128xf32, #tpu.memory_space<vmem>>
      tpu.wait_dma2 semaphore(%run_scoped3A : memref<!tpu.dma_semaphore, #tpu.memory_space<semaphore_mem>>) src(%dma_wait3A_307 : memref<128x128xf32, #tpu.memory_space<vmem>>) dst(%dma_wait3A_304 : memref<128x128xf32, #tpu.memory_space<vmem_shared>>)
      tpu.yield
    }) : () -> ()
    %mul3A_20 = arith.constant 632 : i32
    %mul3A_21 = arith.muli %arg1, %mul3A_20 : i32
    %add3A_22 = arith.constant 384 : i32
    %add3A_23 = arith.addi %mul3A_21, %add3A_22 : i32
    "tpu.region"() ({
      %run_scoped3A = tpu.sem_alloc : memref<!tpu.dma_semaphore, #tpu.memory_space<semaphore_mem>>
      %dma_start3A_289 = arith.constant 0 : i32
      %dma_start3A_290 = arith.constant 0 : i32
      %dma_start3A_291 = tpu.memref_slice %arg8[%dma_start3A_289, %dma_start3A_290] : memref<128x128xf32, #tpu.memory_space<vmem>> -> memref<128x128xf32, #tpu.memory_space<vmem>>
      %dma_start3A_292 = arith.constant 0 : i32
      %dma_start3A_293 = tpu.memref_slice %arg10[%add3A_23, %dma_start3A_292] : memref<10112x128xf32, #tpu.memory_space<vmem_shared>> -> memref<128x128xf32, #tpu.memory_space<vmem_shared>>
      %dma_start3A_294 = arith.constant 0 : i32
      %dma_start3A_295 = tpu.memref_slice %arg10[%add3A_23, %dma_start3A_294] : memref<10112x128xf32, #tpu.memory_space<vmem_shared>> -> memref<128x128xf32, #tpu.memory_space<vmem_shared>>
      %dma_start3A_296 = arith.constant 0 : i32
      %dma_start3A_297 = arith.constant 0 : i32
      %dma_start3A_298 = tpu.memref_slice %arg8[%dma_start3A_296, %dma_start3A_297] : memref<128x128xf32, #tpu.memory_space<vmem>> -> memref<128x128xf32, #tpu.memory_space<vmem>>
      tpu.enqueue_dma source(%dma_start3A_298 : memref<128x128xf32, #tpu.memory_space<vmem>>) target(%dma_start3A_295 : memref<128x128xf32, #tpu.memory_space<vmem_shared>>) target_semaphore(%run_scoped3A : memref<!tpu.dma_semaphore, #tpu.memory_space<semaphore_mem>>)
      %dma_wait3A = arith.constant 0 : i32
      %dma_wait3A_299 = arith.constant 0 : i32
      %dma_wait3A_300 = tpu.memref_slice %arg8[%dma_wait3A, %dma_wait3A_299] : memref<128x128xf32, #tpu.memory_space<vmem>> -> memref<128x128xf32, #tpu.memory_space<vmem>>
      %dma_wait3A_301 = arith.constant 0 : i32
      %dma_wait3A_302 = tpu.memref_slice %arg10[%add3A_23, %dma_wait3A_301] : memref<10112x128xf32, #tpu.memory_space<vmem_shared>> -> memref<128x128xf32, #tpu.memory_space<vmem_shared>>
      %dma_wait3A_303 = arith.constant 0 : i32
      %dma_wait3A_304 = tpu.memref_slice %arg10[%add3A_23, %dma_wait3A_303] : memref<10112x128xf32, #tpu.memory_space<vmem_shared>> -> memref<128x128xf32, #tpu.memory_space<vmem_shared>>
      %dma_wait3A_305 = arith.constant 0 : i32
      %dma_wait3A_306 = arith.constant 0 : i32
      %dma_wait3A_307 = tpu.memref_slice %arg8[%dma_wait3A_305, %dma_wait3A_306] : memref<128x128xf32, #tpu.memory_space<vmem>> -> memref<128x128xf32, #tpu.memory_space<vmem>>
      tpu.wait_dma2 semaphore(%run_scoped3A : memref<!tpu.dma_semaphore, #tpu.memory_space<semaphore_mem>>) src(%dma_wait3A_307 : memref<128x128xf32, #tpu.memory_space<vmem>>) dst(%dma_wait3A_304 : memref<128x128xf32, #tpu.memory_space<vmem_shared>>)
      tpu.yield
    }) : () -> ()
    %mul3A_24 = arith.constant 632 : i32
    %mul3A_25 = arith.muli %arg1, %mul3A_24 : i32
    %add3A_26 = arith.constant 512 : i32
    %add3A_27 = arith.addi %mul3A_25, %add3A_26 : i32
    "tpu.region"() ({
      %run_scoped3A = tpu.sem_alloc : memref<!tpu.dma_semaphore, #tpu.memory_space<semaphore_mem>>
      %dma_start3A_289 = arith.constant 0 : i32
      %dma_start3A_290 = arith.constant 0 : i32
      %dma_start3A_291 = tpu.memref_slice %arg8[%dma_start3A_289, %dma_start3A_290] : memref<128x128xf32, #tpu.memory_space<vmem>> -> memref<120x128xf32, #tpu.memory_space<vmem>>
      %dma_start3A_292 = arith.constant 0 : i32
      %dma_start3A_293 = tpu.memref_slice %arg10[%add3A_27, %dma_start3A_292] : memref<10112x128xf32, #tpu.memory_space<vmem_shared>> -> memref<120x128xf32, #tpu.memory_space<vmem_shared>>
      %dma_start3A_294 = arith.constant 0 : i32
      %dma_start3A_295 = tpu.memref_slice %arg10[%add3A_27, %dma_start3A_294] : memref<10112x128xf32, #tpu.memory_space<vmem_shared>> -> memref<120x128xf32, #tpu.memory_space<vmem_shared>>
      %dma_start3A_296 = arith.constant 0 : i32
      %dma_start3A_297 = arith.constant 0 : i32
      %dma_start3A_298 = tpu.memref_slice %arg8[%dma_start3A_296, %dma_start3A_297] : memref<128x128xf32, #tpu.memory_space<vmem>> -> memref<120x128xf32, #tpu.memory_space<vmem>>
      tpu.enqueue_dma source(%dma_start3A_298 : memref<120x128xf32, #tpu.memory_space<vmem>>) target(%dma_start3A_295 : memref<120x128xf32, #tpu.memory_space<vmem_shared>>) target_semaphore(%run_scoped3A : memref<!tpu.dma_semaphore, #tpu.memory_space<semaphore_mem>>)
      %dma_wait3A = arith.constant 0 : i32
      %dma_wait3A_299 = arith.constant 0 : i32
      %dma_wait3A_300 = tpu.memref_slice %arg8[%dma_wait3A, %dma_wait3A_299] : memref<128x128xf32, #tpu.memory_space<vmem>> -> memref<120x128xf32, #tpu.memory_space<vmem>>
      %dma_wait3A_301 = arith.constant 0 : i32
      %dma_wait3A_302 = tpu.memref_slice %arg10[%add3A_27, %dma_wait3A_301] : memref<10112x128xf32, #tpu.memory_space<vmem_shared>> -> memref<120x128xf32, #tpu.memory_space<vmem_shared>>
      %dma_wait3A_303 = arith.constant 0 : i32
      %dma_wait3A_304 = tpu.memref_slice %arg10[%add3A_27, %dma_wait3A_303] : memref<10112x128xf32, #tpu.memory_space<vmem_shared>> -> memref<120x128xf32, #tpu.memory_space<vmem_shared>>
      %dma_wait3A_305 = arith.constant 0 : i32
      %dma_wait3A_306 = arith.constant 0 : i32
      %dma_wait3A_307 = tpu.memref_slice %arg8[%dma_wait3A_305, %dma_wait3A_306] : memref<128x128xf32, #tpu.memory_space<vmem>> -> memref<120x128xf32, #tpu.memory_space<vmem>>
      tpu.wait_dma2 semaphore(%run_scoped3A : memref<!tpu.dma_semaphore, #tpu.memory_space<semaphore_mem>>) src(%dma_wait3A_307 : memref<120x128xf32, #tpu.memory_space<vmem>>) dst(%dma_wait3A_304 : memref<120x128xf32, #tpu.memory_space<vmem_shared>>)
      tpu.yield
    }) : () -> ()
    %barrier3A = arith.constant 0 : index
    tpu.barrier barrier_id(%barrier3A)
    %eq3A = arith.constant 0 : i32
    %eq3A_28 = arith.cmpi eq, %arg0, %eq3A : i32
    %jit3A = arith.constant 112 : i32
    %jit3A_29 = arith.constant 45 : i32
    %select_n3A = arith.select %eq3A_28, %jit3A, %jit3A_29 : i32
    %get3A = arith.constant 0 : i32
    %get3A_30 = arith.index_cast %get3A : i32 to index
    %get3A_31 = arith.constant 0 : index
    %get3A_32 = tpu.vector_load %arg5[%get3A_30, %get3A_31] {strides = array<i32>} : memref<112x128xi32, #tpu.memory_space<vmem>>, vector<1x16xi32>,
    %get3A_33 = vector.shape_cast %get3A_32 : vector<1x16xi32> to vector<16xi32>
    %shift_right_logical3A = arith.constant 14 : i32
    %shift_right_logical3A_34 = vector.broadcast %shift_right_logical3A : i32 to vector<16xi32>
    %shift_right_logical3A_35 = arith.shrui %get3A_33, %shift_right_logical3A_34 : vector<16xi32>
    %swap3A = arith.constant 0 : i32
    %swap3A_36 = arith.index_cast %swap3A : i32 to index
    %swap3A_37 = arith.constant 0 : index
    %swap3A_38 = tpu.vector_load %arg6[%swap3A_36, %swap3A_37] {strides = array<i32>} : memref<2x128xi32, #tpu.memory_space<vmem>>, vector<1x16xi32>,
    %swap3A_39 = vector.shape_cast %swap3A_38 : vector<1x16xi32> to vector<16xi32>
    %swap3A_40 = vector.shape_cast %shift_right_logical3A_35 : vector<16xi32> to vector<1x16xi32>
    tpu.vector_store %arg6[%swap3A_36, %swap3A_37], %swap3A_40 {strides = array<i32>} : memref<2x128xi32, #tpu.memory_space<vmem>>, vector<1x16xi32>,
    %and3A = arith.constant 16383 : i32
    %and3A_41 = vector.broadcast %and3A : i32 to vector<16xi32>
    %and3A_42 = arith.andi %get3A_33, %and3A_41 : vector<16xi32>
    %swap3A_43 = arith.constant 0 : i32
    %swap3A_44 = arith.index_cast %swap3A_43 : i32 to index
    %swap3A_45 = arith.constant 0 : index
    %swap3A_46 = tpu.vector_load %arg7[%swap3A_44, %swap3A_45] {strides = array<i32>} : memref<2x128xi32, #tpu.memory_space<vmem>>, vector<1x16xi32>,
    %swap3A_47 = vector.shape_cast %swap3A_46 : vector<1x16xi32> to vector<16xi32>
    %swap3A_48 = vector.shape_cast %and3A_42 : vector<16xi32> to vector<1x16xi32>
    tpu.vector_store %arg7[%swap3A_44, %swap3A_45], %swap3A_48 {strides = array<i32>} : memref<2x128xi32, #tpu.memory_space<vmem>>, vector<1x16xi32>,
    %get3A_49 = arith.constant 0 : i32
    %get3A_50 = arith.index_cast %get3A_49 : i32 to index
    %get3A_51 = arith.constant 16 : index
    %get3A_52 = tpu.vector_load %arg5[%get3A_50, %get3A_51] {strides = array<i32>} : memref<112x128xi32, #tpu.memory_space<vmem>>, vector<1x16xi32>,
    %get3A_53 = vector.shape_cast %get3A_52 : vector<1x16xi32> to vector<16xi32>
    %shift_right_logical3A_54 = arith.constant 14 : i32
    %shift_right_logical3A_55 = vector.broadcast %shift_right_logical3A_54 : i32 to vector<16xi32>
    %shift_right_logical3A_56 = arith.shrui %get3A_53, %shift_right_logical3A_55 : vector<16xi32>
    %swap3A_57 = arith.constant 0 : i32
    %swap3A_58 = arith.index_cast %swap3A_57 : i32 to index
    %swap3A_59 = arith.constant 16 : index
    %swap3A_60 = tpu.vector_load %arg6[%swap3A_58, %swap3A_59] {strides = array<i32>} : memref<2x128xi32, #tpu.memory_space<vmem>>, vector<1x16xi32>,
    %swap3A_61 = vector.shape_cast %swap3A_60 : vector<1x16xi32> to vector<16xi32>
    %swap3A_62 = vector.shape_cast %shift_right_logical3A_56 : vector<16xi32> to vector<1x16xi32>
    tpu.vector_store %arg6[%swap3A_58, %swap3A_59], %swap3A_62 {strides = array<i32>} : memref<2x128xi32, #tpu.memory_space<vmem>>, vector<1x16xi32>,
    %and3A_63 = arith.constant 16383 : i32
    %and3A_64 = vector.broadcast %and3A_63 : i32 to vector<16xi32>
    %and3A_65 = arith.andi %get3A_53, %and3A_64 : vector<16xi32>
    %swap3A_66 = arith.constant 0 : i32
    %swap3A_67 = arith.index_cast %swap3A_66 : i32 to index
    %swap3A_68 = arith.constant 16 : index
    %swap3A_69 = tpu.vector_load %arg7[%swap3A_67, %swap3A_68] {strides = array<i32>} : memref<2x128xi32, #tpu.memory_space<vmem>>, vector<1x16xi32>,
    %swap3A_70 = vector.shape_cast %swap3A_69 : vector<1x16xi32> to vector<16xi32>
    %swap3A_71 = vector.shape_cast %and3A_65 : vector<16xi32> to vector<1x16xi32>
    tpu.vector_store %arg7[%swap3A_67, %swap3A_68], %swap3A_71 {strides = array<i32>} : memref<2x128xi32, #tpu.memory_space<vmem>>, vector<1x16xi32>,
    %get3A_72 = arith.constant 0 : i32
    %get3A_73 = arith.index_cast %get3A_72 : i32 to index
    %get3A_74 = arith.constant 32 : index
    %get3A_75 = tpu.vector_load %arg5[%get3A_73, %get3A_74] {strides = array<i32>} : memref<112x128xi32, #tpu.memory_space<vmem>>, vector<1x16xi32>,
    %get3A_76 = vector.shape_cast %get3A_75 : vector<1x16xi32> to vector<16xi32>
    %shift_right_logical3A_77 = arith.constant 14 : i32
    %shift_right_logical3A_78 = vector.broadcast %shift_right_logical3A_77 : i32 to vector<16xi32>
    %shift_right_logical3A_79 = arith.shrui %get3A_76, %shift_right_logical3A_78 : vector<16xi32>
    %swap3A_80 = arith.constant 0 : i32
    %swap3A_81 = arith.index_cast %swap3A_80 : i32 to index
    %swap3A_82 = arith.constant 32 : index
    %swap3A_83 = tpu.vector_load %arg6[%swap3A_81, %swap3A_82] {strides = array<i32>} : memref<2x128xi32, #tpu.memory_space<vmem>>, vector<1x16xi32>,
    %swap3A_84 = vector.shape_cast %swap3A_83 : vector<1x16xi32> to vector<16xi32>
    %swap3A_85 = vector.shape_cast %shift_right_logical3A_79 : vector<16xi32> to vector<1x16xi32>
    tpu.vector_store %arg6[%swap3A_81, %swap3A_82], %swap3A_85 {strides = array<i32>} : memref<2x128xi32, #tpu.memory_space<vmem>>, vector<1x16xi32>,
    %and3A_86 = arith.constant 16383 : i32
    %and3A_87 = vector.broadcast %and3A_86 : i32 to vector<16xi32>
    %and3A_88 = arith.andi %get3A_76, %and3A_87 : vector<16xi32>
    %swap3A_89 = arith.constant 0 : i32
    %swap3A_90 = arith.index_cast %swap3A_89 : i32 to index
    %swap3A_91 = arith.constant 32 : index
    %swap3A_92 = tpu.vector_load %arg7[%swap3A_90, %swap3A_91] {strides = array<i32>} : memref<2x128xi32, #tpu.memory_space<vmem>>, vector<1x16xi32>,
    %swap3A_93 = vector.shape_cast %swap3A_92 : vector<1x16xi32> to vector<16xi32>
    %swap3A_94 = vector.shape_cast %and3A_88 : vector<16xi32> to vector<1x16xi32>
    tpu.vector_store %arg7[%swap3A_90, %swap3A_91], %swap3A_94 {strides = array<i32>} : memref<2x128xi32, #tpu.memory_space<vmem>>, vector<1x16xi32>,
    %get3A_95 = arith.constant 0 : i32
    %get3A_96 = arith.index_cast %get3A_95 : i32 to index
    %get3A_97 = arith.constant 48 : index
    %get3A_98 = tpu.vector_load %arg5[%get3A_96, %get3A_97] {strides = array<i32>} : memref<112x128xi32, #tpu.memory_space<vmem>>, vector<1x16xi32>,
    %get3A_99 = vector.shape_cast %get3A_98 : vector<1x16xi32> to vector<16xi32>
    %shift_right_logical3A_100 = arith.constant 14 : i32
    %shift_right_logical3A_101 = vector.broadcast %shift_right_logical3A_100 : i32 to vector<16xi32>
    %shift_right_logical3A_102 = arith.shrui %get3A_99, %shift_right_logical3A_101 : vector<16xi32>
    %swap3A_103 = arith.constant 0 : i32
    %swap3A_104 = arith.index_cast %swap3A_103 : i32 to index
    %swap3A_105 = arith.constant 48 : index
    %swap3A_106 = tpu.vector_load %arg6[%swap3A_104, %swap3A_105] {strides = array<i32>} : memref<2x128xi32, #tpu.memory_space<vmem>>, vector<1x16xi32>,
    %swap3A_107 = vector.shape_cast %swap3A_106 : vector<1x16xi32> to vector<16xi32>
    %swap3A_108 = vector.shape_cast %shift_right_logical3A_102 : vector<16xi32> to vector<1x16xi32>
    tpu.vector_store %arg6[%swap3A_104, %swap3A_105], %swap3A_108 {strides = array<i32>} : memref<2x128xi32, #tpu.memory_space<vmem>>, vector<1x16xi32>,
    %and3A_109 = arith.constant 16383 : i32
    %and3A_110 = vector.broadcast %and3A_109 : i32 to vector<16xi32>
    %and3A_111 = arith.andi %get3A_99, %and3A_110 : vector<16xi32>
    %swap3A_112 = arith.constant 0 : i32
    %swap3A_113 = arith.index_cast %swap3A_112 : i32 to index
    %swap3A_114 = arith.constant 48 : index
    %swap3A_115 = tpu.vector_load %arg7[%swap3A_113, %swap3A_114] {strides = array<i32>} : memref<2x128xi32, #tpu.memory_space<vmem>>, vector<1x16xi32>,
    %swap3A_116 = vector.shape_cast %swap3A_115 : vector<1x16xi32> to vector<16xi32>
    %swap3A_117 = vector.shape_cast %and3A_111 : vector<16xi32> to vector<1x16xi32>
    tpu.vector_store %arg7[%swap3A_113, %swap3A_114], %swap3A_117 {strides = array<i32>} : memref<2x128xi32, #tpu.memory_space<vmem>>, vector<1x16xi32>,
    %get3A_118 = arith.constant 0 : i32
    %get3A_119 = arith.index_cast %get3A_118 : i32 to index
    %get3A_120 = arith.constant 64 : index
    %get3A_121 = tpu.vector_load %arg5[%get3A_119, %get3A_120] {strides = array<i32>} : memref<112x128xi32, #tpu.memory_space<vmem>>, vector<1x16xi32>,
    %get3A_122 = vector.shape_cast %get3A_121 : vector<1x16xi32> to vector<16xi32>
    %shift_right_logical3A_123 = arith.constant 14 : i32
    %shift_right_logical3A_124 = vector.broadcast %shift_right_logical3A_123 : i32 to vector<16xi32>
    %shift_right_logical3A_125 = arith.shrui %get3A_122, %shift_right_logical3A_124 : vector<16xi32>
    %swap3A_126 = arith.constant 0 : i32
    %swap3A_127 = arith.index_cast %swap3A_126 : i32 to index
    %swap3A_128 = arith.constant 64 : index
    %swap3A_129 = tpu.vector_load %arg6[%swap3A_127, %swap3A_128] {strides = array<i32>} : memref<2x128xi32, #tpu.memory_space<vmem>>, vector<1x16xi32>,
    %swap3A_130 = vector.shape_cast %swap3A_129 : vector<1x16xi32> to vector<16xi32>
    %swap3A_131 = vector.shape_cast %shift_right_logical3A_125 : vector<16xi32> to vector<1x16xi32>
    tpu.vector_store %arg6[%swap3A_127, %swap3A_128], %swap3A_131 {strides = array<i32>} : memref<2x128xi32, #tpu.memory_space<vmem>>, vector<1x16xi32>,
    %and3A_132 = arith.constant 16383 : i32
    %and3A_133 = vector.broadcast %and3A_132 : i32 to vector<16xi32>
    %and3A_134 = arith.andi %get3A_122, %and3A_133 : vector<16xi32>
    %swap3A_135 = arith.constant 0 : i32
    %swap3A_136 = arith.index_cast %swap3A_135 : i32 to index
    %swap3A_137 = arith.constant 64 : index
    %swap3A_138 = tpu.vector_load %arg7[%swap3A_136, %swap3A_137] {strides = array<i32>} : memref<2x128xi32, #tpu.memory_space<vmem>>, vector<1x16xi32>,
    %swap3A_139 = vector.shape_cast %swap3A_138 : vector<1x16xi32> to vector<16xi32>
    %swap3A_140 = vector.shape_cast %and3A_134 : vector<16xi32> to vector<1x16xi32>
    tpu.vector_store %arg7[%swap3A_136, %swap3A_137], %swap3A_140 {strides = array<i32>} : memref<2x128xi32, #tpu.memory_space<vmem>>, vector<1x16xi32>,
    %get3A_141 = arith.constant 0 : i32
    %get3A_142 = arith.index_cast %get3A_141 : i32 to index
    %get3A_143 = arith.constant 80 : index
    %get3A_144 = tpu.vector_load %arg5[%get3A_142, %get3A_143] {strides = array<i32>} : memref<112x128xi32, #tpu.memory_space<vmem>>, vector<1x16xi32>,
    %get3A_145 = vector.shape_cast %get3A_144 : vector<1x16xi32> to vector<16xi32>
    %shift_right_logical3A_146 = arith.constant 14 : i32
    %shift_right_logical3A_147 = vector.broadcast %shift_right_logical3A_146 : i32 to vector<16xi32>
    %shift_right_logical3A_148 = arith.shrui %get3A_145, %shift_right_logical3A_147 : vector<16xi32>
    %swap3A_149 = arith.constant 0 : i32
    %swap3A_150 = arith.index_cast %swap3A_149 : i32 to index
    %swap3A_151 = arith.constant 80 : index
    %swap3A_152 = tpu.vector_load %arg6[%swap3A_150, %swap3A_151] {strides = array<i32>} : memref<2x128xi32, #tpu.memory_space<vmem>>, vector<1x16xi32>,
    %swap3A_153 = vector.shape_cast %swap3A_152 : vector<1x16xi32> to vector<16xi32>
    %swap3A_154 = vector.shape_cast %shift_right_logical3A_148 : vector<16xi32> to vector<1x16xi32>
    tpu.vector_store %arg6[%swap3A_150, %swap3A_151], %swap3A_154 {strides = array<i32>} : memref<2x128xi32, #tpu.memory_space<vmem>>, vector<1x16xi32>,
    %and3A_155 = arith.constant 16383 : i32
    %and3A_156 = vector.broadcast %and3A_155 : i32 to vector<16xi32>
    %and3A_157 = arith.andi %get3A_145, %and3A_156 : vector<16xi32>
    %swap3A_158 = arith.constant 0 : i32
    %swap3A_159 = arith.index_cast %swap3A_158 : i32 to index
    %swap3A_160 = arith.constant 80 : index
    %swap3A_161 = tpu.vector_load %arg7[%swap3A_159, %swap3A_160] {strides = array<i32>} : memref<2x128xi32, #tpu.memory_space<vmem>>, vector<1x16xi32>,
    %swap3A_162 = vector.shape_cast %swap3A_161 : vector<1x16xi32> to vector<16xi32>
    %swap3A_163 = vector.shape_cast %and3A_157 : vector<16xi32> to vector<1x16xi32>
    tpu.vector_store %arg7[%swap3A_159, %swap3A_160], %swap3A_163 {strides = array<i32>} : memref<2x128xi32, #tpu.memory_space<vmem>>, vector<1x16xi32>,
    %get3A_164 = arith.constant 0 : i32
    %get3A_165 = arith.index_cast %get3A_164 : i32 to index
    %get3A_166 = arith.constant 96 : index
    %get3A_167 = tpu.vector_load %arg5[%get3A_165, %get3A_166] {strides = array<i32>} : memref<112x128xi32, #tpu.memory_space<vmem>>, vector<1x16xi32>,
    %get3A_168 = vector.shape_cast %get3A_167 : vector<1x16xi32> to vector<16xi32>
    %shift_right_logical3A_169 = arith.constant 14 : i32
    %shift_right_logical3A_170 = vector.broadcast %shift_right_logical3A_169 : i32 to vector<16xi32>
    %shift_right_logical3A_171 = arith.shrui %get3A_168, %shift_right_logical3A_170 : vector<16xi32>
    %swap3A_172 = arith.constant 0 : i32
    %swap3A_173 = arith.index_cast %swap3A_172 : i32 to index
    %swap3A_174 = arith.constant 96 : index
    %swap3A_175 = tpu.vector_load %arg6[%swap3A_173, %swap3A_174] {strides = array<i32>} : memref<2x128xi32, #tpu.memory_space<vmem>>, vector<1x16xi32>,
    %swap3A_176 = vector.shape_cast %swap3A_175 : vector<1x16xi32> to vector<16xi32>
    %swap3A_177 = vector.shape_cast %shift_right_logical3A_171 : vector<16xi32> to vector<1x16xi32>
    tpu.vector_store %arg6[%swap3A_173, %swap3A_174], %swap3A_177 {strides = array<i32>} : memref<2x128xi32, #tpu.memory_space<vmem>>, vector<1x16xi32>,
    %and3A_178 = arith.constant 16383 : i32
    %and3A_179 = vector.broadcast %and3A_178 : i32 to vector<16xi32>
    %and3A_180 = arith.andi %get3A_168, %and3A_179 : vector<16xi32>
    %swap3A_181 = arith.constant 0 : i32
    %swap3A_182 = arith.index_cast %swap3A_181 : i32 to index
    %swap3A_183 = arith.constant 96 : index
    %swap3A_184 = tpu.vector_load %arg7[%swap3A_182, %swap3A_183] {strides = array<i32>} : memref<2x128xi32, #tpu.memory_space<vmem>>, vector<1x16xi32>,
    %swap3A_185 = vector.shape_cast %swap3A_184 : vector<1x16xi32> to vector<16xi32>
    %swap3A_186 = vector.shape_cast %and3A_180 : vector<16xi32> to vector<1x16xi32>
    tpu.vector_store %arg7[%swap3A_182, %swap3A_183], %swap3A_186 {strides = array<i32>} : memref<2x128xi32, #tpu.memory_space<vmem>>, vector<1x16xi32>,
    %get3A_187 = arith.constant 0 : i32
    %get3A_188 = arith.index_cast %get3A_187 : i32 to index
    %get3A_189 = arith.constant 112 : index
    %get3A_190 = tpu.vector_load %arg5[%get3A_188, %get3A_189] {strides = array<i32>} : memref<112x128xi32, #tpu.memory_space<vmem>>, vector<1x16xi32>,
    %get3A_191 = vector.shape_cast %get3A_190 : vector<1x16xi32> to vector<16xi32>
    %shift_right_logical3A_192 = arith.constant 14 : i32
    %shift_right_logical3A_193 = vector.broadcast %shift_right_logical3A_192 : i32 to vector<16xi32>
    %shift_right_logical3A_194 = arith.shrui %get3A_191, %shift_right_logical3A_193 : vector<16xi32>
    %swap3A_195 = arith.constant 0 : i32
    %swap3A_196 = arith.index_cast %swap3A_195 : i32 to index
    %swap3A_197 = arith.constant 112 : index
    %swap3A_198 = tpu.vector_load %arg6[%swap3A_196, %swap3A_197] {strides = array<i32>} : memref<2x128xi32, #tpu.memory_space<vmem>>, vector<1x16xi32>,
    %swap3A_199 = vector.shape_cast %swap3A_198 : vector<1x16xi32> to vector<16xi32>
    %swap3A_200 = vector.shape_cast %shift_right_logical3A_194 : vector<16xi32> to vector<1x16xi32>
    tpu.vector_store %arg6[%swap3A_196, %swap3A_197], %swap3A_200 {strides = array<i32>} : memref<2x128xi32, #tpu.memory_space<vmem>>, vector<1x16xi32>,
    %and3A_201 = arith.constant 16383 : i32
    %and3A_202 = vector.broadcast %and3A_201 : i32 to vector<16xi32>
    %and3A_203 = arith.andi %get3A_191, %and3A_202 : vector<16xi32>
    %swap3A_204 = arith.constant 0 : i32
    %swap3A_205 = arith.index_cast %swap3A_204 : i32 to index
    %swap3A_206 = arith.constant 112 : index
    %swap3A_207 = tpu.vector_load %arg7[%swap3A_205, %swap3A_206] {strides = array<i32>} : memref<2x128xi32, #tpu.memory_space<vmem>>, vector<1x16xi32>,
    %swap3A_208 = vector.shape_cast %swap3A_207 : vector<1x16xi32> to vector<16xi32>
    %swap3A_209 = vector.shape_cast %and3A_203 : vector<16xi32> to vector<1x16xi32>
    tpu.vector_store %arg7[%swap3A_205, %swap3A_206], %swap3A_209 {strides = array<i32>} : memref<2x128xi32, #tpu.memory_space<vmem>>, vector<1x16xi32>,
    %dma_start3A = arith.constant 0 : i32
    %dma_start3A_210 = arith.constant 0 : i32
    %dma_start3A_211 = tpu.memref_slice %arg6[%dma_start3A, %dma_start3A_210] : memref<2x128xi32, #tpu.memory_space<vmem>> -> memref<1x128xi32, #tpu.memory_space<vmem>>
    %dma_start3A_212 = tpu.memref_squeeze %dma_start3A_211 : memref<1x128xi32, #tpu.memory_space<vmem>> -> memref<128xi32, #tpu.memory_space<vmem>>
    %dma_start3A_213 = arith.constant 0 : i32
    %dma_start3A_214 = arith.constant 0 : i32
    %dma_start3A_215 = tpu.memref_slice %arg2[%dma_start3A_213, %dma_start3A_214] : memref<10000x128xf32, #tpu.memory_space<hbm>> -> memref<10000x128xf32, #tpu.memory_space<hbm>>
    tpu.enqueue_indirect_dma source(%dma_start3A_215 : memref<10000x128xf32, #tpu.memory_space<hbm>>) target(%arg8 : memref<128x128xf32, #tpu.memory_space<vmem>>) offsets(%dma_start3A_212 : memref<128xi32, #tpu.memory_space<vmem>>) semaphore(%arg11 : memref<!tpu.dma_semaphore, #tpu.memory_space<semaphore_mem>>)
    %add3A_216 = arith.constant 1 : i32
    %add3A_217 = arith.addi %select_n3A, %add3A_216 : i32
    %jit3A_218 = arith.constant 2 : i32
    %div3A = arith.divsi %add3A_217, %jit3A_218 : i32
    %sign3A = arith.constant 0 : i32
    %sign3A_219 = arith.cmpi sgt, %add3A_217, %sign3A : i32
    %sign3A_220 = arith.extui %sign3A_219 : i1 to i32
    %sign3A_221 = arith.constant 0 : i32
    %sign3A_222 = arith.cmpi slt, %add3A_217, %sign3A_221 : i32
    %sign3A_223 = arith.extui %sign3A_222 : i1 to i32
    %sign3A_224 = arith.subi %sign3A_220, %sign3A_223 : i32
    %sign3A_225 = arith.constant 0 : i32
    %sign3A_226 = arith.cmpi sgt, %jit3A_218, %sign3A_225 : i32
    %sign3A_227 = arith.extui %sign3A_226 : i1 to i32
    %sign3A_228 = arith.constant 0 : i32
    %sign3A_229 = arith.cmpi slt, %jit3A_218, %sign3A_228 : i32
    %sign3A_230 = arith.extui %sign3A_229 : i1 to i32
    %sign3A_231 = arith.subi %sign3A_227, %sign3A_230 : i32
    %ne3A = arith.cmpi ne, %sign3A_224, %sign3A_231 : i32
    %rem3A = arith.remsi %add3A_217, %jit3A_218 : i32
    %ne3A_232 = arith.constant 0 : i32
    %ne3A_233 = arith.cmpi ne, %rem3A, %ne3A_232 : i32
    %and3A_234 = arith.andi %ne3A, %ne3A_233 : i1
    %sub3A = arith.constant 1 : i32
    %sub3A_235 = arith.subi %div3A, %sub3A : i32
    %select_n3A_236 = arith.select %and3A_234, %sub3A_235, %div3A : i32
    %while3A = arith.constant 0 : i32
    %while3A_237 = arith.constant 0 : i32
    %while3A_238 = arith.subi %select_n3A_236, %while3A : i32
    %while3A_239 = arith.addi %while3A, %while3A_238 : i32
    %while3A_240 = arith.constant 1 : i32
    %while3A_241 = arith.divsi %while3A_238, %while3A_240 : i32
    %while3A_242 = arith.muli %while3A_241, %while3A_240 : i32
    %while3A_243 = arith.addi %while3A, %while3A_242 : i32
    %while3A_244 = arith.constant 1 : i32
    %while3A_245 = scf.for %while3A_289 = %while3A to %while3A_243 step %while3A_244 iter_args(%while3A_290 = %while3A_237) -> (i32)  : i32 {
      %mul3A_291 = arith.constant 2 : i32
      %mul3A_292 = arith.muli %mul3A_291, %while3A_289 : i32
      %add3A_293 = arith.constant 1 : i32
      %add3A_294 = arith.addi %mul3A_292, %add3A_293 : i32
      %lt3A = arith.cmpi slt, %add3A_294, %select_n3A : i32
      %convert_element_type3A = arith.extui %lt3A : i1 to i32
      %cond3A = arith.constant 0 : i32
      %cond3A_295 = arith.cmpi ne, %convert_element_type3A, %cond3A : i32
      scf.if %cond3A_295 {
        %add3A_314 = arith.constant 1 : i32
        %add3A_315 = arith.addi %mul3A_292, %add3A_314 : i32
        %get3A_316 = arith.index_cast %add3A_315 : i32 to index
        %get3A_317 = arith.constant 0 : index
        %get3A_318 = tpu.vector_load %arg5[%get3A_316, %get3A_317] {strides = array<i32>} : memref<112x128xi32, #tpu.memory_space<vmem>>, vector<1x16xi32>,
        %get3A_319 = vector.shape_cast %get3A_318 : vector<1x16xi32> to vector<16xi32>
        %shift_right_logical3A_320 = arith.constant 14 : i32
        %shift_right_logical3A_321 = vector.broadcast %shift_right_logical3A_320 : i32 to vector<16xi32>
        %shift_right_logical3A_322 = arith.shrui %get3A_319, %shift_right_logical3A_321 : vector<16xi32>
        %swap3A_323 = arith.constant 1 : i32
        %swap3A_324 = arith.index_cast %swap3A_323 : i32 to index
        %swap3A_325 = arith.constant 0 : index
        %swap3A_326 = tpu.vector_load %arg6[%swap3A_324, %swap3A_325] {strides = array<i32>} : memref<2x128xi32, #tpu.memory_space<vmem>>, vector<1x16xi32>,
        %swap3A_327 = vector.shape_cast %swap3A_326 : vector<1x16xi32> to vector<16xi32>
        %swap3A_328 = vector.shape_cast %shift_right_logical3A_322 : vector<16xi32> to vector<1x16xi32>
        tpu.vector_store %arg6[%swap3A_324, %swap3A_325], %swap3A_328 {strides = array<i32>} : memref<2x128xi32, #tpu.memory_space<vmem>>, vector<1x16xi32>,
        %and3A_329 = arith.constant 16383 : i32
        %and3A_330 = vector.broadcast %and3A_329 : i32 to vector<16xi32>
        %and3A_331 = arith.andi %get3A_319, %and3A_330 : vector<16xi32>
        %swap3A_332 = arith.constant 1 : i32
        %swap3A_333 = arith.index_cast %swap3A_332 : i32 to index
        %swap3A_334 = arith.constant 0 : index
        %swap3A_335 = tpu.vector_load %arg7[%swap3A_333, %swap3A_334] {strides = array<i32>} : memref<2x128xi32, #tpu.memory_space<vmem>>, vector<1x16xi32>,
        %swap3A_336 = vector.shape_cast %swap3A_335 : vector<1x16xi32> to vector<16xi32>
        %swap3A_337 = vector.shape_cast %and3A_331 : vector<16xi32> to vector<1x16xi32>
        tpu.vector_store %arg7[%swap3A_333, %swap3A_334], %swap3A_337 {strides = array<i32>} : memref<2x128xi32, #tpu.memory_space<vmem>>, vector<1x16xi32>,
        %get3A_338 = arith.index_cast %add3A_315 : i32 to index
        %get3A_339 = arith.constant 16 : index
        %get3A_340 = tpu.vector_load %arg5[%get3A_338, %get3A_339] {strides = array<i32>} : memref<112x128xi32, #tpu.memory_space<vmem>>, vector<1x16xi32>,
        %get3A_341 = vector.shape_cast %get3A_340 : vector<1x16xi32> to vector<16xi32>
        %shift_right_logical3A_342 = arith.constant 14 : i32
        %shift_right_logical3A_343 = vector.broadcast %shift_right_logical3A_342 : i32 to vector<16xi32>
        %shift_right_logical3A_344 = arith.shrui %get3A_341, %shift_right_logical3A_343 : vector<16xi32>
        %swap3A_345 = arith.constant 1 : i32
        %swap3A_346 = arith.index_cast %swap3A_345 : i32 to index
        %swap3A_347 = arith.constant 16 : index
        %swap3A_348 = tpu.vector_load %arg6[%swap3A_346, %swap3A_347] {strides = array<i32>} : memref<2x128xi32, #tpu.memory_space<vmem>>, vector<1x16xi32>,
        %swap3A_349 = vector.shape_cast %swap3A_348 : vector<1x16xi32> to vector<16xi32>
        %swap3A_350 = vector.shape_cast %shift_right_logical3A_344 : vector<16xi32> to vector<1x16xi32>
        tpu.vector_store %arg6[%swap3A_346, %swap3A_347], %swap3A_350 {strides = array<i32>} : memref<2x128xi32, #tpu.memory_space<vmem>>, vector<1x16xi32>,
        %and3A_351 = arith.constant 16383 : i32
        %and3A_352 = vector.broadcast %and3A_351 : i32 to vector<16xi32>
        %and3A_353 = arith.andi %get3A_341, %and3A_352 : vector<16xi32>
        %swap3A_354 = arith.constant 1 : i32
        %swap3A_355 = arith.index_cast %swap3A_354 : i32 to index
        %swap3A_356 = arith.constant 16 : index
        %swap3A_357 = tpu.vector_load %arg7[%swap3A_355, %swap3A_356] {strides = array<i32>} : memref<2x128xi32, #tpu.memory_space<vmem>>, vector<1x16xi32>,
        %swap3A_358 = vector.shape_cast %swap3A_357 : vector<1x16xi32> to vector<16xi32>
        %swap3A_359 = vector.shape_cast %and3A_353 : vector<16xi32> to vector<1x16xi32>
        tpu.vector_store %arg7[%swap3A_355, %swap3A_356], %swap3A_359 {strides = array<i32>} : memref<2x128xi32, #tpu.memory_space<vmem>>, vector<1x16xi32>,
        %get3A_360 = arith.index_cast %add3A_315 : i32 to index
        %get3A_361 = arith.constant 32 : index
        %get3A_362 = tpu.vector_load %arg5[%get3A_360, %get3A_361] {strides = array<i32>} : memref<112x128xi32, #tpu.memory_space<vmem>>, vector<1x16xi32>,
        %get3A_363 = vector.shape_cast %get3A_362 : vector<1x16xi32> to vector<16xi32>
        %shift_right_logical3A_364 = arith.constant 14 : i32
        %shift_right_logical3A_365 = vector.broadcast %shift_right_logical3A_364 : i32 to vector<16xi32>
        %shift_right_logical3A_366 = arith.shrui %get3A_363, %shift_right_logical3A_365 : vector<16xi32>
        %swap3A_367 = arith.constant 1 : i32
        %swap3A_368 = arith.index_cast %swap3A_367 : i32 to index
        %swap3A_369 = arith.constant 32 : index
        %swap3A_370 = tpu.vector_load %arg6[%swap3A_368, %swap3A_369] {strides = array<i32>} : memref<2x128xi32, #tpu.memory_space<vmem>>, vector<1x16xi32>,
        %swap3A_371 = vector.shape_cast %swap3A_370 : vector<1x16xi32> to vector<16xi32>
        %swap3A_372 = vector.shape_cast %shift_right_logical3A_366 : vector<16xi32> to vector<1x16xi32>
        tpu.vector_store %arg6[%swap3A_368, %swap3A_369], %swap3A_372 {strides = array<i32>} : memref<2x128xi32, #tpu.memory_space<vmem>>, vector<1x16xi32>,
        %and3A_373 = arith.constant 16383 : i32
        %and3A_374 = vector.broadcast %and3A_373 : i32 to vector<16xi32>
        %and3A_375 = arith.andi %get3A_363, %and3A_374 : vector<16xi32>
        %swap3A_376 = arith.constant 1 : i32
        %swap3A_377 = arith.index_cast %swap3A_376 : i32 to index
        %swap3A_378 = arith.constant 32 : index
        %swap3A_379 = tpu.vector_load %arg7[%swap3A_377, %swap3A_378] {strides = array<i32>} : memref<2x128xi32, #tpu.memory_space<vmem>>, vector<1x16xi32>,
        %swap3A_380 = vector.shape_cast %swap3A_379 : vector<1x16xi32> to vector<16xi32>
        %swap3A_381 = vector.shape_cast %and3A_375 : vector<16xi32> to vector<1x16xi32>
        tpu.vector_store %arg7[%swap3A_377, %swap3A_378], %swap3A_381 {strides = array<i32>} : memref<2x128xi32, #tpu.memory_space<vmem>>, vector<1x16xi32>,
        %get3A_382 = arith.index_cast %add3A_315 : i32 to index
        %get3A_383 = arith.constant 48 : index
        %get3A_384 = tpu.vector_load %arg5[%get3A_382, %get3A_383] {strides = array<i32>} : memref<112x128xi32, #tpu.memory_space<vmem>>, vector<1x16xi32>,
        %get3A_385 = vector.shape_cast %get3A_384 : vector<1x16xi32> to vector<16xi32>
        %shift_right_logical3A_386 = arith.constant 14 : i32
        %shift_right_logical3A_387 = vector.broadcast %shift_right_logical3A_386 : i32 to vector<16xi32>
        %shift_right_logical3A_388 = arith.shrui %get3A_385, %shift_right_logical3A_387 : vector<16xi32>
        %swap3A_389 = arith.constant 1 : i32
        %swap3A_390 = arith.index_cast %swap3A_389 : i32 to index
        %swap3A_391 = arith.constant 48 : index
        %swap3A_392 = tpu.vector_load %arg6[%swap3A_390, %swap3A_391] {strides = array<i32>} : memref<2x128xi32, #tpu.memory_space<vmem>>, vector<1x16xi32>,
        %swap3A_393 = vector.shape_cast %swap3A_392 : vector<1x16xi32> to vector<16xi32>
        %swap3A_394 = vector.shape_cast %shift_right_logical3A_388 : vector<16xi32> to vector<1x16xi32>
        tpu.vector_store %arg6[%swap3A_390, %swap3A_391], %swap3A_394 {strides = array<i32>} : memref<2x128xi32, #tpu.memory_space<vmem>>, vector<1x16xi32>,
        %and3A_395 = arith.constant 16383 : i32
        %and3A_396 = vector.broadcast %and3A_395 : i32 to vector<16xi32>
        %and3A_397 = arith.andi %get3A_385, %and3A_396 : vector<16xi32>
        %swap3A_398 = arith.constant 1 : i32
        %swap3A_399 = arith.index_cast %swap3A_398 : i32 to index
        %swap3A_400 = arith.constant 48 : index
        %swap3A_401 = tpu.vector_load %arg7[%swap3A_399, %swap3A_400] {strides = array<i32>} : memref<2x128xi32, #tpu.memory_space<vmem>>, vector<1x16xi32>,
        %swap3A_402 = vector.shape_cast %swap3A_401 : vector<1x16xi32> to vector<16xi32>
        %swap3A_403 = vector.shape_cast %and3A_397 : vector<16xi32> to vector<1x16xi32>
        tpu.vector_store %arg7[%swap3A_399, %swap3A_400], %swap3A_403 {strides = array<i32>} : memref<2x128xi32, #tpu.memory_space<vmem>>, vector<1x16xi32>,
        %get3A_404 = arith.index_cast %add3A_315 : i32 to index
        %get3A_405 = arith.constant 64 : index
        %get3A_406 = tpu.vector_load %arg5[%get3A_404, %get3A_405] {strides = array<i32>} : memref<112x128xi32, #tpu.memory_space<vmem>>, vector<1x16xi32>,
        %get3A_407 = vector.shape_cast %get3A_406 : vector<1x16xi32> to vector<16xi32>
        %shift_right_logical3A_408 = arith.constant 14 : i32
        %shift_right_logical3A_409 = vector.broadcast %shift_right_logical3A_408 : i32 to vector<16xi32>
        %shift_right_logical3A_410 = arith.shrui %get3A_407, %shift_right_logical3A_409 : vector<16xi32>
        %swap3A_411 = arith.constant 1 : i32
        %swap3A_412 = arith.index_cast %swap3A_411 : i32 to index
        %swap3A_413 = arith.constant 64 : index
        %swap3A_414 = tpu.vector_load %arg6[%swap3A_412, %swap3A_413] {strides = array<i32>} : memref<2x128xi32, #tpu.memory_space<vmem>>, vector<1x16xi32>,
        %swap3A_415 = vector.shape_cast %swap3A_414 : vector<1x16xi32> to vector<16xi32>
        %swap3A_416 = vector.shape_cast %shift_right_logical3A_410 : vector<16xi32> to vector<1x16xi32>
        tpu.vector_store %arg6[%swap3A_412, %swap3A_413], %swap3A_416 {strides = array<i32>} : memref<2x128xi32, #tpu.memory_space<vmem>>, vector<1x16xi32>,
        %and3A_417 = arith.constant 16383 : i32
        %and3A_418 = vector.broadcast %and3A_417 : i32 to vector<16xi32>
        %and3A_419 = arith.andi %get3A_407, %and3A_418 : vector<16xi32>
        %swap3A_420 = arith.constant 1 : i32
        %swap3A_421 = arith.index_cast %swap3A_420 : i32 to index
        %swap3A_422 = arith.constant 64 : index
        %swap3A_423 = tpu.vector_load %arg7[%swap3A_421, %swap3A_422] {strides = array<i32>} : memref<2x128xi32, #tpu.memory_space<vmem>>, vector<1x16xi32>,
        %swap3A_424 = vector.shape_cast %swap3A_423 : vector<1x16xi32> to vector<16xi32>
        %swap3A_425 = vector.shape_cast %and3A_419 : vector<16xi32> to vector<1x16xi32>
        tpu.vector_store %arg7[%swap3A_421, %swap3A_422], %swap3A_425 {strides = array<i32>} : memref<2x128xi32, #tpu.memory_space<vmem>>, vector<1x16xi32>,
        %get3A_426 = arith.index_cast %add3A_315 : i32 to index
        %get3A_427 = arith.constant 80 : index
        %get3A_428 = tpu.vector_load %arg5[%get3A_426, %get3A_427] {strides = array<i32>} : memref<112x128xi32, #tpu.memory_space<vmem>>, vector<1x16xi32>,
        %get3A_429 = vector.shape_cast %get3A_428 : vector<1x16xi32> to vector<16xi32>
        %shift_right_logical3A_430 = arith.constant 14 : i32
        %shift_right_logical3A_431 = vector.broadcast %shift_right_logical3A_430 : i32 to vector<16xi32>
        %shift_right_logical3A_432 = arith.shrui %get3A_429, %shift_right_logical3A_431 : vector<16xi32>
        %swap3A_433 = arith.constant 1 : i32
        %swap3A_434 = arith.index_cast %swap3A_433 : i32 to index
        %swap3A_435 = arith.constant 80 : index
        %swap3A_436 = tpu.vector_load %arg6[%swap3A_434, %swap3A_435] {strides = array<i32>} : memref<2x128xi32, #tpu.memory_space<vmem>>, vector<1x16xi32>,
        %swap3A_437 = vector.shape_cast %swap3A_436 : vector<1x16xi32> to vector<16xi32>
        %swap3A_438 = vector.shape_cast %shift_right_logical3A_432 : vector<16xi32> to vector<1x16xi32>
        tpu.vector_store %arg6[%swap3A_434, %swap3A_435], %swap3A_438 {strides = array<i32>} : memref<2x128xi32, #tpu.memory_space<vmem>>, vector<1x16xi32>,
        %and3A_439 = arith.constant 16383 : i32
        %and3A_440 = vector.broadcast %and3A_439 : i32 to vector<16xi32>
        %and3A_441 = arith.andi %get3A_429, %and3A_440 : vector<16xi32>
        %swap3A_442 = arith.constant 1 : i32
        %swap3A_443 = arith.index_cast %swap3A_442 : i32 to index
        %swap3A_444 = arith.constant 80 : index
        %swap3A_445 = tpu.vector_load %arg7[%swap3A_443, %swap3A_444] {strides = array<i32>} : memref<2x128xi32, #tpu.memory_space<vmem>>, vector<1x16xi32>,
        %swap3A_446 = vector.shape_cast %swap3A_445 : vector<1x16xi32> to vector<16xi32>
        %swap3A_447 = vector.shape_cast %and3A_441 : vector<16xi32> to vector<1x16xi32>
        tpu.vector_store %arg7[%swap3A_443, %swap3A_444], %swap3A_447 {strides = array<i32>} : memref<2x128xi32, #tpu.memory_space<vmem>>, vector<1x16xi32>,
        %get3A_448 = arith.index_cast %add3A_315 : i32 to index
        %get3A_449 = arith.constant 96 : index
        %get3A_450 = tpu.vector_load %arg5[%get3A_448, %get3A_449] {strides = array<i32>} : memref<112x128xi32, #tpu.memory_space<vmem>>, vector<1x16xi32>,
        %get3A_451 = vector.shape_cast %get3A_450 : vector<1x16xi32> to vector<16xi32>
        %shift_right_logical3A_452 = arith.constant 14 : i32
        %shift_right_logical3A_453 = vector.broadcast %shift_right_logical3A_452 : i32 to vector<16xi32>
        %shift_right_logical3A_454 = arith.shrui %get3A_451, %shift_right_logical3A_453 : vector<16xi32>
        %swap3A_455 = arith.constant 1 : i32
        %swap3A_456 = arith.index_cast %swap3A_455 : i32 to index
        %swap3A_457 = arith.constant 96 : index
        %swap3A_458 = tpu.vector_load %arg6[%swap3A_456, %swap3A_457] {strides = array<i32>} : memref<2x128xi32, #tpu.memory_space<vmem>>, vector<1x16xi32>,
        %swap3A_459 = vector.shape_cast %swap3A_458 : vector<1x16xi32> to vector<16xi32>
        %swap3A_460 = vector.shape_cast %shift_right_logical3A_454 : vector<16xi32> to vector<1x16xi32>
        tpu.vector_store %arg6[%swap3A_456, %swap3A_457], %swap3A_460 {strides = array<i32>} : memref<2x128xi32, #tpu.memory_space<vmem>>, vector<1x16xi32>,
        %and3A_461 = arith.constant 16383 : i32
        %and3A_462 = vector.broadcast %and3A_461 : i32 to vector<16xi32>
        %and3A_463 = arith.andi %get3A_451, %and3A_462 : vector<16xi32>
        %swap3A_464 = arith.constant 1 : i32
        %swap3A_465 = arith.index_cast %swap3A_464 : i32 to index
        %swap3A_466 = arith.constant 96 : index
        %swap3A_467 = tpu.vector_load %arg7[%swap3A_465, %swap3A_466] {strides = array<i32>} : memref<2x128xi32, #tpu.memory_space<vmem>>, vector<1x16xi32>,
        %swap3A_468 = vector.shape_cast %swap3A_467 : vector<1x16xi32> to vector<16xi32>
        %swap3A_469 = vector.shape_cast %and3A_463 : vector<16xi32> to vector<1x16xi32>
        tpu.vector_store %arg7[%swap3A_465, %swap3A_466], %swap3A_469 {strides = array<i32>} : memref<2x128xi32, #tpu.memory_space<vmem>>, vector<1x16xi32>,
        %get3A_470 = arith.index_cast %add3A_315 : i32 to index
        %get3A_471 = arith.constant 112 : index
        %get3A_472 = tpu.vector_load %arg5[%get3A_470, %get3A_471] {strides = array<i32>} : memref<112x128xi32, #tpu.memory_space<vmem>>, vector<1x16xi32>,
        %get3A_473 = vector.shape_cast %get3A_472 : vector<1x16xi32> to vector<16xi32>
        %shift_right_logical3A_474 = arith.constant 14 : i32
        %shift_right_logical3A_475 = vector.broadcast %shift_right_logical3A_474 : i32 to vector<16xi32>
        %shift_right_logical3A_476 = arith.shrui %get3A_473, %shift_right_logical3A_475 : vector<16xi32>
        %swap3A_477 = arith.constant 1 : i32
        %swap3A_478 = arith.index_cast %swap3A_477 : i32 to index
        %swap3A_479 = arith.constant 112 : index
        %swap3A_480 = tpu.vector_load %arg6[%swap3A_478, %swap3A_479] {strides = array<i32>} : memref<2x128xi32, #tpu.memory_space<vmem>>, vector<1x16xi32>,
        %swap3A_481 = vector.shape_cast %swap3A_480 : vector<1x16xi32> to vector<16xi32>
        %swap3A_482 = vector.shape_cast %shift_right_logical3A_476 : vector<16xi32> to vector<1x16xi32>
        tpu.vector_store %arg6[%swap3A_478, %swap3A_479], %swap3A_482 {strides = array<i32>} : memref<2x128xi32, #tpu.memory_space<vmem>>, vector<1x16xi32>,
        %and3A_483 = arith.constant 16383 : i32
        %and3A_484 = vector.broadcast %and3A_483 : i32 to vector<16xi32>
        %and3A_485 = arith.andi %get3A_473, %and3A_484 : vector<16xi32>
        %swap3A_486 = arith.constant 1 : i32
        %swap3A_487 = arith.index_cast %swap3A_486 : i32 to index
        %swap3A_488 = arith.constant 112 : index
        %swap3A_489 = tpu.vector_load %arg7[%swap3A_487, %swap3A_488] {strides = array<i32>} : memref<2x128xi32, #tpu.memory_space<vmem>>, vector<1x16xi32>,
        %swap3A_490 = vector.shape_cast %swap3A_489 : vector<1x16xi32> to vector<16xi32>
        %swap3A_491 = vector.shape_cast %and3A_485 : vector<16xi32> to vector<1x16xi32>
        tpu.vector_store %arg7[%swap3A_487, %swap3A_488], %swap3A_491 {strides = array<i32>} : memref<2x128xi32, #tpu.memory_space<vmem>>, vector<1x16xi32>,
        %dma_start3A_492 = arith.constant 1 : i32
        %dma_start3A_493 = arith.constant 0 : i32
        %dma_start3A_494 = tpu.memref_slice %arg6[%dma_start3A_492, %dma_start3A_493] : memref<2x128xi32, #tpu.memory_space<vmem>> -> memref<1x128xi32, #tpu.memory_space<vmem>>
        %dma_start3A_495 = tpu.memref_squeeze %dma_start3A_494 : memref<1x128xi32, #tpu.memory_space<vmem>> -> memref<128xi32, #tpu.memory_space<vmem>>
        %dma_start3A_496 = arith.constant 0 : i32
        %dma_start3A_497 = arith.constant 0 : i32
        %dma_start3A_498 = tpu.memref_slice %arg2[%dma_start3A_496, %dma_start3A_497] : memref<10000x128xf32, #tpu.memory_space<hbm>> -> memref<10000x128xf32, #tpu.memory_space<hbm>>
        tpu.enqueue_indirect_dma source(%dma_start3A_498 : memref<10000x128xf32, #tpu.memory_space<hbm>>) target(%arg9 : memref<128x128xf32, #tpu.memory_space<vmem>>) offsets(%dma_start3A_495 : memref<128xi32, #tpu.memory_space<vmem>>) semaphore(%arg12 : memref<!tpu.dma_semaphore, #tpu.memory_space<semaphore_mem>>)
      } else {
      }
      %dma_wait3A = arith.constant 0 : i32
      %dma_wait3A_296 = arith.constant 0 : i32
      %dma_wait3A_297 = tpu.memref_slice %arg2[%dma_wait3A, %dma_wait3A_296] : memref<10000x128xf32, #tpu.memory_space<hbm>> -> memref<128x128xf32, #tpu.memory_space<hbm>>
      %dma_wait3A_298 = arith.constant 0 : i32
      %dma_wait3A_299 = arith.constant 0 : i32
      %dma_wait3A_300 = tpu.memref_slice %arg2[%dma_wait3A_298, %dma_wait3A_299] : memref<10000x128xf32, #tpu.memory_space<hbm>> -> memref<128x128xf32, #tpu.memory_space<hbm>>
      tpu.wait_dma2 semaphore(%arg11 : memref<!tpu.dma_semaphore, #tpu.memory_space<semaphore_mem>>) src(%dma_wait3A_300 : memref<128x128xf32, #tpu.memory_space<hbm>>) dst(%arg8 : memref<128x128xf32, #tpu.memory_space<vmem>>)
      %run_scoped3A = arith.constant 0 : i32
      "tpu.region"() ({
        %run_scoped3A_314 = tpu.sem_alloc : memref<!tpu.dma_semaphore, #tpu.memory_space<semaphore_mem>>
        %dma_start3A_315 = arith.constant 0 : i32
        %dma_start3A_316 = tpu.memref_slice %arg7[%run_scoped3A, %dma_start3A_315] : memref<2x128xi32, #tpu.memory_space<vmem>> -> memref<1x128xi32, #tpu.memory_space<vmem>>
        %dma_start3A_317 = tpu.memref_squeeze %dma_start3A_316 : memref<1x128xi32, #tpu.memory_space<vmem>> -> memref<128xi32, #tpu.memory_space<vmem>>
        %dma_start3A_318 = arith.constant 0 : i32
        %dma_start3A_319 = arith.constant 0 : i32
        %dma_start3A_320 = tpu.memref_slice %arg10[%dma_start3A_318, %dma_start3A_319] : memref<10112x128xf32, #tpu.memory_space<vmem_shared>> -> memref<10112x128xf32, #tpu.memory_space<vmem_shared>>
        tpu.enqueue_indirect_dma source(%arg8 : memref<128x128xf32, #tpu.memory_space<vmem>>) target(%dma_start3A_320 : memref<10112x128xf32, #tpu.memory_space<vmem_shared>>) offsets(%dma_start3A_317 : memref<128xi32, #tpu.memory_space<vmem>>) semaphore(%run_scoped3A_314 : memref<!tpu.dma_semaphore, #tpu.memory_space<semaphore_mem>>) {add = true}
        %dma_wait3A_321 = arith.constant 0 : i32
        %dma_wait3A_322 = tpu.memref_slice %arg7[%run_scoped3A, %dma_wait3A_321] : memref<2x128xi32, #tpu.memory_space<vmem>> -> memref<1x128xi32, #tpu.memory_space<vmem>>
        %dma_wait3A_323 = tpu.memref_squeeze %dma_wait3A_322 : memref<1x128xi32, #tpu.memory_space<vmem>> -> memref<128xi32, #tpu.memory_space<vmem>>
        %dma_wait3A_324 = arith.constant 0 : i32
        %dma_wait3A_325 = arith.constant 0 : i32
        %dma_wait3A_326 = tpu.memref_slice %arg10[%dma_wait3A_324, %dma_wait3A_325] : memref<10112x128xf32, #tpu.memory_space<vmem_shared>> -> memref<10112x128xf32, #tpu.memory_space<vmem_shared>>
        tpu.wait_indirect_dma semaphore(%run_scoped3A_314 : memref<!tpu.dma_semaphore, #tpu.memory_space<semaphore_mem>>) src(%arg8 : memref<128x128xf32, #tpu.memory_space<vmem>>) dst(%dma_wait3A_326 : memref<10112x128xf32, #tpu.memory_space<vmem_shared>>)
        tpu.yield
      }) : () -> ()
      %add3A_301 = arith.constant 2 : i32
      %add3A_302 = arith.addi %mul3A_292, %add3A_301 : i32
      %lt3A_303 = arith.cmpi slt, %add3A_302, %select_n3A : i32
      %convert_element_type3A_304 = arith.extui %lt3A_303 : i1 to i32
      %cond3A_305 = arith.constant 0 : i32
      %cond3A_306 = arith.cmpi ne, %convert_element_type3A_304, %cond3A_305 : i32
      scf.if %cond3A_306 {
        %add3A_314 = arith.constant 2 : i32
        %add3A_315 = arith.addi %mul3A_292, %add3A_314 : i32
        %get3A_316 = arith.index_cast %add3A_315 : i32 to index
        %get3A_317 = arith.constant 0 : index
        %get3A_318 = tpu.vector_load %arg5[%get3A_316, %get3A_317] {strides = array<i32>} : memref<112x128xi32, #tpu.memory_space<vmem>>, vector<1x16xi32>,
        %get3A_319 = vector.shape_cast %get3A_318 : vector<1x16xi32> to vector<16xi32>
        %shift_right_logical3A_320 = arith.constant 14 : i32
        %shift_right_logical3A_321 = vector.broadcast %shift_right_logical3A_320 : i32 to vector<16xi32>
        %shift_right_logical3A_322 = arith.shrui %get3A_319, %shift_right_logical3A_321 : vector<16xi32>
        %swap3A_323 = arith.constant 0 : i32
        %swap3A_324 = arith.index_cast %swap3A_323 : i32 to index
        %swap3A_325 = arith.constant 0 : index
        %swap3A_326 = tpu.vector_load %arg6[%swap3A_324, %swap3A_325] {strides = array<i32>} : memref<2x128xi32, #tpu.memory_space<vmem>>, vector<1x16xi32>,
        %swap3A_327 = vector.shape_cast %swap3A_326 : vector<1x16xi32> to vector<16xi32>
        %swap3A_328 = vector.shape_cast %shift_right_logical3A_322 : vector<16xi32> to vector<1x16xi32>
        tpu.vector_store %arg6[%swap3A_324, %swap3A_325], %swap3A_328 {strides = array<i32>} : memref<2x128xi32, #tpu.memory_space<vmem>>, vector<1x16xi32>,
        %and3A_329 = arith.constant 16383 : i32
        %and3A_330 = vector.broadcast %and3A_329 : i32 to vector<16xi32>
        %and3A_331 = arith.andi %get3A_319, %and3A_330 : vector<16xi32>
        %swap3A_332 = arith.constant 0 : i32
        %swap3A_333 = arith.index_cast %swap3A_332 : i32 to index
        %swap3A_334 = arith.constant 0 : index
        %swap3A_335 = tpu.vector_load %arg7[%swap3A_333, %swap3A_334] {strides = array<i32>} : memref<2x128xi32, #tpu.memory_space<vmem>>, vector<1x16xi32>,
        %swap3A_336 = vector.shape_cast %swap3A_335 : vector<1x16xi32> to vector<16xi32>
        %swap3A_337 = vector.shape_cast %and3A_331 : vector<16xi32> to vector<1x16xi32>
        tpu.vector_store %arg7[%swap3A_333, %swap3A_334], %swap3A_337 {strides = array<i32>} : memref<2x128xi32, #tpu.memory_space<vmem>>, vector<1x16xi32>,
        %get3A_338 = arith.index_cast %add3A_315 : i32 to index
        %get3A_339 = arith.constant 16 : index
        %get3A_340 = tpu.vector_load %arg5[%get3A_338, %get3A_339] {strides = array<i32>} : memref<112x128xi32, #tpu.memory_space<vmem>>, vector<1x16xi32>,
        %get3A_341 = vector.shape_cast %get3A_340 : vector<1x16xi32> to vector<16xi32>
        %shift_right_logical3A_342 = arith.constant 14 : i32
        %shift_right_logical3A_343 = vector.broadcast %shift_right_logical3A_342 : i32 to vector<16xi32>
        %shift_right_logical3A_344 = arith.shrui %get3A_341, %shift_right_logical3A_343 : vector<16xi32>
        %swap3A_345 = arith.constant 0 : i32
        %swap3A_346 = arith.index_cast %swap3A_345 : i32 to index
        %swap3A_347 = arith.constant 16 : index
        %swap3A_348 = tpu.vector_load %arg6[%swap3A_346, %swap3A_347] {strides = array<i32>} : memref<2x128xi32, #tpu.memory_space<vmem>>, vector<1x16xi32>,
        %swap3A_349 = vector.shape_cast %swap3A_348 : vector<1x16xi32> to vector<16xi32>
        %swap3A_350 = vector.shape_cast %shift_right_logical3A_344 : vector<16xi32> to vector<1x16xi32>
        tpu.vector_store %arg6[%swap3A_346, %swap3A_347], %swap3A_350 {strides = array<i32>} : memref<2x128xi32, #tpu.memory_space<vmem>>, vector<1x16xi32>,
        %and3A_351 = arith.constant 16383 : i32
        %and3A_352 = vector.broadcast %and3A_351 : i32 to vector<16xi32>
        %and3A_353 = arith.andi %get3A_341, %and3A_352 : vector<16xi32>
        %swap3A_354 = arith.constant 0 : i32
        %swap3A_355 = arith.index_cast %swap3A_354 : i32 to index
        %swap3A_356 = arith.constant 16 : index
        %swap3A_357 = tpu.vector_load %arg7[%swap3A_355, %swap3A_356] {strides = array<i32>} : memref<2x128xi32, #tpu.memory_space<vmem>>, vector<1x16xi32>,
        %swap3A_358 = vector.shape_cast %swap3A_357 : vector<1x16xi32> to vector<16xi32>
        %swap3A_359 = vector.shape_cast %and3A_353 : vector<16xi32> to vector<1x16xi32>
        tpu.vector_store %arg7[%swap3A_355, %swap3A_356], %swap3A_359 {strides = array<i32>} : memref<2x128xi32, #tpu.memory_space<vmem>>, vector<1x16xi32>,
        %get3A_360 = arith.index_cast %add3A_315 : i32 to index
        %get3A_361 = arith.constant 32 : index
        %get3A_362 = tpu.vector_load %arg5[%get3A_360, %get3A_361] {strides = array<i32>} : memref<112x128xi32, #tpu.memory_space<vmem>>, vector<1x16xi32>,
        %get3A_363 = vector.shape_cast %get3A_362 : vector<1x16xi32> to vector<16xi32>
        %shift_right_logical3A_364 = arith.constant 14 : i32
        %shift_right_logical3A_365 = vector.broadcast %shift_right_logical3A_364 : i32 to vector<16xi32>
        %shift_right_logical3A_366 = arith.shrui %get3A_363, %shift_right_logical3A_365 : vector<16xi32>
        %swap3A_367 = arith.constant 0 : i32
        %swap3A_368 = arith.index_cast %swap3A_367 : i32 to index
        %swap3A_369 = arith.constant 32 : index
        %swap3A_370 = tpu.vector_load %arg6[%swap3A_368, %swap3A_369] {strides = array<i32>} : memref<2x128xi32, #tpu.memory_space<vmem>>, vector<1x16xi32>,
        %swap3A_371 = vector.shape_cast %swap3A_370 : vector<1x16xi32> to vector<16xi32>
        %swap3A_372 = vector.shape_cast %shift_right_logical3A_366 : vector<16xi32> to vector<1x16xi32>
        tpu.vector_store %arg6[%swap3A_368, %swap3A_369], %swap3A_372 {strides = array<i32>} : memref<2x128xi32, #tpu.memory_space<vmem>>, vector<1x16xi32>,
        %and3A_373 = arith.constant 16383 : i32
        %and3A_374 = vector.broadcast %and3A_373 : i32 to vector<16xi32>
        %and3A_375 = arith.andi %get3A_363, %and3A_374 : vector<16xi32>
        %swap3A_376 = arith.constant 0 : i32
        %swap3A_377 = arith.index_cast %swap3A_376 : i32 to index
        %swap3A_378 = arith.constant 32 : index
        %swap3A_379 = tpu.vector_load %arg7[%swap3A_377, %swap3A_378] {strides = array<i32>} : memref<2x128xi32, #tpu.memory_space<vmem>>, vector<1x16xi32>,
        %swap3A_380 = vector.shape_cast %swap3A_379 : vector<1x16xi32> to vector<16xi32>
        %swap3A_381 = vector.shape_cast %and3A_375 : vector<16xi32> to vector<1x16xi32>
        tpu.vector_store %arg7[%swap3A_377, %swap3A_378], %swap3A_381 {strides = array<i32>} : memref<2x128xi32, #tpu.memory_space<vmem>>, vector<1x16xi32>,
        %get3A_382 = arith.index_cast %add3A_315 : i32 to index
        %get3A_383 = arith.constant 48 : index
        %get3A_384 = tpu.vector_load %arg5[%get3A_382, %get3A_383] {strides = array<i32>} : memref<112x128xi32, #tpu.memory_space<vmem>>, vector<1x16xi32>,
        %get3A_385 = vector.shape_cast %get3A_384 : vector<1x16xi32> to vector<16xi32>
        %shift_right_logical3A_386 = arith.constant 14 : i32
        %shift_right_logical3A_387 = vector.broadcast %shift_right_logical3A_386 : i32 to vector<16xi32>
        %shift_right_logical3A_388 = arith.shrui %get3A_385, %shift_right_logical3A_387 : vector<16xi32>
        %swap3A_389 = arith.constant 0 : i32
        %swap3A_390 = arith.index_cast %swap3A_389 : i32 to index
        %swap3A_391 = arith.constant 48 : index
        %swap3A_392 = tpu.vector_load %arg6[%swap3A_390, %swap3A_391] {strides = array<i32>} : memref<2x128xi32, #tpu.memory_space<vmem>>, vector<1x16xi32>,
        %swap3A_393 = vector.shape_cast %swap3A_392 : vector<1x16xi32> to vector<16xi32>
        %swap3A_394 = vector.shape_cast %shift_right_logical3A_388 : vector<16xi32> to vector<1x16xi32>
        tpu.vector_store %arg6[%swap3A_390, %swap3A_391], %swap3A_394 {strides = array<i32>} : memref<2x128xi32, #tpu.memory_space<vmem>>, vector<1x16xi32>,
        %and3A_395 = arith.constant 16383 : i32
        %and3A_396 = vector.broadcast %and3A_395 : i32 to vector<16xi32>
        %and3A_397 = arith.andi %get3A_385, %and3A_396 : vector<16xi32>
        %swap3A_398 = arith.constant 0 : i32
        %swap3A_399 = arith.index_cast %swap3A_398 : i32 to index
        %swap3A_400 = arith.constant 48 : index
        %swap3A_401 = tpu.vector_load %arg7[%swap3A_399, %swap3A_400] {strides = array<i32>} : memref<2x128xi32, #tpu.memory_space<vmem>>, vector<1x16xi32>,
        %swap3A_402 = vector.shape_cast %swap3A_401 : vector<1x16xi32> to vector<16xi32>
        %swap3A_403 = vector.shape_cast %and3A_397 : vector<16xi32> to vector<1x16xi32>
        tpu.vector_store %arg7[%swap3A_399, %swap3A_400], %swap3A_403 {strides = array<i32>} : memref<2x128xi32, #tpu.memory_space<vmem>>, vector<1x16xi32>,
        %get3A_404 = arith.index_cast %add3A_315 : i32 to index
        %get3A_405 = arith.constant 64 : index
        %get3A_406 = tpu.vector_load %arg5[%get3A_404, %get3A_405] {strides = array<i32>} : memref<112x128xi32, #tpu.memory_space<vmem>>, vector<1x16xi32>,
        %get3A_407 = vector.shape_cast %get3A_406 : vector<1x16xi32> to vector<16xi32>
        %shift_right_logical3A_408 = arith.constant 14 : i32
        %shift_right_logical3A_409 = vector.broadcast %shift_right_logical3A_408 : i32 to vector<16xi32>
        %shift_right_logical3A_410 = arith.shrui %get3A_407, %shift_right_logical3A_409 : vector<16xi32>
        %swap3A_411 = arith.constant 0 : i32
        %swap3A_412 = arith.index_cast %swap3A_411 : i32 to index
        %swap3A_413 = arith.constant 64 : index
        %swap3A_414 = tpu.vector_load %arg6[%swap3A_412, %swap3A_413] {strides = array<i32>} : memref<2x128xi32, #tpu.memory_space<vmem>>, vector<1x16xi32>,
        %swap3A_415 = vector.shape_cast %swap3A_414 : vector<1x16xi32> to vector<16xi32>
        %swap3A_416 = vector.shape_cast %shift_right_logical3A_410 : vector<16xi32> to vector<1x16xi32>
        tpu.vector_store %arg6[%swap3A_412, %swap3A_413], %swap3A_416 {strides = array<i32>} : memref<2x128xi32, #tpu.memory_space<vmem>>, vector<1x16xi32>,
        %and3A_417 = arith.constant 16383 : i32
        %and3A_418 = vector.broadcast %and3A_417 : i32 to vector<16xi32>
        %and3A_419 = arith.andi %get3A_407, %and3A_418 : vector<16xi32>
        %swap3A_420 = arith.constant 0 : i32
        %swap3A_421 = arith.index_cast %swap3A_420 : i32 to index
        %swap3A_422 = arith.constant 64 : index
        %swap3A_423 = tpu.vector_load %arg7[%swap3A_421, %swap3A_422] {strides = array<i32>} : memref<2x128xi32, #tpu.memory_space<vmem>>, vector<1x16xi32>,
        %swap3A_424 = vector.shape_cast %swap3A_423 : vector<1x16xi32> to vector<16xi32>
        %swap3A_425 = vector.shape_cast %and3A_419 : vector<16xi32> to vector<1x16xi32>
        tpu.vector_store %arg7[%swap3A_421, %swap3A_422], %swap3A_425 {strides = array<i32>} : memref<2x128xi32, #tpu.memory_space<vmem>>, vector<1x16xi32>,
        %get3A_426 = arith.index_cast %add3A_315 : i32 to index
        %get3A_427 = arith.constant 80 : index
        %get3A_428 = tpu.vector_load %arg5[%get3A_426, %get3A_427] {strides = array<i32>} : memref<112x128xi32, #tpu.memory_space<vmem>>, vector<1x16xi32>,
        %get3A_429 = vector.shape_cast %get3A_428 : vector<1x16xi32> to vector<16xi32>
        %shift_right_logical3A_430 = arith.constant 14 : i32
        %shift_right_logical3A_431 = vector.broadcast %shift_right_logical3A_430 : i32 to vector<16xi32>
        %shift_right_logical3A_432 = arith.shrui %get3A_429, %shift_right_logical3A_431 : vector<16xi32>
        %swap3A_433 = arith.constant 0 : i32
        %swap3A_434 = arith.index_cast %swap3A_433 : i32 to index
        %swap3A_435 = arith.constant 80 : index
        %swap3A_436 = tpu.vector_load %arg6[%swap3A_434, %swap3A_435] {strides = array<i32>} : memref<2x128xi32, #tpu.memory_space<vmem>>, vector<1x16xi32>,
        %swap3A_437 = vector.shape_cast %swap3A_436 : vector<1x16xi32> to vector<16xi32>
        %swap3A_438 = vector.shape_cast %shift_right_logical3A_432 : vector<16xi32> to vector<1x16xi32>
        tpu.vector_store %arg6[%swap3A_434, %swap3A_435], %swap3A_438 {strides = array<i32>} : memref<2x128xi32, #tpu.memory_space<vmem>>, vector<1x16xi32>,
        %and3A_439 = arith.constant 16383 : i32
        %and3A_440 = vector.broadcast %and3A_439 : i32 to vector<16xi32>
        %and3A_441 = arith.andi %get3A_429, %and3A_440 : vector<16xi32>
        %swap3A_442 = arith.constant 0 : i32
        %swap3A_443 = arith.index_cast %swap3A_442 : i32 to index
        %swap3A_444 = arith.constant 80 : index
        %swap3A_445 = tpu.vector_load %arg7[%swap3A_443, %swap3A_444] {strides = array<i32>} : memref<2x128xi32, #tpu.memory_space<vmem>>, vector<1x16xi32>,
        %swap3A_446 = vector.shape_cast %swap3A_445 : vector<1x16xi32> to vector<16xi32>
        %swap3A_447 = vector.shape_cast %and3A_441 : vector<16xi32> to vector<1x16xi32>
        tpu.vector_store %arg7[%swap3A_443, %swap3A_444], %swap3A_447 {strides = array<i32>} : memref<2x128xi32, #tpu.memory_space<vmem>>, vector<1x16xi32>,
        %get3A_448 = arith.index_cast %add3A_315 : i32 to index
        %get3A_449 = arith.constant 96 : index
        %get3A_450 = tpu.vector_load %arg5[%get3A_448, %get3A_449] {strides = array<i32>} : memref<112x128xi32, #tpu.memory_space<vmem>>, vector<1x16xi32>,
        %get3A_451 = vector.shape_cast %get3A_450 : vector<1x16xi32> to vector<16xi32>
        %shift_right_logical3A_452 = arith.constant 14 : i32
        %shift_right_logical3A_453 = vector.broadcast %shift_right_logical3A_452 : i32 to vector<16xi32>
        %shift_right_logical3A_454 = arith.shrui %get3A_451, %shift_right_logical3A_453 : vector<16xi32>
        %swap3A_455 = arith.constant 0 : i32
        %swap3A_456 = arith.index_cast %swap3A_455 : i32 to index
        %swap3A_457 = arith.constant 96 : index
        %swap3A_458 = tpu.vector_load %arg6[%swap3A_456, %swap3A_457] {strides = array<i32>} : memref<2x128xi32, #tpu.memory_space<vmem>>, vector<1x16xi32>,
        %swap3A_459 = vector.shape_cast %swap3A_458 : vector<1x16xi32> to vector<16xi32>
        %swap3A_460 = vector.shape_cast %shift_right_logical3A_454 : vector<16xi32> to vector<1x16xi32>
        tpu.vector_store %arg6[%swap3A_456, %swap3A_457], %swap3A_460 {strides = array<i32>} : memref<2x128xi32, #tpu.memory_space<vmem>>, vector<1x16xi32>,
        %and3A_461 = arith.constant 16383 : i32
        %and3A_462 = vector.broadcast %and3A_461 : i32 to vector<16xi32>
        %and3A_463 = arith.andi %get3A_451, %and3A_462 : vector<16xi32>
        %swap3A_464 = arith.constant 0 : i32
        %swap3A_465 = arith.index_cast %swap3A_464 : i32 to index
        %swap3A_466 = arith.constant 96 : index
        %swap3A_467 = tpu.vector_load %arg7[%swap3A_465, %swap3A_466] {strides = array<i32>} : memref<2x128xi32, #tpu.memory_space<vmem>>, vector<1x16xi32>,
        %swap3A_468 = vector.shape_cast %swap3A_467 : vector<1x16xi32> to vector<16xi32>
        %swap3A_469 = vector.shape_cast %and3A_463 : vector<16xi32> to vector<1x16xi32>
        tpu.vector_store %arg7[%swap3A_465, %swap3A_466], %swap3A_469 {strides = array<i32>} : memref<2x128xi32, #tpu.memory_space<vmem>>, vector<1x16xi32>,
        %get3A_470 = arith.index_cast %add3A_315 : i32 to index
        %get3A_471 = arith.constant 112 : index
        %get3A_472 = tpu.vector_load %arg5[%get3A_470, %get3A_471] {strides = array<i32>} : memref<112x128xi32, #tpu.memory_space<vmem>>, vector<1x16xi32>,
        %get3A_473 = vector.shape_cast %get3A_472 : vector<1x16xi32> to vector<16xi32>
        %shift_right_logical3A_474 = arith.constant 14 : i32
        %shift_right_logical3A_475 = vector.broadcast %shift_right_logical3A_474 : i32 to vector<16xi32>
        %shift_right_logical3A_476 = arith.shrui %get3A_473, %shift_right_logical3A_475 : vector<16xi32>
        %swap3A_477 = arith.constant 0 : i32
        %swap3A_478 = arith.index_cast %swap3A_477 : i32 to index
        %swap3A_479 = arith.constant 112 : index
        %swap3A_480 = tpu.vector_load %arg6[%swap3A_478, %swap3A_479] {strides = array<i32>} : memref<2x128xi32, #tpu.memory_space<vmem>>, vector<1x16xi32>,
        %swap3A_481 = vector.shape_cast %swap3A_480 : vector<1x16xi32> to vector<16xi32>
        %swap3A_482 = vector.shape_cast %shift_right_logical3A_476 : vector<16xi32> to vector<1x16xi32>
        tpu.vector_store %arg6[%swap3A_478, %swap3A_479], %swap3A_482 {strides = array<i32>} : memref<2x128xi32, #tpu.memory_space<vmem>>, vector<1x16xi32>,
        %and3A_483 = arith.constant 16383 : i32
        %and3A_484 = vector.broadcast %and3A_483 : i32 to vector<16xi32>
        %and3A_485 = arith.andi %get3A_473, %and3A_484 : vector<16xi32>
        %swap3A_486 = arith.constant 0 : i32
        %swap3A_487 = arith.index_cast %swap3A_486 : i32 to index
        %swap3A_488 = arith.constant 112 : index
        %swap3A_489 = tpu.vector_load %arg7[%swap3A_487, %swap3A_488] {strides = array<i32>} : memref<2x128xi32, #tpu.memory_space<vmem>>, vector<1x16xi32>,
        %swap3A_490 = vector.shape_cast %swap3A_489 : vector<1x16xi32> to vector<16xi32>
        %swap3A_491 = vector.shape_cast %and3A_485 : vector<16xi32> to vector<1x16xi32>
        tpu.vector_store %arg7[%swap3A_487, %swap3A_488], %swap3A_491 {strides = array<i32>} : memref<2x128xi32, #tpu.memory_space<vmem>>, vector<1x16xi32>,
        %dma_start3A_492 = arith.constant 0 : i32
        %dma_start3A_493 = arith.constant 0 : i32
        %dma_start3A_494 = tpu.memref_slice %arg6[%dma_start3A_492, %dma_start3A_493] : memref<2x128xi32, #tpu.memory_space<vmem>> -> memref<1x128xi32, #tpu.memory_space<vmem>>
        %dma_start3A_495 = tpu.memref_squeeze %dma_start3A_494 : memref<1x128xi32, #tpu.memory_space<vmem>> -> memref<128xi32, #tpu.memory_space<vmem>>
        %dma_start3A_496 = arith.constant 0 : i32
        %dma_start3A_497 = arith.constant 0 : i32
        %dma_start3A_498 = tpu.memref_slice %arg2[%dma_start3A_496, %dma_start3A_497] : memref<10000x128xf32, #tpu.memory_space<hbm>> -> memref<10000x128xf32, #tpu.memory_space<hbm>>
        tpu.enqueue_indirect_dma source(%dma_start3A_498 : memref<10000x128xf32, #tpu.memory_space<hbm>>) target(%arg8 : memref<128x128xf32, #tpu.memory_space<vmem>>) offsets(%dma_start3A_495 : memref<128xi32, #tpu.memory_space<vmem>>) semaphore(%arg11 : memref<!tpu.dma_semaphore, #tpu.memory_space<semaphore_mem>>)
      } else {
      }
      %add3A_307 = arith.constant 1 : i32
      %add3A_308 = arith.addi %mul3A_292, %add3A_307 : i32
      %lt3A_309 = arith.cmpi slt, %add3A_308, %select_n3A : i32
      %convert_element_type3A_310 = arith.extui %lt3A_309 : i1 to i32
      %cond3A_311 = arith.constant 0 : i32
      %cond3A_312 = arith.cmpi ne, %convert_element_type3A_310, %cond3A_311 : i32
      scf.if %cond3A_312 {
        %dma_wait3A_314 = arith.constant 0 : i32
        %dma_wait3A_315 = arith.constant 0 : i32
        %dma_wait3A_316 = tpu.memref_slice %arg2[%dma_wait3A_314, %dma_wait3A_315] : memref<10000x128xf32, #tpu.memory_space<hbm>> -> memref<128x128xf32, #tpu.memory_space<hbm>>
        %dma_wait3A_317 = arith.constant 0 : i32
        %dma_wait3A_318 = arith.constant 0 : i32
        %dma_wait3A_319 = tpu.memref_slice %arg2[%dma_wait3A_317, %dma_wait3A_318] : memref<10000x128xf32, #tpu.memory_space<hbm>> -> memref<128x128xf32, #tpu.memory_space<hbm>>
        tpu.wait_dma2 semaphore(%arg12 : memref<!tpu.dma_semaphore, #tpu.memory_space<semaphore_mem>>) src(%dma_wait3A_319 : memref<128x128xf32, #tpu.memory_space<hbm>>) dst(%arg9 : memref<128x128xf32, #tpu.memory_space<vmem>>)
        %run_scoped3A_320 = arith.constant 1 : i32
        "tpu.region"() ({
          %run_scoped3A_321 = tpu.sem_alloc : memref<!tpu.dma_semaphore, #tpu.memory_space<semaphore_mem>>
          %dma_start3A_322 = arith.constant 0 : i32
          %dma_start3A_323 = tpu.memref_slice %arg7[%run_scoped3A_320, %dma_start3A_322] : memref<2x128xi32, #tpu.memory_space<vmem>> -> memref<1x128xi32, #tpu.memory_space<vmem>>
          %dma_start3A_324 = tpu.memref_squeeze %dma_start3A_323 : memref<1x128xi32, #tpu.memory_space<vmem>> -> memref<128xi32, #tpu.memory_space<vmem>>
          %dma_start3A_325 = arith.constant 0 : i32
          %dma_start3A_326 = arith.constant 0 : i32
          %dma_start3A_327 = tpu.memref_slice %arg10[%dma_start3A_325, %dma_start3A_326] : memref<10112x128xf32, #tpu.memory_space<vmem_shared>> -> memref<10112x128xf32, #tpu.memory_space<vmem_shared>>
          tpu.enqueue_indirect_dma source(%arg9 : memref<128x128xf32, #tpu.memory_space<vmem>>) target(%dma_start3A_327 : memref<10112x128xf32, #tpu.memory_space<vmem_shared>>) offsets(%dma_start3A_324 : memref<128xi32, #tpu.memory_space<vmem>>) semaphore(%run_scoped3A_321 : memref<!tpu.dma_semaphore, #tpu.memory_space<semaphore_mem>>) {add = true}
          %dma_wait3A_328 = arith.constant 0 : i32
          %dma_wait3A_329 = tpu.memref_slice %arg7[%run_scoped3A_320, %dma_wait3A_328] : memref<2x128xi32, #tpu.memory_space<vmem>> -> memref<1x128xi32, #tpu.memory_space<vmem>>
          %dma_wait3A_330 = tpu.memref_squeeze %dma_wait3A_329 : memref<1x128xi32, #tpu.memory_space<vmem>> -> memref<128xi32, #tpu.memory_space<vmem>>
          %dma_wait3A_331 = arith.constant 0 : i32
          %dma_wait3A_332 = arith.constant 0 : i32
          %dma_wait3A_333 = tpu.memref_slice %arg10[%dma_wait3A_331, %dma_wait3A_332] : memref<10112x128xf32, #tpu.memory_space<vmem_shared>> -> memref<10112x128xf32, #tpu.memory_space<vmem_shared>>
          tpu.wait_indirect_dma semaphore(%run_scoped3A_321 : memref<!tpu.dma_semaphore, #tpu.memory_space<semaphore_mem>>) src(%arg9 : memref<128x128xf32, #tpu.memory_space<vmem>>) dst(%dma_wait3A_333 : memref<10112x128xf32, #tpu.memory_space<vmem_shared>>)
          tpu.yield
        }) : () -> ()
      } else {
      }
      %while3A_313 = arith.constant 0 : i32
      scf.yield %while3A_313 : i32
    }
    %while3A_246 = arith.constant 1 : i32
    %while3A_247 = scf.for %while3A_289 = %while3A_243 to %while3A_239 step %while3A_246 iter_args(%while3A_290 = %while3A_245) -> (i32)  : i32 {
      %mul3A_291 = arith.constant 2 : i32
      %mul3A_292 = arith.muli %mul3A_291, %while3A_289 : i32
      %add3A_293 = arith.constant 1 : i32
      %add3A_294 = arith.addi %mul3A_292, %add3A_293 : i32
      %lt3A = arith.cmpi slt, %add3A_294, %select_n3A : i32
      %convert_element_type3A = arith.extui %lt3A : i1 to i32
      %cond3A = arith.constant 0 : i32
      %cond3A_295 = arith.cmpi ne, %convert_element_type3A, %cond3A : i32
      scf.if %cond3A_295 {
        %add3A_314 = arith.constant 1 : i32
        %add3A_315 = arith.addi %mul3A_292, %add3A_314 : i32
        %get3A_316 = arith.index_cast %add3A_315 : i32 to index
        %get3A_317 = arith.constant 0 : index
        %get3A_318 = tpu.vector_load %arg5[%get3A_316, %get3A_317] {strides = array<i32>} : memref<112x128xi32, #tpu.memory_space<vmem>>, vector<1x16xi32>,
        %get3A_319 = vector.shape_cast %get3A_318 : vector<1x16xi32> to vector<16xi32>
        %shift_right_logical3A_320 = arith.constant 14 : i32
        %shift_right_logical3A_321 = vector.broadcast %shift_right_logical3A_320 : i32 to vector<16xi32>
        %shift_right_logical3A_322 = arith.shrui %get3A_319, %shift_right_logical3A_321 : vector<16xi32>
        %swap3A_323 = arith.constant 1 : i32
        %swap3A_324 = arith.index_cast %swap3A_323 : i32 to index
        %swap3A_325 = arith.constant 0 : index
        %swap3A_326 = tpu.vector_load %arg6[%swap3A_324, %swap3A_325] {strides = array<i32>} : memref<2x128xi32, #tpu.memory_space<vmem>>, vector<1x16xi32>,
        %swap3A_327 = vector.shape_cast %swap3A_326 : vector<1x16xi32> to vector<16xi32>
        %swap3A_328 = vector.shape_cast %shift_right_logical3A_322 : vector<16xi32> to vector<1x16xi32>
        tpu.vector_store %arg6[%swap3A_324, %swap3A_325], %swap3A_328 {strides = array<i32>} : memref<2x128xi32, #tpu.memory_space<vmem>>, vector<1x16xi32>,
        %and3A_329 = arith.constant 16383 : i32
        %and3A_330 = vector.broadcast %and3A_329 : i32 to vector<16xi32>
        %and3A_331 = arith.andi %get3A_319, %and3A_330 : vector<16xi32>
        %swap3A_332 = arith.constant 1 : i32
        %swap3A_333 = arith.index_cast %swap3A_332 : i32 to index
        %swap3A_334 = arith.constant 0 : index
        %swap3A_335 = tpu.vector_load %arg7[%swap3A_333, %swap3A_334] {strides = array<i32>} : memref<2x128xi32, #tpu.memory_space<vmem>>, vector<1x16xi32>,
        %swap3A_336 = vector.shape_cast %swap3A_335 : vector<1x16xi32> to vector<16xi32>
        %swap3A_337 = vector.shape_cast %and3A_331 : vector<16xi32> to vector<1x16xi32>
        tpu.vector_store %arg7[%swap3A_333, %swap3A_334], %swap3A_337 {strides = array<i32>} : memref<2x128xi32, #tpu.memory_space<vmem>>, vector<1x16xi32>,
        %get3A_338 = arith.index_cast %add3A_315 : i32 to index
        %get3A_339 = arith.constant 16 : index
        %get3A_340 = tpu.vector_load %arg5[%get3A_338, %get3A_339] {strides = array<i32>} : memref<112x128xi32, #tpu.memory_space<vmem>>, vector<1x16xi32>,
        %get3A_341 = vector.shape_cast %get3A_340 : vector<1x16xi32> to vector<16xi32>
        %shift_right_logical3A_342 = arith.constant 14 : i32
        %shift_right_logical3A_343 = vector.broadcast %shift_right_logical3A_342 : i32 to vector<16xi32>
        %shift_right_logical3A_344 = arith.shrui %get3A_341, %shift_right_logical3A_343 : vector<16xi32>
        %swap3A_345 = arith.constant 1 : i32
        %swap3A_346 = arith.index_cast %swap3A_345 : i32 to index
        %swap3A_347 = arith.constant 16 : index
        %swap3A_348 = tpu.vector_load %arg6[%swap3A_346, %swap3A_347] {strides = array<i32>} : memref<2x128xi32, #tpu.memory_space<vmem>>, vector<1x16xi32>,
        %swap3A_349 = vector.shape_cast %swap3A_348 : vector<1x16xi32> to vector<16xi32>
        %swap3A_350 = vector.shape_cast %shift_right_logical3A_344 : vector<16xi32> to vector<1x16xi32>
        tpu.vector_store %arg6[%swap3A_346, %swap3A_347], %swap3A_350 {strides = array<i32>} : memref<2x128xi32, #tpu.memory_space<vmem>>, vector<1x16xi32>,
        %and3A_351 = arith.constant 16383 : i32
        %and3A_352 = vector.broadcast %and3A_351 : i32 to vector<16xi32>
        %and3A_353 = arith.andi %get3A_341, %and3A_352 : vector<16xi32>
        %swap3A_354 = arith.constant 1 : i32
        %swap3A_355 = arith.index_cast %swap3A_354 : i32 to index
        %swap3A_356 = arith.constant 16 : index
        %swap3A_357 = tpu.vector_load %arg7[%swap3A_355, %swap3A_356] {strides = array<i32>} : memref<2x128xi32, #tpu.memory_space<vmem>>, vector<1x16xi32>,
        %swap3A_358 = vector.shape_cast %swap3A_357 : vector<1x16xi32> to vector<16xi32>
        %swap3A_359 = vector.shape_cast %and3A_353 : vector<16xi32> to vector<1x16xi32>
        tpu.vector_store %arg7[%swap3A_355, %swap3A_356], %swap3A_359 {strides = array<i32>} : memref<2x128xi32, #tpu.memory_space<vmem>>, vector<1x16xi32>,
        %get3A_360 = arith.index_cast %add3A_315 : i32 to index
        %get3A_361 = arith.constant 32 : index
        %get3A_362 = tpu.vector_load %arg5[%get3A_360, %get3A_361] {strides = array<i32>} : memref<112x128xi32, #tpu.memory_space<vmem>>, vector<1x16xi32>,
        %get3A_363 = vector.shape_cast %get3A_362 : vector<1x16xi32> to vector<16xi32>
        %shift_right_logical3A_364 = arith.constant 14 : i32
        %shift_right_logical3A_365 = vector.broadcast %shift_right_logical3A_364 : i32 to vector<16xi32>
        %shift_right_logical3A_366 = arith.shrui %get3A_363, %shift_right_logical3A_365 : vector<16xi32>
        %swap3A_367 = arith.constant 1 : i32
        %swap3A_368 = arith.index_cast %swap3A_367 : i32 to index
        %swap3A_369 = arith.constant 32 : index
        %swap3A_370 = tpu.vector_load %arg6[%swap3A_368, %swap3A_369] {strides = array<i32>} : memref<2x128xi32, #tpu.memory_space<vmem>>, vector<1x16xi32>,
        %swap3A_371 = vector.shape_cast %swap3A_370 : vector<1x16xi32> to vector<16xi32>
        %swap3A_372 = vector.shape_cast %shift_right_logical3A_366 : vector<16xi32> to vector<1x16xi32>
        tpu.vector_store %arg6[%swap3A_368, %swap3A_369], %swap3A_372 {strides = array<i32>} : memref<2x128xi32, #tpu.memory_space<vmem>>, vector<1x16xi32>,
        %and3A_373 = arith.constant 16383 : i32
        %and3A_374 = vector.broadcast %and3A_373 : i32 to vector<16xi32>
        %and3A_375 = arith.andi %get3A_363, %and3A_374 : vector<16xi32>
        %swap3A_376 = arith.constant 1 : i32
        %swap3A_377 = arith.index_cast %swap3A_376 : i32 to index
        %swap3A_378 = arith.constant 32 : index
        %swap3A_379 = tpu.vector_load %arg7[%swap3A_377, %swap3A_378] {strides = array<i32>} : memref<2x128xi32, #tpu.memory_space<vmem>>, vector<1x16xi32>,
        %swap3A_380 = vector.shape_cast %swap3A_379 : vector<1x16xi32> to vector<16xi32>
        %swap3A_381 = vector.shape_cast %and3A_375 : vector<16xi32> to vector<1x16xi32>
        tpu.vector_store %arg7[%swap3A_377, %swap3A_378], %swap3A_381 {strides = array<i32>} : memref<2x128xi32, #tpu.memory_space<vmem>>, vector<1x16xi32>,
        %get3A_382 = arith.index_cast %add3A_315 : i32 to index
        %get3A_383 = arith.constant 48 : index
        %get3A_384 = tpu.vector_load %arg5[%get3A_382, %get3A_383] {strides = array<i32>} : memref<112x128xi32, #tpu.memory_space<vmem>>, vector<1x16xi32>,
        %get3A_385 = vector.shape_cast %get3A_384 : vector<1x16xi32> to vector<16xi32>
        %shift_right_logical3A_386 = arith.constant 14 : i32
        %shift_right_logical3A_387 = vector.broadcast %shift_right_logical3A_386 : i32 to vector<16xi32>
        %shift_right_logical3A_388 = arith.shrui %get3A_385, %shift_right_logical3A_387 : vector<16xi32>
        %swap3A_389 = arith.constant 1 : i32
        %swap3A_390 = arith.index_cast %swap3A_389 : i32 to index
        %swap3A_391 = arith.constant 48 : index
        %swap3A_392 = tpu.vector_load %arg6[%swap3A_390, %swap3A_391] {strides = array<i32>} : memref<2x128xi32, #tpu.memory_space<vmem>>, vector<1x16xi32>,
        %swap3A_393 = vector.shape_cast %swap3A_392 : vector<1x16xi32> to vector<16xi32>
        %swap3A_394 = vector.shape_cast %shift_right_logical3A_388 : vector<16xi32> to vector<1x16xi32>
        tpu.vector_store %arg6[%swap3A_390, %swap3A_391], %swap3A_394 {strides = array<i32>} : memref<2x128xi32, #tpu.memory_space<vmem>>, vector<1x16xi32>,
        %and3A_395 = arith.constant 16383 : i32
        %and3A_396 = vector.broadcast %and3A_395 : i32 to vector<16xi32>
        %and3A_397 = arith.andi %get3A_385, %and3A_396 : vector<16xi32>
        %swap3A_398 = arith.constant 1 : i32
        %swap3A_399 = arith.index_cast %swap3A_398 : i32 to index
        %swap3A_400 = arith.constant 48 : index
        %swap3A_401 = tpu.vector_load %arg7[%swap3A_399, %swap3A_400] {strides = array<i32>} : memref<2x128xi32, #tpu.memory_space<vmem>>, vector<1x16xi32>,
        %swap3A_402 = vector.shape_cast %swap3A_401 : vector<1x16xi32> to vector<16xi32>
        %swap3A_403 = vector.shape_cast %and3A_397 : vector<16xi32> to vector<1x16xi32>
        tpu.vector_store %arg7[%swap3A_399, %swap3A_400], %swap3A_403 {strides = array<i32>} : memref<2x128xi32, #tpu.memory_space<vmem>>, vector<1x16xi32>,
        %get3A_404 = arith.index_cast %add3A_315 : i32 to index
        %get3A_405 = arith.constant 64 : index
        %get3A_406 = tpu.vector_load %arg5[%get3A_404, %get3A_405] {strides = array<i32>} : memref<112x128xi32, #tpu.memory_space<vmem>>, vector<1x16xi32>,
        %get3A_407 = vector.shape_cast %get3A_406 : vector<1x16xi32> to vector<16xi32>
        %shift_right_logical3A_408 = arith.constant 14 : i32
        %shift_right_logical3A_409 = vector.broadcast %shift_right_logical3A_408 : i32 to vector<16xi32>
        %shift_right_logical3A_410 = arith.shrui %get3A_407, %shift_right_logical3A_409 : vector<16xi32>
        %swap3A_411 = arith.constant 1 : i32
        %swap3A_412 = arith.index_cast %swap3A_411 : i32 to index
        %swap3A_413 = arith.constant 64 : index
        %swap3A_414 = tpu.vector_load %arg6[%swap3A_412, %swap3A_413] {strides = array<i32>} : memref<2x128xi32, #tpu.memory_space<vmem>>, vector<1x16xi32>,
        %swap3A_415 = vector.shape_cast %swap3A_414 : vector<1x16xi32> to vector<16xi32>
        %swap3A_416 = vector.shape_cast %shift_right_logical3A_410 : vector<16xi32> to vector<1x16xi32>
        tpu.vector_store %arg6[%swap3A_412, %swap3A_413], %swap3A_416 {strides = array<i32>} : memref<2x128xi32, #tpu.memory_space<vmem>>, vector<1x16xi32>,
        %and3A_417 = arith.constant 16383 : i32
        %and3A_418 = vector.broadcast %and3A_417 : i32 to vector<16xi32>
        %and3A_419 = arith.andi %get3A_407, %and3A_418 : vector<16xi32>
        %swap3A_420 = arith.constant 1 : i32
        %swap3A_421 = arith.index_cast %swap3A_420 : i32 to index
        %swap3A_422 = arith.constant 64 : index
        %swap3A_423 = tpu.vector_load %arg7[%swap3A_421, %swap3A_422] {strides = array<i32>} : memref<2x128xi32, #tpu.memory_space<vmem>>, vector<1x16xi32>,
        %swap3A_424 = vector.shape_cast %swap3A_423 : vector<1x16xi32> to vector<16xi32>
        %swap3A_425 = vector.shape_cast %and3A_419 : vector<16xi32> to vector<1x16xi32>
        tpu.vector_store %arg7[%swap3A_421, %swap3A_422], %swap3A_425 {strides = array<i32>} : memref<2x128xi32, #tpu.memory_space<vmem>>, vector<1x16xi32>,
        %get3A_426 = arith.index_cast %add3A_315 : i32 to index
        %get3A_427 = arith.constant 80 : index
        %get3A_428 = tpu.vector_load %arg5[%get3A_426, %get3A_427] {strides = array<i32>} : memref<112x128xi32, #tpu.memory_space<vmem>>, vector<1x16xi32>,
        %get3A_429 = vector.shape_cast %get3A_428 : vector<1x16xi32> to vector<16xi32>
        %shift_right_logical3A_430 = arith.constant 14 : i32
        %shift_right_logical3A_431 = vector.broadcast %shift_right_logical3A_430 : i32 to vector<16xi32>
        %shift_right_logical3A_432 = arith.shrui %get3A_429, %shift_right_logical3A_431 : vector<16xi32>
        %swap3A_433 = arith.constant 1 : i32
        %swap3A_434 = arith.index_cast %swap3A_433 : i32 to index
        %swap3A_435 = arith.constant 80 : index
        %swap3A_436 = tpu.vector_load %arg6[%swap3A_434, %swap3A_435] {strides = array<i32>} : memref<2x128xi32, #tpu.memory_space<vmem>>, vector<1x16xi32>,
        %swap3A_437 = vector.shape_cast %swap3A_436 : vector<1x16xi32> to vector<16xi32>
        %swap3A_438 = vector.shape_cast %shift_right_logical3A_432 : vector<16xi32> to vector<1x16xi32>
        tpu.vector_store %arg6[%swap3A_434, %swap3A_435], %swap3A_438 {strides = array<i32>} : memref<2x128xi32, #tpu.memory_space<vmem>>, vector<1x16xi32>,
        %and3A_439 = arith.constant 16383 : i32
        %and3A_440 = vector.broadcast %and3A_439 : i32 to vector<16xi32>
        %and3A_441 = arith.andi %get3A_429, %and3A_440 : vector<16xi32>
        %swap3A_442 = arith.constant 1 : i32
        %swap3A_443 = arith.index_cast %swap3A_442 : i32 to index
        %swap3A_444 = arith.constant 80 : index
        %swap3A_445 = tpu.vector_load %arg7[%swap3A_443, %swap3A_444] {strides = array<i32>} : memref<2x128xi32, #tpu.memory_space<vmem>>, vector<1x16xi32>,
        %swap3A_446 = vector.shape_cast %swap3A_445 : vector<1x16xi32> to vector<16xi32>
        %swap3A_447 = vector.shape_cast %and3A_441 : vector<16xi32> to vector<1x16xi32>
        tpu.vector_store %arg7[%swap3A_443, %swap3A_444], %swap3A_447 {strides = array<i32>} : memref<2x128xi32, #tpu.memory_space<vmem>>, vector<1x16xi32>,
        %get3A_448 = arith.index_cast %add3A_315 : i32 to index
        %get3A_449 = arith.constant 96 : index
        %get3A_450 = tpu.vector_load %arg5[%get3A_448, %get3A_449] {strides = array<i32>} : memref<112x128xi32, #tpu.memory_space<vmem>>, vector<1x16xi32>,
        %get3A_451 = vector.shape_cast %get3A_450 : vector<1x16xi32> to vector<16xi32>
        %shift_right_logical3A_452 = arith.constant 14 : i32
        %shift_right_logical3A_453 = vector.broadcast %shift_right_logical3A_452 : i32 to vector<16xi32>
        %shift_right_logical3A_454 = arith.shrui %get3A_451, %shift_right_logical3A_453 : vector<16xi32>
        %swap3A_455 = arith.constant 1 : i32
        %swap3A_456 = arith.index_cast %swap3A_455 : i32 to index
        %swap3A_457 = arith.constant 96 : index
        %swap3A_458 = tpu.vector_load %arg6[%swap3A_456, %swap3A_457] {strides = array<i32>} : memref<2x128xi32, #tpu.memory_space<vmem>>, vector<1x16xi32>,
        %swap3A_459 = vector.shape_cast %swap3A_458 : vector<1x16xi32> to vector<16xi32>
        %swap3A_460 = vector.shape_cast %shift_right_logical3A_454 : vector<16xi32> to vector<1x16xi32>
        tpu.vector_store %arg6[%swap3A_456, %swap3A_457], %swap3A_460 {strides = array<i32>} : memref<2x128xi32, #tpu.memory_space<vmem>>, vector<1x16xi32>,
        %and3A_461 = arith.constant 16383 : i32
        %and3A_462 = vector.broadcast %and3A_461 : i32 to vector<16xi32>
        %and3A_463 = arith.andi %get3A_451, %and3A_462 : vector<16xi32>
        %swap3A_464 = arith.constant 1 : i32
        %swap3A_465 = arith.index_cast %swap3A_464 : i32 to index
        %swap3A_466 = arith.constant 96 : index
        %swap3A_467 = tpu.vector_load %arg7[%swap3A_465, %swap3A_466] {strides = array<i32>} : memref<2x128xi32, #tpu.memory_space<vmem>>, vector<1x16xi32>,
        %swap3A_468 = vector.shape_cast %swap3A_467 : vector<1x16xi32> to vector<16xi32>
        %swap3A_469 = vector.shape_cast %and3A_463 : vector<16xi32> to vector<1x16xi32>
        tpu.vector_store %arg7[%swap3A_465, %swap3A_466], %swap3A_469 {strides = array<i32>} : memref<2x128xi32, #tpu.memory_space<vmem>>, vector<1x16xi32>,
        %get3A_470 = arith.index_cast %add3A_315 : i32 to index
        %get3A_471 = arith.constant 112 : index
        %get3A_472 = tpu.vector_load %arg5[%get3A_470, %get3A_471] {strides = array<i32>} : memref<112x128xi32, #tpu.memory_space<vmem>>, vector<1x16xi32>,
        %get3A_473 = vector.shape_cast %get3A_472 : vector<1x16xi32> to vector<16xi32>
        %shift_right_logical3A_474 = arith.constant 14 : i32
        %shift_right_logical3A_475 = vector.broadcast %shift_right_logical3A_474 : i32 to vector<16xi32>
        %shift_right_logical3A_476 = arith.shrui %get3A_473, %shift_right_logical3A_475 : vector<16xi32>
        %swap3A_477 = arith.constant 1 : i32
        %swap3A_478 = arith.index_cast %swap3A_477 : i32 to index
        %swap3A_479 = arith.constant 112 : index
        %swap3A_480 = tpu.vector_load %arg6[%swap3A_478, %swap3A_479] {strides = array<i32>} : memref<2x128xi32, #tpu.memory_space<vmem>>, vector<1x16xi32>,
        %swap3A_481 = vector.shape_cast %swap3A_480 : vector<1x16xi32> to vector<16xi32>
        %swap3A_482 = vector.shape_cast %shift_right_logical3A_476 : vector<16xi32> to vector<1x16xi32>
        tpu.vector_store %arg6[%swap3A_478, %swap3A_479], %swap3A_482 {strides = array<i32>} : memref<2x128xi32, #tpu.memory_space<vmem>>, vector<1x16xi32>,
        %and3A_483 = arith.constant 16383 : i32
        %and3A_484 = vector.broadcast %and3A_483 : i32 to vector<16xi32>
        %and3A_485 = arith.andi %get3A_473, %and3A_484 : vector<16xi32>
        %swap3A_486 = arith.constant 1 : i32
        %swap3A_487 = arith.index_cast %swap3A_486 : i32 to index
        %swap3A_488 = arith.constant 112 : index
        %swap3A_489 = tpu.vector_load %arg7[%swap3A_487, %swap3A_488] {strides = array<i32>} : memref<2x128xi32, #tpu.memory_space<vmem>>, vector<1x16xi32>,
        %swap3A_490 = vector.shape_cast %swap3A_489 : vector<1x16xi32> to vector<16xi32>
        %swap3A_491 = vector.shape_cast %and3A_485 : vector<16xi32> to vector<1x16xi32>
        tpu.vector_store %arg7[%swap3A_487, %swap3A_488], %swap3A_491 {strides = array<i32>} : memref<2x128xi32, #tpu.memory_space<vmem>>, vector<1x16xi32>,
        %dma_start3A_492 = arith.constant 1 : i32
        %dma_start3A_493 = arith.constant 0 : i32
        %dma_start3A_494 = tpu.memref_slice %arg6[%dma_start3A_492, %dma_start3A_493] : memref<2x128xi32, #tpu.memory_space<vmem>> -> memref<1x128xi32, #tpu.memory_space<vmem>>
        %dma_start3A_495 = tpu.memref_squeeze %dma_start3A_494 : memref<1x128xi32, #tpu.memory_space<vmem>> -> memref<128xi32, #tpu.memory_space<vmem>>
        %dma_start3A_496 = arith.constant 0 : i32
        %dma_start3A_497 = arith.constant 0 : i32
        %dma_start3A_498 = tpu.memref_slice %arg2[%dma_start3A_496, %dma_start3A_497] : memref<10000x128xf32, #tpu.memory_space<hbm>> -> memref<10000x128xf32, #tpu.memory_space<hbm>>
        tpu.enqueue_indirect_dma source(%dma_start3A_498 : memref<10000x128xf32, #tpu.memory_space<hbm>>) target(%arg9 : memref<128x128xf32, #tpu.memory_space<vmem>>) offsets(%dma_start3A_495 : memref<128xi32, #tpu.memory_space<vmem>>) semaphore(%arg12 : memref<!tpu.dma_semaphore, #tpu.memory_space<semaphore_mem>>)
      } else {
      }
      %dma_wait3A = arith.constant 0 : i32
      %dma_wait3A_296 = arith.constant 0 : i32
      %dma_wait3A_297 = tpu.memref_slice %arg2[%dma_wait3A, %dma_wait3A_296] : memref<10000x128xf32, #tpu.memory_space<hbm>> -> memref<128x128xf32, #tpu.memory_space<hbm>>
      %dma_wait3A_298 = arith.constant 0 : i32
      %dma_wait3A_299 = arith.constant 0 : i32
      %dma_wait3A_300 = tpu.memref_slice %arg2[%dma_wait3A_298, %dma_wait3A_299] : memref<10000x128xf32, #tpu.memory_space<hbm>> -> memref<128x128xf32, #tpu.memory_space<hbm>>
      tpu.wait_dma2 semaphore(%arg11 : memref<!tpu.dma_semaphore, #tpu.memory_space<semaphore_mem>>) src(%dma_wait3A_300 : memref<128x128xf32, #tpu.memory_space<hbm>>) dst(%arg8 : memref<128x128xf32, #tpu.memory_space<vmem>>)
      %run_scoped3A = arith.constant 0 : i32
      "tpu.region"() ({
        %run_scoped3A_314 = tpu.sem_alloc : memref<!tpu.dma_semaphore, #tpu.memory_space<semaphore_mem>>
        %dma_start3A_315 = arith.constant 0 : i32
        %dma_start3A_316 = tpu.memref_slice %arg7[%run_scoped3A, %dma_start3A_315] : memref<2x128xi32, #tpu.memory_space<vmem>> -> memref<1x128xi32, #tpu.memory_space<vmem>>
        %dma_start3A_317 = tpu.memref_squeeze %dma_start3A_316 : memref<1x128xi32, #tpu.memory_space<vmem>> -> memref<128xi32, #tpu.memory_space<vmem>>
        %dma_start3A_318 = arith.constant 0 : i32
        %dma_start3A_319 = arith.constant 0 : i32
        %dma_start3A_320 = tpu.memref_slice %arg10[%dma_start3A_318, %dma_start3A_319] : memref<10112x128xf32, #tpu.memory_space<vmem_shared>> -> memref<10112x128xf32, #tpu.memory_space<vmem_shared>>
        tpu.enqueue_indirect_dma source(%arg8 : memref<128x128xf32, #tpu.memory_space<vmem>>) target(%dma_start3A_320 : memref<10112x128xf32, #tpu.memory_space<vmem_shared>>) offsets(%dma_start3A_317 : memref<128xi32, #tpu.memory_space<vmem>>) semaphore(%run_scoped3A_314 : memref<!tpu.dma_semaphore, #tpu.memory_space<semaphore_mem>>) {add = true}
        %dma_wait3A_321 = arith.constant 0 : i32
        %dma_wait3A_322 = tpu.memref_slice %arg7[%run_scoped3A, %dma_wait3A_321] : memref<2x128xi32, #tpu.memory_space<vmem>> -> memref<1x128xi32, #tpu.memory_space<vmem>>
        %dma_wait3A_323 = tpu.memref_squeeze %dma_wait3A_322 : memref<1x128xi32, #tpu.memory_space<vmem>> -> memref<128xi32, #tpu.memory_space<vmem>>
        %dma_wait3A_324 = arith.constant 0 : i32
        %dma_wait3A_325 = arith.constant 0 : i32
        %dma_wait3A_326 = tpu.memref_slice %arg10[%dma_wait3A_324, %dma_wait3A_325] : memref<10112x128xf32, #tpu.memory_space<vmem_shared>> -> memref<10112x128xf32, #tpu.memory_space<vmem_shared>>
        tpu.wait_indirect_dma semaphore(%run_scoped3A_314 : memref<!tpu.dma_semaphore, #tpu.memory_space<semaphore_mem>>) src(%arg8 : memref<128x128xf32, #tpu.memory_space<vmem>>) dst(%dma_wait3A_326 : memref<10112x128xf32, #tpu.memory_space<vmem_shared>>)
        tpu.yield
      }) : () -> ()
      %add3A_301 = arith.constant 2 : i32
      %add3A_302 = arith.addi %mul3A_292, %add3A_301 : i32
      %lt3A_303 = arith.cmpi slt, %add3A_302, %select_n3A : i32
      %convert_element_type3A_304 = arith.extui %lt3A_303 : i1 to i32
      %cond3A_305 = arith.constant 0 : i32
      %cond3A_306 = arith.cmpi ne, %convert_element_type3A_304, %cond3A_305 : i32
      scf.if %cond3A_306 {
        %add3A_314 = arith.constant 2 : i32
        %add3A_315 = arith.addi %mul3A_292, %add3A_314 : i32
        %get3A_316 = arith.index_cast %add3A_315 : i32 to index
        %get3A_317 = arith.constant 0 : index
        %get3A_318 = tpu.vector_load %arg5[%get3A_316, %get3A_317] {strides = array<i32>} : memref<112x128xi32, #tpu.memory_space<vmem>>, vector<1x16xi32>,
        %get3A_319 = vector.shape_cast %get3A_318 : vector<1x16xi32> to vector<16xi32>
        %shift_right_logical3A_320 = arith.constant 14 : i32
        %shift_right_logical3A_321 = vector.broadcast %shift_right_logical3A_320 : i32 to vector<16xi32>
        %shift_right_logical3A_322 = arith.shrui %get3A_319, %shift_right_logical3A_321 : vector<16xi32>
        %swap3A_323 = arith.constant 0 : i32
        %swap3A_324 = arith.index_cast %swap3A_323 : i32 to index
        %swap3A_325 = arith.constant 0 : index
        %swap3A_326 = tpu.vector_load %arg6[%swap3A_324, %swap3A_325] {strides = array<i32>} : memref<2x128xi32, #tpu.memory_space<vmem>>, vector<1x16xi32>,
        %swap3A_327 = vector.shape_cast %swap3A_326 : vector<1x16xi32> to vector<16xi32>
        %swap3A_328 = vector.shape_cast %shift_right_logical3A_322 : vector<16xi32> to vector<1x16xi32>
        tpu.vector_store %arg6[%swap3A_324, %swap3A_325], %swap3A_328 {strides = array<i32>} : memref<2x128xi32, #tpu.memory_space<vmem>>, vector<1x16xi32>,
        %and3A_329 = arith.constant 16383 : i32
        %and3A_330 = vector.broadcast %and3A_329 : i32 to vector<16xi32>
        %and3A_331 = arith.andi %get3A_319, %and3A_330 : vector<16xi32>
        %swap3A_332 = arith.constant 0 : i32
        %swap3A_333 = arith.index_cast %swap3A_332 : i32 to index
        %swap3A_334 = arith.constant 0 : index
        %swap3A_335 = tpu.vector_load %arg7[%swap3A_333, %swap3A_334] {strides = array<i32>} : memref<2x128xi32, #tpu.memory_space<vmem>>, vector<1x16xi32>,
        %swap3A_336 = vector.shape_cast %swap3A_335 : vector<1x16xi32> to vector<16xi32>
        %swap3A_337 = vector.shape_cast %and3A_331 : vector<16xi32> to vector<1x16xi32>
        tpu.vector_store %arg7[%swap3A_333, %swap3A_334], %swap3A_337 {strides = array<i32>} : memref<2x128xi32, #tpu.memory_space<vmem>>, vector<1x16xi32>,
        %get3A_338 = arith.index_cast %add3A_315 : i32 to index
        %get3A_339 = arith.constant 16 : index
        %get3A_340 = tpu.vector_load %arg5[%get3A_338, %get3A_339] {strides = array<i32>} : memref<112x128xi32, #tpu.memory_space<vmem>>, vector<1x16xi32>,
        %get3A_341 = vector.shape_cast %get3A_340 : vector<1x16xi32> to vector<16xi32>
        %shift_right_logical3A_342 = arith.constant 14 : i32
        %shift_right_logical3A_343 = vector.broadcast %shift_right_logical3A_342 : i32 to vector<16xi32>
        %shift_right_logical3A_344 = arith.shrui %get3A_341, %shift_right_logical3A_343 : vector<16xi32>
        %swap3A_345 = arith.constant 0 : i32
        %swap3A_346 = arith.index_cast %swap3A_345 : i32 to index
        %swap3A_347 = arith.constant 16 : index
        %swap3A_348 = tpu.vector_load %arg6[%swap3A_346, %swap3A_347] {strides = array<i32>} : memref<2x128xi32, #tpu.memory_space<vmem>>, vector<1x16xi32>,
        %swap3A_349 = vector.shape_cast %swap3A_348 : vector<1x16xi32> to vector<16xi32>
        %swap3A_350 = vector.shape_cast %shift_right_logical3A_344 : vector<16xi32> to vector<1x16xi32>
        tpu.vector_store %arg6[%swap3A_346, %swap3A_347], %swap3A_350 {strides = array<i32>} : memref<2x128xi32, #tpu.memory_space<vmem>>, vector<1x16xi32>,
        %and3A_351 = arith.constant 16383 : i32
        %and3A_352 = vector.broadcast %and3A_351 : i32 to vector<16xi32>
        %and3A_353 = arith.andi %get3A_341, %and3A_352 : vector<16xi32>
        %swap3A_354 = arith.constant 0 : i32
        %swap3A_355 = arith.index_cast %swap3A_354 : i32 to index
        %swap3A_356 = arith.constant 16 : index
        %swap3A_357 = tpu.vector_load %arg7[%swap3A_355, %swap3A_356] {strides = array<i32>} : memref<2x128xi32, #tpu.memory_space<vmem>>, vector<1x16xi32>,
        %swap3A_358 = vector.shape_cast %swap3A_357 : vector<1x16xi32> to vector<16xi32>
        %swap3A_359 = vector.shape_cast %and3A_353 : vector<16xi32> to vector<1x16xi32>
        tpu.vector_store %arg7[%swap3A_355, %swap3A_356], %swap3A_359 {strides = array<i32>} : memref<2x128xi32, #tpu.memory_space<vmem>>, vector<1x16xi32>,
        %get3A_360 = arith.index_cast %add3A_315 : i32 to index
        %get3A_361 = arith.constant 32 : index
        %get3A_362 = tpu.vector_load %arg5[%get3A_360, %get3A_361] {strides = array<i32>} : memref<112x128xi32, #tpu.memory_space<vmem>>, vector<1x16xi32>,
        %get3A_363 = vector.shape_cast %get3A_362 : vector<1x16xi32> to vector<16xi32>
        %shift_right_logical3A_364 = arith.constant 14 : i32
        %shift_right_logical3A_365 = vector.broadcast %shift_right_logical3A_364 : i32 to vector<16xi32>
        %shift_right_logical3A_366 = arith.shrui %get3A_363, %shift_right_logical3A_365 : vector<16xi32>
        %swap3A_367 = arith.constant 0 : i32
        %swap3A_368 = arith.index_cast %swap3A_367 : i32 to index
        %swap3A_369 = arith.constant 32 : index
        %swap3A_370 = tpu.vector_load %arg6[%swap3A_368, %swap3A_369] {strides = array<i32>} : memref<2x128xi32, #tpu.memory_space<vmem>>, vector<1x16xi32>,
        %swap3A_371 = vector.shape_cast %swap3A_370 : vector<1x16xi32> to vector<16xi32>
        %swap3A_372 = vector.shape_cast %shift_right_logical3A_366 : vector<16xi32> to vector<1x16xi32>
        tpu.vector_store %arg6[%swap3A_368, %swap3A_369], %swap3A_372 {strides = array<i32>} : memref<2x128xi32, #tpu.memory_space<vmem>>, vector<1x16xi32>,
        %and3A_373 = arith.constant 16383 : i32
        %and3A_374 = vector.broadcast %and3A_373 : i32 to vector<16xi32>
        %and3A_375 = arith.andi %get3A_363, %and3A_374 : vector<16xi32>
        %swap3A_376 = arith.constant 0 : i32
        %swap3A_377 = arith.index_cast %swap3A_376 : i32 to index
        %swap3A_378 = arith.constant 32 : index
        %swap3A_379 = tpu.vector_load %arg7[%swap3A_377, %swap3A_378] {strides = array<i32>} : memref<2x128xi32, #tpu.memory_space<vmem>>, vector<1x16xi32>,
        %swap3A_380 = vector.shape_cast %swap3A_379 : vector<1x16xi32> to vector<16xi32>
        %swap3A_381 = vector.shape_cast %and3A_375 : vector<16xi32> to vector<1x16xi32>
        tpu.vector_store %arg7[%swap3A_377, %swap3A_378], %swap3A_381 {strides = array<i32>} : memref<2x128xi32, #tpu.memory_space<vmem>>, vector<1x16xi32>,
        %get3A_382 = arith.index_cast %add3A_315 : i32 to index
        %get3A_383 = arith.constant 48 : index
        %get3A_384 = tpu.vector_load %arg5[%get3A_382, %get3A_383] {strides = array<i32>} : memref<112x128xi32, #tpu.memory_space<vmem>>, vector<1x16xi32>,
        %get3A_385 = vector.shape_cast %get3A_384 : vector<1x16xi32> to vector<16xi32>
        %shift_right_logical3A_386 = arith.constant 14 : i32
        %shift_right_logical3A_387 = vector.broadcast %shift_right_logical3A_386 : i32 to vector<16xi32>
        %shift_right_logical3A_388 = arith.shrui %get3A_385, %shift_right_logical3A_387 : vector<16xi32>
        %swap3A_389 = arith.constant 0 : i32
        %swap3A_390 = arith.index_cast %swap3A_389 : i32 to index
        %swap3A_391 = arith.constant 48 : index
        %swap3A_392 = tpu.vector_load %arg6[%swap3A_390, %swap3A_391] {strides = array<i32>} : memref<2x128xi32, #tpu.memory_space<vmem>>, vector<1x16xi32>,
        %swap3A_393 = vector.shape_cast %swap3A_392 : vector<1x16xi32> to vector<16xi32>
        %swap3A_394 = vector.shape_cast %shift_right_logical3A_388 : vector<16xi32> to vector<1x16xi32>
        tpu.vector_store %arg6[%swap3A_390, %swap3A_391], %swap3A_394 {strides = array<i32>} : memref<2x128xi32, #tpu.memory_space<vmem>>, vector<1x16xi32>,
        %and3A_395 = arith.constant 16383 : i32
        %and3A_396 = vector.broadcast %and3A_395 : i32 to vector<16xi32>
        %and3A_397 = arith.andi %get3A_385, %and3A_396 : vector<16xi32>
        %swap3A_398 = arith.constant 0 : i32
        %swap3A_399 = arith.index_cast %swap3A_398 : i32 to index
        %swap3A_400 = arith.constant 48 : index
        %swap3A_401 = tpu.vector_load %arg7[%swap3A_399, %swap3A_400] {strides = array<i32>} : memref<2x128xi32, #tpu.memory_space<vmem>>, vector<1x16xi32>,
        %swap3A_402 = vector.shape_cast %swap3A_401 : vector<1x16xi32> to vector<16xi32>
        %swap3A_403 = vector.shape_cast %and3A_397 : vector<16xi32> to vector<1x16xi32>
        tpu.vector_store %arg7[%swap3A_399, %swap3A_400], %swap3A_403 {strides = array<i32>} : memref<2x128xi32, #tpu.memory_space<vmem>>, vector<1x16xi32>,
        %get3A_404 = arith.index_cast %add3A_315 : i32 to index
        %get3A_405 = arith.constant 64 : index
        %get3A_406 = tpu.vector_load %arg5[%get3A_404, %get3A_405] {strides = array<i32>} : memref<112x128xi32, #tpu.memory_space<vmem>>, vector<1x16xi32>,
        %get3A_407 = vector.shape_cast %get3A_406 : vector<1x16xi32> to vector<16xi32>
        %shift_right_logical3A_408 = arith.constant 14 : i32
        %shift_right_logical3A_409 = vector.broadcast %shift_right_logical3A_408 : i32 to vector<16xi32>
        %shift_right_logical3A_410 = arith.shrui %get3A_407, %shift_right_logical3A_409 : vector<16xi32>
        %swap3A_411 = arith.constant 0 : i32
        %swap3A_412 = arith.index_cast %swap3A_411 : i32 to index
        %swap3A_413 = arith.constant 64 : index
        %swap3A_414 = tpu.vector_load %arg6[%swap3A_412, %swap3A_413] {strides = array<i32>} : memref<2x128xi32, #tpu.memory_space<vmem>>, vector<1x16xi32>,
        %swap3A_415 = vector.shape_cast %swap3A_414 : vector<1x16xi32> to vector<16xi32>
        %swap3A_416 = vector.shape_cast %shift_right_logical3A_410 : vector<16xi32> to vector<1x16xi32>
        tpu.vector_store %arg6[%swap3A_412, %swap3A_413], %swap3A_416 {strides = array<i32>} : memref<2x128xi32, #tpu.memory_space<vmem>>, vector<1x16xi32>,
        %and3A_417 = arith.constant 16383 : i32
        %and3A_418 = vector.broadcast %and3A_417 : i32 to vector<16xi32>
        %and3A_419 = arith.andi %get3A_407, %and3A_418 : vector<16xi32>
        %swap3A_420 = arith.constant 0 : i32
        %swap3A_421 = arith.index_cast %swap3A_420 : i32 to index
        %swap3A_422 = arith.constant 64 : index
        %swap3A_423 = tpu.vector_load %arg7[%swap3A_421, %swap3A_422] {strides = array<i32>} : memref<2x128xi32, #tpu.memory_space<vmem>>, vector<1x16xi32>,
        %swap3A_424 = vector.shape_cast %swap3A_423 : vector<1x16xi32> to vector<16xi32>
        %swap3A_425 = vector.shape_cast %and3A_419 : vector<16xi32> to vector<1x16xi32>
        tpu.vector_store %arg7[%swap3A_421, %swap3A_422], %swap3A_425 {strides = array<i32>} : memref<2x128xi32, #tpu.memory_space<vmem>>, vector<1x16xi32>,
        %get3A_426 = arith.index_cast %add3A_315 : i32 to index
        %get3A_427 = arith.constant 80 : index
        %get3A_428 = tpu.vector_load %arg5[%get3A_426, %get3A_427] {strides = array<i32>} : memref<112x128xi32, #tpu.memory_space<vmem>>, vector<1x16xi32>,
        %get3A_429 = vector.shape_cast %get3A_428 : vector<1x16xi32> to vector<16xi32>
        %shift_right_logical3A_430 = arith.constant 14 : i32
        %shift_right_logical3A_431 = vector.broadcast %shift_right_logical3A_430 : i32 to vector<16xi32>
        %shift_right_logical3A_432 = arith.shrui %get3A_429, %shift_right_logical3A_431 : vector<16xi32>
        %swap3A_433 = arith.constant 0 : i32
        %swap3A_434 = arith.index_cast %swap3A_433 : i32 to index
        %swap3A_435 = arith.constant 80 : index
        %swap3A_436 = tpu.vector_load %arg6[%swap3A_434, %swap3A_435] {strides = array<i32>} : memref<2x128xi32, #tpu.memory_space<vmem>>, vector<1x16xi32>,
        %swap3A_437 = vector.shape_cast %swap3A_436 : vector<1x16xi32> to vector<16xi32>
        %swap3A_438 = vector.shape_cast %shift_right_logical3A_432 : vector<16xi32> to vector<1x16xi32>
        tpu.vector_store %arg6[%swap3A_434, %swap3A_435], %swap3A_438 {strides = array<i32>} : memref<2x128xi32, #tpu.memory_space<vmem>>, vector<1x16xi32>,
        %and3A_439 = arith.constant 16383 : i32
        %and3A_440 = vector.broadcast %and3A_439 : i32 to vector<16xi32>
        %and3A_441 = arith.andi %get3A_429, %and3A_440 : vector<16xi32>
        %swap3A_442 = arith.constant 0 : i32
        %swap3A_443 = arith.index_cast %swap3A_442 : i32 to index
        %swap3A_444 = arith.constant 80 : index
        %swap3A_445 = tpu.vector_load %arg7[%swap3A_443, %swap3A_444] {strides = array<i32>} : memref<2x128xi32, #tpu.memory_space<vmem>>, vector<1x16xi32>,
        %swap3A_446 = vector.shape_cast %swap3A_445 : vector<1x16xi32> to vector<16xi32>
        %swap3A_447 = vector.shape_cast %and3A_441 : vector<16xi32> to vector<1x16xi32>
        tpu.vector_store %arg7[%swap3A_443, %swap3A_444], %swap3A_447 {strides = array<i32>} : memref<2x128xi32, #tpu.memory_space<vmem>>, vector<1x16xi32>,
        %get3A_448 = arith.index_cast %add3A_315 : i32 to index
        %get3A_449 = arith.constant 96 : index
        %get3A_450 = tpu.vector_load %arg5[%get3A_448, %get3A_449] {strides = array<i32>} : memref<112x128xi32, #tpu.memory_space<vmem>>, vector<1x16xi32>,
        %get3A_451 = vector.shape_cast %get3A_450 : vector<1x16xi32> to vector<16xi32>
        %shift_right_logical3A_452 = arith.constant 14 : i32
        %shift_right_logical3A_453 = vector.broadcast %shift_right_logical3A_452 : i32 to vector<16xi32>
        %shift_right_logical3A_454 = arith.shrui %get3A_451, %shift_right_logical3A_453 : vector<16xi32>
        %swap3A_455 = arith.constant 0 : i32
        %swap3A_456 = arith.index_cast %swap3A_455 : i32 to index
        %swap3A_457 = arith.constant 96 : index
        %swap3A_458 = tpu.vector_load %arg6[%swap3A_456, %swap3A_457] {strides = array<i32>} : memref<2x128xi32, #tpu.memory_space<vmem>>, vector<1x16xi32>,
        %swap3A_459 = vector.shape_cast %swap3A_458 : vector<1x16xi32> to vector<16xi32>
        %swap3A_460 = vector.shape_cast %shift_right_logical3A_454 : vector<16xi32> to vector<1x16xi32>
        tpu.vector_store %arg6[%swap3A_456, %swap3A_457], %swap3A_460 {strides = array<i32>} : memref<2x128xi32, #tpu.memory_space<vmem>>, vector<1x16xi32>,
        %and3A_461 = arith.constant 16383 : i32
        %and3A_462 = vector.broadcast %and3A_461 : i32 to vector<16xi32>
        %and3A_463 = arith.andi %get3A_451, %and3A_462 : vector<16xi32>
        %swap3A_464 = arith.constant 0 : i32
        %swap3A_465 = arith.index_cast %swap3A_464 : i32 to index
        %swap3A_466 = arith.constant 96 : index
        %swap3A_467 = tpu.vector_load %arg7[%swap3A_465, %swap3A_466] {strides = array<i32>} : memref<2x128xi32, #tpu.memory_space<vmem>>, vector<1x16xi32>,
        %swap3A_468 = vector.shape_cast %swap3A_467 : vector<1x16xi32> to vector<16xi32>
        %swap3A_469 = vector.shape_cast %and3A_463 : vector<16xi32> to vector<1x16xi32>
        tpu.vector_store %arg7[%swap3A_465, %swap3A_466], %swap3A_469 {strides = array<i32>} : memref<2x128xi32, #tpu.memory_space<vmem>>, vector<1x16xi32>,
        %get3A_470 = arith.index_cast %add3A_315 : i32 to index
        %get3A_471 = arith.constant 112 : index
        %get3A_472 = tpu.vector_load %arg5[%get3A_470, %get3A_471] {strides = array<i32>} : memref<112x128xi32, #tpu.memory_space<vmem>>, vector<1x16xi32>,
        %get3A_473 = vector.shape_cast %get3A_472 : vector<1x16xi32> to vector<16xi32>
        %shift_right_logical3A_474 = arith.constant 14 : i32
        %shift_right_logical3A_475 = vector.broadcast %shift_right_logical3A_474 : i32 to vector<16xi32>
        %shift_right_logical3A_476 = arith.shrui %get3A_473, %shift_right_logical3A_475 : vector<16xi32>
        %swap3A_477 = arith.constant 0 : i32
        %swap3A_478 = arith.index_cast %swap3A_477 : i32 to index
        %swap3A_479 = arith.constant 112 : index
        %swap3A_480 = tpu.vector_load %arg6[%swap3A_478, %swap3A_479] {strides = array<i32>} : memref<2x128xi32, #tpu.memory_space<vmem>>, vector<1x16xi32>,
        %swap3A_481 = vector.shape_cast %swap3A_480 : vector<1x16xi32> to vector<16xi32>
        %swap3A_482 = vector.shape_cast %shift_right_logical3A_476 : vector<16xi32> to vector<1x16xi32>
        tpu.vector_store %arg6[%swap3A_478, %swap3A_479], %swap3A_482 {strides = array<i32>} : memref<2x128xi32, #tpu.memory_space<vmem>>, vector<1x16xi32>,
        %and3A_483 = arith.constant 16383 : i32
        %and3A_484 = vector.broadcast %and3A_483 : i32 to vector<16xi32>
        %and3A_485 = arith.andi %get3A_473, %and3A_484 : vector<16xi32>
        %swap3A_486 = arith.constant 0 : i32
        %swap3A_487 = arith.index_cast %swap3A_486 : i32 to index
        %swap3A_488 = arith.constant 112 : index
        %swap3A_489 = tpu.vector_load %arg7[%swap3A_487, %swap3A_488] {strides = array<i32>} : memref<2x128xi32, #tpu.memory_space<vmem>>, vector<1x16xi32>,
        %swap3A_490 = vector.shape_cast %swap3A_489 : vector<1x16xi32> to vector<16xi32>
        %swap3A_491 = vector.shape_cast %and3A_485 : vector<16xi32> to vector<1x16xi32>
        tpu.vector_store %arg7[%swap3A_487, %swap3A_488], %swap3A_491 {strides = array<i32>} : memref<2x128xi32, #tpu.memory_space<vmem>>, vector<1x16xi32>,
        %dma_start3A_492 = arith.constant 0 : i32
        %dma_start3A_493 = arith.constant 0 : i32
        %dma_start3A_494 = tpu.memref_slice %arg6[%dma_start3A_492, %dma_start3A_493] : memref<2x128xi32, #tpu.memory_space<vmem>> -> memref<1x128xi32, #tpu.memory_space<vmem>>
        %dma_start3A_495 = tpu.memref_squeeze %dma_start3A_494 : memref<1x128xi32, #tpu.memory_space<vmem>> -> memref<128xi32, #tpu.memory_space<vmem>>
        %dma_start3A_496 = arith.constant 0 : i32
        %dma_start3A_497 = arith.constant 0 : i32
        %dma_start3A_498 = tpu.memref_slice %arg2[%dma_start3A_496, %dma_start3A_497] : memref<10000x128xf32, #tpu.memory_space<hbm>> -> memref<10000x128xf32, #tpu.memory_space<hbm>>
        tpu.enqueue_indirect_dma source(%dma_start3A_498 : memref<10000x128xf32, #tpu.memory_space<hbm>>) target(%arg8 : memref<128x128xf32, #tpu.memory_space<vmem>>) offsets(%dma_start3A_495 : memref<128xi32, #tpu.memory_space<vmem>>) semaphore(%arg11 : memref<!tpu.dma_semaphore, #tpu.memory_space<semaphore_mem>>)
      } else {
      }
      %add3A_307 = arith.constant 1 : i32
      %add3A_308 = arith.addi %mul3A_292, %add3A_307 : i32
      %lt3A_309 = arith.cmpi slt, %add3A_308, %select_n3A : i32
      %convert_element_type3A_310 = arith.extui %lt3A_309 : i1 to i32
      %cond3A_311 = arith.constant 0 : i32
      %cond3A_312 = arith.cmpi ne, %convert_element_type3A_310, %cond3A_311 : i32
      scf.if %cond3A_312 {
        %dma_wait3A_314 = arith.constant 0 : i32
        %dma_wait3A_315 = arith.constant 0 : i32
        %dma_wait3A_316 = tpu.memref_slice %arg2[%dma_wait3A_314, %dma_wait3A_315] : memref<10000x128xf32, #tpu.memory_space<hbm>> -> memref<128x128xf32, #tpu.memory_space<hbm>>
        %dma_wait3A_317 = arith.constant 0 : i32
        %dma_wait3A_318 = arith.constant 0 : i32
        %dma_wait3A_319 = tpu.memref_slice %arg2[%dma_wait3A_317, %dma_wait3A_318] : memref<10000x128xf32, #tpu.memory_space<hbm>> -> memref<128x128xf32, #tpu.memory_space<hbm>>
        tpu.wait_dma2 semaphore(%arg12 : memref<!tpu.dma_semaphore, #tpu.memory_space<semaphore_mem>>) src(%dma_wait3A_319 : memref<128x128xf32, #tpu.memory_space<hbm>>) dst(%arg9 : memref<128x128xf32, #tpu.memory_space<vmem>>)
        %run_scoped3A_320 = arith.constant 1 : i32
        "tpu.region"() ({
          %run_scoped3A_321 = tpu.sem_alloc : memref<!tpu.dma_semaphore, #tpu.memory_space<semaphore_mem>>
          %dma_start3A_322 = arith.constant 0 : i32
          %dma_start3A_323 = tpu.memref_slice %arg7[%run_scoped3A_320, %dma_start3A_322] : memref<2x128xi32, #tpu.memory_space<vmem>> -> memref<1x128xi32, #tpu.memory_space<vmem>>
          %dma_start3A_324 = tpu.memref_squeeze %dma_start3A_323 : memref<1x128xi32, #tpu.memory_space<vmem>> -> memref<128xi32, #tpu.memory_space<vmem>>
          %dma_start3A_325 = arith.constant 0 : i32
          %dma_start3A_326 = arith.constant 0 : i32
          %dma_start3A_327 = tpu.memref_slice %arg10[%dma_start3A_325, %dma_start3A_326] : memref<10112x128xf32, #tpu.memory_space<vmem_shared>> -> memref<10112x128xf32, #tpu.memory_space<vmem_shared>>
          tpu.enqueue_indirect_dma source(%arg9 : memref<128x128xf32, #tpu.memory_space<vmem>>) target(%dma_start3A_327 : memref<10112x128xf32, #tpu.memory_space<vmem_shared>>) offsets(%dma_start3A_324 : memref<128xi32, #tpu.memory_space<vmem>>) semaphore(%run_scoped3A_321 : memref<!tpu.dma_semaphore, #tpu.memory_space<semaphore_mem>>) {add = true}
          %dma_wait3A_328 = arith.constant 0 : i32
          %dma_wait3A_329 = tpu.memref_slice %arg7[%run_scoped3A_320, %dma_wait3A_328] : memref<2x128xi32, #tpu.memory_space<vmem>> -> memref<1x128xi32, #tpu.memory_space<vmem>>
          %dma_wait3A_330 = tpu.memref_squeeze %dma_wait3A_329 : memref<1x128xi32, #tpu.memory_space<vmem>> -> memref<128xi32, #tpu.memory_space<vmem>>
          %dma_wait3A_331 = arith.constant 0 : i32
          %dma_wait3A_332 = arith.constant 0 : i32
          %dma_wait3A_333 = tpu.memref_slice %arg10[%dma_wait3A_331, %dma_wait3A_332] : memref<10112x128xf32, #tpu.memory_space<vmem_shared>> -> memref<10112x128xf32, #tpu.memory_space<vmem_shared>>
          tpu.wait_indirect_dma semaphore(%run_scoped3A_321 : memref<!tpu.dma_semaphore, #tpu.memory_space<semaphore_mem>>) src(%arg9 : memref<128x128xf32, #tpu.memory_space<vmem>>) dst(%dma_wait3A_333 : memref<10112x128xf32, #tpu.memory_space<vmem_shared>>)
          tpu.yield
        }) : () -> ()
      } else {
      }
      %while3A_313 = arith.constant 0 : i32
      scf.yield %while3A_313 : i32
    }
    %barrier3A_248 = arith.constant 0 : index
    tpu.barrier barrier_id(%barrier3A_248)
    %mul3A_249 = arith.constant 632 : i32
    %mul3A_250 = arith.muli %arg1, %mul3A_249 : i32
    %add3A_251 = arith.constant 0 : i32
    %add3A_252 = arith.addi %mul3A_250, %add3A_251 : i32
    %mul3A_253 = arith.constant 632 : i32
    %mul3A_254 = arith.muli %arg1, %mul3A_253 : i32
    %add3A_255 = arith.constant 0 : i32
    %add3A_256 = arith.addi %mul3A_254, %add3A_255 : i32
    "tpu.region"() ({
      %run_scoped3A = tpu.sem_alloc : memref<!tpu.dma_semaphore, #tpu.memory_space<semaphore_mem>>
      %dma_start3A_289 = arith.constant 0 : i32
      %dma_start3A_290 = tpu.memref_slice %arg4[%arg0, %add3A_256, %dma_start3A_289] : memref<2x10112x128xf32, #tpu.memory_space<hbm>> -> memref<1x128x128xf32, #tpu.memory_space<hbm>>
      %dma_start3A_291 = tpu.memref_squeeze %dma_start3A_290 : memref<1x128x128xf32, #tpu.memory_space<hbm>> -> memref<128x128xf32, #tpu.memory_space<hbm>>
      %dma_start3A_292 = arith.constant 0 : i32
      %dma_start3A_293 = tpu.memref_slice %arg10[%add3A_252, %dma_start3A_292] : memref<10112x128xf32, #tpu.memory_space<vmem_shared>> -> memref<128x128xf32, #tpu.memory_space<vmem_shared>>
      tpu.enqueue_dma source(%dma_start3A_293 : memref<128x128xf32, #tpu.memory_space<vmem_shared>>) target(%dma_start3A_291 : memref<128x128xf32, #tpu.memory_space<hbm>>) target_semaphore(%run_scoped3A : memref<!tpu.dma_semaphore, #tpu.memory_space<semaphore_mem>>)
      %dma_wait3A = arith.constant 0 : i32
      %dma_wait3A_294 = tpu.memref_slice %arg4[%arg0, %add3A_256, %dma_wait3A] : memref<2x10112x128xf32, #tpu.memory_space<hbm>> -> memref<1x128x128xf32, #tpu.memory_space<hbm>>
      %dma_wait3A_295 = tpu.memref_squeeze %dma_wait3A_294 : memref<1x128x128xf32, #tpu.memory_space<hbm>> -> memref<128x128xf32, #tpu.memory_space<hbm>>
      %dma_wait3A_296 = arith.constant 0 : i32
      %dma_wait3A_297 = tpu.memref_slice %arg10[%add3A_252, %dma_wait3A_296] : memref<10112x128xf32, #tpu.memory_space<vmem_shared>> -> memref<128x128xf32, #tpu.memory_space<vmem_shared>>
      tpu.wait_dma2 semaphore(%run_scoped3A : memref<!tpu.dma_semaphore, #tpu.memory_space<semaphore_mem>>) src(%dma_wait3A_297 : memref<128x128xf32, #tpu.memory_space<vmem_shared>>) dst(%dma_wait3A_295 : memref<128x128xf32, #tpu.memory_space<hbm>>)
      tpu.yield
    }) : () -> ()
    %mul3A_257 = arith.constant 632 : i32
    %mul3A_258 = arith.muli %arg1, %mul3A_257 : i32
    %add3A_259 = arith.constant 128 : i32
    %add3A_260 = arith.addi %mul3A_258, %add3A_259 : i32
    %mul3A_261 = arith.constant 632 : i32
    %mul3A_262 = arith.muli %arg1, %mul3A_261 : i32
    %add3A_263 = arith.constant 128 : i32
    %add3A_264 = arith.addi %mul3A_262, %add3A_263 : i32
    "tpu.region"() ({
      %run_scoped3A = tpu.sem_alloc : memref<!tpu.dma_semaphore, #tpu.memory_space<semaphore_mem>>
      %dma_start3A_289 = arith.constant 0 : i32
      %dma_start3A_290 = tpu.memref_slice %arg4[%arg0, %add3A_264, %dma_start3A_289] : memref<2x10112x128xf32, #tpu.memory_space<hbm>> -> memref<1x128x128xf32, #tpu.memory_space<hbm>>
      %dma_start3A_291 = tpu.memref_squeeze %dma_start3A_290 : memref<1x128x128xf32, #tpu.memory_space<hbm>> -> memref<128x128xf32, #tpu.memory_space<hbm>>
      %dma_start3A_292 = arith.constant 0 : i32
      %dma_start3A_293 = tpu.memref_slice %arg10[%add3A_260, %dma_start3A_292] : memref<10112x128xf32, #tpu.memory_space<vmem_shared>> -> memref<128x128xf32, #tpu.memory_space<vmem_shared>>
      tpu.enqueue_dma source(%dma_start3A_293 : memref<128x128xf32, #tpu.memory_space<vmem_shared>>) target(%dma_start3A_291 : memref<128x128xf32, #tpu.memory_space<hbm>>) target_semaphore(%run_scoped3A : memref<!tpu.dma_semaphore, #tpu.memory_space<semaphore_mem>>)
      %dma_wait3A = arith.constant 0 : i32
      %dma_wait3A_294 = tpu.memref_slice %arg4[%arg0, %add3A_264, %dma_wait3A] : memref<2x10112x128xf32, #tpu.memory_space<hbm>> -> memref<1x128x128xf32, #tpu.memory_space<hbm>>
      %dma_wait3A_295 = tpu.memref_squeeze %dma_wait3A_294 : memref<1x128x128xf32, #tpu.memory_space<hbm>> -> memref<128x128xf32, #tpu.memory_space<hbm>>
      %dma_wait3A_296 = arith.constant 0 : i32
      %dma_wait3A_297 = tpu.memref_slice %arg10[%add3A_260, %dma_wait3A_296] : memref<10112x128xf32, #tpu.memory_space<vmem_shared>> -> memref<128x128xf32, #tpu.memory_space<vmem_shared>>
      tpu.wait_dma2 semaphore(%run_scoped3A : memref<!tpu.dma_semaphore, #tpu.memory_space<semaphore_mem>>) src(%dma_wait3A_297 : memref<128x128xf32, #tpu.memory_space<vmem_shared>>) dst(%dma_wait3A_295 : memref<128x128xf32, #tpu.memory_space<hbm>>)
      tpu.yield
    }) : () -> ()
    %mul3A_265 = arith.constant 632 : i32
    %mul3A_266 = arith.muli %arg1, %mul3A_265 : i32
    %add3A_267 = arith.constant 256 : i32
    %add3A_268 = arith.addi %mul3A_266, %add3A_267 : i32
    %mul3A_269 = arith.constant 632 : i32
    %mul3A_270 = arith.muli %arg1, %mul3A_269 : i32
    %add3A_271 = arith.constant 256 : i32
    %add3A_272 = arith.addi %mul3A_270, %add3A_271 : i32
    "tpu.region"() ({
      %run_scoped3A = tpu.sem_alloc : memref<!tpu.dma_semaphore, #tpu.memory_space<semaphore_mem>>
      %dma_start3A_289 = arith.constant 0 : i32
      %dma_start3A_290 = tpu.memref_slice %arg4[%arg0, %add3A_272, %dma_start3A_289] : memref<2x10112x128xf32, #tpu.memory_space<hbm>> -> memref<1x128x128xf32, #tpu.memory_space<hbm>>
      %dma_start3A_291 = tpu.memref_squeeze %dma_start3A_290 : memref<1x128x128xf32, #tpu.memory_space<hbm>> -> memref<128x128xf32, #tpu.memory_space<hbm>>
      %dma_start3A_292 = arith.constant 0 : i32
      %dma_start3A_293 = tpu.memref_slice %arg10[%add3A_268, %dma_start3A_292] : memref<10112x128xf32, #tpu.memory_space<vmem_shared>> -> memref<128x128xf32, #tpu.memory_space<vmem_shared>>
      tpu.enqueue_dma source(%dma_start3A_293 : memref<128x128xf32, #tpu.memory_space<vmem_shared>>) target(%dma_start3A_291 : memref<128x128xf32, #tpu.memory_space<hbm>>) target_semaphore(%run_scoped3A : memref<!tpu.dma_semaphore, #tpu.memory_space<semaphore_mem>>)
      %dma_wait3A = arith.constant 0 : i32
      %dma_wait3A_294 = tpu.memref_slice %arg4[%arg0, %add3A_272, %dma_wait3A] : memref<2x10112x128xf32, #tpu.memory_space<hbm>> -> memref<1x128x128xf32, #tpu.memory_space<hbm>>
      %dma_wait3A_295 = tpu.memref_squeeze %dma_wait3A_294 : memref<1x128x128xf32, #tpu.memory_space<hbm>> -> memref<128x128xf32, #tpu.memory_space<hbm>>
      %dma_wait3A_296 = arith.constant 0 : i32
      %dma_wait3A_297 = tpu.memref_slice %arg10[%add3A_268, %dma_wait3A_296] : memref<10112x128xf32, #tpu.memory_space<vmem_shared>> -> memref<128x128xf32, #tpu.memory_space<vmem_shared>>
      tpu.wait_dma2 semaphore(%run_scoped3A : memref<!tpu.dma_semaphore, #tpu.memory_space<semaphore_mem>>) src(%dma_wait3A_297 : memref<128x128xf32, #tpu.memory_space<vmem_shared>>) dst(%dma_wait3A_295 : memref<128x128xf32, #tpu.memory_space<hbm>>)
      tpu.yield
    }) : () -> ()
    %mul3A_273 = arith.constant 632 : i32
    %mul3A_274 = arith.muli %arg1, %mul3A_273 : i32
    %add3A_275 = arith.constant 384 : i32
    %add3A_276 = arith.addi %mul3A_274, %add3A_275 : i32
    %mul3A_277 = arith.constant 632 : i32
    %mul3A_278 = arith.muli %arg1, %mul3A_277 : i32
    %add3A_279 = arith.constant 384 : i32
    %add3A_280 = arith.addi %mul3A_278, %add3A_279 : i32
    "tpu.region"() ({
      %run_scoped3A = tpu.sem_alloc : memref<!tpu.dma_semaphore, #tpu.memory_space<semaphore_mem>>
      %dma_start3A_289 = arith.constant 0 : i32
      %dma_start3A_290 = tpu.memref_slice %arg4[%arg0, %add3A_280, %dma_start3A_289] : memref<2x10112x128xf32, #tpu.memory_space<hbm>> -> memref<1x128x128xf32, #tpu.memory_space<hbm>>
      %dma_start3A_291 = tpu.memref_squeeze %dma_start3A_290 : memref<1x128x128xf32, #tpu.memory_space<hbm>> -> memref<128x128xf32, #tpu.memory_space<hbm>>
      %dma_start3A_292 = arith.constant 0 : i32
      %dma_start3A_293 = tpu.memref_slice %arg10[%add3A_276, %dma_start3A_292] : memref<10112x128xf32, #tpu.memory_space<vmem_shared>> -> memref<128x128xf32, #tpu.memory_space<vmem_shared>>
      tpu.enqueue_dma source(%dma_start3A_293 : memref<128x128xf32, #tpu.memory_space<vmem_shared>>) target(%dma_start3A_291 : memref<128x128xf32, #tpu.memory_space<hbm>>) target_semaphore(%run_scoped3A : memref<!tpu.dma_semaphore, #tpu.memory_space<semaphore_mem>>)
      %dma_wait3A = arith.constant 0 : i32
      %dma_wait3A_294 = tpu.memref_slice %arg4[%arg0, %add3A_280, %dma_wait3A] : memref<2x10112x128xf32, #tpu.memory_space<hbm>> -> memref<1x128x128xf32, #tpu.memory_space<hbm>>
      %dma_wait3A_295 = tpu.memref_squeeze %dma_wait3A_294 : memref<1x128x128xf32, #tpu.memory_space<hbm>> -> memref<128x128xf32, #tpu.memory_space<hbm>>
      %dma_wait3A_296 = arith.constant 0 : i32
      %dma_wait3A_297 = tpu.memref_slice %arg10[%add3A_276, %dma_wait3A_296] : memref<10112x128xf32, #tpu.memory_space<vmem_shared>> -> memref<128x128xf32, #tpu.memory_space<vmem_shared>>
      tpu.wait_dma2 semaphore(%run_scoped3A : memref<!tpu.dma_semaphore, #tpu.memory_space<semaphore_mem>>) src(%dma_wait3A_297 : memref<128x128xf32, #tpu.memory_space<vmem_shared>>) dst(%dma_wait3A_295 : memref<128x128xf32, #tpu.memory_space<hbm>>)
      tpu.yield
    }) : () -> ()
    %mul3A_281 = arith.constant 632 : i32
    %mul3A_282 = arith.muli %arg1, %mul3A_281 : i32
    %add3A_283 = arith.constant 512 : i32
    %add3A_284 = arith.addi %mul3A_282, %add3A_283 : i32
    %mul3A_285 = arith.constant 632 : i32
    %mul3A_286 = arith.muli %arg1, %mul3A_285 : i32
    %add3A_287 = arith.constant 512 : i32
    %add3A_288 = arith.addi %mul3A_286, %add3A_287 : i32
    "tpu.region"() ({
      %run_scoped3A = tpu.sem_alloc : memref<!tpu.dma_semaphore, #tpu.memory_space<semaphore_mem>>
      %dma_start3A_289 = arith.constant 0 : i32
      %dma_start3A_290 = tpu.memref_slice %arg4[%arg0, %add3A_288, %dma_start3A_289] : memref<2x10112x128xf32, #tpu.memory_space<hbm>> -> memref<1x120x128xf32, #tpu.memory_space<hbm>>
      %dma_start3A_291 = tpu.memref_squeeze %dma_start3A_290 : memref<1x120x128xf32, #tpu.memory_space<hbm>> -> memref<120x128xf32, #tpu.memory_space<hbm>>
      %dma_start3A_292 = arith.constant 0 : i32
      %dma_start3A_293 = tpu.memref_slice %arg10[%add3A_284, %dma_start3A_292] : memref<10112x128xf32, #tpu.memory_space<vmem_shared>> -> memref<120x128xf32, #tpu.memory_space<vmem_shared>>
      tpu.enqueue_dma source(%dma_start3A_293 : memref<120x128xf32, #tpu.memory_space<vmem_shared>>) target(%dma_start3A_291 : memref<120x128xf32, #tpu.memory_space<hbm>>) target_semaphore(%run_scoped3A : memref<!tpu.dma_semaphore, #tpu.memory_space<semaphore_mem>>)
      %dma_wait3A = arith.constant 0 : i32
      %dma_wait3A_294 = tpu.memref_slice %arg4[%arg0, %add3A_288, %dma_wait3A] : memref<2x10112x128xf32, #tpu.memory_space<hbm>> -> memref<1x120x128xf32, #tpu.memory_space<hbm>>
      %dma_wait3A_295 = tpu.memref_squeeze %dma_wait3A_294 : memref<1x120x128xf32, #tpu.memory_space<hbm>> -> memref<120x128xf32, #tpu.memory_space<hbm>>
      %dma_wait3A_296 = arith.constant 0 : i32
      %dma_wait3A_297 = tpu.memref_slice %arg10[%add3A_284, %dma_wait3A_296] : memref<10112x128xf32, #tpu.memory_space<vmem_shared>> -> memref<120x128xf32, #tpu.memory_space<vmem_shared>>
      tpu.wait_dma2 semaphore(%run_scoped3A : memref<!tpu.dma_semaphore, #tpu.memory_space<semaphore_mem>>) src(%dma_wait3A_297 : memref<120x128xf32, #tpu.memory_space<vmem_shared>>) dst(%dma_wait3A_295 : memref<120x128xf32, #tpu.memory_space<hbm>>)
      tpu.yield
    }) : () -> ()
    return
  }
}

#map = affine_map<(d0, d1) -> (0, 0)>
#map1 = affine_map<(d0, d1) -> (0, 0, 0)>
module attributes {stable_mosaic.version = 14 : i64} {
  func.func @sc_agg(%arg0: i32, %arg1: i32, %arg2: memref<10000x128xf32, #tpu.memory_space<hbm>>, %arg3: memref<32x112x128xi32, #tpu.memory_space<hbm>>, %arg4: memref<2x10112x128xf32, #tpu.memory_space<hbm>>, %arg5: memref<112x128xi32, #tpu.memory_space<vmem>>, %arg6: memref<2x128xi32, #tpu.memory_space<vmem>>, %arg7: memref<2x128xi32, #tpu.memory_space<vmem>>, %arg8: memref<128x128xf32, #tpu.memory_space<vmem>>, %arg9: memref<128x128xf32, #tpu.memory_space<vmem>>, %arg10: memref<10112x128xf32, #tpu.memory_space<vmem_shared>>, %arg11: memref<!tpu.dma_semaphore, #tpu.memory_space<semaphore_mem>>, %arg12: memref<!tpu.dma_semaphore, #tpu.memory_space<semaphore_mem>>) attributes {dimension_semantics = [#tpu.dimension_semantics<core_parallel>, #tpu.dimension_semantics<subcore_parallel>], iteration_bounds = array<i64: 2, 16>, scalar_prefetch = 0 : i64, scratch_operands = 8 : i64, tpu.core_type = #tpu.core_type<sc_vector_subcore>, window_params = [{transform_indices = #map}, {transform_indices = #map1}, {transform_indices = #map1}]} {
    %mul3A = arith.constant 16 : i32
    %mul3A_0 = arith.muli %arg0, %mul3A : i32
    %add3A = arith.addi %mul3A_0, %arg1 : i32
    "tpu.region"() ({
      %run_scoped3A = tpu.sem_alloc : memref<!tpu.dma_semaphore, #tpu.memory_space<semaphore_mem>>
      %dma_start3A_289 = arith.constant 0 : i32
      %dma_start3A_290 = arith.constant 0 : i32
      %dma_start3A_291 = tpu.memref_slice %arg3[%add3A, %dma_start3A_289, %dma_start3A_290] : memref<32x112x128xi32, #tpu.memory_space<hbm>> -> memref<1x112x128xi32, #tpu.memory_space<hbm>>
      %dma_start3A_292 = tpu.memref_squeeze %dma_start3A_291 : memref<1x112x128xi32, #tpu.memory_space<hbm>> -> memref<112x128xi32, #tpu.memory_space<hbm>>
      %dma_start3A_293 = arith.constant 0 : i32
      %dma_start3A_294 = arith.constant 0 : i32
      %dma_start3A_295 = tpu.memref_slice %arg3[%add3A, %dma_start3A_293, %dma_start3A_294] : memref<32x112x128xi32, #tpu.memory_space<hbm>> -> memref<1x112x128xi32, #tpu.memory_space<hbm>>
      %dma_start3A_296 = tpu.memref_squeeze %dma_start3A_295 : memref<1x112x128xi32, #tpu.memory_space<hbm>> -> memref<112x128xi32, #tpu.memory_space<hbm>>
      tpu.enqueue_dma source(%dma_start3A_296 : memref<112x128xi32, #tpu.memory_space<hbm>>) target(%arg5 : memref<112x128xi32, #tpu.memory_space<vmem>>) target_semaphore(%run_scoped3A : memref<!tpu.dma_semaphore, #tpu.memory_space<semaphore_mem>>)
      %dma_wait3A = arith.constant 0 : i32
      %dma_wait3A_297 = arith.constant 0 : i32
      %dma_wait3A_298 = tpu.memref_slice %arg3[%add3A, %dma_wait3A, %dma_wait3A_297] : memref<32x112x128xi32, #tpu.memory_space<hbm>> -> memref<1x112x128xi32, #tpu.memory_space<hbm>>
      %dma_wait3A_299 = tpu.memref_squeeze %dma_wait3A_298 : memref<1x112x128xi32, #tpu.memory_space<hbm>> -> memref<112x128xi32, #tpu.memory_space<hbm>>
      %dma_wait3A_300 = arith.constant 0 : i32
      %dma_wait3A_301 = arith.constant 0 : i32
      %dma_wait3A_302 = tpu.memref_slice %arg3[%add3A, %dma_wait3A_300, %dma_wait3A_301] : memref<32x112x128xi32, #tpu.memory_space<hbm>> -> memref<1x112x128xi32, #tpu.memory_space<hbm>>
      %dma_wait3A_303 = tpu.memref_squeeze %dma_wait3A_302 : memref<1x112x128xi32, #tpu.memory_space<hbm>> -> memref<112x128xi32, #tpu.memory_space<hbm>>
      tpu.wait_dma2 semaphore(%run_scoped3A : memref<!tpu.dma_semaphore, #tpu.memory_space<semaphore_mem>>) src(%dma_wait3A_303 : memref<112x128xi32, #tpu.memory_space<hbm>>) dst(%arg5 : memref<112x128xi32, #tpu.memory_space<vmem>>)
      tpu.yield
    }) : () -> ()
    %broadcast_in_dim3A = arith.constant 0.000000e+00 : f32
    %broadcast_in_dim3A_1 = vector.broadcast %broadcast_in_dim3A : f32 to vector<16xf32>
    %scan3A = arith.constant 0 : i32
    %scan3A_2 = arith.constant 0 : i32
    %scan3A_3 = arith.constant 1024 : i32
    %scan3A_4 = arith.addi %scan3A_2, %scan3A_3 : i32
    %scan3A_5 = arith.constant 1 : i32
    %scan3A_6 = scf.for %scan3A_289 = %scan3A_2 to %scan3A_4 step %scan3A_5 iter_args(%scan3A_290 = %scan3A) -> (i32)  : i32 {
      %jit3A_291 = arith.constant 8 : i32
      %div3A_292 = arith.divsi %scan3A_289, %jit3A_291 : i32
      %sign3A_293 = arith.constant 0 : i32
      %sign3A_294 = arith.cmpi sgt, %scan3A_289, %sign3A_293 : i32
      %sign3A_295 = arith.extui %sign3A_294 : i1 to i32
      %sign3A_296 = arith.constant 0 : i32
      %sign3A_297 = arith.cmpi slt, %scan3A_289, %sign3A_296 : i32
      %sign3A_298 = arith.extui %sign3A_297 : i1 to i32
      %sign3A_299 = arith.subi %sign3A_295, %sign3A_298 : i32
      %sign3A_300 = arith.constant 0 : i32
      %sign3A_301 = arith.cmpi sgt, %jit3A_291, %sign3A_300 : i32
      %sign3A_302 = arith.extui %sign3A_301 : i1 to i32
      %sign3A_303 = arith.constant 0 : i32
      %sign3A_304 = arith.cmpi slt, %jit3A_291, %sign3A_303 : i32
      %sign3A_305 = arith.extui %sign3A_304 : i1 to i32
      %sign3A_306 = arith.subi %sign3A_302, %sign3A_305 : i32
      %ne3A_307 = arith.cmpi ne, %sign3A_299, %sign3A_306 : i32
      %rem3A_308 = arith.remsi %scan3A_289, %jit3A_291 : i32
      %ne3A_309 = arith.constant 0 : i32
      %ne3A_310 = arith.cmpi ne, %rem3A_308, %ne3A_309 : i32
      %and3A_311 = arith.andi %ne3A_307, %ne3A_310 : i1
      %sub3A_312 = arith.constant 1 : i32
      %sub3A_313 = arith.subi %div3A_292, %sub3A_312 : i32
      %select_n3A_314 = arith.select %and3A_311, %sub3A_313, %div3A_292 : i32
      %jit3A_315 = arith.constant 8 : i32
      %eq3A_316 = arith.constant 0 : i32
      %eq3A_317 = arith.cmpi eq, %jit3A_315, %eq3A_316 : i32
      %jit3A_318 = arith.constant 1 : i32
      %select_n3A_319 = arith.select %eq3A_317, %jit3A_318, %jit3A_315 : i32
      %rem3A_320 = arith.remsi %scan3A_289, %select_n3A_319 : i32
      %ne3A_321 = arith.constant 0 : i32
      %ne3A_322 = arith.cmpi ne, %rem3A_320, %ne3A_321 : i32
      %lt3A = arith.constant 0 : i32
      %lt3A_323 = arith.cmpi slt, %rem3A_320, %lt3A : i32
      %lt3A_324 = arith.constant 0 : i32
      %lt3A_325 = arith.cmpi slt, %select_n3A_319, %lt3A_324 : i32
      %ne3A_326 = arith.xori %lt3A_323, %lt3A_325 : i1
      %and3A_327 = arith.andi %ne3A_326, %ne3A_322 : i1
      %add3A_328 = arith.addi %rem3A_320, %select_n3A_319 : i32
      %select_n3A_329 = arith.select %and3A_327, %add3A_328, %rem3A_320 : i32
      %mul3A_330 = arith.constant 16 : i32
      %mul3A_331 = arith.muli %select_n3A_329, %mul3A_330 : i32
      %swap3A_332 = arith.index_cast %select_n3A_314 : i32 to index
      %swap3A_333 = arith.index_cast %mul3A_331 : i32 to index
      %swap3A_334 = tpu.vector_load %arg8[%swap3A_332, %swap3A_333] {strides = array<i32>} : memref<128x128xf32, #tpu.memory_space<vmem>>, vector<1x16xf32>,
      %swap3A_335 = vector.shape_cast %swap3A_334 : vector<1x16xf32> to vector<16xf32>
      %swap3A_336 = vector.shape_cast %broadcast_in_dim3A_1 : vector<16xf32> to vector<1x16xf32>
      tpu.vector_store %arg8[%swap3A_332, %swap3A_333], %swap3A_336 {strides = array<i32>} : memref<128x128xf32, #tpu.memory_space<vmem>>, vector<1x16xf32>,
      %scan3A_337 = arith.constant 0 : i32
      scf.yield %scan3A_337 : i32
    }
    %scan3A_7 = arith.constant 1024 : i32
    %mul3A_8 = arith.constant 632 : i32
    %mul3A_9 = arith.muli %arg1, %mul3A_8 : i32
    %add3A_10 = arith.constant 0 : i32
    %add3A_11 = arith.addi %mul3A_9, %add3A_10 : i32
    "tpu.region"() ({
      %run_scoped3A = tpu.sem_alloc : memref<!tpu.dma_semaphore, #tpu.memory_space<semaphore_mem>>
      %dma_start3A_289 = arith.constant 0 : i32
      %dma_start3A_290 = arith.constant 0 : i32
      %dma_start3A_291 = tpu.memref_slice %arg8[%dma_start3A_289, %dma_start3A_290] : memref<128x128xf32, #tpu.memory_space<vmem>> -> memref<128x128xf32, #tpu.memory_space<vmem>>
      %dma_start3A_292 = arith.constant 0 : i32
      %dma_start3A_293 = tpu.memref_slice %arg10[%add3A_11, %dma_start3A_292] : memref<10112x128xf32, #tpu.memory_space<vmem_shared>> -> memref<128x128xf32, #tpu.memory_space<vmem_shared>>
      %dma_start3A_294 = arith.constant 0 : i32
      %dma_start3A_295 = tpu.memref_slice %arg10[%add3A_11, %dma_start3A_294] : memref<10112x128xf32, #tpu.memory_space<vmem_shared>> -> memref<128x128xf32, #tpu.memory_space<vmem_shared>>
      %dma_start3A_296 = arith.constant 0 : i32
      %dma_start3A_297 = arith.constant 0 : i32
      %dma_start3A_298 = tpu.memref_slice %arg8[%dma_start3A_296, %dma_start3A_297] : memref<128x128xf32, #tpu.memory_space<vmem>> -> memref<128x128xf32, #tpu.memory_space<vmem>>
      tpu.enqueue_dma source(%dma_start3A_298 : memref<128x128xf32, #tpu.memory_space<vmem>>) target(%dma_start3A_295 : memref<128x128xf32, #tpu.memory_space<vmem_shared>>) target_semaphore(%run_scoped3A : memref<!tpu.dma_semaphore, #tpu.memory_space<semaphore_mem>>)
      %dma_wait3A = arith.constant 0 : i32
      %dma_wait3A_299 = arith.constant 0 : i32
      %dma_wait3A_300 = tpu.memref_slice %arg8[%dma_wait3A, %dma_wait3A_299] : memref<128x128xf32, #tpu.memory_space<vmem>> -> memref<128x128xf32, #tpu.memory_space<vmem>>
      %dma_wait3A_301 = arith.constant 0 : i32
      %dma_wait3A_302 = tpu.memref_slice %arg10[%add3A_11, %dma_wait3A_301] : memref<10112x128xf32, #tpu.memory_space<vmem_shared>> -> memref<128x128xf32, #tpu.memory_space<vmem_shared>>
      %dma_wait3A_303 = arith.constant 0 : i32
      %dma_wait3A_304 = tpu.memref_slice %arg10[%add3A_11, %dma_wait3A_303] : memref<10112x128xf32, #tpu.memory_space<vmem_shared>> -> memref<128x128xf32, #tpu.memory_space<vmem_shared>>
      %dma_wait3A_305 = arith.constant 0 : i32
      %dma_wait3A_306 = arith.constant 0 : i32
      %dma_wait3A_307 = tpu.memref_slice %arg8[%dma_wait3A_305, %dma_wait3A_306] : memref<128x128xf32, #tpu.memory_space<vmem>> -> memref<128x128xf32, #tpu.memory_space<vmem>>
      tpu.wait_dma2 semaphore(%run_scoped3A : memref<!tpu.dma_semaphore, #tpu.memory_space<semaphore_mem>>) src(%dma_wait3A_307 : memref<128x128xf32, #tpu.memory_space<vmem>>) dst(%dma_wait3A_304 : memref<128x128xf32, #tpu.memory_space<vmem_shared>>)
      tpu.yield
    }) : () -> ()
    %mul3A_12 = arith.constant 632 : i32
    %mul3A_13 = arith.muli %arg1, %mul3A_12 : i32
    %add3A_14 = arith.constant 128 : i32
    %add3A_15 = arith.addi %mul3A_13, %add3A_14 : i32
    "tpu.region"() ({
      %run_scoped3A = tpu.sem_alloc : memref<!tpu.dma_semaphore, #tpu.memory_space<semaphore_mem>>
      %dma_start3A_289 = arith.constant 0 : i32
      %dma_start3A_290 = arith.constant 0 : i32
      %dma_start3A_291 = tpu.memref_slice %arg8[%dma_start3A_289, %dma_start3A_290] : memref<128x128xf32, #tpu.memory_space<vmem>> -> memref<128x128xf32, #tpu.memory_space<vmem>>
      %dma_start3A_292 = arith.constant 0 : i32
      %dma_start3A_293 = tpu.memref_slice %arg10[%add3A_15, %dma_start3A_292] : memref<10112x128xf32, #tpu.memory_space<vmem_shared>> -> memref<128x128xf32, #tpu.memory_space<vmem_shared>>
      %dma_start3A_294 = arith.constant 0 : i32
      %dma_start3A_295 = tpu.memref_slice %arg10[%add3A_15, %dma_start3A_294] : memref<10112x128xf32, #tpu.memory_space<vmem_shared>> -> memref<128x128xf32, #tpu.memory_space<vmem_shared>>
      %dma_start3A_296 = arith.constant 0 : i32
      %dma_start3A_297 = arith.constant 0 : i32
      %dma_start3A_298 = tpu.memref_slice %arg8[%dma_start3A_296, %dma_start3A_297] : memref<128x128xf32, #tpu.memory_space<vmem>> -> memref<128x128xf32, #tpu.memory_space<vmem>>
      tpu.enqueue_dma source(%dma_start3A_298 : memref<128x128xf32, #tpu.memory_space<vmem>>) target(%dma_start3A_295 : memref<128x128xf32, #tpu.memory_space<vmem_shared>>) target_semaphore(%run_scoped3A : memref<!tpu.dma_semaphore, #tpu.memory_space<semaphore_mem>>)
      %dma_wait3A = arith.constant 0 : i32
      %dma_wait3A_299 = arith.constant 0 : i32
      %dma_wait3A_300 = tpu.memref_slice %arg8[%dma_wait3A, %dma_wait3A_299] : memref<128x128xf32, #tpu.memory_space<vmem>> -> memref<128x128xf32, #tpu.memory_space<vmem>>
      %dma_wait3A_301 = arith.constant 0 : i32
      %dma_wait3A_302 = tpu.memref_slice %arg10[%add3A_15, %dma_wait3A_301] : memref<10112x128xf32, #tpu.memory_space<vmem_shared>> -> memref<128x128xf32, #tpu.memory_space<vmem_shared>>
      %dma_wait3A_303 = arith.constant 0 : i32
      %dma_wait3A_304 = tpu.memref_slice %arg10[%add3A_15, %dma_wait3A_303] : memref<10112x128xf32, #tpu.memory_space<vmem_shared>> -> memref<128x128xf32, #tpu.memory_space<vmem_shared>>
      %dma_wait3A_305 = arith.constant 0 : i32
      %dma_wait3A_306 = arith.constant 0 : i32
      %dma_wait3A_307 = tpu.memref_slice %arg8[%dma_wait3A_305, %dma_wait3A_306] : memref<128x128xf32, #tpu.memory_space<vmem>> -> memref<128x128xf32, #tpu.memory_space<vmem>>
      tpu.wait_dma2 semaphore(%run_scoped3A : memref<!tpu.dma_semaphore, #tpu.memory_space<semaphore_mem>>) src(%dma_wait3A_307 : memref<128x128xf32, #tpu.memory_space<vmem>>) dst(%dma_wait3A_304 : memref<128x128xf32, #tpu.memory_space<vmem_shared>>)
      tpu.yield
    }) : () -> ()
    %mul3A_16 = arith.constant 632 : i32
    %mul3A_17 = arith.muli %arg1, %mul3A_16 : i32
    %add3A_18 = arith.constant 256 : i32
    %add3A_19 = arith.addi %mul3A_17, %add3A_18 : i32
    "tpu.region"() ({
      %run_scoped3A = tpu.sem_alloc : memref<!tpu.dma_semaphore, #tpu.memory_space<semaphore_mem>>
      %dma_start3A_289 = arith.constant 0 : i32
      %dma_start3A_290 = arith.constant 0 : i32
      %dma_start3A_291 = tpu.memref_slice %arg8[%dma_start3A_289, %dma_start3A_290] : memref<128x128xf32, #tpu.memory_space<vmem>> -> memref<128x128xf32, #tpu.memory_space<vmem>>
      %dma_start3A_292 = arith.constant 0 : i32
      %dma_start3A_293 = tpu.memref_slice %arg10[%add3A_19, %dma_start3A_292] : memref<10112x128xf32, #tpu.memory_space<vmem_shared>> -> memref<128x128xf32, #tpu.memory_space<vmem_shared>>
      %dma_start3A_294 = arith.constant 0 : i32
      %dma_start3A_295 = tpu.memref_slice %arg10[%add3A_19, %dma_start3A_294] : memref<10112x128xf32, #tpu.memory_space<vmem_shared>> -> memref<128x128xf32, #tpu.memory_space<vmem_shared>>
      %dma_start3A_296 = arith.constant 0 : i32
      %dma_start3A_297 = arith.constant 0 : i32
      %dma_start3A_298 = tpu.memref_slice %arg8[%dma_start3A_296, %dma_start3A_297] : memref<128x128xf32, #tpu.memory_space<vmem>> -> memref<128x128xf32, #tpu.memory_space<vmem>>
      tpu.enqueue_dma source(%dma_start3A_298 : memref<128x128xf32, #tpu.memory_space<vmem>>) target(%dma_start3A_295 : memref<128x128xf32, #tpu.memory_space<vmem_shared>>) target_semaphore(%run_scoped3A : memref<!tpu.dma_semaphore, #tpu.memory_space<semaphore_mem>>)
      %dma_wait3A = arith.constant 0 : i32
      %dma_wait3A_299 = arith.constant 0 : i32
      %dma_wait3A_300 = tpu.memref_slice %arg8[%dma_wait3A, %dma_wait3A_299] : memref<128x128xf32, #tpu.memory_space<vmem>> -> memref<128x128xf32, #tpu.memory_space<vmem>>
      %dma_wait3A_301 = arith.constant 0 : i32
      %dma_wait3A_302 = tpu.memref_slice %arg10[%add3A_19, %dma_wait3A_301] : memref<10112x128xf32, #tpu.memory_space<vmem_shared>> -> memref<128x128xf32, #tpu.memory_space<vmem_shared>>
      %dma_wait3A_303 = arith.constant 0 : i32
      %dma_wait3A_304 = tpu.memref_slice %arg10[%add3A_19, %dma_wait3A_303] : memref<10112x128xf32, #tpu.memory_space<vmem_shared>> -> memref<128x128xf32, #tpu.memory_space<vmem_shared>>
      %dma_wait3A_305 = arith.constant 0 : i32
      %dma_wait3A_306 = arith.constant 0 : i32
      %dma_wait3A_307 = tpu.memref_slice %arg8[%dma_wait3A_305, %dma_wait3A_306] : memref<128x128xf32, #tpu.memory_space<vmem>> -> memref<128x128xf32, #tpu.memory_space<vmem>>
      tpu.wait_dma2 semaphore(%run_scoped3A : memref<!tpu.dma_semaphore, #tpu.memory_space<semaphore_mem>>) src(%dma_wait3A_307 : memref<128x128xf32, #tpu.memory_space<vmem>>) dst(%dma_wait3A_304 : memref<128x128xf32, #tpu.memory_space<vmem_shared>>)
      tpu.yield
    }) : () -> ()
    %mul3A_20 = arith.constant 632 : i32
    %mul3A_21 = arith.muli %arg1, %mul3A_20 : i32
    %add3A_22 = arith.constant 384 : i32
    %add3A_23 = arith.addi %mul3A_21, %add3A_22 : i32
    "tpu.region"() ({
      %run_scoped3A = tpu.sem_alloc : memref<!tpu.dma_semaphore, #tpu.memory_space<semaphore_mem>>
      %dma_start3A_289 = arith.constant 0 : i32
      %dma_start3A_290 = arith.constant 0 : i32
      %dma_start3A_291 = tpu.memref_slice %arg8[%dma_start3A_289, %dma_start3A_290] : memref<128x128xf32, #tpu.memory_space<vmem>> -> memref<128x128xf32, #tpu.memory_space<vmem>>
      %dma_start3A_292 = arith.constant 0 : i32
      %dma_start3A_293 = tpu.memref_slice %arg10[%add3A_23, %dma_start3A_292] : memref<10112x128xf32, #tpu.memory_space<vmem_shared>> -> memref<128x128xf32, #tpu.memory_space<vmem_shared>>
      %dma_start3A_294 = arith.constant 0 : i32
      %dma_start3A_295 = tpu.memref_slice %arg10[%add3A_23, %dma_start3A_294] : memref<10112x128xf32, #tpu.memory_space<vmem_shared>> -> memref<128x128xf32, #tpu.memory_space<vmem_shared>>
      %dma_start3A_296 = arith.constant 0 : i32
      %dma_start3A_297 = arith.constant 0 : i32
      %dma_start3A_298 = tpu.memref_slice %arg8[%dma_start3A_296, %dma_start3A_297] : memref<128x128xf32, #tpu.memory_space<vmem>> -> memref<128x128xf32, #tpu.memory_space<vmem>>
      tpu.enqueue_dma source(%dma_start3A_298 : memref<128x128xf32, #tpu.memory_space<vmem>>) target(%dma_start3A_295 : memref<128x128xf32, #tpu.memory_space<vmem_shared>>) target_semaphore(%run_scoped3A : memref<!tpu.dma_semaphore, #tpu.memory_space<semaphore_mem>>)
      %dma_wait3A = arith.constant 0 : i32
      %dma_wait3A_299 = arith.constant 0 : i32
      %dma_wait3A_300 = tpu.memref_slice %arg8[%dma_wait3A, %dma_wait3A_299] : memref<128x128xf32, #tpu.memory_space<vmem>> -> memref<128x128xf32, #tpu.memory_space<vmem>>
      %dma_wait3A_301 = arith.constant 0 : i32
      %dma_wait3A_302 = tpu.memref_slice %arg10[%add3A_23, %dma_wait3A_301] : memref<10112x128xf32, #tpu.memory_space<vmem_shared>> -> memref<128x128xf32, #tpu.memory_space<vmem_shared>>
      %dma_wait3A_303 = arith.constant 0 : i32
      %dma_wait3A_304 = tpu.memref_slice %arg10[%add3A_23, %dma_wait3A_303] : memref<10112x128xf32, #tpu.memory_space<vmem_shared>> -> memref<128x128xf32, #tpu.memory_space<vmem_shared>>
      %dma_wait3A_305 = arith.constant 0 : i32
      %dma_wait3A_306 = arith.constant 0 : i32
      %dma_wait3A_307 = tpu.memref_slice %arg8[%dma_wait3A_305, %dma_wait3A_306] : memref<128x128xf32, #tpu.memory_space<vmem>> -> memref<128x128xf32, #tpu.memory_space<vmem>>
      tpu.wait_dma2 semaphore(%run_scoped3A : memref<!tpu.dma_semaphore, #tpu.memory_space<semaphore_mem>>) src(%dma_wait3A_307 : memref<128x128xf32, #tpu.memory_space<vmem>>) dst(%dma_wait3A_304 : memref<128x128xf32, #tpu.memory_space<vmem_shared>>)
      tpu.yield
    }) : () -> ()
    %mul3A_24 = arith.constant 632 : i32
    %mul3A_25 = arith.muli %arg1, %mul3A_24 : i32
    %add3A_26 = arith.constant 512 : i32
    %add3A_27 = arith.addi %mul3A_25, %add3A_26 : i32
    "tpu.region"() ({
      %run_scoped3A = tpu.sem_alloc : memref<!tpu.dma_semaphore, #tpu.memory_space<semaphore_mem>>
      %dma_start3A_289 = arith.constant 0 : i32
      %dma_start3A_290 = arith.constant 0 : i32
      %dma_start3A_291 = tpu.memref_slice %arg8[%dma_start3A_289, %dma_start3A_290] : memref<128x128xf32, #tpu.memory_space<vmem>> -> memref<120x128xf32, #tpu.memory_space<vmem>>
      %dma_start3A_292 = arith.constant 0 : i32
      %dma_start3A_293 = tpu.memref_slice %arg10[%add3A_27, %dma_start3A_292] : memref<10112x128xf32, #tpu.memory_space<vmem_shared>> -> memref<120x128xf32, #tpu.memory_space<vmem_shared>>
      %dma_start3A_294 = arith.constant 0 : i32
      %dma_start3A_295 = tpu.memref_slice %arg10[%add3A_27, %dma_start3A_294] : memref<10112x128xf32, #tpu.memory_space<vmem_shared>> -> memref<120x128xf32, #tpu.memory_space<vmem_shared>>
      %dma_start3A_296 = arith.constant 0 : i32
      %dma_start3A_297 = arith.constant 0 : i32
      %dma_start3A_298 = tpu.memref_slice %arg8[%dma_start3A_296, %dma_start3A_297] : memref<128x128xf32, #tpu.memory_space<vmem>> -> memref<120x128xf32, #tpu.memory_space<vmem>>
      tpu.enqueue_dma source(%dma_start3A_298 : memref<120x128xf32, #tpu.memory_space<vmem>>) target(%dma_start3A_295 : memref<120x128xf32, #tpu.memory_space<vmem_shared>>) target_semaphore(%run_scoped3A : memref<!tpu.dma_semaphore, #tpu.memory_space<semaphore_mem>>)
      %dma_wait3A = arith.constant 0 : i32
      %dma_wait3A_299 = arith.constant 0 : i32
      %dma_wait3A_300 = tpu.memref_slice %arg8[%dma_wait3A, %dma_wait3A_299] : memref<128x128xf32, #tpu.memory_space<vmem>> -> memref<120x128xf32, #tpu.memory_space<vmem>>
      %dma_wait3A_301 = arith.constant 0 : i32
      %dma_wait3A_302 = tpu.memref_slice %arg10[%add3A_27, %dma_wait3A_301] : memref<10112x128xf32, #tpu.memory_space<vmem_shared>> -> memref<120x128xf32, #tpu.memory_space<vmem_shared>>
      %dma_wait3A_303 = arith.constant 0 : i32
      %dma_wait3A_304 = tpu.memref_slice %arg10[%add3A_27, %dma_wait3A_303] : memref<10112x128xf32, #tpu.memory_space<vmem_shared>> -> memref<120x128xf32, #tpu.memory_space<vmem_shared>>
      %dma_wait3A_305 = arith.constant 0 : i32
      %dma_wait3A_306 = arith.constant 0 : i32
      %dma_wait3A_307 = tpu.memref_slice %arg8[%dma_wait3A_305, %dma_wait3A_306] : memref<128x128xf32, #tpu.memory_space<vmem>> -> memref<120x128xf32, #tpu.memory_space<vmem>>
      tpu.wait_dma2 semaphore(%run_scoped3A : memref<!tpu.dma_semaphore, #tpu.memory_space<semaphore_mem>>) src(%dma_wait3A_307 : memref<120x128xf32, #tpu.memory_space<vmem>>) dst(%dma_wait3A_304 : memref<120x128xf32, #tpu.memory_space<vmem_shared>>)
      tpu.yield
    }) : () -> ()
    %barrier3A = arith.constant 0 : index
    tpu.barrier barrier_id(%barrier3A)
    %eq3A = arith.constant 0 : i32
    %eq3A_28 = arith.cmpi eq, %arg0, %eq3A : i32
    %jit3A = arith.constant 112 : i32
    %jit3A_29 = arith.constant 45 : i32
    %select_n3A = arith.select %eq3A_28, %jit3A, %jit3A_29 : i32
    %get3A = arith.constant 0 : i32
    %get3A_30 = arith.index_cast %get3A : i32 to index
    %get3A_31 = arith.constant 0 : index
    %get3A_32 = tpu.vector_load %arg5[%get3A_30, %get3A_31] {strides = array<i32>} : memref<112x128xi32, #tpu.memory_space<vmem>>, vector<1x16xi32>,
    %get3A_33 = vector.shape_cast %get3A_32 : vector<1x16xi32> to vector<16xi32>
    %shift_right_logical3A = arith.constant 14 : i32
    %shift_right_logical3A_34 = vector.broadcast %shift_right_logical3A : i32 to vector<16xi32>
    %shift_right_logical3A_35 = arith.shrui %get3A_33, %shift_right_logical3A_34 : vector<16xi32>
    %swap3A = arith.constant 0 : i32
    %swap3A_36 = arith.index_cast %swap3A : i32 to index
    %swap3A_37 = arith.constant 0 : index
    %swap3A_38 = tpu.vector_load %arg6[%swap3A_36, %swap3A_37] {strides = array<i32>} : memref<2x128xi32, #tpu.memory_space<vmem>>, vector<1x16xi32>,
    %swap3A_39 = vector.shape_cast %swap3A_38 : vector<1x16xi32> to vector<16xi32>
    %swap3A_40 = vector.shape_cast %shift_right_logical3A_35 : vector<16xi32> to vector<1x16xi32>
    tpu.vector_store %arg6[%swap3A_36, %swap3A_37], %swap3A_40 {strides = array<i32>} : memref<2x128xi32, #tpu.memory_space<vmem>>, vector<1x16xi32>,
    %and3A = arith.constant 16383 : i32
    %and3A_41 = vector.broadcast %and3A : i32 to vector<16xi32>
    %and3A_42 = arith.andi %get3A_33, %and3A_41 : vector<16xi32>
    %swap3A_43 = arith.constant 0 : i32
    %swap3A_44 = arith.index_cast %swap3A_43 : i32 to index
    %swap3A_45 = arith.constant 0 : index
    %swap3A_46 = tpu.vector_load %arg7[%swap3A_44, %swap3A_45] {strides = array<i32>} : memref<2x128xi32, #tpu.memory_space<vmem>>, vector<1x16xi32>,
    %swap3A_47 = vector.shape_cast %swap3A_46 : vector<1x16xi32> to vector<16xi32>
    %swap3A_48 = vector.shape_cast %and3A_42 : vector<16xi32> to vector<1x16xi32>
    tpu.vector_store %arg7[%swap3A_44, %swap3A_45], %swap3A_48 {strides = array<i32>} : memref<2x128xi32, #tpu.memory_space<vmem>>, vector<1x16xi32>,
    %get3A_49 = arith.constant 0 : i32
    %get3A_50 = arith.index_cast %get3A_49 : i32 to index
    %get3A_51 = arith.constant 16 : index
    %get3A_52 = tpu.vector_load %arg5[%get3A_50, %get3A_51] {strides = array<i32>} : memref<112x128xi32, #tpu.memory_space<vmem>>, vector<1x16xi32>,
    %get3A_53 = vector.shape_cast %get3A_52 : vector<1x16xi32> to vector<16xi32>
    %shift_right_logical3A_54 = arith.constant 14 : i32
    %shift_right_logical3A_55 = vector.broadcast %shift_right_logical3A_54 : i32 to vector<16xi32>
    %shift_right_logical3A_56 = arith.shrui %get3A_53, %shift_right_logical3A_55 : vector<16xi32>
    %swap3A_57 = arith.constant 0 : i32
    %swap3A_58 = arith.index_cast %swap3A_57 : i32 to index
    %swap3A_59 = arith.constant 16 : index
    %swap3A_60 = tpu.vector_load %arg6[%swap3A_58, %swap3A_59] {strides = array<i32>} : memref<2x128xi32, #tpu.memory_space<vmem>>, vector<1x16xi32>,
    %swap3A_61 = vector.shape_cast %swap3A_60 : vector<1x16xi32> to vector<16xi32>
    %swap3A_62 = vector.shape_cast %shift_right_logical3A_56 : vector<16xi32> to vector<1x16xi32>
    tpu.vector_store %arg6[%swap3A_58, %swap3A_59], %swap3A_62 {strides = array<i32>} : memref<2x128xi32, #tpu.memory_space<vmem>>, vector<1x16xi32>,
    %and3A_63 = arith.constant 16383 : i32
    %and3A_64 = vector.broadcast %and3A_63 : i32 to vector<16xi32>
    %and3A_65 = arith.andi %get3A_53, %and3A_64 : vector<16xi32>
    %swap3A_66 = arith.constant 0 : i32
    %swap3A_67 = arith.index_cast %swap3A_66 : i32 to index
    %swap3A_68 = arith.constant 16 : index
    %swap3A_69 = tpu.vector_load %arg7[%swap3A_67, %swap3A_68] {strides = array<i32>} : memref<2x128xi32, #tpu.memory_space<vmem>>, vector<1x16xi32>,
    %swap3A_70 = vector.shape_cast %swap3A_69 : vector<1x16xi32> to vector<16xi32>
    %swap3A_71 = vector.shape_cast %and3A_65 : vector<16xi32> to vector<1x16xi32>
    tpu.vector_store %arg7[%swap3A_67, %swap3A_68], %swap3A_71 {strides = array<i32>} : memref<2x128xi32, #tpu.memory_space<vmem>>, vector<1x16xi32>,
    %get3A_72 = arith.constant 0 : i32
    %get3A_73 = arith.index_cast %get3A_72 : i32 to index
    %get3A_74 = arith.constant 32 : index
    %get3A_75 = tpu.vector_load %arg5[%get3A_73, %get3A_74] {strides = array<i32>} : memref<112x128xi32, #tpu.memory_space<vmem>>, vector<1x16xi32>,
    %get3A_76 = vector.shape_cast %get3A_75 : vector<1x16xi32> to vector<16xi32>
    %shift_right_logical3A_77 = arith.constant 14 : i32
    %shift_right_logical3A_78 = vector.broadcast %shift_right_logical3A_77 : i32 to vector<16xi32>
    %shift_right_logical3A_79 = arith.shrui %get3A_76, %shift_right_logical3A_78 : vector<16xi32>
    %swap3A_80 = arith.constant 0 : i32
    %swap3A_81 = arith.index_cast %swap3A_80 : i32 to index
    %swap3A_82 = arith.constant 32 : index
    %swap3A_83 = tpu.vector_load %arg6[%swap3A_81, %swap3A_82] {strides = array<i32>} : memref<2x128xi32, #tpu.memory_space<vmem>>, vector<1x16xi32>,
    %swap3A_84 = vector.shape_cast %swap3A_83 : vector<1x16xi32> to vector<16xi32>
    %swap3A_85 = vector.shape_cast %shift_right_logical3A_79 : vector<16xi32> to vector<1x16xi32>
    tpu.vector_store %arg6[%swap3A_81, %swap3A_82], %swap3A_85 {strides = array<i32>} : memref<2x128xi32, #tpu.memory_space<vmem>>, vector<1x16xi32>,
    %and3A_86 = arith.constant 16383 : i32
    %and3A_87 = vector.broadcast %and3A_86 : i32 to vector<16xi32>
    %and3A_88 = arith.andi %get3A_76, %and3A_87 : vector<16xi32>
    %swap3A_89 = arith.constant 0 : i32
    %swap3A_90 = arith.index_cast %swap3A_89 : i32 to index
    %swap3A_91 = arith.constant 32 : index
    %swap3A_92 = tpu.vector_load %arg7[%swap3A_90, %swap3A_91] {strides = array<i32>} : memref<2x128xi32, #tpu.memory_space<vmem>>, vector<1x16xi32>,
    %swap3A_93 = vector.shape_cast %swap3A_92 : vector<1x16xi32> to vector<16xi32>
    %swap3A_94 = vector.shape_cast %and3A_88 : vector<16xi32> to vector<1x16xi32>
    tpu.vector_store %arg7[%swap3A_90, %swap3A_91], %swap3A_94 {strides = array<i32>} : memref<2x128xi32, #tpu.memory_space<vmem>>, vector<1x16xi32>,
    %get3A_95 = arith.constant 0 : i32
    %get3A_96 = arith.index_cast %get3A_95 : i32 to index
    %get3A_97 = arith.constant 48 : index
    %get3A_98 = tpu.vector_load %arg5[%get3A_96, %get3A_97] {strides = array<i32>} : memref<112x128xi32, #tpu.memory_space<vmem>>, vector<1x16xi32>,
    %get3A_99 = vector.shape_cast %get3A_98 : vector<1x16xi32> to vector<16xi32>
    %shift_right_logical3A_100 = arith.constant 14 : i32
    %shift_right_logical3A_101 = vector.broadcast %shift_right_logical3A_100 : i32 to vector<16xi32>
    %shift_right_logical3A_102 = arith.shrui %get3A_99, %shift_right_logical3A_101 : vector<16xi32>
    %swap3A_103 = arith.constant 0 : i32
    %swap3A_104 = arith.index_cast %swap3A_103 : i32 to index
    %swap3A_105 = arith.constant 48 : index
    %swap3A_106 = tpu.vector_load %arg6[%swap3A_104, %swap3A_105] {strides = array<i32>} : memref<2x128xi32, #tpu.memory_space<vmem>>, vector<1x16xi32>,
    %swap3A_107 = vector.shape_cast %swap3A_106 : vector<1x16xi32> to vector<16xi32>
    %swap3A_108 = vector.shape_cast %shift_right_logical3A_102 : vector<16xi32> to vector<1x16xi32>
    tpu.vector_store %arg6[%swap3A_104, %swap3A_105], %swap3A_108 {strides = array<i32>} : memref<2x128xi32, #tpu.memory_space<vmem>>, vector<1x16xi32>,
    %and3A_109 = arith.constant 16383 : i32
    %and3A_110 = vector.broadcast %and3A_109 : i32 to vector<16xi32>
    %and3A_111 = arith.andi %get3A_99, %and3A_110 : vector<16xi32>
    %swap3A_112 = arith.constant 0 : i32
    %swap3A_113 = arith.index_cast %swap3A_112 : i32 to index
    %swap3A_114 = arith.constant 48 : index
    %swap3A_115 = tpu.vector_load %arg7[%swap3A_113, %swap3A_114] {strides = array<i32>} : memref<2x128xi32, #tpu.memory_space<vmem>>, vector<1x16xi32>,
    %swap3A_116 = vector.shape_cast %swap3A_115 : vector<1x16xi32> to vector<16xi32>
    %swap3A_117 = vector.shape_cast %and3A_111 : vector<16xi32> to vector<1x16xi32>
    tpu.vector_store %arg7[%swap3A_113, %swap3A_114], %swap3A_117 {strides = array<i32>} : memref<2x128xi32, #tpu.memory_space<vmem>>, vector<1x16xi32>,
    %get3A_118 = arith.constant 0 : i32
    %get3A_119 = arith.index_cast %get3A_118 : i32 to index
    %get3A_120 = arith.constant 64 : index
    %get3A_121 = tpu.vector_load %arg5[%get3A_119, %get3A_120] {strides = array<i32>} : memref<112x128xi32, #tpu.memory_space<vmem>>, vector<1x16xi32>,
    %get3A_122 = vector.shape_cast %get3A_121 : vector<1x16xi32> to vector<16xi32>
    %shift_right_logical3A_123 = arith.constant 14 : i32
    %shift_right_logical3A_124 = vector.broadcast %shift_right_logical3A_123 : i32 to vector<16xi32>
    %shift_right_logical3A_125 = arith.shrui %get3A_122, %shift_right_logical3A_124 : vector<16xi32>
    %swap3A_126 = arith.constant 0 : i32
    %swap3A_127 = arith.index_cast %swap3A_126 : i32 to index
    %swap3A_128 = arith.constant 64 : index
    %swap3A_129 = tpu.vector_load %arg6[%swap3A_127, %swap3A_128] {strides = array<i32>} : memref<2x128xi32, #tpu.memory_space<vmem>>, vector<1x16xi32>,
    %swap3A_130 = vector.shape_cast %swap3A_129 : vector<1x16xi32> to vector<16xi32>
    %swap3A_131 = vector.shape_cast %shift_right_logical3A_125 : vector<16xi32> to vector<1x16xi32>
    tpu.vector_store %arg6[%swap3A_127, %swap3A_128], %swap3A_131 {strides = array<i32>} : memref<2x128xi32, #tpu.memory_space<vmem>>, vector<1x16xi32>,
    %and3A_132 = arith.constant 16383 : i32
    %and3A_133 = vector.broadcast %and3A_132 : i32 to vector<16xi32>
    %and3A_134 = arith.andi %get3A_122, %and3A_133 : vector<16xi32>
    %swap3A_135 = arith.constant 0 : i32
    %swap3A_136 = arith.index_cast %swap3A_135 : i32 to index
    %swap3A_137 = arith.constant 64 : index
    %swap3A_138 = tpu.vector_load %arg7[%swap3A_136, %swap3A_137] {strides = array<i32>} : memref<2x128xi32, #tpu.memory_space<vmem>>, vector<1x16xi32>,
    %swap3A_139 = vector.shape_cast %swap3A_138 : vector<1x16xi32> to vector<16xi32>
    %swap3A_140 = vector.shape_cast %and3A_134 : vector<16xi32> to vector<1x16xi32>
    tpu.vector_store %arg7[%swap3A_136, %swap3A_137], %swap3A_140 {strides = array<i32>} : memref<2x128xi32, #tpu.memory_space<vmem>>, vector<1x16xi32>,
    %get3A_141 = arith.constant 0 : i32
    %get3A_142 = arith.index_cast %get3A_141 : i32 to index
    %get3A_143 = arith.constant 80 : index
    %get3A_144 = tpu.vector_load %arg5[%get3A_142, %get3A_143] {strides = array<i32>} : memref<112x128xi32, #tpu.memory_space<vmem>>, vector<1x16xi32>,
    %get3A_145 = vector.shape_cast %get3A_144 : vector<1x16xi32> to vector<16xi32>
    %shift_right_logical3A_146 = arith.constant 14 : i32
    %shift_right_logical3A_147 = vector.broadcast %shift_right_logical3A_146 : i32 to vector<16xi32>
    %shift_right_logical3A_148 = arith.shrui %get3A_145, %shift_right_logical3A_147 : vector<16xi32>
    %swap3A_149 = arith.constant 0 : i32
    %swap3A_150 = arith.index_cast %swap3A_149 : i32 to index
    %swap3A_151 = arith.constant 80 : index
    %swap3A_152 = tpu.vector_load %arg6[%swap3A_150, %swap3A_151] {strides = array<i32>} : memref<2x128xi32, #tpu.memory_space<vmem>>, vector<1x16xi32>,
    %swap3A_153 = vector.shape_cast %swap3A_152 : vector<1x16xi32> to vector<16xi32>
    %swap3A_154 = vector.shape_cast %shift_right_logical3A_148 : vector<16xi32> to vector<1x16xi32>
    tpu.vector_store %arg6[%swap3A_150, %swap3A_151], %swap3A_154 {strides = array<i32>} : memref<2x128xi32, #tpu.memory_space<vmem>>, vector<1x16xi32>,
    %and3A_155 = arith.constant 16383 : i32
    %and3A_156 = vector.broadcast %and3A_155 : i32 to vector<16xi32>
    %and3A_157 = arith.andi %get3A_145, %and3A_156 : vector<16xi32>
    %swap3A_158 = arith.constant 0 : i32
    %swap3A_159 = arith.index_cast %swap3A_158 : i32 to index
    %swap3A_160 = arith.constant 80 : index
    %swap3A_161 = tpu.vector_load %arg7[%swap3A_159, %swap3A_160] {strides = array<i32>} : memref<2x128xi32, #tpu.memory_space<vmem>>, vector<1x16xi32>,
    %swap3A_162 = vector.shape_cast %swap3A_161 : vector<1x16xi32> to vector<16xi32>
    %swap3A_163 = vector.shape_cast %and3A_157 : vector<16xi32> to vector<1x16xi32>
    tpu.vector_store %arg7[%swap3A_159, %swap3A_160], %swap3A_163 {strides = array<i32>} : memref<2x128xi32, #tpu.memory_space<vmem>>, vector<1x16xi32>,
    %get3A_164 = arith.constant 0 : i32
    %get3A_165 = arith.index_cast %get3A_164 : i32 to index
    %get3A_166 = arith.constant 96 : index
    %get3A_167 = tpu.vector_load %arg5[%get3A_165, %get3A_166] {strides = array<i32>} : memref<112x128xi32, #tpu.memory_space<vmem>>, vector<1x16xi32>,
    %get3A_168 = vector.shape_cast %get3A_167 : vector<1x16xi32> to vector<16xi32>
    %shift_right_logical3A_169 = arith.constant 14 : i32
    %shift_right_logical3A_170 = vector.broadcast %shift_right_logical3A_169 : i32 to vector<16xi32>
    %shift_right_logical3A_171 = arith.shrui %get3A_168, %shift_right_logical3A_170 : vector<16xi32>
    %swap3A_172 = arith.constant 0 : i32
    %swap3A_173 = arith.index_cast %swap3A_172 : i32 to index
    %swap3A_174 = arith.constant 96 : index
    %swap3A_175 = tpu.vector_load %arg6[%swap3A_173, %swap3A_174] {strides = array<i32>} : memref<2x128xi32, #tpu.memory_space<vmem>>, vector<1x16xi32>,
    %swap3A_176 = vector.shape_cast %swap3A_175 : vector<1x16xi32> to vector<16xi32>
    %swap3A_177 = vector.shape_cast %shift_right_logical3A_171 : vector<16xi32> to vector<1x16xi32>
    tpu.vector_store %arg6[%swap3A_173, %swap3A_174], %swap3A_177 {strides = array<i32>} : memref<2x128xi32, #tpu.memory_space<vmem>>, vector<1x16xi32>,
    %and3A_178 = arith.constant 16383 : i32
    %and3A_179 = vector.broadcast %and3A_178 : i32 to vector<16xi32>
    %and3A_180 = arith.andi %get3A_168, %and3A_179 : vector<16xi32>
    %swap3A_181 = arith.constant 0 : i32
    %swap3A_182 = arith.index_cast %swap3A_181 : i32 to index
    %swap3A_183 = arith.constant 96 : index
    %swap3A_184 = tpu.vector_load %arg7[%swap3A_182, %swap3A_183] {strides = array<i32>} : memref<2x128xi32, #tpu.memory_space<vmem>>, vector<1x16xi32>,
    %swap3A_185 = vector.shape_cast %swap3A_184 : vector<1x16xi32> to vector<16xi32>
    %swap3A_186 = vector.shape_cast %and3A_180 : vector<16xi32> to vector<1x16xi32>
    tpu.vector_store %arg7[%swap3A_182, %swap3A_183], %swap3A_186 {strides = array<i32>} : memref<2x128xi32, #tpu.memory_space<vmem>>, vector<1x16xi32>,
    %get3A_187 = arith.constant 0 : i32
    %get3A_188 = arith.index_cast %get3A_187 : i32 to index
    %get3A_189 = arith.constant 112 : index
    %get3A_190 = tpu.vector_load %arg5[%get3A_188, %get3A_189] {strides = array<i32>} : memref<112x128xi32, #tpu.memory_space<vmem>>, vector<1x16xi32>,
    %get3A_191 = vector.shape_cast %get3A_190 : vector<1x16xi32> to vector<16xi32>
    %shift_right_logical3A_192 = arith.constant 14 : i32
    %shift_right_logical3A_193 = vector.broadcast %shift_right_logical3A_192 : i32 to vector<16xi32>
    %shift_right_logical3A_194 = arith.shrui %get3A_191, %shift_right_logical3A_193 : vector<16xi32>
    %swap3A_195 = arith.constant 0 : i32
    %swap3A_196 = arith.index_cast %swap3A_195 : i32 to index
    %swap3A_197 = arith.constant 112 : index
    %swap3A_198 = tpu.vector_load %arg6[%swap3A_196, %swap3A_197] {strides = array<i32>} : memref<2x128xi32, #tpu.memory_space<vmem>>, vector<1x16xi32>,
    %swap3A_199 = vector.shape_cast %swap3A_198 : vector<1x16xi32> to vector<16xi32>
    %swap3A_200 = vector.shape_cast %shift_right_logical3A_194 : vector<16xi32> to vector<1x16xi32>
    tpu.vector_store %arg6[%swap3A_196, %swap3A_197], %swap3A_200 {strides = array<i32>} : memref<2x128xi32, #tpu.memory_space<vmem>>, vector<1x16xi32>,
    %and3A_201 = arith.constant 16383 : i32
    %and3A_202 = vector.broadcast %and3A_201 : i32 to vector<16xi32>
    %and3A_203 = arith.andi %get3A_191, %and3A_202 : vector<16xi32>
    %swap3A_204 = arith.constant 0 : i32
    %swap3A_205 = arith.index_cast %swap3A_204 : i32 to index
    %swap3A_206 = arith.constant 112 : index
    %swap3A_207 = tpu.vector_load %arg7[%swap3A_205, %swap3A_206] {strides = array<i32>} : memref<2x128xi32, #tpu.memory_space<vmem>>, vector<1x16xi32>,
    %swap3A_208 = vector.shape_cast %swap3A_207 : vector<1x16xi32> to vector<16xi32>
    %swap3A_209 = vector.shape_cast %and3A_203 : vector<16xi32> to vector<1x16xi32>
    tpu.vector_store %arg7[%swap3A_205, %swap3A_206], %swap3A_209 {strides = array<i32>} : memref<2x128xi32, #tpu.memory_space<vmem>>, vector<1x16xi32>,
    %dma_start3A = arith.constant 0 : i32
    %dma_start3A_210 = arith.constant 0 : i32
    %dma_start3A_211 = tpu.memref_slice %arg6[%dma_start3A, %dma_start3A_210] : memref<2x128xi32, #tpu.memory_space<vmem>> -> memref<1x128xi32, #tpu.memory_space<vmem>>
    %dma_start3A_212 = tpu.memref_squeeze %dma_start3A_211 : memref<1x128xi32, #tpu.memory_space<vmem>> -> memref<128xi32, #tpu.memory_space<vmem>>
    %dma_start3A_213 = arith.constant 0 : i32
    %dma_start3A_214 = arith.constant 0 : i32
    %dma_start3A_215 = tpu.memref_slice %arg2[%dma_start3A_213, %dma_start3A_214] : memref<10000x128xf32, #tpu.memory_space<hbm>> -> memref<10000x128xf32, #tpu.memory_space<hbm>>
    tpu.enqueue_indirect_dma source(%dma_start3A_215 : memref<10000x128xf32, #tpu.memory_space<hbm>>) target(%arg8 : memref<128x128xf32, #tpu.memory_space<vmem>>) offsets(%dma_start3A_212 : memref<128xi32, #tpu.memory_space<vmem>>) semaphore(%arg11 : memref<!tpu.dma_semaphore, #tpu.memory_space<semaphore_mem>>)
    %add3A_216 = arith.constant 1 : i32
    %add3A_217 = arith.addi %select_n3A, %add3A_216 : i32
    %jit3A_218 = arith.constant 2 : i32
    %div3A = arith.divsi %add3A_217, %jit3A_218 : i32
    %sign3A = arith.constant 0 : i32
    %sign3A_219 = arith.cmpi sgt, %add3A_217, %sign3A : i32
    %sign3A_220 = arith.extui %sign3A_219 : i1 to i32
    %sign3A_221 = arith.constant 0 : i32
    %sign3A_222 = arith.cmpi slt, %add3A_217, %sign3A_221 : i32
    %sign3A_223 = arith.extui %sign3A_222 : i1 to i32
    %sign3A_224 = arith.subi %sign3A_220, %sign3A_223 : i32
    %sign3A_225 = arith.constant 0 : i32
    %sign3A_226 = arith.cmpi sgt, %jit3A_218, %sign3A_225 : i32
    %sign3A_227 = arith.extui %sign3A_226 : i1 to i32
    %sign3A_228 = arith.constant 0 : i32
    %sign3A_229 = arith.cmpi slt, %jit3A_218, %sign3A_228 : i32
    %sign3A_230 = arith.extui %sign3A_229 : i1 to i32
    %sign3A_231 = arith.subi %sign3A_227, %sign3A_230 : i32
    %ne3A = arith.cmpi ne, %sign3A_224, %sign3A_231 : i32
    %rem3A = arith.remsi %add3A_217, %jit3A_218 : i32
    %ne3A_232 = arith.constant 0 : i32
    %ne3A_233 = arith.cmpi ne, %rem3A, %ne3A_232 : i32
    %and3A_234 = arith.andi %ne3A, %ne3A_233 : i1
    %sub3A = arith.constant 1 : i32
    %sub3A_235 = arith.subi %div3A, %sub3A : i32
    %select_n3A_236 = arith.select %and3A_234, %sub3A_235, %div3A : i32
    %while3A = arith.constant 0 : i32
    %while3A_237 = arith.constant 0 : i32
    %while3A_238 = arith.subi %select_n3A_236, %while3A : i32
    %while3A_239 = arith.addi %while3A, %while3A_238 : i32
    %while3A_240 = arith.constant 1 : i32
    %while3A_241 = arith.divsi %while3A_238, %while3A_240 : i32
    %while3A_242 = arith.muli %while3A_241, %while3A_240 : i32
    %while3A_243 = arith.addi %while3A, %while3A_242 : i32
    %while3A_244 = arith.constant 1 : i32
    %while3A_245 = scf.for %while3A_289 = %while3A to %while3A_243 step %while3A_244 iter_args(%while3A_290 = %while3A_237) -> (i32)  : i32 {
      %mul3A_291 = arith.constant 2 : i32
      %mul3A_292 = arith.muli %mul3A_291, %while3A_289 : i32
      %add3A_293 = arith.constant 1 : i32
      %add3A_294 = arith.addi %mul3A_292, %add3A_293 : i32
      %lt3A = arith.cmpi slt, %add3A_294, %select_n3A : i32
      %convert_element_type3A = arith.extui %lt3A : i1 to i32
      %cond3A = arith.constant 0 : i32
      %cond3A_295 = arith.cmpi ne, %convert_element_type3A, %cond3A : i32
      scf.if %cond3A_295 {
        %add3A_314 = arith.constant 1 : i32
        %add3A_315 = arith.addi %mul3A_292, %add3A_314 : i32
        %get3A_316 = arith.index_cast %add3A_315 : i32 to index
        %get3A_317 = arith.constant 0 : index
        %get3A_318 = tpu.vector_load %arg5[%get3A_316, %get3A_317] {strides = array<i32>} : memref<112x128xi32, #tpu.memory_space<vmem>>, vector<1x16xi32>,
        %get3A_319 = vector.shape_cast %get3A_318 : vector<1x16xi32> to vector<16xi32>
        %shift_right_logical3A_320 = arith.constant 14 : i32
        %shift_right_logical3A_321 = vector.broadcast %shift_right_logical3A_320 : i32 to vector<16xi32>
        %shift_right_logical3A_322 = arith.shrui %get3A_319, %shift_right_logical3A_321 : vector<16xi32>
        %swap3A_323 = arith.constant 1 : i32
        %swap3A_324 = arith.index_cast %swap3A_323 : i32 to index
        %swap3A_325 = arith.constant 0 : index
        %swap3A_326 = tpu.vector_load %arg6[%swap3A_324, %swap3A_325] {strides = array<i32>} : memref<2x128xi32, #tpu.memory_space<vmem>>, vector<1x16xi32>,
        %swap3A_327 = vector.shape_cast %swap3A_326 : vector<1x16xi32> to vector<16xi32>
        %swap3A_328 = vector.shape_cast %shift_right_logical3A_322 : vector<16xi32> to vector<1x16xi32>
        tpu.vector_store %arg6[%swap3A_324, %swap3A_325], %swap3A_328 {strides = array<i32>} : memref<2x128xi32, #tpu.memory_space<vmem>>, vector<1x16xi32>,
        %and3A_329 = arith.constant 16383 : i32
        %and3A_330 = vector.broadcast %and3A_329 : i32 to vector<16xi32>
        %and3A_331 = arith.andi %get3A_319, %and3A_330 : vector<16xi32>
        %swap3A_332 = arith.constant 1 : i32
        %swap3A_333 = arith.index_cast %swap3A_332 : i32 to index
        %swap3A_334 = arith.constant 0 : index
        %swap3A_335 = tpu.vector_load %arg7[%swap3A_333, %swap3A_334] {strides = array<i32>} : memref<2x128xi32, #tpu.memory_space<vmem>>, vector<1x16xi32>,
        %swap3A_336 = vector.shape_cast %swap3A_335 : vector<1x16xi32> to vector<16xi32>
        %swap3A_337 = vector.shape_cast %and3A_331 : vector<16xi32> to vector<1x16xi32>
        tpu.vector_store %arg7[%swap3A_333, %swap3A_334], %swap3A_337 {strides = array<i32>} : memref<2x128xi32, #tpu.memory_space<vmem>>, vector<1x16xi32>,
        %get3A_338 = arith.index_cast %add3A_315 : i32 to index
        %get3A_339 = arith.constant 16 : index
        %get3A_340 = tpu.vector_load %arg5[%get3A_338, %get3A_339] {strides = array<i32>} : memref<112x128xi32, #tpu.memory_space<vmem>>, vector<1x16xi32>,
        %get3A_341 = vector.shape_cast %get3A_340 : vector<1x16xi32> to vector<16xi32>
        %shift_right_logical3A_342 = arith.constant 14 : i32
        %shift_right_logical3A_343 = vector.broadcast %shift_right_logical3A_342 : i32 to vector<16xi32>
        %shift_right_logical3A_344 = arith.shrui %get3A_341, %shift_right_logical3A_343 : vector<16xi32>
        %swap3A_345 = arith.constant 1 : i32
        %swap3A_346 = arith.index_cast %swap3A_345 : i32 to index
        %swap3A_347 = arith.constant 16 : index
        %swap3A_348 = tpu.vector_load %arg6[%swap3A_346, %swap3A_347] {strides = array<i32>} : memref<2x128xi32, #tpu.memory_space<vmem>>, vector<1x16xi32>,
        %swap3A_349 = vector.shape_cast %swap3A_348 : vector<1x16xi32> to vector<16xi32>
        %swap3A_350 = vector.shape_cast %shift_right_logical3A_344 : vector<16xi32> to vector<1x16xi32>
        tpu.vector_store %arg6[%swap3A_346, %swap3A_347], %swap3A_350 {strides = array<i32>} : memref<2x128xi32, #tpu.memory_space<vmem>>, vector<1x16xi32>,
        %and3A_351 = arith.constant 16383 : i32
        %and3A_352 = vector.broadcast %and3A_351 : i32 to vector<16xi32>
        %and3A_353 = arith.andi %get3A_341, %and3A_352 : vector<16xi32>
        %swap3A_354 = arith.constant 1 : i32
        %swap3A_355 = arith.index_cast %swap3A_354 : i32 to index
        %swap3A_356 = arith.constant 16 : index
        %swap3A_357 = tpu.vector_load %arg7[%swap3A_355, %swap3A_356] {strides = array<i32>} : memref<2x128xi32, #tpu.memory_space<vmem>>, vector<1x16xi32>,
        %swap3A_358 = vector.shape_cast %swap3A_357 : vector<1x16xi32> to vector<16xi32>
        %swap3A_359 = vector.shape_cast %and3A_353 : vector<16xi32> to vector<1x16xi32>
        tpu.vector_store %arg7[%swap3A_355, %swap3A_356], %swap3A_359 {strides = array<i32>} : memref<2x128xi32, #tpu.memory_space<vmem>>, vector<1x16xi32>,
        %get3A_360 = arith.index_cast %add3A_315 : i32 to index
        %get3A_361 = arith.constant 32 : index
        %get3A_362 = tpu.vector_load %arg5[%get3A_360, %get3A_361] {strides = array<i32>} : memref<112x128xi32, #tpu.memory_space<vmem>>, vector<1x16xi32>,
        %get3A_363 = vector.shape_cast %get3A_362 : vector<1x16xi32> to vector<16xi32>
        %shift_right_logical3A_364 = arith.constant 14 : i32
        %shift_right_logical3A_365 = vector.broadcast %shift_right_logical3A_364 : i32 to vector<16xi32>
        %shift_right_logical3A_366 = arith.shrui %get3A_363, %shift_right_logical3A_365 : vector<16xi32>
        %swap3A_367 = arith.constant 1 : i32
        %swap3A_368 = arith.index_cast %swap3A_367 : i32 to index
        %swap3A_369 = arith.constant 32 : index
        %swap3A_370 = tpu.vector_load %arg6[%swap3A_368, %swap3A_369] {strides = array<i32>} : memref<2x128xi32, #tpu.memory_space<vmem>>, vector<1x16xi32>,
        %swap3A_371 = vector.shape_cast %swap3A_370 : vector<1x16xi32> to vector<16xi32>
        %swap3A_372 = vector.shape_cast %shift_right_logical3A_366 : vector<16xi32> to vector<1x16xi32>
        tpu.vector_store %arg6[%swap3A_368, %swap3A_369], %swap3A_372 {strides = array<i32>} : memref<2x128xi32, #tpu.memory_space<vmem>>, vector<1x16xi32>,
        %and3A_373 = arith.constant 16383 : i32
        %and3A_374 = vector.broadcast %and3A_373 : i32 to vector<16xi32>
        %and3A_375 = arith.andi %get3A_363, %and3A_374 : vector<16xi32>
        %swap3A_376 = arith.constant 1 : i32
        %swap3A_377 = arith.index_cast %swap3A_376 : i32 to index
        %swap3A_378 = arith.constant 32 : index
        %swap3A_379 = tpu.vector_load %arg7[%swap3A_377, %swap3A_378] {strides = array<i32>} : memref<2x128xi32, #tpu.memory_space<vmem>>, vector<1x16xi32>,
        %swap3A_380 = vector.shape_cast %swap3A_379 : vector<1x16xi32> to vector<16xi32>
        %swap3A_381 = vector.shape_cast %and3A_375 : vector<16xi32> to vector<1x16xi32>
        tpu.vector_store %arg7[%swap3A_377, %swap3A_378], %swap3A_381 {strides = array<i32>} : memref<2x128xi32, #tpu.memory_space<vmem>>, vector<1x16xi32>,
        %get3A_382 = arith.index_cast %add3A_315 : i32 to index
        %get3A_383 = arith.constant 48 : index
        %get3A_384 = tpu.vector_load %arg5[%get3A_382, %get3A_383] {strides = array<i32>} : memref<112x128xi32, #tpu.memory_space<vmem>>, vector<1x16xi32>,
        %get3A_385 = vector.shape_cast %get3A_384 : vector<1x16xi32> to vector<16xi32>
        %shift_right_logical3A_386 = arith.constant 14 : i32
        %shift_right_logical3A_387 = vector.broadcast %shift_right_logical3A_386 : i32 to vector<16xi32>
        %shift_right_logical3A_388 = arith.shrui %get3A_385, %shift_right_logical3A_387 : vector<16xi32>
        %swap3A_389 = arith.constant 1 : i32
        %swap3A_390 = arith.index_cast %swap3A_389 : i32 to index
        %swap3A_391 = arith.constant 48 : index
        %swap3A_392 = tpu.vector_load %arg6[%swap3A_390, %swap3A_391] {strides = array<i32>} : memref<2x128xi32, #tpu.memory_space<vmem>>, vector<1x16xi32>,
        %swap3A_393 = vector.shape_cast %swap3A_392 : vector<1x16xi32> to vector<16xi32>
        %swap3A_394 = vector.shape_cast %shift_right_logical3A_388 : vector<16xi32> to vector<1x16xi32>
        tpu.vector_store %arg6[%swap3A_390, %swap3A_391], %swap3A_394 {strides = array<i32>} : memref<2x128xi32, #tpu.memory_space<vmem>>, vector<1x16xi32>,
        %and3A_395 = arith.constant 16383 : i32
        %and3A_396 = vector.broadcast %and3A_395 : i32 to vector<16xi32>
        %and3A_397 = arith.andi %get3A_385, %and3A_396 : vector<16xi32>
        %swap3A_398 = arith.constant 1 : i32
        %swap3A_399 = arith.index_cast %swap3A_398 : i32 to index
        %swap3A_400 = arith.constant 48 : index
        %swap3A_401 = tpu.vector_load %arg7[%swap3A_399, %swap3A_400] {strides = array<i32>} : memref<2x128xi32, #tpu.memory_space<vmem>>, vector<1x16xi32>,
        %swap3A_402 = vector.shape_cast %swap3A_401 : vector<1x16xi32> to vector<16xi32>
        %swap3A_403 = vector.shape_cast %and3A_397 : vector<16xi32> to vector<1x16xi32>
        tpu.vector_store %arg7[%swap3A_399, %swap3A_400], %swap3A_403 {strides = array<i32>} : memref<2x128xi32, #tpu.memory_space<vmem>>, vector<1x16xi32>,
        %get3A_404 = arith.index_cast %add3A_315 : i32 to index
        %get3A_405 = arith.constant 64 : index
        %get3A_406 = tpu.vector_load %arg5[%get3A_404, %get3A_405] {strides = array<i32>} : memref<112x128xi32, #tpu.memory_space<vmem>>, vector<1x16xi32>,
        %get3A_407 = vector.shape_cast %get3A_406 : vector<1x16xi32> to vector<16xi32>
        %shift_right_logical3A_408 = arith.constant 14 : i32
        %shift_right_logical3A_409 = vector.broadcast %shift_right_logical3A_408 : i32 to vector<16xi32>
        %shift_right_logical3A_410 = arith.shrui %get3A_407, %shift_right_logical3A_409 : vector<16xi32>
        %swap3A_411 = arith.constant 1 : i32
        %swap3A_412 = arith.index_cast %swap3A_411 : i32 to index
        %swap3A_413 = arith.constant 64 : index
        %swap3A_414 = tpu.vector_load %arg6[%swap3A_412, %swap3A_413] {strides = array<i32>} : memref<2x128xi32, #tpu.memory_space<vmem>>, vector<1x16xi32>,
        %swap3A_415 = vector.shape_cast %swap3A_414 : vector<1x16xi32> to vector<16xi32>
        %swap3A_416 = vector.shape_cast %shift_right_logical3A_410 : vector<16xi32> to vector<1x16xi32>
        tpu.vector_store %arg6[%swap3A_412, %swap3A_413], %swap3A_416 {strides = array<i32>} : memref<2x128xi32, #tpu.memory_space<vmem>>, vector<1x16xi32>,
        %and3A_417 = arith.constant 16383 : i32
        %and3A_418 = vector.broadcast %and3A_417 : i32 to vector<16xi32>
        %and3A_419 = arith.andi %get3A_407, %and3A_418 : vector<16xi32>
        %swap3A_420 = arith.constant 1 : i32
        %swap3A_421 = arith.index_cast %swap3A_420 : i32 to index
        %swap3A_422 = arith.constant 64 : index
        %swap3A_423 = tpu.vector_load %arg7[%swap3A_421, %swap3A_422] {strides = array<i32>} : memref<2x128xi32, #tpu.memory_space<vmem>>, vector<1x16xi32>,
        %swap3A_424 = vector.shape_cast %swap3A_423 : vector<1x16xi32> to vector<16xi32>
        %swap3A_425 = vector.shape_cast %and3A_419 : vector<16xi32> to vector<1x16xi32>
        tpu.vector_store %arg7[%swap3A_421, %swap3A_422], %swap3A_425 {strides = array<i32>} : memref<2x128xi32, #tpu.memory_space<vmem>>, vector<1x16xi32>,
        %get3A_426 = arith.index_cast %add3A_315 : i32 to index
        %get3A_427 = arith.constant 80 : index
        %get3A_428 = tpu.vector_load %arg5[%get3A_426, %get3A_427] {strides = array<i32>} : memref<112x128xi32, #tpu.memory_space<vmem>>, vector<1x16xi32>,
        %get3A_429 = vector.shape_cast %get3A_428 : vector<1x16xi32> to vector<16xi32>
        %shift_right_logical3A_430 = arith.constant 14 : i32
        %shift_right_logical3A_431 = vector.broadcast %shift_right_logical3A_430 : i32 to vector<16xi32>
        %shift_right_logical3A_432 = arith.shrui %get3A_429, %shift_right_logical3A_431 : vector<16xi32>
        %swap3A_433 = arith.constant 1 : i32
        %swap3A_434 = arith.index_cast %swap3A_433 : i32 to index
        %swap3A_435 = arith.constant 80 : index
        %swap3A_436 = tpu.vector_load %arg6[%swap3A_434, %swap3A_435] {strides = array<i32>} : memref<2x128xi32, #tpu.memory_space<vmem>>, vector<1x16xi32>,
        %swap3A_437 = vector.shape_cast %swap3A_436 : vector<1x16xi32> to vector<16xi32>
        %swap3A_438 = vector.shape_cast %shift_right_logical3A_432 : vector<16xi32> to vector<1x16xi32>
        tpu.vector_store %arg6[%swap3A_434, %swap3A_435], %swap3A_438 {strides = array<i32>} : memref<2x128xi32, #tpu.memory_space<vmem>>, vector<1x16xi32>,
        %and3A_439 = arith.constant 16383 : i32
        %and3A_440 = vector.broadcast %and3A_439 : i32 to vector<16xi32>
        %and3A_441 = arith.andi %get3A_429, %and3A_440 : vector<16xi32>
        %swap3A_442 = arith.constant 1 : i32
        %swap3A_443 = arith.index_cast %swap3A_442 : i32 to index
        %swap3A_444 = arith.constant 80 : index
        %swap3A_445 = tpu.vector_load %arg7[%swap3A_443, %swap3A_444] {strides = array<i32>} : memref<2x128xi32, #tpu.memory_space<vmem>>, vector<1x16xi32>,
        %swap3A_446 = vector.shape_cast %swap3A_445 : vector<1x16xi32> to vector<16xi32>
        %swap3A_447 = vector.shape_cast %and3A_441 : vector<16xi32> to vector<1x16xi32>
        tpu.vector_store %arg7[%swap3A_443, %swap3A_444], %swap3A_447 {strides = array<i32>} : memref<2x128xi32, #tpu.memory_space<vmem>>, vector<1x16xi32>,
        %get3A_448 = arith.index_cast %add3A_315 : i32 to index
        %get3A_449 = arith.constant 96 : index
        %get3A_450 = tpu.vector_load %arg5[%get3A_448, %get3A_449] {strides = array<i32>} : memref<112x128xi32, #tpu.memory_space<vmem>>, vector<1x16xi32>,
        %get3A_451 = vector.shape_cast %get3A_450 : vector<1x16xi32> to vector<16xi32>
        %shift_right_logical3A_452 = arith.constant 14 : i32
        %shift_right_logical3A_453 = vector.broadcast %shift_right_logical3A_452 : i32 to vector<16xi32>
        %shift_right_logical3A_454 = arith.shrui %get3A_451, %shift_right_logical3A_453 : vector<16xi32>
        %swap3A_455 = arith.constant 1 : i32
        %swap3A_456 = arith.index_cast %swap3A_455 : i32 to index
        %swap3A_457 = arith.constant 96 : index
        %swap3A_458 = tpu.vector_load %arg6[%swap3A_456, %swap3A_457] {strides = array<i32>} : memref<2x128xi32, #tpu.memory_space<vmem>>, vector<1x16xi32>,
        %swap3A_459 = vector.shape_cast %swap3A_458 : vector<1x16xi32> to vector<16xi32>
        %swap3A_460 = vector.shape_cast %shift_right_logical3A_454 : vector<16xi32> to vector<1x16xi32>
        tpu.vector_store %arg6[%swap3A_456, %swap3A_457], %swap3A_460 {strides = array<i32>} : memref<2x128xi32, #tpu.memory_space<vmem>>, vector<1x16xi32>,
        %and3A_461 = arith.constant 16383 : i32
        %and3A_462 = vector.broadcast %and3A_461 : i32 to vector<16xi32>
        %and3A_463 = arith.andi %get3A_451, %and3A_462 : vector<16xi32>
        %swap3A_464 = arith.constant 1 : i32
        %swap3A_465 = arith.index_cast %swap3A_464 : i32 to index
        %swap3A_466 = arith.constant 96 : index
        %swap3A_467 = tpu.vector_load %arg7[%swap3A_465, %swap3A_466] {strides = array<i32>} : memref<2x128xi32, #tpu.memory_space<vmem>>, vector<1x16xi32>,
        %swap3A_468 = vector.shape_cast %swap3A_467 : vector<1x16xi32> to vector<16xi32>
        %swap3A_469 = vector.shape_cast %and3A_463 : vector<16xi32> to vector<1x16xi32>
        tpu.vector_store %arg7[%swap3A_465, %swap3A_466], %swap3A_469 {strides = array<i32>} : memref<2x128xi32, #tpu.memory_space<vmem>>, vector<1x16xi32>,
        %get3A_470 = arith.index_cast %add3A_315 : i32 to index
        %get3A_471 = arith.constant 112 : index
        %get3A_472 = tpu.vector_load %arg5[%get3A_470, %get3A_471] {strides = array<i32>} : memref<112x128xi32, #tpu.memory_space<vmem>>, vector<1x16xi32>,
        %get3A_473 = vector.shape_cast %get3A_472 : vector<1x16xi32> to vector<16xi32>
        %shift_right_logical3A_474 = arith.constant 14 : i32
        %shift_right_logical3A_475 = vector.broadcast %shift_right_logical3A_474 : i32 to vector<16xi32>
        %shift_right_logical3A_476 = arith.shrui %get3A_473, %shift_right_logical3A_475 : vector<16xi32>
        %swap3A_477 = arith.constant 1 : i32
        %swap3A_478 = arith.index_cast %swap3A_477 : i32 to index
        %swap3A_479 = arith.constant 112 : index
        %swap3A_480 = tpu.vector_load %arg6[%swap3A_478, %swap3A_479] {strides = array<i32>} : memref<2x128xi32, #tpu.memory_space<vmem>>, vector<1x16xi32>,
        %swap3A_481 = vector.shape_cast %swap3A_480 : vector<1x16xi32> to vector<16xi32>
        %swap3A_482 = vector.shape_cast %shift_right_logical3A_476 : vector<16xi32> to vector<1x16xi32>
        tpu.vector_store %arg6[%swap3A_478, %swap3A_479], %swap3A_482 {strides = array<i32>} : memref<2x128xi32, #tpu.memory_space<vmem>>, vector<1x16xi32>,
        %and3A_483 = arith.constant 16383 : i32
        %and3A_484 = vector.broadcast %and3A_483 : i32 to vector<16xi32>
        %and3A_485 = arith.andi %get3A_473, %and3A_484 : vector<16xi32>
        %swap3A_486 = arith.constant 1 : i32
        %swap3A_487 = arith.index_cast %swap3A_486 : i32 to index
        %swap3A_488 = arith.constant 112 : index
        %swap3A_489 = tpu.vector_load %arg7[%swap3A_487, %swap3A_488] {strides = array<i32>} : memref<2x128xi32, #tpu.memory_space<vmem>>, vector<1x16xi32>,
        %swap3A_490 = vector.shape_cast %swap3A_489 : vector<1x16xi32> to vector<16xi32>
        %swap3A_491 = vector.shape_cast %and3A_485 : vector<16xi32> to vector<1x16xi32>
        tpu.vector_store %arg7[%swap3A_487, %swap3A_488], %swap3A_491 {strides = array<i32>} : memref<2x128xi32, #tpu.memory_space<vmem>>, vector<1x16xi32>,
        %dma_start3A_492 = arith.constant 1 : i32
        %dma_start3A_493 = arith.constant 0 : i32
        %dma_start3A_494 = tpu.memref_slice %arg6[%dma_start3A_492, %dma_start3A_493] : memref<2x128xi32, #tpu.memory_space<vmem>> -> memref<1x128xi32, #tpu.memory_space<vmem>>
        %dma_start3A_495 = tpu.memref_squeeze %dma_start3A_494 : memref<1x128xi32, #tpu.memory_space<vmem>> -> memref<128xi32, #tpu.memory_space<vmem>>
        %dma_start3A_496 = arith.constant 0 : i32
        %dma_start3A_497 = arith.constant 0 : i32
        %dma_start3A_498 = tpu.memref_slice %arg2[%dma_start3A_496, %dma_start3A_497] : memref<10000x128xf32, #tpu.memory_space<hbm>> -> memref<10000x128xf32, #tpu.memory_space<hbm>>
        tpu.enqueue_indirect_dma source(%dma_start3A_498 : memref<10000x128xf32, #tpu.memory_space<hbm>>) target(%arg9 : memref<128x128xf32, #tpu.memory_space<vmem>>) offsets(%dma_start3A_495 : memref<128xi32, #tpu.memory_space<vmem>>) semaphore(%arg12 : memref<!tpu.dma_semaphore, #tpu.memory_space<semaphore_mem>>)
      } else {
      }
      %dma_wait3A = arith.constant 0 : i32
      %dma_wait3A_296 = arith.constant 0 : i32
      %dma_wait3A_297 = tpu.memref_slice %arg2[%dma_wait3A, %dma_wait3A_296] : memref<10000x128xf32, #tpu.memory_space<hbm>> -> memref<128x128xf32, #tpu.memory_space<hbm>>
      %dma_wait3A_298 = arith.constant 0 : i32
      %dma_wait3A_299 = arith.constant 0 : i32
      %dma_wait3A_300 = tpu.memref_slice %arg2[%dma_wait3A_298, %dma_wait3A_299] : memref<10000x128xf32, #tpu.memory_space<hbm>> -> memref<128x128xf32, #tpu.memory_space<hbm>>
      tpu.wait_dma2 semaphore(%arg11 : memref<!tpu.dma_semaphore, #tpu.memory_space<semaphore_mem>>) src(%dma_wait3A_300 : memref<128x128xf32, #tpu.memory_space<hbm>>) dst(%arg8 : memref<128x128xf32, #tpu.memory_space<vmem>>)
      %run_scoped3A = arith.constant 0 : i32
      "tpu.region"() ({
        %run_scoped3A_314 = tpu.sem_alloc : memref<!tpu.dma_semaphore, #tpu.memory_space<semaphore_mem>>
        %dma_start3A_315 = arith.constant 0 : i32
        %dma_start3A_316 = tpu.memref_slice %arg7[%run_scoped3A, %dma_start3A_315] : memref<2x128xi32, #tpu.memory_space<vmem>> -> memref<1x128xi32, #tpu.memory_space<vmem>>
        %dma_start3A_317 = tpu.memref_squeeze %dma_start3A_316 : memref<1x128xi32, #tpu.memory_space<vmem>> -> memref<128xi32, #tpu.memory_space<vmem>>
        %dma_start3A_318 = arith.constant 0 : i32
        %dma_start3A_319 = arith.constant 0 : i32
        %dma_start3A_320 = tpu.memref_slice %arg10[%dma_start3A_318, %dma_start3A_319] : memref<10112x128xf32, #tpu.memory_space<vmem_shared>> -> memref<10112x128xf32, #tpu.memory_space<vmem_shared>>
        tpu.enqueue_indirect_dma source(%arg8 : memref<128x128xf32, #tpu.memory_space<vmem>>) target(%dma_start3A_320 : memref<10112x128xf32, #tpu.memory_space<vmem_shared>>) offsets(%dma_start3A_317 : memref<128xi32, #tpu.memory_space<vmem>>) semaphore(%run_scoped3A_314 : memref<!tpu.dma_semaphore, #tpu.memory_space<semaphore_mem>>) {add = true}
        %dma_wait3A_321 = arith.constant 0 : i32
        %dma_wait3A_322 = tpu.memref_slice %arg7[%run_scoped3A, %dma_wait3A_321] : memref<2x128xi32, #tpu.memory_space<vmem>> -> memref<1x128xi32, #tpu.memory_space<vmem>>
        %dma_wait3A_323 = tpu.memref_squeeze %dma_wait3A_322 : memref<1x128xi32, #tpu.memory_space<vmem>> -> memref<128xi32, #tpu.memory_space<vmem>>
        %dma_wait3A_324 = arith.constant 0 : i32
        %dma_wait3A_325 = arith.constant 0 : i32
        %dma_wait3A_326 = tpu.memref_slice %arg10[%dma_wait3A_324, %dma_wait3A_325] : memref<10112x128xf32, #tpu.memory_space<vmem_shared>> -> memref<10112x128xf32, #tpu.memory_space<vmem_shared>>
        tpu.wait_indirect_dma semaphore(%run_scoped3A_314 : memref<!tpu.dma_semaphore, #tpu.memory_space<semaphore_mem>>) src(%arg8 : memref<128x128xf32, #tpu.memory_space<vmem>>) dst(%dma_wait3A_326 : memref<10112x128xf32, #tpu.memory_space<vmem_shared>>)
        tpu.yield
      }) : () -> ()
      %add3A_301 = arith.constant 2 : i32
      %add3A_302 = arith.addi %mul3A_292, %add3A_301 : i32
      %lt3A_303 = arith.cmpi slt, %add3A_302, %select_n3A : i32
      %convert_element_type3A_304 = arith.extui %lt3A_303 : i1 to i32
      %cond3A_305 = arith.constant 0 : i32
      %cond3A_306 = arith.cmpi ne, %convert_element_type3A_304, %cond3A_305 : i32
      scf.if %cond3A_306 {
        %add3A_314 = arith.constant 2 : i32
        %add3A_315 = arith.addi %mul3A_292, %add3A_314 : i32
        %get3A_316 = arith.index_cast %add3A_315 : i32 to index
        %get3A_317 = arith.constant 0 : index
        %get3A_318 = tpu.vector_load %arg5[%get3A_316, %get3A_317] {strides = array<i32>} : memref<112x128xi32, #tpu.memory_space<vmem>>, vector<1x16xi32>,
        %get3A_319 = vector.shape_cast %get3A_318 : vector<1x16xi32> to vector<16xi32>
        %shift_right_logical3A_320 = arith.constant 14 : i32
        %shift_right_logical3A_321 = vector.broadcast %shift_right_logical3A_320 : i32 to vector<16xi32>
        %shift_right_logical3A_322 = arith.shrui %get3A_319, %shift_right_logical3A_321 : vector<16xi32>
        %swap3A_323 = arith.constant 0 : i32
        %swap3A_324 = arith.index_cast %swap3A_323 : i32 to index
        %swap3A_325 = arith.constant 0 : index
        %swap3A_326 = tpu.vector_load %arg6[%swap3A_324, %swap3A_325] {strides = array<i32>} : memref<2x128xi32, #tpu.memory_space<vmem>>, vector<1x16xi32>,
        %swap3A_327 = vector.shape_cast %swap3A_326 : vector<1x16xi32> to vector<16xi32>
        %swap3A_328 = vector.shape_cast %shift_right_logical3A_322 : vector<16xi32> to vector<1x16xi32>
        tpu.vector_store %arg6[%swap3A_324, %swap3A_325], %swap3A_328 {strides = array<i32>} : memref<2x128xi32, #tpu.memory_space<vmem>>, vector<1x16xi32>,
        %and3A_329 = arith.constant 16383 : i32
        %and3A_330 = vector.broadcast %and3A_329 : i32 to vector<16xi32>
        %and3A_331 = arith.andi %get3A_319, %and3A_330 : vector<16xi32>
        %swap3A_332 = arith.constant 0 : i32
        %swap3A_333 = arith.index_cast %swap3A_332 : i32 to index
        %swap3A_334 = arith.constant 0 : index
        %swap3A_335 = tpu.vector_load %arg7[%swap3A_333, %swap3A_334] {strides = array<i32>} : memref<2x128xi32, #tpu.memory_space<vmem>>, vector<1x16xi32>,
        %swap3A_336 = vector.shape_cast %swap3A_335 : vector<1x16xi32> to vector<16xi32>
        %swap3A_337 = vector.shape_cast %and3A_331 : vector<16xi32> to vector<1x16xi32>
        tpu.vector_store %arg7[%swap3A_333, %swap3A_334], %swap3A_337 {strides = array<i32>} : memref<2x128xi32, #tpu.memory_space<vmem>>, vector<1x16xi32>,
        %get3A_338 = arith.index_cast %add3A_315 : i32 to index
        %get3A_339 = arith.constant 16 : index
        %get3A_340 = tpu.vector_load %arg5[%get3A_338, %get3A_339] {strides = array<i32>} : memref<112x128xi32, #tpu.memory_space<vmem>>, vector<1x16xi32>,
        %get3A_341 = vector.shape_cast %get3A_340 : vector<1x16xi32> to vector<16xi32>
        %shift_right_logical3A_342 = arith.constant 14 : i32
        %shift_right_logical3A_343 = vector.broadcast %shift_right_logical3A_342 : i32 to vector<16xi32>
        %shift_right_logical3A_344 = arith.shrui %get3A_341, %shift_right_logical3A_343 : vector<16xi32>
        %swap3A_345 = arith.constant 0 : i32
        %swap3A_346 = arith.index_cast %swap3A_345 : i32 to index
        %swap3A_347 = arith.constant 16 : index
        %swap3A_348 = tpu.vector_load %arg6[%swap3A_346, %swap3A_347] {strides = array<i32>} : memref<2x128xi32, #tpu.memory_space<vmem>>, vector<1x16xi32>,
        %swap3A_349 = vector.shape_cast %swap3A_348 : vector<1x16xi32> to vector<16xi32>
        %swap3A_350 = vector.shape_cast %shift_right_logical3A_344 : vector<16xi32> to vector<1x16xi32>
        tpu.vector_store %arg6[%swap3A_346, %swap3A_347], %swap3A_350 {strides = array<i32>} : memref<2x128xi32, #tpu.memory_space<vmem>>, vector<1x16xi32>,
        %and3A_351 = arith.constant 16383 : i32
        %and3A_352 = vector.broadcast %and3A_351 : i32 to vector<16xi32>
        %and3A_353 = arith.andi %get3A_341, %and3A_352 : vector<16xi32>
        %swap3A_354 = arith.constant 0 : i32
        %swap3A_355 = arith.index_cast %swap3A_354 : i32 to index
        %swap3A_356 = arith.constant 16 : index
        %swap3A_357 = tpu.vector_load %arg7[%swap3A_355, %swap3A_356] {strides = array<i32>} : memref<2x128xi32, #tpu.memory_space<vmem>>, vector<1x16xi32>,
        %swap3A_358 = vector.shape_cast %swap3A_357 : vector<1x16xi32> to vector<16xi32>
        %swap3A_359 = vector.shape_cast %and3A_353 : vector<16xi32> to vector<1x16xi32>
        tpu.vector_store %arg7[%swap3A_355, %swap3A_356], %swap3A_359 {strides = array<i32>} : memref<2x128xi32, #tpu.memory_space<vmem>>, vector<1x16xi32>,
        %get3A_360 = arith.index_cast %add3A_315 : i32 to index
        %get3A_361 = arith.constant 32 : index
        %get3A_362 = tpu.vector_load %arg5[%get3A_360, %get3A_361] {strides = array<i32>} : memref<112x128xi32, #tpu.memory_space<vmem>>, vector<1x16xi32>,
        %get3A_363 = vector.shape_cast %get3A_362 : vector<1x16xi32> to vector<16xi32>
        %shift_right_logical3A_364 = arith.constant 14 : i32
        %shift_right_logical3A_365 = vector.broadcast %shift_right_logical3A_364 : i32 to vector<16xi32>
        %shift_right_logical3A_366 = arith.shrui %get3A_363, %shift_right_logical3A_365 : vector<16xi32>
        %swap3A_367 = arith.constant 0 : i32
        %swap3A_368 = arith.index_cast %swap3A_367 : i32 to index
        %swap3A_369 = arith.constant 32 : index
        %swap3A_370 = tpu.vector_load %arg6[%swap3A_368, %swap3A_369] {strides = array<i32>} : memref<2x128xi32, #tpu.memory_space<vmem>>, vector<1x16xi32>,
        %swap3A_371 = vector.shape_cast %swap3A_370 : vector<1x16xi32> to vector<16xi32>
        %swap3A_372 = vector.shape_cast %shift_right_logical3A_366 : vector<16xi32> to vector<1x16xi32>
        tpu.vector_store %arg6[%swap3A_368, %swap3A_369], %swap3A_372 {strides = array<i32>} : memref<2x128xi32, #tpu.memory_space<vmem>>, vector<1x16xi32>,
        %and3A_373 = arith.constant 16383 : i32
        %and3A_374 = vector.broadcast %and3A_373 : i32 to vector<16xi32>
        %and3A_375 = arith.andi %get3A_363, %and3A_374 : vector<16xi32>
        %swap3A_376 = arith.constant 0 : i32
        %swap3A_377 = arith.index_cast %swap3A_376 : i32 to index
        %swap3A_378 = arith.constant 32 : index
        %swap3A_379 = tpu.vector_load %arg7[%swap3A_377, %swap3A_378] {strides = array<i32>} : memref<2x128xi32, #tpu.memory_space<vmem>>, vector<1x16xi32>,
        %swap3A_380 = vector.shape_cast %swap3A_379 : vector<1x16xi32> to vector<16xi32>
        %swap3A_381 = vector.shape_cast %and3A_375 : vector<16xi32> to vector<1x16xi32>
        tpu.vector_store %arg7[%swap3A_377, %swap3A_378], %swap3A_381 {strides = array<i32>} : memref<2x128xi32, #tpu.memory_space<vmem>>, vector<1x16xi32>,
        %get3A_382 = arith.index_cast %add3A_315 : i32 to index
        %get3A_383 = arith.constant 48 : index
        %get3A_384 = tpu.vector_load %arg5[%get3A_382, %get3A_383] {strides = array<i32>} : memref<112x128xi32, #tpu.memory_space<vmem>>, vector<1x16xi32>,
        %get3A_385 = vector.shape_cast %get3A_384 : vector<1x16xi32> to vector<16xi32>
        %shift_right_logical3A_386 = arith.constant 14 : i32
        %shift_right_logical3A_387 = vector.broadcast %shift_right_logical3A_386 : i32 to vector<16xi32>
        %shift_right_logical3A_388 = arith.shrui %get3A_385, %shift_right_logical3A_387 : vector<16xi32>
        %swap3A_389 = arith.constant 0 : i32
        %swap3A_390 = arith.index_cast %swap3A_389 : i32 to index
        %swap3A_391 = arith.constant 48 : index
        %swap3A_392 = tpu.vector_load %arg6[%swap3A_390, %swap3A_391] {strides = array<i32>} : memref<2x128xi32, #tpu.memory_space<vmem>>, vector<1x16xi32>,
        %swap3A_393 = vector.shape_cast %swap3A_392 : vector<1x16xi32> to vector<16xi32>
        %swap3A_394 = vector.shape_cast %shift_right_logical3A_388 : vector<16xi32> to vector<1x16xi32>
        tpu.vector_store %arg6[%swap3A_390, %swap3A_391], %swap3A_394 {strides = array<i32>} : memref<2x128xi32, #tpu.memory_space<vmem>>, vector<1x16xi32>,
        %and3A_395 = arith.constant 16383 : i32
        %and3A_396 = vector.broadcast %and3A_395 : i32 to vector<16xi32>
        %and3A_397 = arith.andi %get3A_385, %and3A_396 : vector<16xi32>
        %swap3A_398 = arith.constant 0 : i32
        %swap3A_399 = arith.index_cast %swap3A_398 : i32 to index
        %swap3A_400 = arith.constant 48 : index
        %swap3A_401 = tpu.vector_load %arg7[%swap3A_399, %swap3A_400] {strides = array<i32>} : memref<2x128xi32, #tpu.memory_space<vmem>>, vector<1x16xi32>,
        %swap3A_402 = vector.shape_cast %swap3A_401 : vector<1x16xi32> to vector<16xi32>
        %swap3A_403 = vector.shape_cast %and3A_397 : vector<16xi32> to vector<1x16xi32>
        tpu.vector_store %arg7[%swap3A_399, %swap3A_400], %swap3A_403 {strides = array<i32>} : memref<2x128xi32, #tpu.memory_space<vmem>>, vector<1x16xi32>,
        %get3A_404 = arith.index_cast %add3A_315 : i32 to index
        %get3A_405 = arith.constant 64 : index
        %get3A_406 = tpu.vector_load %arg5[%get3A_404, %get3A_405] {strides = array<i32>} : memref<112x128xi32, #tpu.memory_space<vmem>>, vector<1x16xi32>,
        %get3A_407 = vector.shape_cast %get3A_406 : vector<1x16xi32> to vector<16xi32>
        %shift_right_logical3A_408 = arith.constant 14 : i32
        %shift_right_logical3A_409 = vector.broadcast %shift_right_logical3A_408 : i32 to vector<16xi32>
        %shift_right_logical3A_410 = arith.shrui %get3A_407, %shift_right_logical3A_409 : vector<16xi32>
        %swap3A_411 = arith.constant 0 : i32
        %swap3A_412 = arith.index_cast %swap3A_411 : i32 to index
        %swap3A_413 = arith.constant 64 : index
        %swap3A_414 = tpu.vector_load %arg6[%swap3A_412, %swap3A_413] {strides = array<i32>} : memref<2x128xi32, #tpu.memory_space<vmem>>, vector<1x16xi32>,
        %swap3A_415 = vector.shape_cast %swap3A_414 : vector<1x16xi32> to vector<16xi32>
        %swap3A_416 = vector.shape_cast %shift_right_logical3A_410 : vector<16xi32> to vector<1x16xi32>
        tpu.vector_store %arg6[%swap3A_412, %swap3A_413], %swap3A_416 {strides = array<i32>} : memref<2x128xi32, #tpu.memory_space<vmem>>, vector<1x16xi32>,
        %and3A_417 = arith.constant 16383 : i32
        %and3A_418 = vector.broadcast %and3A_417 : i32 to vector<16xi32>
        %and3A_419 = arith.andi %get3A_407, %and3A_418 : vector<16xi32>
        %swap3A_420 = arith.constant 0 : i32
        %swap3A_421 = arith.index_cast %swap3A_420 : i32 to index
        %swap3A_422 = arith.constant 64 : index
        %swap3A_423 = tpu.vector_load %arg7[%swap3A_421, %swap3A_422] {strides = array<i32>} : memref<2x128xi32, #tpu.memory_space<vmem>>, vector<1x16xi32>,
        %swap3A_424 = vector.shape_cast %swap3A_423 : vector<1x16xi32> to vector<16xi32>
        %swap3A_425 = vector.shape_cast %and3A_419 : vector<16xi32> to vector<1x16xi32>
        tpu.vector_store %arg7[%swap3A_421, %swap3A_422], %swap3A_425 {strides = array<i32>} : memref<2x128xi32, #tpu.memory_space<vmem>>, vector<1x16xi32>,
        %get3A_426 = arith.index_cast %add3A_315 : i32 to index
        %get3A_427 = arith.constant 80 : index
        %get3A_428 = tpu.vector_load %arg5[%get3A_426, %get3A_427] {strides = array<i32>} : memref<112x128xi32, #tpu.memory_space<vmem>>, vector<1x16xi32>,
        %get3A_429 = vector.shape_cast %get3A_428 : vector<1x16xi32> to vector<16xi32>
        %shift_right_logical3A_430 = arith.constant 14 : i32
        %shift_right_logical3A_431 = vector.broadcast %shift_right_logical3A_430 : i32 to vector<16xi32>
        %shift_right_logical3A_432 = arith.shrui %get3A_429, %shift_right_logical3A_431 : vector<16xi32>
        %swap3A_433 = arith.constant 0 : i32
        %swap3A_434 = arith.index_cast %swap3A_433 : i32 to index
        %swap3A_435 = arith.constant 80 : index
        %swap3A_436 = tpu.vector_load %arg6[%swap3A_434, %swap3A_435] {strides = array<i32>} : memref<2x128xi32, #tpu.memory_space<vmem>>, vector<1x16xi32>,
        %swap3A_437 = vector.shape_cast %swap3A_436 : vector<1x16xi32> to vector<16xi32>
        %swap3A_438 = vector.shape_cast %shift_right_logical3A_432 : vector<16xi32> to vector<1x16xi32>
        tpu.vector_store %arg6[%swap3A_434, %swap3A_435], %swap3A_438 {strides = array<i32>} : memref<2x128xi32, #tpu.memory_space<vmem>>, vector<1x16xi32>,
        %and3A_439 = arith.constant 16383 : i32
        %and3A_440 = vector.broadcast %and3A_439 : i32 to vector<16xi32>
        %and3A_441 = arith.andi %get3A_429, %and3A_440 : vector<16xi32>
        %swap3A_442 = arith.constant 0 : i32
        %swap3A_443 = arith.index_cast %swap3A_442 : i32 to index
        %swap3A_444 = arith.constant 80 : index
        %swap3A_445 = tpu.vector_load %arg7[%swap3A_443, %swap3A_444] {strides = array<i32>} : memref<2x128xi32, #tpu.memory_space<vmem>>, vector<1x16xi32>,
        %swap3A_446 = vector.shape_cast %swap3A_445 : vector<1x16xi32> to vector<16xi32>
        %swap3A_447 = vector.shape_cast %and3A_441 : vector<16xi32> to vector<1x16xi32>
        tpu.vector_store %arg7[%swap3A_443, %swap3A_444], %swap3A_447 {strides = array<i32>} : memref<2x128xi32, #tpu.memory_space<vmem>>, vector<1x16xi32>,
        %get3A_448 = arith.index_cast %add3A_315 : i32 to index
        %get3A_449 = arith.constant 96 : index
        %get3A_450 = tpu.vector_load %arg5[%get3A_448, %get3A_449] {strides = array<i32>} : memref<112x128xi32, #tpu.memory_space<vmem>>, vector<1x16xi32>,
        %get3A_451 = vector.shape_cast %get3A_450 : vector<1x16xi32> to vector<16xi32>
        %shift_right_logical3A_452 = arith.constant 14 : i32
        %shift_right_logical3A_453 = vector.broadcast %shift_right_logical3A_452 : i32 to vector<16xi32>
        %shift_right_logical3A_454 = arith.shrui %get3A_451, %shift_right_logical3A_453 : vector<16xi32>
        %swap3A_455 = arith.constant 0 : i32
        %swap3A_456 = arith.index_cast %swap3A_455 : i32 to index
        %swap3A_457 = arith.constant 96 : index
        %swap3A_458 = tpu.vector_load %arg6[%swap3A_456, %swap3A_457] {strides = array<i32>} : memref<2x128xi32, #tpu.memory_space<vmem>>, vector<1x16xi32>,
        %swap3A_459 = vector.shape_cast %swap3A_458 : vector<1x16xi32> to vector<16xi32>
        %swap3A_460 = vector.shape_cast %shift_right_logical3A_454 : vector<16xi32> to vector<1x16xi32>
        tpu.vector_store %arg6[%swap3A_456, %swap3A_457], %swap3A_460 {strides = array<i32>} : memref<2x128xi32, #tpu.memory_space<vmem>>, vector<1x16xi32>,
        %and3A_461 = arith.constant 16383 : i32
        %and3A_462 = vector.broadcast %and3A_461 : i32 to vector<16xi32>
        %and3A_463 = arith.andi %get3A_451, %and3A_462 : vector<16xi32>
        %swap3A_464 = arith.constant 0 : i32
        %swap3A_465 = arith.index_cast %swap3A_464 : i32 to index
        %swap3A_466 = arith.constant 96 : index
        %swap3A_467 = tpu.vector_load %arg7[%swap3A_465, %swap3A_466] {strides = array<i32>} : memref<2x128xi32, #tpu.memory_space<vmem>>, vector<1x16xi32>,
        %swap3A_468 = vector.shape_cast %swap3A_467 : vector<1x16xi32> to vector<16xi32>
        %swap3A_469 = vector.shape_cast %and3A_463 : vector<16xi32> to vector<1x16xi32>
        tpu.vector_store %arg7[%swap3A_465, %swap3A_466], %swap3A_469 {strides = array<i32>} : memref<2x128xi32, #tpu.memory_space<vmem>>, vector<1x16xi32>,
        %get3A_470 = arith.index_cast %add3A_315 : i32 to index
        %get3A_471 = arith.constant 112 : index
        %get3A_472 = tpu.vector_load %arg5[%get3A_470, %get3A_471] {strides = array<i32>} : memref<112x128xi32, #tpu.memory_space<vmem>>, vector<1x16xi32>,
        %get3A_473 = vector.shape_cast %get3A_472 : vector<1x16xi32> to vector<16xi32>
        %shift_right_logical3A_474 = arith.constant 14 : i32
        %shift_right_logical3A_475 = vector.broadcast %shift_right_logical3A_474 : i32 to vector<16xi32>
        %shift_right_logical3A_476 = arith.shrui %get3A_473, %shift_right_logical3A_475 : vector<16xi32>
        %swap3A_477 = arith.constant 0 : i32
        %swap3A_478 = arith.index_cast %swap3A_477 : i32 to index
        %swap3A_479 = arith.constant 112 : index
        %swap3A_480 = tpu.vector_load %arg6[%swap3A_478, %swap3A_479] {strides = array<i32>} : memref<2x128xi32, #tpu.memory_space<vmem>>, vector<1x16xi32>,
        %swap3A_481 = vector.shape_cast %swap3A_480 : vector<1x16xi32> to vector<16xi32>
        %swap3A_482 = vector.shape_cast %shift_right_logical3A_476 : vector<16xi32> to vector<1x16xi32>
        tpu.vector_store %arg6[%swap3A_478, %swap3A_479], %swap3A_482 {strides = array<i32>} : memref<2x128xi32, #tpu.memory_space<vmem>>, vector<1x16xi32>,
        %and3A_483 = arith.constant 16383 : i32
        %and3A_484 = vector.broadcast %and3A_483 : i32 to vector<16xi32>
        %and3A_485 = arith.andi %get3A_473, %and3A_484 : vector<16xi32>
        %swap3A_486 = arith.constant 0 : i32
        %swap3A_487 = arith.index_cast %swap3A_486 : i32 to index
        %swap3A_488 = arith.constant 112 : index
        %swap3A_489 = tpu.vector_load %arg7[%swap3A_487, %swap3A_488] {strides = array<i32>} : memref<2x128xi32, #tpu.memory_space<vmem>>, vector<1x16xi32>,
        %swap3A_490 = vector.shape_cast %swap3A_489 : vector<1x16xi32> to vector<16xi32>
        %swap3A_491 = vector.shape_cast %and3A_485 : vector<16xi32> to vector<1x16xi32>
        tpu.vector_store %arg7[%swap3A_487, %swap3A_488], %swap3A_491 {strides = array<i32>} : memref<2x128xi32, #tpu.memory_space<vmem>>, vector<1x16xi32>,
        %dma_start3A_492 = arith.constant 0 : i32
        %dma_start3A_493 = arith.constant 0 : i32
        %dma_start3A_494 = tpu.memref_slice %arg6[%dma_start3A_492, %dma_start3A_493] : memref<2x128xi32, #tpu.memory_space<vmem>> -> memref<1x128xi32, #tpu.memory_space<vmem>>
        %dma_start3A_495 = tpu.memref_squeeze %dma_start3A_494 : memref<1x128xi32, #tpu.memory_space<vmem>> -> memref<128xi32, #tpu.memory_space<vmem>>
        %dma_start3A_496 = arith.constant 0 : i32
        %dma_start3A_497 = arith.constant 0 : i32
        %dma_start3A_498 = tpu.memref_slice %arg2[%dma_start3A_496, %dma_start3A_497] : memref<10000x128xf32, #tpu.memory_space<hbm>> -> memref<10000x128xf32, #tpu.memory_space<hbm>>
        tpu.enqueue_indirect_dma source(%dma_start3A_498 : memref<10000x128xf32, #tpu.memory_space<hbm>>) target(%arg8 : memref<128x128xf32, #tpu.memory_space<vmem>>) offsets(%dma_start3A_495 : memref<128xi32, #tpu.memory_space<vmem>>) semaphore(%arg11 : memref<!tpu.dma_semaphore, #tpu.memory_space<semaphore_mem>>)
      } else {
      }
      %add3A_307 = arith.constant 1 : i32
      %add3A_308 = arith.addi %mul3A_292, %add3A_307 : i32
      %lt3A_309 = arith.cmpi slt, %add3A_308, %select_n3A : i32
      %convert_element_type3A_310 = arith.extui %lt3A_309 : i1 to i32
      %cond3A_311 = arith.constant 0 : i32
      %cond3A_312 = arith.cmpi ne, %convert_element_type3A_310, %cond3A_311 : i32
      scf.if %cond3A_312 {
        %dma_wait3A_314 = arith.constant 0 : i32
        %dma_wait3A_315 = arith.constant 0 : i32
        %dma_wait3A_316 = tpu.memref_slice %arg2[%dma_wait3A_314, %dma_wait3A_315] : memref<10000x128xf32, #tpu.memory_space<hbm>> -> memref<128x128xf32, #tpu.memory_space<hbm>>
        %dma_wait3A_317 = arith.constant 0 : i32
        %dma_wait3A_318 = arith.constant 0 : i32
        %dma_wait3A_319 = tpu.memref_slice %arg2[%dma_wait3A_317, %dma_wait3A_318] : memref<10000x128xf32, #tpu.memory_space<hbm>> -> memref<128x128xf32, #tpu.memory_space<hbm>>
        tpu.wait_dma2 semaphore(%arg12 : memref<!tpu.dma_semaphore, #tpu.memory_space<semaphore_mem>>) src(%dma_wait3A_319 : memref<128x128xf32, #tpu.memory_space<hbm>>) dst(%arg9 : memref<128x128xf32, #tpu.memory_space<vmem>>)
        %run_scoped3A_320 = arith.constant 1 : i32
        "tpu.region"() ({
          %run_scoped3A_321 = tpu.sem_alloc : memref<!tpu.dma_semaphore, #tpu.memory_space<semaphore_mem>>
          %dma_start3A_322 = arith.constant 0 : i32
          %dma_start3A_323 = tpu.memref_slice %arg7[%run_scoped3A_320, %dma_start3A_322] : memref<2x128xi32, #tpu.memory_space<vmem>> -> memref<1x128xi32, #tpu.memory_space<vmem>>
          %dma_start3A_324 = tpu.memref_squeeze %dma_start3A_323 : memref<1x128xi32, #tpu.memory_space<vmem>> -> memref<128xi32, #tpu.memory_space<vmem>>
          %dma_start3A_325 = arith.constant 0 : i32
          %dma_start3A_326 = arith.constant 0 : i32
          %dma_start3A_327 = tpu.memref_slice %arg10[%dma_start3A_325, %dma_start3A_326] : memref<10112x128xf32, #tpu.memory_space<vmem_shared>> -> memref<10112x128xf32, #tpu.memory_space<vmem_shared>>
          tpu.enqueue_indirect_dma source(%arg9 : memref<128x128xf32, #tpu.memory_space<vmem>>) target(%dma_start3A_327 : memref<10112x128xf32, #tpu.memory_space<vmem_shared>>) offsets(%dma_start3A_324 : memref<128xi32, #tpu.memory_space<vmem>>) semaphore(%run_scoped3A_321 : memref<!tpu.dma_semaphore, #tpu.memory_space<semaphore_mem>>) {add = true}
          %dma_wait3A_328 = arith.constant 0 : i32
          %dma_wait3A_329 = tpu.memref_slice %arg7[%run_scoped3A_320, %dma_wait3A_328] : memref<2x128xi32, #tpu.memory_space<vmem>> -> memref<1x128xi32, #tpu.memory_space<vmem>>
          %dma_wait3A_330 = tpu.memref_squeeze %dma_wait3A_329 : memref<1x128xi32, #tpu.memory_space<vmem>> -> memref<128xi32, #tpu.memory_space<vmem>>
          %dma_wait3A_331 = arith.constant 0 : i32
          %dma_wait3A_332 = arith.constant 0 : i32
          %dma_wait3A_333 = tpu.memref_slice %arg10[%dma_wait3A_331, %dma_wait3A_332] : memref<10112x128xf32, #tpu.memory_space<vmem_shared>> -> memref<10112x128xf32, #tpu.memory_space<vmem_shared>>
          tpu.wait_indirect_dma semaphore(%run_scoped3A_321 : memref<!tpu.dma_semaphore, #tpu.memory_space<semaphore_mem>>) src(%arg9 : memref<128x128xf32, #tpu.memory_space<vmem>>) dst(%dma_wait3A_333 : memref<10112x128xf32, #tpu.memory_space<vmem_shared>>)
          tpu.yield
        }) : () -> ()
      } else {
      }
      %while3A_313 = arith.constant 0 : i32
      scf.yield %while3A_313 : i32
    }
    %while3A_246 = arith.constant 1 : i32
    %while3A_247 = scf.for %while3A_289 = %while3A_243 to %while3A_239 step %while3A_246 iter_args(%while3A_290 = %while3A_245) -> (i32)  : i32 {
      %mul3A_291 = arith.constant 2 : i32
      %mul3A_292 = arith.muli %mul3A_291, %while3A_289 : i32
      %add3A_293 = arith.constant 1 : i32
      %add3A_294 = arith.addi %mul3A_292, %add3A_293 : i32
      %lt3A = arith.cmpi slt, %add3A_294, %select_n3A : i32
      %convert_element_type3A = arith.extui %lt3A : i1 to i32
      %cond3A = arith.constant 0 : i32
      %cond3A_295 = arith.cmpi ne, %convert_element_type3A, %cond3A : i32
      scf.if %cond3A_295 {
        %add3A_314 = arith.constant 1 : i32
        %add3A_315 = arith.addi %mul3A_292, %add3A_314 : i32
        %get3A_316 = arith.index_cast %add3A_315 : i32 to index
        %get3A_317 = arith.constant 0 : index
        %get3A_318 = tpu.vector_load %arg5[%get3A_316, %get3A_317] {strides = array<i32>} : memref<112x128xi32, #tpu.memory_space<vmem>>, vector<1x16xi32>,
        %get3A_319 = vector.shape_cast %get3A_318 : vector<1x16xi32> to vector<16xi32>
        %shift_right_logical3A_320 = arith.constant 14 : i32
        %shift_right_logical3A_321 = vector.broadcast %shift_right_logical3A_320 : i32 to vector<16xi32>
        %shift_right_logical3A_322 = arith.shrui %get3A_319, %shift_right_logical3A_321 : vector<16xi32>
        %swap3A_323 = arith.constant 1 : i32
        %swap3A_324 = arith.index_cast %swap3A_323 : i32 to index
        %swap3A_325 = arith.constant 0 : index
        %swap3A_326 = tpu.vector_load %arg6[%swap3A_324, %swap3A_325] {strides = array<i32>} : memref<2x128xi32, #tpu.memory_space<vmem>>, vector<1x16xi32>,
        %swap3A_327 = vector.shape_cast %swap3A_326 : vector<1x16xi32> to vector<16xi32>
        %swap3A_328 = vector.shape_cast %shift_right_logical3A_322 : vector<16xi32> to vector<1x16xi32>
        tpu.vector_store %arg6[%swap3A_324, %swap3A_325], %swap3A_328 {strides = array<i32>} : memref<2x128xi32, #tpu.memory_space<vmem>>, vector<1x16xi32>,
        %and3A_329 = arith.constant 16383 : i32
        %and3A_330 = vector.broadcast %and3A_329 : i32 to vector<16xi32>
        %and3A_331 = arith.andi %get3A_319, %and3A_330 : vector<16xi32>
        %swap3A_332 = arith.constant 1 : i32
        %swap3A_333 = arith.index_cast %swap3A_332 : i32 to index
        %swap3A_334 = arith.constant 0 : index
        %swap3A_335 = tpu.vector_load %arg7[%swap3A_333, %swap3A_334] {strides = array<i32>} : memref<2x128xi32, #tpu.memory_space<vmem>>, vector<1x16xi32>,
        %swap3A_336 = vector.shape_cast %swap3A_335 : vector<1x16xi32> to vector<16xi32>
        %swap3A_337 = vector.shape_cast %and3A_331 : vector<16xi32> to vector<1x16xi32>
        tpu.vector_store %arg7[%swap3A_333, %swap3A_334], %swap3A_337 {strides = array<i32>} : memref<2x128xi32, #tpu.memory_space<vmem>>, vector<1x16xi32>,
        %get3A_338 = arith.index_cast %add3A_315 : i32 to index
        %get3A_339 = arith.constant 16 : index
        %get3A_340 = tpu.vector_load %arg5[%get3A_338, %get3A_339] {strides = array<i32>} : memref<112x128xi32, #tpu.memory_space<vmem>>, vector<1x16xi32>,
        %get3A_341 = vector.shape_cast %get3A_340 : vector<1x16xi32> to vector<16xi32>
        %shift_right_logical3A_342 = arith.constant 14 : i32
        %shift_right_logical3A_343 = vector.broadcast %shift_right_logical3A_342 : i32 to vector<16xi32>
        %shift_right_logical3A_344 = arith.shrui %get3A_341, %shift_right_logical3A_343 : vector<16xi32>
        %swap3A_345 = arith.constant 1 : i32
        %swap3A_346 = arith.index_cast %swap3A_345 : i32 to index
        %swap3A_347 = arith.constant 16 : index
        %swap3A_348 = tpu.vector_load %arg6[%swap3A_346, %swap3A_347] {strides = array<i32>} : memref<2x128xi32, #tpu.memory_space<vmem>>, vector<1x16xi32>,
        %swap3A_349 = vector.shape_cast %swap3A_348 : vector<1x16xi32> to vector<16xi32>
        %swap3A_350 = vector.shape_cast %shift_right_logical3A_344 : vector<16xi32> to vector<1x16xi32>
        tpu.vector_store %arg6[%swap3A_346, %swap3A_347], %swap3A_350 {strides = array<i32>} : memref<2x128xi32, #tpu.memory_space<vmem>>, vector<1x16xi32>,
        %and3A_351 = arith.constant 16383 : i32
        %and3A_352 = vector.broadcast %and3A_351 : i32 to vector<16xi32>
        %and3A_353 = arith.andi %get3A_341, %and3A_352 : vector<16xi32>
        %swap3A_354 = arith.constant 1 : i32
        %swap3A_355 = arith.index_cast %swap3A_354 : i32 to index
        %swap3A_356 = arith.constant 16 : index
        %swap3A_357 = tpu.vector_load %arg7[%swap3A_355, %swap3A_356] {strides = array<i32>} : memref<2x128xi32, #tpu.memory_space<vmem>>, vector<1x16xi32>,
        %swap3A_358 = vector.shape_cast %swap3A_357 : vector<1x16xi32> to vector<16xi32>
        %swap3A_359 = vector.shape_cast %and3A_353 : vector<16xi32> to vector<1x16xi32>
        tpu.vector_store %arg7[%swap3A_355, %swap3A_356], %swap3A_359 {strides = array<i32>} : memref<2x128xi32, #tpu.memory_space<vmem>>, vector<1x16xi32>,
        %get3A_360 = arith.index_cast %add3A_315 : i32 to index
        %get3A_361 = arith.constant 32 : index
        %get3A_362 = tpu.vector_load %arg5[%get3A_360, %get3A_361] {strides = array<i32>} : memref<112x128xi32, #tpu.memory_space<vmem>>, vector<1x16xi32>,
        %get3A_363 = vector.shape_cast %get3A_362 : vector<1x16xi32> to vector<16xi32>
        %shift_right_logical3A_364 = arith.constant 14 : i32
        %shift_right_logical3A_365 = vector.broadcast %shift_right_logical3A_364 : i32 to vector<16xi32>
        %shift_right_logical3A_366 = arith.shrui %get3A_363, %shift_right_logical3A_365 : vector<16xi32>
        %swap3A_367 = arith.constant 1 : i32
        %swap3A_368 = arith.index_cast %swap3A_367 : i32 to index
        %swap3A_369 = arith.constant 32 : index
        %swap3A_370 = tpu.vector_load %arg6[%swap3A_368, %swap3A_369] {strides = array<i32>} : memref<2x128xi32, #tpu.memory_space<vmem>>, vector<1x16xi32>,
        %swap3A_371 = vector.shape_cast %swap3A_370 : vector<1x16xi32> to vector<16xi32>
        %swap3A_372 = vector.shape_cast %shift_right_logical3A_366 : vector<16xi32> to vector<1x16xi32>
        tpu.vector_store %arg6[%swap3A_368, %swap3A_369], %swap3A_372 {strides = array<i32>} : memref<2x128xi32, #tpu.memory_space<vmem>>, vector<1x16xi32>,
        %and3A_373 = arith.constant 16383 : i32
        %and3A_374 = vector.broadcast %and3A_373 : i32 to vector<16xi32>
        %and3A_375 = arith.andi %get3A_363, %and3A_374 : vector<16xi32>
        %swap3A_376 = arith.constant 1 : i32
        %swap3A_377 = arith.index_cast %swap3A_376 : i32 to index
        %swap3A_378 = arith.constant 32 : index
        %swap3A_379 = tpu.vector_load %arg7[%swap3A_377, %swap3A_378] {strides = array<i32>} : memref<2x128xi32, #tpu.memory_space<vmem>>, vector<1x16xi32>,
        %swap3A_380 = vector.shape_cast %swap3A_379 : vector<1x16xi32> to vector<16xi32>
        %swap3A_381 = vector.shape_cast %and3A_375 : vector<16xi32> to vector<1x16xi32>
        tpu.vector_store %arg7[%swap3A_377, %swap3A_378], %swap3A_381 {strides = array<i32>} : memref<2x128xi32, #tpu.memory_space<vmem>>, vector<1x16xi32>,
        %get3A_382 = arith.index_cast %add3A_315 : i32 to index
        %get3A_383 = arith.constant 48 : index
        %get3A_384 = tpu.vector_load %arg5[%get3A_382, %get3A_383] {strides = array<i32>} : memref<112x128xi32, #tpu.memory_space<vmem>>, vector<1x16xi32>,
        %get3A_385 = vector.shape_cast %get3A_384 : vector<1x16xi32> to vector<16xi32>
        %shift_right_logical3A_386 = arith.constant 14 : i32
        %shift_right_logical3A_387 = vector.broadcast %shift_right_logical3A_386 : i32 to vector<16xi32>
        %shift_right_logical3A_388 = arith.shrui %get3A_385, %shift_right_logical3A_387 : vector<16xi32>
        %swap3A_389 = arith.constant 1 : i32
        %swap3A_390 = arith.index_cast %swap3A_389 : i32 to index
        %swap3A_391 = arith.constant 48 : index
        %swap3A_392 = tpu.vector_load %arg6[%swap3A_390, %swap3A_391] {strides = array<i32>} : memref<2x128xi32, #tpu.memory_space<vmem>>, vector<1x16xi32>,
        %swap3A_393 = vector.shape_cast %swap3A_392 : vector<1x16xi32> to vector<16xi32>
        %swap3A_394 = vector.shape_cast %shift_right_logical3A_388 : vector<16xi32> to vector<1x16xi32>
        tpu.vector_store %arg6[%swap3A_390, %swap3A_391], %swap3A_394 {strides = array<i32>} : memref<2x128xi32, #tpu.memory_space<vmem>>, vector<1x16xi32>,
        %and3A_395 = arith.constant 16383 : i32
        %and3A_396 = vector.broadcast %and3A_395 : i32 to vector<16xi32>
        %and3A_397 = arith.andi %get3A_385, %and3A_396 : vector<16xi32>
        %swap3A_398 = arith.constant 1 : i32
        %swap3A_399 = arith.index_cast %swap3A_398 : i32 to index
        %swap3A_400 = arith.constant 48 : index
        %swap3A_401 = tpu.vector_load %arg7[%swap3A_399, %swap3A_400] {strides = array<i32>} : memref<2x128xi32, #tpu.memory_space<vmem>>, vector<1x16xi32>,
        %swap3A_402 = vector.shape_cast %swap3A_401 : vector<1x16xi32> to vector<16xi32>
        %swap3A_403 = vector.shape_cast %and3A_397 : vector<16xi32> to vector<1x16xi32>
        tpu.vector_store %arg7[%swap3A_399, %swap3A_400], %swap3A_403 {strides = array<i32>} : memref<2x128xi32, #tpu.memory_space<vmem>>, vector<1x16xi32>,
        %get3A_404 = arith.index_cast %add3A_315 : i32 to index
        %get3A_405 = arith.constant 64 : index
        %get3A_406 = tpu.vector_load %arg5[%get3A_404, %get3A_405] {strides = array<i32>} : memref<112x128xi32, #tpu.memory_space<vmem>>, vector<1x16xi32>,
        %get3A_407 = vector.shape_cast %get3A_406 : vector<1x16xi32> to vector<16xi32>
        %shift_right_logical3A_408 = arith.constant 14 : i32
        %shift_right_logical3A_409 = vector.broadcast %shift_right_logical3A_408 : i32 to vector<16xi32>
        %shift_right_logical3A_410 = arith.shrui %get3A_407, %shift_right_logical3A_409 : vector<16xi32>
        %swap3A_411 = arith.constant 1 : i32
        %swap3A_412 = arith.index_cast %swap3A_411 : i32 to index
        %swap3A_413 = arith.constant 64 : index
        %swap3A_414 = tpu.vector_load %arg6[%swap3A_412, %swap3A_413] {strides = array<i32>} : memref<2x128xi32, #tpu.memory_space<vmem>>, vector<1x16xi32>,
        %swap3A_415 = vector.shape_cast %swap3A_414 : vector<1x16xi32> to vector<16xi32>
        %swap3A_416 = vector.shape_cast %shift_right_logical3A_410 : vector<16xi32> to vector<1x16xi32>
        tpu.vector_store %arg6[%swap3A_412, %swap3A_413], %swap3A_416 {strides = array<i32>} : memref<2x128xi32, #tpu.memory_space<vmem>>, vector<1x16xi32>,
        %and3A_417 = arith.constant 16383 : i32
        %and3A_418 = vector.broadcast %and3A_417 : i32 to vector<16xi32>
        %and3A_419 = arith.andi %get3A_407, %and3A_418 : vector<16xi32>
        %swap3A_420 = arith.constant 1 : i32
        %swap3A_421 = arith.index_cast %swap3A_420 : i32 to index
        %swap3A_422 = arith.constant 64 : index
        %swap3A_423 = tpu.vector_load %arg7[%swap3A_421, %swap3A_422] {strides = array<i32>} : memref<2x128xi32, #tpu.memory_space<vmem>>, vector<1x16xi32>,
        %swap3A_424 = vector.shape_cast %swap3A_423 : vector<1x16xi32> to vector<16xi32>
        %swap3A_425 = vector.shape_cast %and3A_419 : vector<16xi32> to vector<1x16xi32>
        tpu.vector_store %arg7[%swap3A_421, %swap3A_422], %swap3A_425 {strides = array<i32>} : memref<2x128xi32, #tpu.memory_space<vmem>>, vector<1x16xi32>,
        %get3A_426 = arith.index_cast %add3A_315 : i32 to index
        %get3A_427 = arith.constant 80 : index
        %get3A_428 = tpu.vector_load %arg5[%get3A_426, %get3A_427] {strides = array<i32>} : memref<112x128xi32, #tpu.memory_space<vmem>>, vector<1x16xi32>,
        %get3A_429 = vector.shape_cast %get3A_428 : vector<1x16xi32> to vector<16xi32>
        %shift_right_logical3A_430 = arith.constant 14 : i32
        %shift_right_logical3A_431 = vector.broadcast %shift_right_logical3A_430 : i32 to vector<16xi32>
        %shift_right_logical3A_432 = arith.shrui %get3A_429, %shift_right_logical3A_431 : vector<16xi32>
        %swap3A_433 = arith.constant 1 : i32
        %swap3A_434 = arith.index_cast %swap3A_433 : i32 to index
        %swap3A_435 = arith.constant 80 : index
        %swap3A_436 = tpu.vector_load %arg6[%swap3A_434, %swap3A_435] {strides = array<i32>} : memref<2x128xi32, #tpu.memory_space<vmem>>, vector<1x16xi32>,
        %swap3A_437 = vector.shape_cast %swap3A_436 : vector<1x16xi32> to vector<16xi32>
        %swap3A_438 = vector.shape_cast %shift_right_logical3A_432 : vector<16xi32> to vector<1x16xi32>
        tpu.vector_store %arg6[%swap3A_434, %swap3A_435], %swap3A_438 {strides = array<i32>} : memref<2x128xi32, #tpu.memory_space<vmem>>, vector<1x16xi32>,
        %and3A_439 = arith.constant 16383 : i32
        %and3A_440 = vector.broadcast %and3A_439 : i32 to vector<16xi32>
        %and3A_441 = arith.andi %get3A_429, %and3A_440 : vector<16xi32>
        %swap3A_442 = arith.constant 1 : i32
        %swap3A_443 = arith.index_cast %swap3A_442 : i32 to index
        %swap3A_444 = arith.constant 80 : index
        %swap3A_445 = tpu.vector_load %arg7[%swap3A_443, %swap3A_444] {strides = array<i32>} : memref<2x128xi32, #tpu.memory_space<vmem>>, vector<1x16xi32>,
        %swap3A_446 = vector.shape_cast %swap3A_445 : vector<1x16xi32> to vector<16xi32>
        %swap3A_447 = vector.shape_cast %and3A_441 : vector<16xi32> to vector<1x16xi32>
        tpu.vector_store %arg7[%swap3A_443, %swap3A_444], %swap3A_447 {strides = array<i32>} : memref<2x128xi32, #tpu.memory_space<vmem>>, vector<1x16xi32>,
        %get3A_448 = arith.index_cast %add3A_315 : i32 to index
        %get3A_449 = arith.constant 96 : index
        %get3A_450 = tpu.vector_load %arg5[%get3A_448, %get3A_449] {strides = array<i32>} : memref<112x128xi32, #tpu.memory_space<vmem>>, vector<1x16xi32>,
        %get3A_451 = vector.shape_cast %get3A_450 : vector<1x16xi32> to vector<16xi32>
        %shift_right_logical3A_452 = arith.constant 14 : i32
        %shift_right_logical3A_453 = vector.broadcast %shift_right_logical3A_452 : i32 to vector<16xi32>
        %shift_right_logical3A_454 = arith.shrui %get3A_451, %shift_right_logical3A_453 : vector<16xi32>
        %swap3A_455 = arith.constant 1 : i32
        %swap3A_456 = arith.index_cast %swap3A_455 : i32 to index
        %swap3A_457 = arith.constant 96 : index
        %swap3A_458 = tpu.vector_load %arg6[%swap3A_456, %swap3A_457] {strides = array<i32>} : memref<2x128xi32, #tpu.memory_space<vmem>>, vector<1x16xi32>,
        %swap3A_459 = vector.shape_cast %swap3A_458 : vector<1x16xi32> to vector<16xi32>
        %swap3A_460 = vector.shape_cast %shift_right_logical3A_454 : vector<16xi32> to vector<1x16xi32>
        tpu.vector_store %arg6[%swap3A_456, %swap3A_457], %swap3A_460 {strides = array<i32>} : memref<2x128xi32, #tpu.memory_space<vmem>>, vector<1x16xi32>,
        %and3A_461 = arith.constant 16383 : i32
        %and3A_462 = vector.broadcast %and3A_461 : i32 to vector<16xi32>
        %and3A_463 = arith.andi %get3A_451, %and3A_462 : vector<16xi32>
        %swap3A_464 = arith.constant 1 : i32
        %swap3A_465 = arith.index_cast %swap3A_464 : i32 to index
        %swap3A_466 = arith.constant 96 : index
        %swap3A_467 = tpu.vector_load %arg7[%swap3A_465, %swap3A_466] {strides = array<i32>} : memref<2x128xi32, #tpu.memory_space<vmem>>, vector<1x16xi32>,
        %swap3A_468 = vector.shape_cast %swap3A_467 : vector<1x16xi32> to vector<16xi32>
        %swap3A_469 = vector.shape_cast %and3A_463 : vector<16xi32> to vector<1x16xi32>
        tpu.vector_store %arg7[%swap3A_465, %swap3A_466], %swap3A_469 {strides = array<i32>} : memref<2x128xi32, #tpu.memory_space<vmem>>, vector<1x16xi32>,
        %get3A_470 = arith.index_cast %add3A_315 : i32 to index
        %get3A_471 = arith.constant 112 : index
        %get3A_472 = tpu.vector_load %arg5[%get3A_470, %get3A_471] {strides = array<i32>} : memref<112x128xi32, #tpu.memory_space<vmem>>, vector<1x16xi32>,
        %get3A_473 = vector.shape_cast %get3A_472 : vector<1x16xi32> to vector<16xi32>
        %shift_right_logical3A_474 = arith.constant 14 : i32
        %shift_right_logical3A_475 = vector.broadcast %shift_right_logical3A_474 : i32 to vector<16xi32>
        %shift_right_logical3A_476 = arith.shrui %get3A_473, %shift_right_logical3A_475 : vector<16xi32>
        %swap3A_477 = arith.constant 1 : i32
        %swap3A_478 = arith.index_cast %swap3A_477 : i32 to index
        %swap3A_479 = arith.constant 112 : index
        %swap3A_480 = tpu.vector_load %arg6[%swap3A_478, %swap3A_479] {strides = array<i32>} : memref<2x128xi32, #tpu.memory_space<vmem>>, vector<1x16xi32>,
        %swap3A_481 = vector.shape_cast %swap3A_480 : vector<1x16xi32> to vector<16xi32>
        %swap3A_482 = vector.shape_cast %shift_right_logical3A_476 : vector<16xi32> to vector<1x16xi32>
        tpu.vector_store %arg6[%swap3A_478, %swap3A_479], %swap3A_482 {strides = array<i32>} : memref<2x128xi32, #tpu.memory_space<vmem>>, vector<1x16xi32>,
        %and3A_483 = arith.constant 16383 : i32
        %and3A_484 = vector.broadcast %and3A_483 : i32 to vector<16xi32>
        %and3A_485 = arith.andi %get3A_473, %and3A_484 : vector<16xi32>
        %swap3A_486 = arith.constant 1 : i32
        %swap3A_487 = arith.index_cast %swap3A_486 : i32 to index
        %swap3A_488 = arith.constant 112 : index
        %swap3A_489 = tpu.vector_load %arg7[%swap3A_487, %swap3A_488] {strides = array<i32>} : memref<2x128xi32, #tpu.memory_space<vmem>>, vector<1x16xi32>,
        %swap3A_490 = vector.shape_cast %swap3A_489 : vector<1x16xi32> to vector<16xi32>
        %swap3A_491 = vector.shape_cast %and3A_485 : vector<16xi32> to vector<1x16xi32>
        tpu.vector_store %arg7[%swap3A_487, %swap3A_488], %swap3A_491 {strides = array<i32>} : memref<2x128xi32, #tpu.memory_space<vmem>>, vector<1x16xi32>,
        %dma_start3A_492 = arith.constant 1 : i32
        %dma_start3A_493 = arith.constant 0 : i32
        %dma_start3A_494 = tpu.memref_slice %arg6[%dma_start3A_492, %dma_start3A_493] : memref<2x128xi32, #tpu.memory_space<vmem>> -> memref<1x128xi32, #tpu.memory_space<vmem>>
        %dma_start3A_495 = tpu.memref_squeeze %dma_start3A_494 : memref<1x128xi32, #tpu.memory_space<vmem>> -> memref<128xi32, #tpu.memory_space<vmem>>
        %dma_start3A_496 = arith.constant 0 : i32
        %dma_start3A_497 = arith.constant 0 : i32
        %dma_start3A_498 = tpu.memref_slice %arg2[%dma_start3A_496, %dma_start3A_497] : memref<10000x128xf32, #tpu.memory_space<hbm>> -> memref<10000x128xf32, #tpu.memory_space<hbm>>
        tpu.enqueue_indirect_dma source(%dma_start3A_498 : memref<10000x128xf32, #tpu.memory_space<hbm>>) target(%arg9 : memref<128x128xf32, #tpu.memory_space<vmem>>) offsets(%dma_start3A_495 : memref<128xi32, #tpu.memory_space<vmem>>) semaphore(%arg12 : memref<!tpu.dma_semaphore, #tpu.memory_space<semaphore_mem>>)
      } else {
      }
      %dma_wait3A = arith.constant 0 : i32
      %dma_wait3A_296 = arith.constant 0 : i32
      %dma_wait3A_297 = tpu.memref_slice %arg2[%dma_wait3A, %dma_wait3A_296] : memref<10000x128xf32, #tpu.memory_space<hbm>> -> memref<128x128xf32, #tpu.memory_space<hbm>>
      %dma_wait3A_298 = arith.constant 0 : i32
      %dma_wait3A_299 = arith.constant 0 : i32
      %dma_wait3A_300 = tpu.memref_slice %arg2[%dma_wait3A_298, %dma_wait3A_299] : memref<10000x128xf32, #tpu.memory_space<hbm>> -> memref<128x128xf32, #tpu.memory_space<hbm>>
      tpu.wait_dma2 semaphore(%arg11 : memref<!tpu.dma_semaphore, #tpu.memory_space<semaphore_mem>>) src(%dma_wait3A_300 : memref<128x128xf32, #tpu.memory_space<hbm>>) dst(%arg8 : memref<128x128xf32, #tpu.memory_space<vmem>>)
      %run_scoped3A = arith.constant 0 : i32
      "tpu.region"() ({
        %run_scoped3A_314 = tpu.sem_alloc : memref<!tpu.dma_semaphore, #tpu.memory_space<semaphore_mem>>
        %dma_start3A_315 = arith.constant 0 : i32
        %dma_start3A_316 = tpu.memref_slice %arg7[%run_scoped3A, %dma_start3A_315] : memref<2x128xi32, #tpu.memory_space<vmem>> -> memref<1x128xi32, #tpu.memory_space<vmem>>
        %dma_start3A_317 = tpu.memref_squeeze %dma_start3A_316 : memref<1x128xi32, #tpu.memory_space<vmem>> -> memref<128xi32, #tpu.memory_space<vmem>>
        %dma_start3A_318 = arith.constant 0 : i32
        %dma_start3A_319 = arith.constant 0 : i32
        %dma_start3A_320 = tpu.memref_slice %arg10[%dma_start3A_318, %dma_start3A_319] : memref<10112x128xf32, #tpu.memory_space<vmem_shared>> -> memref<10112x128xf32, #tpu.memory_space<vmem_shared>>
        tpu.enqueue_indirect_dma source(%arg8 : memref<128x128xf32, #tpu.memory_space<vmem>>) target(%dma_start3A_320 : memref<10112x128xf32, #tpu.memory_space<vmem_shared>>) offsets(%dma_start3A_317 : memref<128xi32, #tpu.memory_space<vmem>>) semaphore(%run_scoped3A_314 : memref<!tpu.dma_semaphore, #tpu.memory_space<semaphore_mem>>) {add = true}
        %dma_wait3A_321 = arith.constant 0 : i32
        %dma_wait3A_322 = tpu.memref_slice %arg7[%run_scoped3A, %dma_wait3A_321] : memref<2x128xi32, #tpu.memory_space<vmem>> -> memref<1x128xi32, #tpu.memory_space<vmem>>
        %dma_wait3A_323 = tpu.memref_squeeze %dma_wait3A_322 : memref<1x128xi32, #tpu.memory_space<vmem>> -> memref<128xi32, #tpu.memory_space<vmem>>
        %dma_wait3A_324 = arith.constant 0 : i32
        %dma_wait3A_325 = arith.constant 0 : i32
        %dma_wait3A_326 = tpu.memref_slice %arg10[%dma_wait3A_324, %dma_wait3A_325] : memref<10112x128xf32, #tpu.memory_space<vmem_shared>> -> memref<10112x128xf32, #tpu.memory_space<vmem_shared>>
        tpu.wait_indirect_dma semaphore(%run_scoped3A_314 : memref<!tpu.dma_semaphore, #tpu.memory_space<semaphore_mem>>) src(%arg8 : memref<128x128xf32, #tpu.memory_space<vmem>>) dst(%dma_wait3A_326 : memref<10112x128xf32, #tpu.memory_space<vmem_shared>>)
        tpu.yield
      }) : () -> ()
      %add3A_301 = arith.constant 2 : i32
      %add3A_302 = arith.addi %mul3A_292, %add3A_301 : i32
      %lt3A_303 = arith.cmpi slt, %add3A_302, %select_n3A : i32
      %convert_element_type3A_304 = arith.extui %lt3A_303 : i1 to i32
      %cond3A_305 = arith.constant 0 : i32
      %cond3A_306 = arith.cmpi ne, %convert_element_type3A_304, %cond3A_305 : i32
      scf.if %cond3A_306 {
        %add3A_314 = arith.constant 2 : i32
        %add3A_315 = arith.addi %mul3A_292, %add3A_314 : i32
        %get3A_316 = arith.index_cast %add3A_315 : i32 to index
        %get3A_317 = arith.constant 0 : index
        %get3A_318 = tpu.vector_load %arg5[%get3A_316, %get3A_317] {strides = array<i32>} : memref<112x128xi32, #tpu.memory_space<vmem>>, vector<1x16xi32>,
        %get3A_319 = vector.shape_cast %get3A_318 : vector<1x16xi32> to vector<16xi32>
        %shift_right_logical3A_320 = arith.constant 14 : i32
        %shift_right_logical3A_321 = vector.broadcast %shift_right_logical3A_320 : i32 to vector<16xi32>
        %shift_right_logical3A_322 = arith.shrui %get3A_319, %shift_right_logical3A_321 : vector<16xi32>
        %swap3A_323 = arith.constant 0 : i32
        %swap3A_324 = arith.index_cast %swap3A_323 : i32 to index
        %swap3A_325 = arith.constant 0 : index
        %swap3A_326 = tpu.vector_load %arg6[%swap3A_324, %swap3A_325] {strides = array<i32>} : memref<2x128xi32, #tpu.memory_space<vmem>>, vector<1x16xi32>,
        %swap3A_327 = vector.shape_cast %swap3A_326 : vector<1x16xi32> to vector<16xi32>
        %swap3A_328 = vector.shape_cast %shift_right_logical3A_322 : vector<16xi32> to vector<1x16xi32>
        tpu.vector_store %arg6[%swap3A_324, %swap3A_325], %swap3A_328 {strides = array<i32>} : memref<2x128xi32, #tpu.memory_space<vmem>>, vector<1x16xi32>,
        %and3A_329 = arith.constant 16383 : i32
        %and3A_330 = vector.broadcast %and3A_329 : i32 to vector<16xi32>
        %and3A_331 = arith.andi %get3A_319, %and3A_330 : vector<16xi32>
        %swap3A_332 = arith.constant 0 : i32
        %swap3A_333 = arith.index_cast %swap3A_332 : i32 to index
        %swap3A_334 = arith.constant 0 : index
        %swap3A_335 = tpu.vector_load %arg7[%swap3A_333, %swap3A_334] {strides = array<i32>} : memref<2x128xi32, #tpu.memory_space<vmem>>, vector<1x16xi32>,
        %swap3A_336 = vector.shape_cast %swap3A_335 : vector<1x16xi32> to vector<16xi32>
        %swap3A_337 = vector.shape_cast %and3A_331 : vector<16xi32> to vector<1x16xi32>
        tpu.vector_store %arg7[%swap3A_333, %swap3A_334], %swap3A_337 {strides = array<i32>} : memref<2x128xi32, #tpu.memory_space<vmem>>, vector<1x16xi32>,
        %get3A_338 = arith.index_cast %add3A_315 : i32 to index
        %get3A_339 = arith.constant 16 : index
        %get3A_340 = tpu.vector_load %arg5[%get3A_338, %get3A_339] {strides = array<i32>} : memref<112x128xi32, #tpu.memory_space<vmem>>, vector<1x16xi32>,
        %get3A_341 = vector.shape_cast %get3A_340 : vector<1x16xi32> to vector<16xi32>
        %shift_right_logical3A_342 = arith.constant 14 : i32
        %shift_right_logical3A_343 = vector.broadcast %shift_right_logical3A_342 : i32 to vector<16xi32>
        %shift_right_logical3A_344 = arith.shrui %get3A_341, %shift_right_logical3A_343 : vector<16xi32>
        %swap3A_345 = arith.constant 0 : i32
        %swap3A_346 = arith.index_cast %swap3A_345 : i32 to index
        %swap3A_347 = arith.constant 16 : index
        %swap3A_348 = tpu.vector_load %arg6[%swap3A_346, %swap3A_347] {strides = array<i32>} : memref<2x128xi32, #tpu.memory_space<vmem>>, vector<1x16xi32>,
        %swap3A_349 = vector.shape_cast %swap3A_348 : vector<1x16xi32> to vector<16xi32>
        %swap3A_350 = vector.shape_cast %shift_right_logical3A_344 : vector<16xi32> to vector<1x16xi32>
        tpu.vector_store %arg6[%swap3A_346, %swap3A_347], %swap3A_350 {strides = array<i32>} : memref<2x128xi32, #tpu.memory_space<vmem>>, vector<1x16xi32>,
        %and3A_351 = arith.constant 16383 : i32
        %and3A_352 = vector.broadcast %and3A_351 : i32 to vector<16xi32>
        %and3A_353 = arith.andi %get3A_341, %and3A_352 : vector<16xi32>
        %swap3A_354 = arith.constant 0 : i32
        %swap3A_355 = arith.index_cast %swap3A_354 : i32 to index
        %swap3A_356 = arith.constant 16 : index
        %swap3A_357 = tpu.vector_load %arg7[%swap3A_355, %swap3A_356] {strides = array<i32>} : memref<2x128xi32, #tpu.memory_space<vmem>>, vector<1x16xi32>,
        %swap3A_358 = vector.shape_cast %swap3A_357 : vector<1x16xi32> to vector<16xi32>
        %swap3A_359 = vector.shape_cast %and3A_353 : vector<16xi32> to vector<1x16xi32>
        tpu.vector_store %arg7[%swap3A_355, %swap3A_356], %swap3A_359 {strides = array<i32>} : memref<2x128xi32, #tpu.memory_space<vmem>>, vector<1x16xi32>,
        %get3A_360 = arith.index_cast %add3A_315 : i32 to index
        %get3A_361 = arith.constant 32 : index
        %get3A_362 = tpu.vector_load %arg5[%get3A_360, %get3A_361] {strides = array<i32>} : memref<112x128xi32, #tpu.memory_space<vmem>>, vector<1x16xi32>,
        %get3A_363 = vector.shape_cast %get3A_362 : vector<1x16xi32> to vector<16xi32>
        %shift_right_logical3A_364 = arith.constant 14 : i32
        %shift_right_logical3A_365 = vector.broadcast %shift_right_logical3A_364 : i32 to vector<16xi32>
        %shift_right_logical3A_366 = arith.shrui %get3A_363, %shift_right_logical3A_365 : vector<16xi32>
        %swap3A_367 = arith.constant 0 : i32
        %swap3A_368 = arith.index_cast %swap3A_367 : i32 to index
        %swap3A_369 = arith.constant 32 : index
        %swap3A_370 = tpu.vector_load %arg6[%swap3A_368, %swap3A_369] {strides = array<i32>} : memref<2x128xi32, #tpu.memory_space<vmem>>, vector<1x16xi32>,
        %swap3A_371 = vector.shape_cast %swap3A_370 : vector<1x16xi32> to vector<16xi32>
        %swap3A_372 = vector.shape_cast %shift_right_logical3A_366 : vector<16xi32> to vector<1x16xi32>
        tpu.vector_store %arg6[%swap3A_368, %swap3A_369], %swap3A_372 {strides = array<i32>} : memref<2x128xi32, #tpu.memory_space<vmem>>, vector<1x16xi32>,
        %and3A_373 = arith.constant 16383 : i32
        %and3A_374 = vector.broadcast %and3A_373 : i32 to vector<16xi32>
        %and3A_375 = arith.andi %get3A_363, %and3A_374 : vector<16xi32>
        %swap3A_376 = arith.constant 0 : i32
        %swap3A_377 = arith.index_cast %swap3A_376 : i32 to index
        %swap3A_378 = arith.constant 32 : index
        %swap3A_379 = tpu.vector_load %arg7[%swap3A_377, %swap3A_378] {strides = array<i32>} : memref<2x128xi32, #tpu.memory_space<vmem>>, vector<1x16xi32>,
        %swap3A_380 = vector.shape_cast %swap3A_379 : vector<1x16xi32> to vector<16xi32>
        %swap3A_381 = vector.shape_cast %and3A_375 : vector<16xi32> to vector<1x16xi32>
        tpu.vector_store %arg7[%swap3A_377, %swap3A_378], %swap3A_381 {strides = array<i32>} : memref<2x128xi32, #tpu.memory_space<vmem>>, vector<1x16xi32>,
        %get3A_382 = arith.index_cast %add3A_315 : i32 to index
        %get3A_383 = arith.constant 48 : index
        %get3A_384 = tpu.vector_load %arg5[%get3A_382, %get3A_383] {strides = array<i32>} : memref<112x128xi32, #tpu.memory_space<vmem>>, vector<1x16xi32>,
        %get3A_385 = vector.shape_cast %get3A_384 : vector<1x16xi32> to vector<16xi32>
        %shift_right_logical3A_386 = arith.constant 14 : i32
        %shift_right_logical3A_387 = vector.broadcast %shift_right_logical3A_386 : i32 to vector<16xi32>
        %shift_right_logical3A_388 = arith.shrui %get3A_385, %shift_right_logical3A_387 : vector<16xi32>
        %swap3A_389 = arith.constant 0 : i32
        %swap3A_390 = arith.index_cast %swap3A_389 : i32 to index
        %swap3A_391 = arith.constant 48 : index
        %swap3A_392 = tpu.vector_load %arg6[%swap3A_390, %swap3A_391] {strides = array<i32>} : memref<2x128xi32, #tpu.memory_space<vmem>>, vector<1x16xi32>,
        %swap3A_393 = vector.shape_cast %swap3A_392 : vector<1x16xi32> to vector<16xi32>
        %swap3A_394 = vector.shape_cast %shift_right_logical3A_388 : vector<16xi32> to vector<1x16xi32>
        tpu.vector_store %arg6[%swap3A_390, %swap3A_391], %swap3A_394 {strides = array<i32>} : memref<2x128xi32, #tpu.memory_space<vmem>>, vector<1x16xi32>,
        %and3A_395 = arith.constant 16383 : i32
        %and3A_396 = vector.broadcast %and3A_395 : i32 to vector<16xi32>
        %and3A_397 = arith.andi %get3A_385, %and3A_396 : vector<16xi32>
        %swap3A_398 = arith.constant 0 : i32
        %swap3A_399 = arith.index_cast %swap3A_398 : i32 to index
        %swap3A_400 = arith.constant 48 : index
        %swap3A_401 = tpu.vector_load %arg7[%swap3A_399, %swap3A_400] {strides = array<i32>} : memref<2x128xi32, #tpu.memory_space<vmem>>, vector<1x16xi32>,
        %swap3A_402 = vector.shape_cast %swap3A_401 : vector<1x16xi32> to vector<16xi32>
        %swap3A_403 = vector.shape_cast %and3A_397 : vector<16xi32> to vector<1x16xi32>
        tpu.vector_store %arg7[%swap3A_399, %swap3A_400], %swap3A_403 {strides = array<i32>} : memref<2x128xi32, #tpu.memory_space<vmem>>, vector<1x16xi32>,
        %get3A_404 = arith.index_cast %add3A_315 : i32 to index
        %get3A_405 = arith.constant 64 : index
        %get3A_406 = tpu.vector_load %arg5[%get3A_404, %get3A_405] {strides = array<i32>} : memref<112x128xi32, #tpu.memory_space<vmem>>, vector<1x16xi32>,
        %get3A_407 = vector.shape_cast %get3A_406 : vector<1x16xi32> to vector<16xi32>
        %shift_right_logical3A_408 = arith.constant 14 : i32
        %shift_right_logical3A_409 = vector.broadcast %shift_right_logical3A_408 : i32 to vector<16xi32>
        %shift_right_logical3A_410 = arith.shrui %get3A_407, %shift_right_logical3A_409 : vector<16xi32>
        %swap3A_411 = arith.constant 0 : i32
        %swap3A_412 = arith.index_cast %swap3A_411 : i32 to index
        %swap3A_413 = arith.constant 64 : index
        %swap3A_414 = tpu.vector_load %arg6[%swap3A_412, %swap3A_413] {strides = array<i32>} : memref<2x128xi32, #tpu.memory_space<vmem>>, vector<1x16xi32>,
        %swap3A_415 = vector.shape_cast %swap3A_414 : vector<1x16xi32> to vector<16xi32>
        %swap3A_416 = vector.shape_cast %shift_right_logical3A_410 : vector<16xi32> to vector<1x16xi32>
        tpu.vector_store %arg6[%swap3A_412, %swap3A_413], %swap3A_416 {strides = array<i32>} : memref<2x128xi32, #tpu.memory_space<vmem>>, vector<1x16xi32>,
        %and3A_417 = arith.constant 16383 : i32
        %and3A_418 = vector.broadcast %and3A_417 : i32 to vector<16xi32>
        %and3A_419 = arith.andi %get3A_407, %and3A_418 : vector<16xi32>
        %swap3A_420 = arith.constant 0 : i32
        %swap3A_421 = arith.index_cast %swap3A_420 : i32 to index
        %swap3A_422 = arith.constant 64 : index
        %swap3A_423 = tpu.vector_load %arg7[%swap3A_421, %swap3A_422] {strides = array<i32>} : memref<2x128xi32, #tpu.memory_space<vmem>>, vector<1x16xi32>,
        %swap3A_424 = vector.shape_cast %swap3A_423 : vector<1x16xi32> to vector<16xi32>
        %swap3A_425 = vector.shape_cast %and3A_419 : vector<16xi32> to vector<1x16xi32>
        tpu.vector_store %arg7[%swap3A_421, %swap3A_422], %swap3A_425 {strides = array<i32>} : memref<2x128xi32, #tpu.memory_space<vmem>>, vector<1x16xi32>,
        %get3A_426 = arith.index_cast %add3A_315 : i32 to index
        %get3A_427 = arith.constant 80 : index
        %get3A_428 = tpu.vector_load %arg5[%get3A_426, %get3A_427] {strides = array<i32>} : memref<112x128xi32, #tpu.memory_space<vmem>>, vector<1x16xi32>,
        %get3A_429 = vector.shape_cast %get3A_428 : vector<1x16xi32> to vector<16xi32>
        %shift_right_logical3A_430 = arith.constant 14 : i32
        %shift_right_logical3A_431 = vector.broadcast %shift_right_logical3A_430 : i32 to vector<16xi32>
        %shift_right_logical3A_432 = arith.shrui %get3A_429, %shift_right_logical3A_431 : vector<16xi32>
        %swap3A_433 = arith.constant 0 : i32
        %swap3A_434 = arith.index_cast %swap3A_433 : i32 to index
        %swap3A_435 = arith.constant 80 : index
        %swap3A_436 = tpu.vector_load %arg6[%swap3A_434, %swap3A_435] {strides = array<i32>} : memref<2x128xi32, #tpu.memory_space<vmem>>, vector<1x16xi32>,
        %swap3A_437 = vector.shape_cast %swap3A_436 : vector<1x16xi32> to vector<16xi32>
        %swap3A_438 = vector.shape_cast %shift_right_logical3A_432 : vector<16xi32> to vector<1x16xi32>
        tpu.vector_store %arg6[%swap3A_434, %swap3A_435], %swap3A_438 {strides = array<i32>} : memref<2x128xi32, #tpu.memory_space<vmem>>, vector<1x16xi32>,
        %and3A_439 = arith.constant 16383 : i32
        %and3A_440 = vector.broadcast %and3A_439 : i32 to vector<16xi32>
        %and3A_441 = arith.andi %get3A_429, %and3A_440 : vector<16xi32>
        %swap3A_442 = arith.constant 0 : i32
        %swap3A_443 = arith.index_cast %swap3A_442 : i32 to index
        %swap3A_444 = arith.constant 80 : index
        %swap3A_445 = tpu.vector_load %arg7[%swap3A_443, %swap3A_444] {strides = array<i32>} : memref<2x128xi32, #tpu.memory_space<vmem>>, vector<1x16xi32>,
        %swap3A_446 = vector.shape_cast %swap3A_445 : vector<1x16xi32> to vector<16xi32>
        %swap3A_447 = vector.shape_cast %and3A_441 : vector<16xi32> to vector<1x16xi32>
        tpu.vector_store %arg7[%swap3A_443, %swap3A_444], %swap3A_447 {strides = array<i32>} : memref<2x128xi32, #tpu.memory_space<vmem>>, vector<1x16xi32>,
        %get3A_448 = arith.index_cast %add3A_315 : i32 to index
        %get3A_449 = arith.constant 96 : index
        %get3A_450 = tpu.vector_load %arg5[%get3A_448, %get3A_449] {strides = array<i32>} : memref<112x128xi32, #tpu.memory_space<vmem>>, vector<1x16xi32>,
        %get3A_451 = vector.shape_cast %get3A_450 : vector<1x16xi32> to vector<16xi32>
        %shift_right_logical3A_452 = arith.constant 14 : i32
        %shift_right_logical3A_453 = vector.broadcast %shift_right_logical3A_452 : i32 to vector<16xi32>
        %shift_right_logical3A_454 = arith.shrui %get3A_451, %shift_right_logical3A_453 : vector<16xi32>
        %swap3A_455 = arith.constant 0 : i32
        %swap3A_456 = arith.index_cast %swap3A_455 : i32 to index
        %swap3A_457 = arith.constant 96 : index
        %swap3A_458 = tpu.vector_load %arg6[%swap3A_456, %swap3A_457] {strides = array<i32>} : memref<2x128xi32, #tpu.memory_space<vmem>>, vector<1x16xi32>,
        %swap3A_459 = vector.shape_cast %swap3A_458 : vector<1x16xi32> to vector<16xi32>
        %swap3A_460 = vector.shape_cast %shift_right_logical3A_454 : vector<16xi32> to vector<1x16xi32>
        tpu.vector_store %arg6[%swap3A_456, %swap3A_457], %swap3A_460 {strides = array<i32>} : memref<2x128xi32, #tpu.memory_space<vmem>>, vector<1x16xi32>,
        %and3A_461 = arith.constant 16383 : i32
        %and3A_462 = vector.broadcast %and3A_461 : i32 to vector<16xi32>
        %and3A_463 = arith.andi %get3A_451, %and3A_462 : vector<16xi32>
        %swap3A_464 = arith.constant 0 : i32
        %swap3A_465 = arith.index_cast %swap3A_464 : i32 to index
        %swap3A_466 = arith.constant 96 : index
        %swap3A_467 = tpu.vector_load %arg7[%swap3A_465, %swap3A_466] {strides = array<i32>} : memref<2x128xi32, #tpu.memory_space<vmem>>, vector<1x16xi32>,
        %swap3A_468 = vector.shape_cast %swap3A_467 : vector<1x16xi32> to vector<16xi32>
        %swap3A_469 = vector.shape_cast %and3A_463 : vector<16xi32> to vector<1x16xi32>
        tpu.vector_store %arg7[%swap3A_465, %swap3A_466], %swap3A_469 {strides = array<i32>} : memref<2x128xi32, #tpu.memory_space<vmem>>, vector<1x16xi32>,
        %get3A_470 = arith.index_cast %add3A_315 : i32 to index
        %get3A_471 = arith.constant 112 : index
        %get3A_472 = tpu.vector_load %arg5[%get3A_470, %get3A_471] {strides = array<i32>} : memref<112x128xi32, #tpu.memory_space<vmem>>, vector<1x16xi32>,
        %get3A_473 = vector.shape_cast %get3A_472 : vector<1x16xi32> to vector<16xi32>
        %shift_right_logical3A_474 = arith.constant 14 : i32
        %shift_right_logical3A_475 = vector.broadcast %shift_right_logical3A_474 : i32 to vector<16xi32>
        %shift_right_logical3A_476 = arith.shrui %get3A_473, %shift_right_logical3A_475 : vector<16xi32>
        %swap3A_477 = arith.constant 0 : i32
        %swap3A_478 = arith.index_cast %swap3A_477 : i32 to index
        %swap3A_479 = arith.constant 112 : index
        %swap3A_480 = tpu.vector_load %arg6[%swap3A_478, %swap3A_479] {strides = array<i32>} : memref<2x128xi32, #tpu.memory_space<vmem>>, vector<1x16xi32>,
        %swap3A_481 = vector.shape_cast %swap3A_480 : vector<1x16xi32> to vector<16xi32>
        %swap3A_482 = vector.shape_cast %shift_right_logical3A_476 : vector<16xi32> to vector<1x16xi32>
        tpu.vector_store %arg6[%swap3A_478, %swap3A_479], %swap3A_482 {strides = array<i32>} : memref<2x128xi32, #tpu.memory_space<vmem>>, vector<1x16xi32>,
        %and3A_483 = arith.constant 16383 : i32
        %and3A_484 = vector.broadcast %and3A_483 : i32 to vector<16xi32>
        %and3A_485 = arith.andi %get3A_473, %and3A_484 : vector<16xi32>
        %swap3A_486 = arith.constant 0 : i32
        %swap3A_487 = arith.index_cast %swap3A_486 : i32 to index
        %swap3A_488 = arith.constant 112 : index
        %swap3A_489 = tpu.vector_load %arg7[%swap3A_487, %swap3A_488] {strides = array<i32>} : memref<2x128xi32, #tpu.memory_space<vmem>>, vector<1x16xi32>,
        %swap3A_490 = vector.shape_cast %swap3A_489 : vector<1x16xi32> to vector<16xi32>
        %swap3A_491 = vector.shape_cast %and3A_485 : vector<16xi32> to vector<1x16xi32>
        tpu.vector_store %arg7[%swap3A_487, %swap3A_488], %swap3A_491 {strides = array<i32>} : memref<2x128xi32, #tpu.memory_space<vmem>>, vector<1x16xi32>,
        %dma_start3A_492 = arith.constant 0 : i32
        %dma_start3A_493 = arith.constant 0 : i32
        %dma_start3A_494 = tpu.memref_slice %arg6[%dma_start3A_492, %dma_start3A_493] : memref<2x128xi32, #tpu.memory_space<vmem>> -> memref<1x128xi32, #tpu.memory_space<vmem>>
        %dma_start3A_495 = tpu.memref_squeeze %dma_start3A_494 : memref<1x128xi32, #tpu.memory_space<vmem>> -> memref<128xi32, #tpu.memory_space<vmem>>
        %dma_start3A_496 = arith.constant 0 : i32
        %dma_start3A_497 = arith.constant 0 : i32
        %dma_start3A_498 = tpu.memref_slice %arg2[%dma_start3A_496, %dma_start3A_497] : memref<10000x128xf32, #tpu.memory_space<hbm>> -> memref<10000x128xf32, #tpu.memory_space<hbm>>
        tpu.enqueue_indirect_dma source(%dma_start3A_498 : memref<10000x128xf32, #tpu.memory_space<hbm>>) target(%arg8 : memref<128x128xf32, #tpu.memory_space<vmem>>) offsets(%dma_start3A_495 : memref<128xi32, #tpu.memory_space<vmem>>) semaphore(%arg11 : memref<!tpu.dma_semaphore, #tpu.memory_space<semaphore_mem>>)
      } else {
      }
      %add3A_307 = arith.constant 1 : i32
      %add3A_308 = arith.addi %mul3A_292, %add3A_307 : i32
      %lt3A_309 = arith.cmpi slt, %add3A_308, %select_n3A : i32
      %convert_element_type3A_310 = arith.extui %lt3A_309 : i1 to i32
      %cond3A_311 = arith.constant 0 : i32
      %cond3A_312 = arith.cmpi ne, %convert_element_type3A_310, %cond3A_311 : i32
      scf.if %cond3A_312 {
        %dma_wait3A_314 = arith.constant 0 : i32
        %dma_wait3A_315 = arith.constant 0 : i32
        %dma_wait3A_316 = tpu.memref_slice %arg2[%dma_wait3A_314, %dma_wait3A_315] : memref<10000x128xf32, #tpu.memory_space<hbm>> -> memref<128x128xf32, #tpu.memory_space<hbm>>
        %dma_wait3A_317 = arith.constant 0 : i32
        %dma_wait3A_318 = arith.constant 0 : i32
        %dma_wait3A_319 = tpu.memref_slice %arg2[%dma_wait3A_317, %dma_wait3A_318] : memref<10000x128xf32, #tpu.memory_space<hbm>> -> memref<128x128xf32, #tpu.memory_space<hbm>>
        tpu.wait_dma2 semaphore(%arg12 : memref<!tpu.dma_semaphore, #tpu.memory_space<semaphore_mem>>) src(%dma_wait3A_319 : memref<128x128xf32, #tpu.memory_space<hbm>>) dst(%arg9 : memref<128x128xf32, #tpu.memory_space<vmem>>)
        %run_scoped3A_320 = arith.constant 1 : i32
        "tpu.region"() ({
          %run_scoped3A_321 = tpu.sem_alloc : memref<!tpu.dma_semaphore, #tpu.memory_space<semaphore_mem>>
          %dma_start3A_322 = arith.constant 0 : i32
          %dma_start3A_323 = tpu.memref_slice %arg7[%run_scoped3A_320, %dma_start3A_322] : memref<2x128xi32, #tpu.memory_space<vmem>> -> memref<1x128xi32, #tpu.memory_space<vmem>>
          %dma_start3A_324 = tpu.memref_squeeze %dma_start3A_323 : memref<1x128xi32, #tpu.memory_space<vmem>> -> memref<128xi32, #tpu.memory_space<vmem>>
          %dma_start3A_325 = arith.constant 0 : i32
          %dma_start3A_326 = arith.constant 0 : i32
          %dma_start3A_327 = tpu.memref_slice %arg10[%dma_start3A_325, %dma_start3A_326] : memref<10112x128xf32, #tpu.memory_space<vmem_shared>> -> memref<10112x128xf32, #tpu.memory_space<vmem_shared>>
          tpu.enqueue_indirect_dma source(%arg9 : memref<128x128xf32, #tpu.memory_space<vmem>>) target(%dma_start3A_327 : memref<10112x128xf32, #tpu.memory_space<vmem_shared>>) offsets(%dma_start3A_324 : memref<128xi32, #tpu.memory_space<vmem>>) semaphore(%run_scoped3A_321 : memref<!tpu.dma_semaphore, #tpu.memory_space<semaphore_mem>>) {add = true}
          %dma_wait3A_328 = arith.constant 0 : i32
          %dma_wait3A_329 = tpu.memref_slice %arg7[%run_scoped3A_320, %dma_wait3A_328] : memref<2x128xi32, #tpu.memory_space<vmem>> -> memref<1x128xi32, #tpu.memory_space<vmem>>
          %dma_wait3A_330 = tpu.memref_squeeze %dma_wait3A_329 : memref<1x128xi32, #tpu.memory_space<vmem>> -> memref<128xi32, #tpu.memory_space<vmem>>
          %dma_wait3A_331 = arith.constant 0 : i32
          %dma_wait3A_332 = arith.constant 0 : i32
          %dma_wait3A_333 = tpu.memref_slice %arg10[%dma_wait3A_331, %dma_wait3A_332] : memref<10112x128xf32, #tpu.memory_space<vmem_shared>> -> memref<10112x128xf32, #tpu.memory_space<vmem_shared>>
          tpu.wait_indirect_dma semaphore(%run_scoped3A_321 : memref<!tpu.dma_semaphore, #tpu.memory_space<semaphore_mem>>) src(%arg9 : memref<128x128xf32, #tpu.memory_space<vmem>>) dst(%dma_wait3A_333 : memref<10112x128xf32, #tpu.memory_space<vmem_shared>>)
          tpu.yield
        }) : () -> ()
      } else {
      }
      %while3A_313 = arith.constant 0 : i32
      scf.yield %while3A_313 : i32
    }
    %barrier3A_248 = arith.constant 0 : index
    tpu.barrier barrier_id(%barrier3A_248)
    %mul3A_249 = arith.constant 632 : i32
    %mul3A_250 = arith.muli %arg1, %mul3A_249 : i32
    %add3A_251 = arith.constant 0 : i32
    %add3A_252 = arith.addi %mul3A_250, %add3A_251 : i32
    %mul3A_253 = arith.constant 632 : i32
    %mul3A_254 = arith.muli %arg1, %mul3A_253 : i32
    %add3A_255 = arith.constant 0 : i32
    %add3A_256 = arith.addi %mul3A_254, %add3A_255 : i32
    "tpu.region"() ({
      %run_scoped3A = tpu.sem_alloc : memref<!tpu.dma_semaphore, #tpu.memory_space<semaphore_mem>>
      %dma_start3A_289 = arith.constant 0 : i32
      %dma_start3A_290 = tpu.memref_slice %arg4[%arg0, %add3A_256, %dma_start3A_289] : memref<2x10112x128xf32, #tpu.memory_space<hbm>> -> memref<1x128x128xf32, #tpu.memory_space<hbm>>
      %dma_start3A_291 = tpu.memref_squeeze %dma_start3A_290 : memref<1x128x128xf32, #tpu.memory_space<hbm>> -> memref<128x128xf32, #tpu.memory_space<hbm>>
      %dma_start3A_292 = arith.constant 0 : i32
      %dma_start3A_293 = tpu.memref_slice %arg10[%add3A_252, %dma_start3A_292] : memref<10112x128xf32, #tpu.memory_space<vmem_shared>> -> memref<128x128xf32, #tpu.memory_space<vmem_shared>>
      tpu.enqueue_dma source(%dma_start3A_293 : memref<128x128xf32, #tpu.memory_space<vmem_shared>>) target(%dma_start3A_291 : memref<128x128xf32, #tpu.memory_space<hbm>>) target_semaphore(%run_scoped3A : memref<!tpu.dma_semaphore, #tpu.memory_space<semaphore_mem>>)
      %dma_wait3A = arith.constant 0 : i32
      %dma_wait3A_294 = tpu.memref_slice %arg4[%arg0, %add3A_256, %dma_wait3A] : memref<2x10112x128xf32, #tpu.memory_space<hbm>> -> memref<1x128x128xf32, #tpu.memory_space<hbm>>
      %dma_wait3A_295 = tpu.memref_squeeze %dma_wait3A_294 : memref<1x128x128xf32, #tpu.memory_space<hbm>> -> memref<128x128xf32, #tpu.memory_space<hbm>>
      %dma_wait3A_296 = arith.constant 0 : i32
      %dma_wait3A_297 = tpu.memref_slice %arg10[%add3A_252, %dma_wait3A_296] : memref<10112x128xf32, #tpu.memory_space<vmem_shared>> -> memref<128x128xf32, #tpu.memory_space<vmem_shared>>
      tpu.wait_dma2 semaphore(%run_scoped3A : memref<!tpu.dma_semaphore, #tpu.memory_space<semaphore_mem>>) src(%dma_wait3A_297 : memref<128x128xf32, #tpu.memory_space<vmem_shared>>) dst(%dma_wait3A_295 : memref<128x128xf32, #tpu.memory_space<hbm>>)
      tpu.yield
    }) : () -> ()
    %mul3A_257 = arith.constant 632 : i32
    %mul3A_258 = arith.muli %arg1, %mul3A_257 : i32
    %add3A_259 = arith.constant 128 : i32
    %add3A_260 = arith.addi %mul3A_258, %add3A_259 : i32
    %mul3A_261 = arith.constant 632 : i32
    %mul3A_262 = arith.muli %arg1, %mul3A_261 : i32
    %add3A_263 = arith.constant 128 : i32
    %add3A_264 = arith.addi %mul3A_262, %add3A_263 : i32
    "tpu.region"() ({
      %run_scoped3A = tpu.sem_alloc : memref<!tpu.dma_semaphore, #tpu.memory_space<semaphore_mem>>
      %dma_start3A_289 = arith.constant 0 : i32
      %dma_start3A_290 = tpu.memref_slice %arg4[%arg0, %add3A_264, %dma_start3A_289] : memref<2x10112x128xf32, #tpu.memory_space<hbm>> -> memref<1x128x128xf32, #tpu.memory_space<hbm>>
      %dma_start3A_291 = tpu.memref_squeeze %dma_start3A_290 : memref<1x128x128xf32, #tpu.memory_space<hbm>> -> memref<128x128xf32, #tpu.memory_space<hbm>>
      %dma_start3A_292 = arith.constant 0 : i32
      %dma_start3A_293 = tpu.memref_slice %arg10[%add3A_260, %dma_start3A_292] : memref<10112x128xf32, #tpu.memory_space<vmem_shared>> -> memref<128x128xf32, #tpu.memory_space<vmem_shared>>
      tpu.enqueue_dma source(%dma_start3A_293 : memref<128x128xf32, #tpu.memory_space<vmem_shared>>) target(%dma_start3A_291 : memref<128x128xf32, #tpu.memory_space<hbm>>) target_semaphore(%run_scoped3A : memref<!tpu.dma_semaphore, #tpu.memory_space<semaphore_mem>>)
      %dma_wait3A = arith.constant 0 : i32
      %dma_wait3A_294 = tpu.memref_slice %arg4[%arg0, %add3A_264, %dma_wait3A] : memref<2x10112x128xf32, #tpu.memory_space<hbm>> -> memref<1x128x128xf32, #tpu.memory_space<hbm>>
      %dma_wait3A_295 = tpu.memref_squeeze %dma_wait3A_294 : memref<1x128x128xf32, #tpu.memory_space<hbm>> -> memref<128x128xf32, #tpu.memory_space<hbm>>
      %dma_wait3A_296 = arith.constant 0 : i32
      %dma_wait3A_297 = tpu.memref_slice %arg10[%add3A_260, %dma_wait3A_296] : memref<10112x128xf32, #tpu.memory_space<vmem_shared>> -> memref<128x128xf32, #tpu.memory_space<vmem_shared>>
      tpu.wait_dma2 semaphore(%run_scoped3A : memref<!tpu.dma_semaphore, #tpu.memory_space<semaphore_mem>>) src(%dma_wait3A_297 : memref<128x128xf32, #tpu.memory_space<vmem_shared>>) dst(%dma_wait3A_295 : memref<128x128xf32, #tpu.memory_space<hbm>>)
      tpu.yield
    }) : () -> ()
    %mul3A_265 = arith.constant 632 : i32
    %mul3A_266 = arith.muli %arg1, %mul3A_265 : i32
    %add3A_267 = arith.constant 256 : i32
    %add3A_268 = arith.addi %mul3A_266, %add3A_267 : i32
    %mul3A_269 = arith.constant 632 : i32
    %mul3A_270 = arith.muli %arg1, %mul3A_269 : i32
    %add3A_271 = arith.constant 256 : i32
    %add3A_272 = arith.addi %mul3A_270, %add3A_271 : i32
    "tpu.region"() ({
      %run_scoped3A = tpu.sem_alloc : memref<!tpu.dma_semaphore, #tpu.memory_space<semaphore_mem>>
      %dma_start3A_289 = arith.constant 0 : i32
      %dma_start3A_290 = tpu.memref_slice %arg4[%arg0, %add3A_272, %dma_start3A_289] : memref<2x10112x128xf32, #tpu.memory_space<hbm>> -> memref<1x128x128xf32, #tpu.memory_space<hbm>>
      %dma_start3A_291 = tpu.memref_squeeze %dma_start3A_290 : memref<1x128x128xf32, #tpu.memory_space<hbm>> -> memref<128x128xf32, #tpu.memory_space<hbm>>
      %dma_start3A_292 = arith.constant 0 : i32
      %dma_start3A_293 = tpu.memref_slice %arg10[%add3A_268, %dma_start3A_292] : memref<10112x128xf32, #tpu.memory_space<vmem_shared>> -> memref<128x128xf32, #tpu.memory_space<vmem_shared>>
      tpu.enqueue_dma source(%dma_start3A_293 : memref<128x128xf32, #tpu.memory_space<vmem_shared>>) target(%dma_start3A_291 : memref<128x128xf32, #tpu.memory_space<hbm>>) target_semaphore(%run_scoped3A : memref<!tpu.dma_semaphore, #tpu.memory_space<semaphore_mem>>)
      %dma_wait3A = arith.constant 0 : i32
      %dma_wait3A_294 = tpu.memref_slice %arg4[%arg0, %add3A_272, %dma_wait3A] : memref<2x10112x128xf32, #tpu.memory_space<hbm>> -> memref<1x128x128xf32, #tpu.memory_space<hbm>>
      %dma_wait3A_295 = tpu.memref_squeeze %dma_wait3A_294 : memref<1x128x128xf32, #tpu.memory_space<hbm>> -> memref<128x128xf32, #tpu.memory_space<hbm>>
      %dma_wait3A_296 = arith.constant 0 : i32
      %dma_wait3A_297 = tpu.memref_slice %arg10[%add3A_268, %dma_wait3A_296] : memref<10112x128xf32, #tpu.memory_space<vmem_shared>> -> memref<128x128xf32, #tpu.memory_space<vmem_shared>>
      tpu.wait_dma2 semaphore(%run_scoped3A : memref<!tpu.dma_semaphore, #tpu.memory_space<semaphore_mem>>) src(%dma_wait3A_297 : memref<128x128xf32, #tpu.memory_space<vmem_shared>>) dst(%dma_wait3A_295 : memref<128x128xf32, #tpu.memory_space<hbm>>)
      tpu.yield
    }) : () -> ()
    %mul3A_273 = arith.constant 632 : i32
    %mul3A_274 = arith.muli %arg1, %mul3A_273 : i32
    %add3A_275 = arith.constant 384 : i32
    %add3A_276 = arith.addi %mul3A_274, %add3A_275 : i32
    %mul3A_277 = arith.constant 632 : i32
    %mul3A_278 = arith.muli %arg1, %mul3A_277 : i32
    %add3A_279 = arith.constant 384 : i32
    %add3A_280 = arith.addi %mul3A_278, %add3A_279 : i32
    "tpu.region"() ({
      %run_scoped3A = tpu.sem_alloc : memref<!tpu.dma_semaphore, #tpu.memory_space<semaphore_mem>>
      %dma_start3A_289 = arith.constant 0 : i32
      %dma_start3A_290 = tpu.memref_slice %arg4[%arg0, %add3A_280, %dma_start3A_289] : memref<2x10112x128xf32, #tpu.memory_space<hbm>> -> memref<1x128x128xf32, #tpu.memory_space<hbm>>
      %dma_start3A_291 = tpu.memref_squeeze %dma_start3A_290 : memref<1x128x128xf32, #tpu.memory_space<hbm>> -> memref<128x128xf32, #tpu.memory_space<hbm>>
      %dma_start3A_292 = arith.constant 0 : i32
      %dma_start3A_293 = tpu.memref_slice %arg10[%add3A_276, %dma_start3A_292] : memref<10112x128xf32, #tpu.memory_space<vmem_shared>> -> memref<128x128xf32, #tpu.memory_space<vmem_shared>>
      tpu.enqueue_dma source(%dma_start3A_293 : memref<128x128xf32, #tpu.memory_space<vmem_shared>>) target(%dma_start3A_291 : memref<128x128xf32, #tpu.memory_space<hbm>>) target_semaphore(%run_scoped3A : memref<!tpu.dma_semaphore, #tpu.memory_space<semaphore_mem>>)
      %dma_wait3A = arith.constant 0 : i32
      %dma_wait3A_294 = tpu.memref_slice %arg4[%arg0, %add3A_280, %dma_wait3A] : memref<2x10112x128xf32, #tpu.memory_space<hbm>> -> memref<1x128x128xf32, #tpu.memory_space<hbm>>
      %dma_wait3A_295 = tpu.memref_squeeze %dma_wait3A_294 : memref<1x128x128xf32, #tpu.memory_space<hbm>> -> memref<128x128xf32, #tpu.memory_space<hbm>>
      %dma_wait3A_296 = arith.constant 0 : i32
      %dma_wait3A_297 = tpu.memref_slice %arg10[%add3A_276, %dma_wait3A_296] : memref<10112x128xf32, #tpu.memory_space<vmem_shared>> -> memref<128x128xf32, #tpu.memory_space<vmem_shared>>
      tpu.wait_dma2 semaphore(%run_scoped3A : memref<!tpu.dma_semaphore, #tpu.memory_space<semaphore_mem>>) src(%dma_wait3A_297 : memref<128x128xf32, #tpu.memory_space<vmem_shared>>) dst(%dma_wait3A_295 : memref<128x128xf32, #tpu.memory_space<hbm>>)
      tpu.yield
    }) : () -> ()
    %mul3A_281 = arith.constant 632 : i32
    %mul3A_282 = arith.muli %arg1, %mul3A_281 : i32
    %add3A_283 = arith.constant 512 : i32
    %add3A_284 = arith.addi %mul3A_282, %add3A_283 : i32
    %mul3A_285 = arith.constant 632 : i32
    %mul3A_286 = arith.muli %arg1, %mul3A_285 : i32
    %add3A_287 = arith.constant 512 : i32
    %add3A_288 = arith.addi %mul3A_286, %add3A_287 : i32
    "tpu.region"() ({
      %run_scoped3A = tpu.sem_alloc : memref<!tpu.dma_semaphore, #tpu.memory_space<semaphore_mem>>
      %dma_start3A_289 = arith.constant 0 : i32
      %dma_start3A_290 = tpu.memref_slice %arg4[%arg0, %add3A_288, %dma_start3A_289] : memref<2x10112x128xf32, #tpu.memory_space<hbm>> -> memref<1x120x128xf32, #tpu.memory_space<hbm>>
      %dma_start3A_291 = tpu.memref_squeeze %dma_start3A_290 : memref<1x120x128xf32, #tpu.memory_space<hbm>> -> memref<120x128xf32, #tpu.memory_space<hbm>>
      %dma_start3A_292 = arith.constant 0 : i32
      %dma_start3A_293 = tpu.memref_slice %arg10[%add3A_284, %dma_start3A_292] : memref<10112x128xf32, #tpu.memory_space<vmem_shared>> -> memref<120x128xf32, #tpu.memory_space<vmem_shared>>
      tpu.enqueue_dma source(%dma_start3A_293 : memref<120x128xf32, #tpu.memory_space<vmem_shared>>) target(%dma_start3A_291 : memref<120x128xf32, #tpu.memory_space<hbm>>) target_semaphore(%run_scoped3A : memref<!tpu.dma_semaphore, #tpu.memory_space<semaphore_mem>>)
      %dma_wait3A = arith.constant 0 : i32
      %dma_wait3A_294 = tpu.memref_slice %arg4[%arg0, %add3A_288, %dma_wait3A] : memref<2x10112x128xf32, #tpu.memory_space<hbm>> -> memref<1x120x128xf32, #tpu.memory_space<hbm>>
      %dma_wait3A_295 = tpu.memref_squeeze %dma_wait3A_294 : memref<1x120x128xf32, #tpu.memory_space<hbm>> -> memref<120x128xf32, #tpu.memory_space<hbm>>
      %dma_wait3A_296 = arith.constant 0 : i32
      %dma_wait3A_297 = tpu.memref_slice %arg10[%add3A_284, %dma_wait3A_296] : memref<10112x128xf32, #tpu.memory_space<vmem_shared>> -> memref<120x128xf32, #tpu.memory_space<vmem_shared>>
      tpu.wait_dma2 semaphore(%run_scoped3A : memref<!tpu.dma_semaphore, #tpu.memory_space<semaphore_mem>>) src(%dma_wait3A_297 : memref<120x128xf32, #tpu.memory_space<vmem_shared>>) dst(%dma_wait3A_295 : memref<120x128xf32, #tpu.memory_space<hbm>>)
      tpu.yield
    }) : () -> ()
    return
  }
}

#map = affine_map<(d0, d1) -> (0, 0)>
#map1 = affine_map<(d0, d1) -> (0, 0, 0)>
module attributes {stable_mosaic.version = 14 : i64} {
  func.func @sc_agg(%arg0: i32, %arg1: i32, %arg2: memref<10000x128xf32, #tpu.memory_space<hbm>>, %arg3: memref<32x112x128xi32, #tpu.memory_space<hbm>>, %arg4: memref<2x10112x128xf32, #tpu.memory_space<hbm>>, %arg5: memref<112x128xi32, #tpu.memory_space<vmem>>, %arg6: memref<2x128xi32, #tpu.memory_space<vmem>>, %arg7: memref<2x128xi32, #tpu.memory_space<vmem>>, %arg8: memref<128x128xf32, #tpu.memory_space<vmem>>, %arg9: memref<128x128xf32, #tpu.memory_space<vmem>>, %arg10: memref<10112x128xf32, #tpu.memory_space<vmem_shared>>, %arg11: memref<!tpu.dma_semaphore, #tpu.memory_space<semaphore_mem>>, %arg12: memref<!tpu.dma_semaphore, #tpu.memory_space<semaphore_mem>>) attributes {dimension_semantics = [#tpu.dimension_semantics<core_parallel>, #tpu.dimension_semantics<subcore_parallel>], iteration_bounds = array<i64: 2, 16>, scalar_prefetch = 0 : i64, scratch_operands = 8 : i64, tpu.core_type = #tpu.core_type<sc_vector_subcore>, window_params = [{transform_indices = #map}, {transform_indices = #map1}, {transform_indices = #map1}]} {
    %mul3A = arith.constant 16 : i32
    %mul3A_0 = arith.muli %arg0, %mul3A : i32
    %add3A = arith.addi %mul3A_0, %arg1 : i32
    "tpu.region"() ({
      %run_scoped3A = tpu.sem_alloc : memref<!tpu.dma_semaphore, #tpu.memory_space<semaphore_mem>>
      %dma_start3A_289 = arith.constant 0 : i32
      %dma_start3A_290 = arith.constant 0 : i32
      %dma_start3A_291 = tpu.memref_slice %arg3[%add3A, %dma_start3A_289, %dma_start3A_290] : memref<32x112x128xi32, #tpu.memory_space<hbm>> -> memref<1x112x128xi32, #tpu.memory_space<hbm>>
      %dma_start3A_292 = tpu.memref_squeeze %dma_start3A_291 : memref<1x112x128xi32, #tpu.memory_space<hbm>> -> memref<112x128xi32, #tpu.memory_space<hbm>>
      %dma_start3A_293 = arith.constant 0 : i32
      %dma_start3A_294 = arith.constant 0 : i32
      %dma_start3A_295 = tpu.memref_slice %arg3[%add3A, %dma_start3A_293, %dma_start3A_294] : memref<32x112x128xi32, #tpu.memory_space<hbm>> -> memref<1x112x128xi32, #tpu.memory_space<hbm>>
      %dma_start3A_296 = tpu.memref_squeeze %dma_start3A_295 : memref<1x112x128xi32, #tpu.memory_space<hbm>> -> memref<112x128xi32, #tpu.memory_space<hbm>>
      tpu.enqueue_dma source(%dma_start3A_296 : memref<112x128xi32, #tpu.memory_space<hbm>>) target(%arg5 : memref<112x128xi32, #tpu.memory_space<vmem>>) target_semaphore(%run_scoped3A : memref<!tpu.dma_semaphore, #tpu.memory_space<semaphore_mem>>)
      %dma_wait3A = arith.constant 0 : i32
      %dma_wait3A_297 = arith.constant 0 : i32
      %dma_wait3A_298 = tpu.memref_slice %arg3[%add3A, %dma_wait3A, %dma_wait3A_297] : memref<32x112x128xi32, #tpu.memory_space<hbm>> -> memref<1x112x128xi32, #tpu.memory_space<hbm>>
      %dma_wait3A_299 = tpu.memref_squeeze %dma_wait3A_298 : memref<1x112x128xi32, #tpu.memory_space<hbm>> -> memref<112x128xi32, #tpu.memory_space<hbm>>
      %dma_wait3A_300 = arith.constant 0 : i32
      %dma_wait3A_301 = arith.constant 0 : i32
      %dma_wait3A_302 = tpu.memref_slice %arg3[%add3A, %dma_wait3A_300, %dma_wait3A_301] : memref<32x112x128xi32, #tpu.memory_space<hbm>> -> memref<1x112x128xi32, #tpu.memory_space<hbm>>
      %dma_wait3A_303 = tpu.memref_squeeze %dma_wait3A_302 : memref<1x112x128xi32, #tpu.memory_space<hbm>> -> memref<112x128xi32, #tpu.memory_space<hbm>>
      tpu.wait_dma2 semaphore(%run_scoped3A : memref<!tpu.dma_semaphore, #tpu.memory_space<semaphore_mem>>) src(%dma_wait3A_303 : memref<112x128xi32, #tpu.memory_space<hbm>>) dst(%arg5 : memref<112x128xi32, #tpu.memory_space<vmem>>)
      tpu.yield
    }) : () -> ()
    %broadcast_in_dim3A = arith.constant 0.000000e+00 : f32
    %broadcast_in_dim3A_1 = vector.broadcast %broadcast_in_dim3A : f32 to vector<16xf32>
    %scan3A = arith.constant 0 : i32
    %scan3A_2 = arith.constant 0 : i32
    %scan3A_3 = arith.constant 1024 : i32
    %scan3A_4 = arith.addi %scan3A_2, %scan3A_3 : i32
    %scan3A_5 = arith.constant 1 : i32
    %scan3A_6 = scf.for %scan3A_289 = %scan3A_2 to %scan3A_4 step %scan3A_5 iter_args(%scan3A_290 = %scan3A) -> (i32)  : i32 {
      %jit3A_291 = arith.constant 8 : i32
      %div3A_292 = arith.divsi %scan3A_289, %jit3A_291 : i32
      %sign3A_293 = arith.constant 0 : i32
      %sign3A_294 = arith.cmpi sgt, %scan3A_289, %sign3A_293 : i32
      %sign3A_295 = arith.extui %sign3A_294 : i1 to i32
      %sign3A_296 = arith.constant 0 : i32
      %sign3A_297 = arith.cmpi slt, %scan3A_289, %sign3A_296 : i32
      %sign3A_298 = arith.extui %sign3A_297 : i1 to i32
      %sign3A_299 = arith.subi %sign3A_295, %sign3A_298 : i32
      %sign3A_300 = arith.constant 0 : i32
      %sign3A_301 = arith.cmpi sgt, %jit3A_291, %sign3A_300 : i32
      %sign3A_302 = arith.extui %sign3A_301 : i1 to i32
      %sign3A_303 = arith.constant 0 : i32
      %sign3A_304 = arith.cmpi slt, %jit3A_291, %sign3A_303 : i32
      %sign3A_305 = arith.extui %sign3A_304 : i1 to i32
      %sign3A_306 = arith.subi %sign3A_302, %sign3A_305 : i32
      %ne3A_307 = arith.cmpi ne, %sign3A_299, %sign3A_306 : i32
      %rem3A_308 = arith.remsi %scan3A_289, %jit3A_291 : i32
      %ne3A_309 = arith.constant 0 : i32
      %ne3A_310 = arith.cmpi ne, %rem3A_308, %ne3A_309 : i32
      %and3A_311 = arith.andi %ne3A_307, %ne3A_310 : i1
      %sub3A_312 = arith.constant 1 : i32
      %sub3A_313 = arith.subi %div3A_292, %sub3A_312 : i32
      %select_n3A_314 = arith.select %and3A_311, %sub3A_313, %div3A_292 : i32
      %jit3A_315 = arith.constant 8 : i32
      %eq3A_316 = arith.constant 0 : i32
      %eq3A_317 = arith.cmpi eq, %jit3A_315, %eq3A_316 : i32
      %jit3A_318 = arith.constant 1 : i32
      %select_n3A_319 = arith.select %eq3A_317, %jit3A_318, %jit3A_315 : i32
      %rem3A_320 = arith.remsi %scan3A_289, %select_n3A_319 : i32
      %ne3A_321 = arith.constant 0 : i32
      %ne3A_322 = arith.cmpi ne, %rem3A_320, %ne3A_321 : i32
      %lt3A = arith.constant 0 : i32
      %lt3A_323 = arith.cmpi slt, %rem3A_320, %lt3A : i32
      %lt3A_324 = arith.constant 0 : i32
      %lt3A_325 = arith.cmpi slt, %select_n3A_319, %lt3A_324 : i32
      %ne3A_326 = arith.xori %lt3A_323, %lt3A_325 : i1
      %and3A_327 = arith.andi %ne3A_326, %ne3A_322 : i1
      %add3A_328 = arith.addi %rem3A_320, %select_n3A_319 : i32
      %select_n3A_329 = arith.select %and3A_327, %add3A_328, %rem3A_320 : i32
      %mul3A_330 = arith.constant 16 : i32
      %mul3A_331 = arith.muli %select_n3A_329, %mul3A_330 : i32
      %swap3A_332 = arith.index_cast %select_n3A_314 : i32 to index
      %swap3A_333 = arith.index_cast %mul3A_331 : i32 to index
      %swap3A_334 = tpu.vector_load %arg8[%swap3A_332, %swap3A_333] {strides = array<i32>} : memref<128x128xf32, #tpu.memory_space<vmem>>, vector<1x16xf32>,
      %swap3A_335 = vector.shape_cast %swap3A_334 : vector<1x16xf32> to vector<16xf32>
      %swap3A_336 = vector.shape_cast %broadcast_in_dim3A_1 : vector<16xf32> to vector<1x16xf32>
      tpu.vector_store %arg8[%swap3A_332, %swap3A_333], %swap3A_336 {strides = array<i32>} : memref<128x128xf32, #tpu.memory_space<vmem>>, vector<1x16xf32>,
      %scan3A_337 = arith.constant 0 : i32
      scf.yield %scan3A_337 : i32
    }
    %scan3A_7 = arith.constant 1024 : i32
    %mul3A_8 = arith.constant 632 : i32
    %mul3A_9 = arith.muli %arg1, %mul3A_8 : i32
    %add3A_10 = arith.constant 0 : i32
    %add3A_11 = arith.addi %mul3A_9, %add3A_10 : i32
    "tpu.region"() ({
      %run_scoped3A = tpu.sem_alloc : memref<!tpu.dma_semaphore, #tpu.memory_space<semaphore_mem>>
      %dma_start3A_289 = arith.constant 0 : i32
      %dma_start3A_290 = arith.constant 0 : i32
      %dma_start3A_291 = tpu.memref_slice %arg8[%dma_start3A_289, %dma_start3A_290] : memref<128x128xf32, #tpu.memory_space<vmem>> -> memref<128x128xf32, #tpu.memory_space<vmem>>
      %dma_start3A_292 = arith.constant 0 : i32
      %dma_start3A_293 = tpu.memref_slice %arg10[%add3A_11, %dma_start3A_292] : memref<10112x128xf32, #tpu.memory_space<vmem_shared>> -> memref<128x128xf32, #tpu.memory_space<vmem_shared>>
      %dma_start3A_294 = arith.constant 0 : i32
      %dma_start3A_295 = tpu.memref_slice %arg10[%add3A_11, %dma_start3A_294] : memref<10112x128xf32, #tpu.memory_space<vmem_shared>> -> memref<128x128xf32, #tpu.memory_space<vmem_shared>>
      %dma_start3A_296 = arith.constant 0 : i32
      %dma_start3A_297 = arith.constant 0 : i32
      %dma_start3A_298 = tpu.memref_slice %arg8[%dma_start3A_296, %dma_start3A_297] : memref<128x128xf32, #tpu.memory_space<vmem>> -> memref<128x128xf32, #tpu.memory_space<vmem>>
      tpu.enqueue_dma source(%dma_start3A_298 : memref<128x128xf32, #tpu.memory_space<vmem>>) target(%dma_start3A_295 : memref<128x128xf32, #tpu.memory_space<vmem_shared>>) target_semaphore(%run_scoped3A : memref<!tpu.dma_semaphore, #tpu.memory_space<semaphore_mem>>)
      %dma_wait3A = arith.constant 0 : i32
      %dma_wait3A_299 = arith.constant 0 : i32
      %dma_wait3A_300 = tpu.memref_slice %arg8[%dma_wait3A, %dma_wait3A_299] : memref<128x128xf32, #tpu.memory_space<vmem>> -> memref<128x128xf32, #tpu.memory_space<vmem>>
      %dma_wait3A_301 = arith.constant 0 : i32
      %dma_wait3A_302 = tpu.memref_slice %arg10[%add3A_11, %dma_wait3A_301] : memref<10112x128xf32, #tpu.memory_space<vmem_shared>> -> memref<128x128xf32, #tpu.memory_space<vmem_shared>>
      %dma_wait3A_303 = arith.constant 0 : i32
      %dma_wait3A_304 = tpu.memref_slice %arg10[%add3A_11, %dma_wait3A_303] : memref<10112x128xf32, #tpu.memory_space<vmem_shared>> -> memref<128x128xf32, #tpu.memory_space<vmem_shared>>
      %dma_wait3A_305 = arith.constant 0 : i32
      %dma_wait3A_306 = arith.constant 0 : i32
      %dma_wait3A_307 = tpu.memref_slice %arg8[%dma_wait3A_305, %dma_wait3A_306] : memref<128x128xf32, #tpu.memory_space<vmem>> -> memref<128x128xf32, #tpu.memory_space<vmem>>
      tpu.wait_dma2 semaphore(%run_scoped3A : memref<!tpu.dma_semaphore, #tpu.memory_space<semaphore_mem>>) src(%dma_wait3A_307 : memref<128x128xf32, #tpu.memory_space<vmem>>) dst(%dma_wait3A_304 : memref<128x128xf32, #tpu.memory_space<vmem_shared>>)
      tpu.yield
    }) : () -> ()
    %mul3A_12 = arith.constant 632 : i32
    %mul3A_13 = arith.muli %arg1, %mul3A_12 : i32
    %add3A_14 = arith.constant 128 : i32
    %add3A_15 = arith.addi %mul3A_13, %add3A_14 : i32
    "tpu.region"() ({
      %run_scoped3A = tpu.sem_alloc : memref<!tpu.dma_semaphore, #tpu.memory_space<semaphore_mem>>
      %dma_start3A_289 = arith.constant 0 : i32
      %dma_start3A_290 = arith.constant 0 : i32
      %dma_start3A_291 = tpu.memref_slice %arg8[%dma_start3A_289, %dma_start3A_290] : memref<128x128xf32, #tpu.memory_space<vmem>> -> memref<128x128xf32, #tpu.memory_space<vmem>>
      %dma_start3A_292 = arith.constant 0 : i32
      %dma_start3A_293 = tpu.memref_slice %arg10[%add3A_15, %dma_start3A_292] : memref<10112x128xf32, #tpu.memory_space<vmem_shared>> -> memref<128x128xf32, #tpu.memory_space<vmem_shared>>
      %dma_start3A_294 = arith.constant 0 : i32
      %dma_start3A_295 = tpu.memref_slice %arg10[%add3A_15, %dma_start3A_294] : memref<10112x128xf32, #tpu.memory_space<vmem_shared>> -> memref<128x128xf32, #tpu.memory_space<vmem_shared>>
      %dma_start3A_296 = arith.constant 0 : i32
      %dma_start3A_297 = arith.constant 0 : i32
      %dma_start3A_298 = tpu.memref_slice %arg8[%dma_start3A_296, %dma_start3A_297] : memref<128x128xf32, #tpu.memory_space<vmem>> -> memref<128x128xf32, #tpu.memory_space<vmem>>
      tpu.enqueue_dma source(%dma_start3A_298 : memref<128x128xf32, #tpu.memory_space<vmem>>) target(%dma_start3A_295 : memref<128x128xf32, #tpu.memory_space<vmem_shared>>) target_semaphore(%run_scoped3A : memref<!tpu.dma_semaphore, #tpu.memory_space<semaphore_mem>>)
      %dma_wait3A = arith.constant 0 : i32
      %dma_wait3A_299 = arith.constant 0 : i32
      %dma_wait3A_300 = tpu.memref_slice %arg8[%dma_wait3A, %dma_wait3A_299] : memref<128x128xf32, #tpu.memory_space<vmem>> -> memref<128x128xf32, #tpu.memory_space<vmem>>
      %dma_wait3A_301 = arith.constant 0 : i32
      %dma_wait3A_302 = tpu.memref_slice %arg10[%add3A_15, %dma_wait3A_301] : memref<10112x128xf32, #tpu.memory_space<vmem_shared>> -> memref<128x128xf32, #tpu.memory_space<vmem_shared>>
      %dma_wait3A_303 = arith.constant 0 : i32
      %dma_wait3A_304 = tpu.memref_slice %arg10[%add3A_15, %dma_wait3A_303] : memref<10112x128xf32, #tpu.memory_space<vmem_shared>> -> memref<128x128xf32, #tpu.memory_space<vmem_shared>>
      %dma_wait3A_305 = arith.constant 0 : i32
      %dma_wait3A_306 = arith.constant 0 : i32
      %dma_wait3A_307 = tpu.memref_slice %arg8[%dma_wait3A_305, %dma_wait3A_306] : memref<128x128xf32, #tpu.memory_space<vmem>> -> memref<128x128xf32, #tpu.memory_space<vmem>>
      tpu.wait_dma2 semaphore(%run_scoped3A : memref<!tpu.dma_semaphore, #tpu.memory_space<semaphore_mem>>) src(%dma_wait3A_307 : memref<128x128xf32, #tpu.memory_space<vmem>>) dst(%dma_wait3A_304 : memref<128x128xf32, #tpu.memory_space<vmem_shared>>)
      tpu.yield
    }) : () -> ()
    %mul3A_16 = arith.constant 632 : i32
    %mul3A_17 = arith.muli %arg1, %mul3A_16 : i32
    %add3A_18 = arith.constant 256 : i32
    %add3A_19 = arith.addi %mul3A_17, %add3A_18 : i32
    "tpu.region"() ({
      %run_scoped3A = tpu.sem_alloc : memref<!tpu.dma_semaphore, #tpu.memory_space<semaphore_mem>>
      %dma_start3A_289 = arith.constant 0 : i32
      %dma_start3A_290 = arith.constant 0 : i32
      %dma_start3A_291 = tpu.memref_slice %arg8[%dma_start3A_289, %dma_start3A_290] : memref<128x128xf32, #tpu.memory_space<vmem>> -> memref<128x128xf32, #tpu.memory_space<vmem>>
      %dma_start3A_292 = arith.constant 0 : i32
      %dma_start3A_293 = tpu.memref_slice %arg10[%add3A_19, %dma_start3A_292] : memref<10112x128xf32, #tpu.memory_space<vmem_shared>> -> memref<128x128xf32, #tpu.memory_space<vmem_shared>>
      %dma_start3A_294 = arith.constant 0 : i32
      %dma_start3A_295 = tpu.memref_slice %arg10[%add3A_19, %dma_start3A_294] : memref<10112x128xf32, #tpu.memory_space<vmem_shared>> -> memref<128x128xf32, #tpu.memory_space<vmem_shared>>
      %dma_start3A_296 = arith.constant 0 : i32
      %dma_start3A_297 = arith.constant 0 : i32
      %dma_start3A_298 = tpu.memref_slice %arg8[%dma_start3A_296, %dma_start3A_297] : memref<128x128xf32, #tpu.memory_space<vmem>> -> memref<128x128xf32, #tpu.memory_space<vmem>>
      tpu.enqueue_dma source(%dma_start3A_298 : memref<128x128xf32, #tpu.memory_space<vmem>>) target(%dma_start3A_295 : memref<128x128xf32, #tpu.memory_space<vmem_shared>>) target_semaphore(%run_scoped3A : memref<!tpu.dma_semaphore, #tpu.memory_space<semaphore_mem>>)
      %dma_wait3A = arith.constant 0 : i32
      %dma_wait3A_299 = arith.constant 0 : i32
      %dma_wait3A_300 = tpu.memref_slice %arg8[%dma_wait3A, %dma_wait3A_299] : memref<128x128xf32, #tpu.memory_space<vmem>> -> memref<128x128xf32, #tpu.memory_space<vmem>>
      %dma_wait3A_301 = arith.constant 0 : i32
      %dma_wait3A_302 = tpu.memref_slice %arg10[%add3A_19, %dma_wait3A_301] : memref<10112x128xf32, #tpu.memory_space<vmem_shared>> -> memref<128x128xf32, #tpu.memory_space<vmem_shared>>
      %dma_wait3A_303 = arith.constant 0 : i32
      %dma_wait3A_304 = tpu.memref_slice %arg10[%add3A_19, %dma_wait3A_303] : memref<10112x128xf32, #tpu.memory_space<vmem_shared>> -> memref<128x128xf32, #tpu.memory_space<vmem_shared>>
      %dma_wait3A_305 = arith.constant 0 : i32
      %dma_wait3A_306 = arith.constant 0 : i32
      %dma_wait3A_307 = tpu.memref_slice %arg8[%dma_wait3A_305, %dma_wait3A_306] : memref<128x128xf32, #tpu.memory_space<vmem>> -> memref<128x128xf32, #tpu.memory_space<vmem>>
      tpu.wait_dma2 semaphore(%run_scoped3A : memref<!tpu.dma_semaphore, #tpu.memory_space<semaphore_mem>>) src(%dma_wait3A_307 : memref<128x128xf32, #tpu.memory_space<vmem>>) dst(%dma_wait3A_304 : memref<128x128xf32, #tpu.memory_space<vmem_shared>>)
      tpu.yield
    }) : () -> ()
    %mul3A_20 = arith.constant 632 : i32
    %mul3A_21 = arith.muli %arg1, %mul3A_20 : i32
    %add3A_22 = arith.constant 384 : i32
    %add3A_23 = arith.addi %mul3A_21, %add3A_22 : i32
    "tpu.region"() ({
      %run_scoped3A = tpu.sem_alloc : memref<!tpu.dma_semaphore, #tpu.memory_space<semaphore_mem>>
      %dma_start3A_289 = arith.constant 0 : i32
      %dma_start3A_290 = arith.constant 0 : i32
      %dma_start3A_291 = tpu.memref_slice %arg8[%dma_start3A_289, %dma_start3A_290] : memref<128x128xf32, #tpu.memory_space<vmem>> -> memref<128x128xf32, #tpu.memory_space<vmem>>
      %dma_start3A_292 = arith.constant 0 : i32
      %dma_start3A_293 = tpu.memref_slice %arg10[%add3A_23, %dma_start3A_292] : memref<10112x128xf32, #tpu.memory_space<vmem_shared>> -> memref<128x128xf32, #tpu.memory_space<vmem_shared>>
      %dma_start3A_294 = arith.constant 0 : i32
      %dma_start3A_295 = tpu.memref_slice %arg10[%add3A_23, %dma_start3A_294] : memref<10112x128xf32, #tpu.memory_space<vmem_shared>> -> memref<128x128xf32, #tpu.memory_space<vmem_shared>>
      %dma_start3A_296 = arith.constant 0 : i32
      %dma_start3A_297 = arith.constant 0 : i32
      %dma_start3A_298 = tpu.memref_slice %arg8[%dma_start3A_296, %dma_start3A_297] : memref<128x128xf32, #tpu.memory_space<vmem>> -> memref<128x128xf32, #tpu.memory_space<vmem>>
      tpu.enqueue_dma source(%dma_start3A_298 : memref<128x128xf32, #tpu.memory_space<vmem>>) target(%dma_start3A_295 : memref<128x128xf32, #tpu.memory_space<vmem_shared>>) target_semaphore(%run_scoped3A : memref<!tpu.dma_semaphore, #tpu.memory_space<semaphore_mem>>)
      %dma_wait3A = arith.constant 0 : i32
      %dma_wait3A_299 = arith.constant 0 : i32
      %dma_wait3A_300 = tpu.memref_slice %arg8[%dma_wait3A, %dma_wait3A_299] : memref<128x128xf32, #tpu.memory_space<vmem>> -> memref<128x128xf32, #tpu.memory_space<vmem>>
      %dma_wait3A_301 = arith.constant 0 : i32
      %dma_wait3A_302 = tpu.memref_slice %arg10[%add3A_23, %dma_wait3A_301] : memref<10112x128xf32, #tpu.memory_space<vmem_shared>> -> memref<128x128xf32, #tpu.memory_space<vmem_shared>>
      %dma_wait3A_303 = arith.constant 0 : i32
      %dma_wait3A_304 = tpu.memref_slice %arg10[%add3A_23, %dma_wait3A_303] : memref<10112x128xf32, #tpu.memory_space<vmem_shared>> -> memref<128x128xf32, #tpu.memory_space<vmem_shared>>
      %dma_wait3A_305 = arith.constant 0 : i32
      %dma_wait3A_306 = arith.constant 0 : i32
      %dma_wait3A_307 = tpu.memref_slice %arg8[%dma_wait3A_305, %dma_wait3A_306] : memref<128x128xf32, #tpu.memory_space<vmem>> -> memref<128x128xf32, #tpu.memory_space<vmem>>
      tpu.wait_dma2 semaphore(%run_scoped3A : memref<!tpu.dma_semaphore, #tpu.memory_space<semaphore_mem>>) src(%dma_wait3A_307 : memref<128x128xf32, #tpu.memory_space<vmem>>) dst(%dma_wait3A_304 : memref<128x128xf32, #tpu.memory_space<vmem_shared>>)
      tpu.yield
    }) : () -> ()
    %mul3A_24 = arith.constant 632 : i32
    %mul3A_25 = arith.muli %arg1, %mul3A_24 : i32
    %add3A_26 = arith.constant 512 : i32
    %add3A_27 = arith.addi %mul3A_25, %add3A_26 : i32
    "tpu.region"() ({
      %run_scoped3A = tpu.sem_alloc : memref<!tpu.dma_semaphore, #tpu.memory_space<semaphore_mem>>
      %dma_start3A_289 = arith.constant 0 : i32
      %dma_start3A_290 = arith.constant 0 : i32
      %dma_start3A_291 = tpu.memref_slice %arg8[%dma_start3A_289, %dma_start3A_290] : memref<128x128xf32, #tpu.memory_space<vmem>> -> memref<120x128xf32, #tpu.memory_space<vmem>>
      %dma_start3A_292 = arith.constant 0 : i32
      %dma_start3A_293 = tpu.memref_slice %arg10[%add3A_27, %dma_start3A_292] : memref<10112x128xf32, #tpu.memory_space<vmem_shared>> -> memref<120x128xf32, #tpu.memory_space<vmem_shared>>
      %dma_start3A_294 = arith.constant 0 : i32
      %dma_start3A_295 = tpu.memref_slice %arg10[%add3A_27, %dma_start3A_294] : memref<10112x128xf32, #tpu.memory_space<vmem_shared>> -> memref<120x128xf32, #tpu.memory_space<vmem_shared>>
      %dma_start3A_296 = arith.constant 0 : i32
      %dma_start3A_297 = arith.constant 0 : i32
      %dma_start3A_298 = tpu.memref_slice %arg8[%dma_start3A_296, %dma_start3A_297] : memref<128x128xf32, #tpu.memory_space<vmem>> -> memref<120x128xf32, #tpu.memory_space<vmem>>
      tpu.enqueue_dma source(%dma_start3A_298 : memref<120x128xf32, #tpu.memory_space<vmem>>) target(%dma_start3A_295 : memref<120x128xf32, #tpu.memory_space<vmem_shared>>) target_semaphore(%run_scoped3A : memref<!tpu.dma_semaphore, #tpu.memory_space<semaphore_mem>>)
      %dma_wait3A = arith.constant 0 : i32
      %dma_wait3A_299 = arith.constant 0 : i32
      %dma_wait3A_300 = tpu.memref_slice %arg8[%dma_wait3A, %dma_wait3A_299] : memref<128x128xf32, #tpu.memory_space<vmem>> -> memref<120x128xf32, #tpu.memory_space<vmem>>
      %dma_wait3A_301 = arith.constant 0 : i32
      %dma_wait3A_302 = tpu.memref_slice %arg10[%add3A_27, %dma_wait3A_301] : memref<10112x128xf32, #tpu.memory_space<vmem_shared>> -> memref<120x128xf32, #tpu.memory_space<vmem_shared>>
      %dma_wait3A_303 = arith.constant 0 : i32
      %dma_wait3A_304 = tpu.memref_slice %arg10[%add3A_27, %dma_wait3A_303] : memref<10112x128xf32, #tpu.memory_space<vmem_shared>> -> memref<120x128xf32, #tpu.memory_space<vmem_shared>>
      %dma_wait3A_305 = arith.constant 0 : i32
      %dma_wait3A_306 = arith.constant 0 : i32
      %dma_wait3A_307 = tpu.memref_slice %arg8[%dma_wait3A_305, %dma_wait3A_306] : memref<128x128xf32, #tpu.memory_space<vmem>> -> memref<120x128xf32, #tpu.memory_space<vmem>>
      tpu.wait_dma2 semaphore(%run_scoped3A : memref<!tpu.dma_semaphore, #tpu.memory_space<semaphore_mem>>) src(%dma_wait3A_307 : memref<120x128xf32, #tpu.memory_space<vmem>>) dst(%dma_wait3A_304 : memref<120x128xf32, #tpu.memory_space<vmem_shared>>)
      tpu.yield
    }) : () -> ()
    %barrier3A = arith.constant 0 : index
    tpu.barrier barrier_id(%barrier3A)
    %eq3A = arith.constant 0 : i32
    %eq3A_28 = arith.cmpi eq, %arg0, %eq3A : i32
    %jit3A = arith.constant 112 : i32
    %jit3A_29 = arith.constant 45 : i32
    %select_n3A = arith.select %eq3A_28, %jit3A, %jit3A_29 : i32
    %get3A = arith.constant 0 : i32
    %get3A_30 = arith.index_cast %get3A : i32 to index
    %get3A_31 = arith.constant 0 : index
    %get3A_32 = tpu.vector_load %arg5[%get3A_30, %get3A_31] {strides = array<i32>} : memref<112x128xi32, #tpu.memory_space<vmem>>, vector<1x16xi32>,
    %get3A_33 = vector.shape_cast %get3A_32 : vector<1x16xi32> to vector<16xi32>
    %shift_right_logical3A = arith.constant 14 : i32
    %shift_right_logical3A_34 = vector.broadcast %shift_right_logical3A : i32 to vector<16xi32>
    %shift_right_logical3A_35 = arith.shrui %get3A_33, %shift_right_logical3A_34 : vector<16xi32>
    %swap3A = arith.constant 0 : i32
    %swap3A_36 = arith.index_cast %swap3A : i32 to index
    %swap3A_37 = arith.constant 0 : index
    %swap3A_38 = tpu.vector_load %arg6[%swap3A_36, %swap3A_37] {strides = array<i32>} : memref<2x128xi32, #tpu.memory_space<vmem>>, vector<1x16xi32>,
    %swap3A_39 = vector.shape_cast %swap3A_38 : vector<1x16xi32> to vector<16xi32>
    %swap3A_40 = vector.shape_cast %shift_right_logical3A_35 : vector<16xi32> to vector<1x16xi32>
    tpu.vector_store %arg6[%swap3A_36, %swap3A_37], %swap3A_40 {strides = array<i32>} : memref<2x128xi32, #tpu.memory_space<vmem>>, vector<1x16xi32>,
    %and3A = arith.constant 16383 : i32
    %and3A_41 = vector.broadcast %and3A : i32 to vector<16xi32>
    %and3A_42 = arith.andi %get3A_33, %and3A_41 : vector<16xi32>
    %swap3A_43 = arith.constant 0 : i32
    %swap3A_44 = arith.index_cast %swap3A_43 : i32 to index
    %swap3A_45 = arith.constant 0 : index
    %swap3A_46 = tpu.vector_load %arg7[%swap3A_44, %swap3A_45] {strides = array<i32>} : memref<2x128xi32, #tpu.memory_space<vmem>>, vector<1x16xi32>,
    %swap3A_47 = vector.shape_cast %swap3A_46 : vector<1x16xi32> to vector<16xi32>
    %swap3A_48 = vector.shape_cast %and3A_42 : vector<16xi32> to vector<1x16xi32>
    tpu.vector_store %arg7[%swap3A_44, %swap3A_45], %swap3A_48 {strides = array<i32>} : memref<2x128xi32, #tpu.memory_space<vmem>>, vector<1x16xi32>,
    %get3A_49 = arith.constant 0 : i32
    %get3A_50 = arith.index_cast %get3A_49 : i32 to index
    %get3A_51 = arith.constant 16 : index
    %get3A_52 = tpu.vector_load %arg5[%get3A_50, %get3A_51] {strides = array<i32>} : memref<112x128xi32, #tpu.memory_space<vmem>>, vector<1x16xi32>,
    %get3A_53 = vector.shape_cast %get3A_52 : vector<1x16xi32> to vector<16xi32>
    %shift_right_logical3A_54 = arith.constant 14 : i32
    %shift_right_logical3A_55 = vector.broadcast %shift_right_logical3A_54 : i32 to vector<16xi32>
    %shift_right_logical3A_56 = arith.shrui %get3A_53, %shift_right_logical3A_55 : vector<16xi32>
    %swap3A_57 = arith.constant 0 : i32
    %swap3A_58 = arith.index_cast %swap3A_57 : i32 to index
    %swap3A_59 = arith.constant 16 : index
    %swap3A_60 = tpu.vector_load %arg6[%swap3A_58, %swap3A_59] {strides = array<i32>} : memref<2x128xi32, #tpu.memory_space<vmem>>, vector<1x16xi32>,
    %swap3A_61 = vector.shape_cast %swap3A_60 : vector<1x16xi32> to vector<16xi32>
    %swap3A_62 = vector.shape_cast %shift_right_logical3A_56 : vector<16xi32> to vector<1x16xi32>
    tpu.vector_store %arg6[%swap3A_58, %swap3A_59], %swap3A_62 {strides = array<i32>} : memref<2x128xi32, #tpu.memory_space<vmem>>, vector<1x16xi32>,
    %and3A_63 = arith.constant 16383 : i32
    %and3A_64 = vector.broadcast %and3A_63 : i32 to vector<16xi32>
    %and3A_65 = arith.andi %get3A_53, %and3A_64 : vector<16xi32>
    %swap3A_66 = arith.constant 0 : i32
    %swap3A_67 = arith.index_cast %swap3A_66 : i32 to index
    %swap3A_68 = arith.constant 16 : index
    %swap3A_69 = tpu.vector_load %arg7[%swap3A_67, %swap3A_68] {strides = array<i32>} : memref<2x128xi32, #tpu.memory_space<vmem>>, vector<1x16xi32>,
    %swap3A_70 = vector.shape_cast %swap3A_69 : vector<1x16xi32> to vector<16xi32>
    %swap3A_71 = vector.shape_cast %and3A_65 : vector<16xi32> to vector<1x16xi32>
    tpu.vector_store %arg7[%swap3A_67, %swap3A_68], %swap3A_71 {strides = array<i32>} : memref<2x128xi32, #tpu.memory_space<vmem>>, vector<1x16xi32>,
    %get3A_72 = arith.constant 0 : i32
    %get3A_73 = arith.index_cast %get3A_72 : i32 to index
    %get3A_74 = arith.constant 32 : index
    %get3A_75 = tpu.vector_load %arg5[%get3A_73, %get3A_74] {strides = array<i32>} : memref<112x128xi32, #tpu.memory_space<vmem>>, vector<1x16xi32>,
    %get3A_76 = vector.shape_cast %get3A_75 : vector<1x16xi32> to vector<16xi32>
    %shift_right_logical3A_77 = arith.constant 14 : i32
    %shift_right_logical3A_78 = vector.broadcast %shift_right_logical3A_77 : i32 to vector<16xi32>
    %shift_right_logical3A_79 = arith.shrui %get3A_76, %shift_right_logical3A_78 : vector<16xi32>
    %swap3A_80 = arith.constant 0 : i32
    %swap3A_81 = arith.index_cast %swap3A_80 : i32 to index
    %swap3A_82 = arith.constant 32 : index
    %swap3A_83 = tpu.vector_load %arg6[%swap3A_81, %swap3A_82] {strides = array<i32>} : memref<2x128xi32, #tpu.memory_space<vmem>>, vector<1x16xi32>,
    %swap3A_84 = vector.shape_cast %swap3A_83 : vector<1x16xi32> to vector<16xi32>
    %swap3A_85 = vector.shape_cast %shift_right_logical3A_79 : vector<16xi32> to vector<1x16xi32>
    tpu.vector_store %arg6[%swap3A_81, %swap3A_82], %swap3A_85 {strides = array<i32>} : memref<2x128xi32, #tpu.memory_space<vmem>>, vector<1x16xi32>,
    %and3A_86 = arith.constant 16383 : i32
    %and3A_87 = vector.broadcast %and3A_86 : i32 to vector<16xi32>
    %and3A_88 = arith.andi %get3A_76, %and3A_87 : vector<16xi32>
    %swap3A_89 = arith.constant 0 : i32
    %swap3A_90 = arith.index_cast %swap3A_89 : i32 to index
    %swap3A_91 = arith.constant 32 : index
    %swap3A_92 = tpu.vector_load %arg7[%swap3A_90, %swap3A_91] {strides = array<i32>} : memref<2x128xi32, #tpu.memory_space<vmem>>, vector<1x16xi32>,
    %swap3A_93 = vector.shape_cast %swap3A_92 : vector<1x16xi32> to vector<16xi32>
    %swap3A_94 = vector.shape_cast %and3A_88 : vector<16xi32> to vector<1x16xi32>
    tpu.vector_store %arg7[%swap3A_90, %swap3A_91], %swap3A_94 {strides = array<i32>} : memref<2x128xi32, #tpu.memory_space<vmem>>, vector<1x16xi32>,
    %get3A_95 = arith.constant 0 : i32
    %get3A_96 = arith.index_cast %get3A_95 : i32 to index
    %get3A_97 = arith.constant 48 : index
    %get3A_98 = tpu.vector_load %arg5[%get3A_96, %get3A_97] {strides = array<i32>} : memref<112x128xi32, #tpu.memory_space<vmem>>, vector<1x16xi32>,
    %get3A_99 = vector.shape_cast %get3A_98 : vector<1x16xi32> to vector<16xi32>
    %shift_right_logical3A_100 = arith.constant 14 : i32
    %shift_right_logical3A_101 = vector.broadcast %shift_right_logical3A_100 : i32 to vector<16xi32>
    %shift_right_logical3A_102 = arith.shrui %get3A_99, %shift_right_logical3A_101 : vector<16xi32>
    %swap3A_103 = arith.constant 0 : i32
    %swap3A_104 = arith.index_cast %swap3A_103 : i32 to index
    %swap3A_105 = arith.constant 48 : index
    %swap3A_106 = tpu.vector_load %arg6[%swap3A_104, %swap3A_105] {strides = array<i32>} : memref<2x128xi32, #tpu.memory_space<vmem>>, vector<1x16xi32>,
    %swap3A_107 = vector.shape_cast %swap3A_106 : vector<1x16xi32> to vector<16xi32>
    %swap3A_108 = vector.shape_cast %shift_right_logical3A_102 : vector<16xi32> to vector<1x16xi32>
    tpu.vector_store %arg6[%swap3A_104, %swap3A_105], %swap3A_108 {strides = array<i32>} : memref<2x128xi32, #tpu.memory_space<vmem>>, vector<1x16xi32>,
    %and3A_109 = arith.constant 16383 : i32
    %and3A_110 = vector.broadcast %and3A_109 : i32 to vector<16xi32>
    %and3A_111 = arith.andi %get3A_99, %and3A_110 : vector<16xi32>
    %swap3A_112 = arith.constant 0 : i32
    %swap3A_113 = arith.index_cast %swap3A_112 : i32 to index
    %swap3A_114 = arith.constant 48 : index
    %swap3A_115 = tpu.vector_load %arg7[%swap3A_113, %swap3A_114] {strides = array<i32>} : memref<2x128xi32, #tpu.memory_space<vmem>>, vector<1x16xi32>,
    %swap3A_116 = vector.shape_cast %swap3A_115 : vector<1x16xi32> to vector<16xi32>
    %swap3A_117 = vector.shape_cast %and3A_111 : vector<16xi32> to vector<1x16xi32>
    tpu.vector_store %arg7[%swap3A_113, %swap3A_114], %swap3A_117 {strides = array<i32>} : memref<2x128xi32, #tpu.memory_space<vmem>>, vector<1x16xi32>,
    %get3A_118 = arith.constant 0 : i32
    %get3A_119 = arith.index_cast %get3A_118 : i32 to index
    %get3A_120 = arith.constant 64 : index
    %get3A_121 = tpu.vector_load %arg5[%get3A_119, %get3A_120] {strides = array<i32>} : memref<112x128xi32, #tpu.memory_space<vmem>>, vector<1x16xi32>,
    %get3A_122 = vector.shape_cast %get3A_121 : vector<1x16xi32> to vector<16xi32>
    %shift_right_logical3A_123 = arith.constant 14 : i32
    %shift_right_logical3A_124 = vector.broadcast %shift_right_logical3A_123 : i32 to vector<16xi32>
    %shift_right_logical3A_125 = arith.shrui %get3A_122, %shift_right_logical3A_124 : vector<16xi32>
    %swap3A_126 = arith.constant 0 : i32
    %swap3A_127 = arith.index_cast %swap3A_126 : i32 to index
    %swap3A_128 = arith.constant 64 : index
    %swap3A_129 = tpu.vector_load %arg6[%swap3A_127, %swap3A_128] {strides = array<i32>} : memref<2x128xi32, #tpu.memory_space<vmem>>, vector<1x16xi32>,
    %swap3A_130 = vector.shape_cast %swap3A_129 : vector<1x16xi32> to vector<16xi32>
    %swap3A_131 = vector.shape_cast %shift_right_logical3A_125 : vector<16xi32> to vector<1x16xi32>
    tpu.vector_store %arg6[%swap3A_127, %swap3A_128], %swap3A_131 {strides = array<i32>} : memref<2x128xi32, #tpu.memory_space<vmem>>, vector<1x16xi32>,
    %and3A_132 = arith.constant 16383 : i32
    %and3A_133 = vector.broadcast %and3A_132 : i32 to vector<16xi32>
    %and3A_134 = arith.andi %get3A_122, %and3A_133 : vector<16xi32>
    %swap3A_135 = arith.constant 0 : i32
    %swap3A_136 = arith.index_cast %swap3A_135 : i32 to index
    %swap3A_137 = arith.constant 64 : index
    %swap3A_138 = tpu.vector_load %arg7[%swap3A_136, %swap3A_137] {strides = array<i32>} : memref<2x128xi32, #tpu.memory_space<vmem>>, vector<1x16xi32>,
    %swap3A_139 = vector.shape_cast %swap3A_138 : vector<1x16xi32> to vector<16xi32>
    %swap3A_140 = vector.shape_cast %and3A_134 : vector<16xi32> to vector<1x16xi32>
    tpu.vector_store %arg7[%swap3A_136, %swap3A_137], %swap3A_140 {strides = array<i32>} : memref<2x128xi32, #tpu.memory_space<vmem>>, vector<1x16xi32>,
    %get3A_141 = arith.constant 0 : i32
    %get3A_142 = arith.index_cast %get3A_141 : i32 to index
    %get3A_143 = arith.constant 80 : index
    %get3A_144 = tpu.vector_load %arg5[%get3A_142, %get3A_143] {strides = array<i32>} : memref<112x128xi32, #tpu.memory_space<vmem>>, vector<1x16xi32>,
    %get3A_145 = vector.shape_cast %get3A_144 : vector<1x16xi32> to vector<16xi32>
    %shift_right_logical3A_146 = arith.constant 14 : i32
    %shift_right_logical3A_147 = vector.broadcast %shift_right_logical3A_146 : i32 to vector<16xi32>
    %shift_right_logical3A_148 = arith.shrui %get3A_145, %shift_right_logical3A_147 : vector<16xi32>
    %swap3A_149 = arith.constant 0 : i32
    %swap3A_150 = arith.index_cast %swap3A_149 : i32 to index
    %swap3A_151 = arith.constant 80 : index
    %swap3A_152 = tpu.vector_load %arg6[%swap3A_150, %swap3A_151] {strides = array<i32>} : memref<2x128xi32, #tpu.memory_space<vmem>>, vector<1x16xi32>,
    %swap3A_153 = vector.shape_cast %swap3A_152 : vector<1x16xi32> to vector<16xi32>
    %swap3A_154 = vector.shape_cast %shift_right_logical3A_148 : vector<16xi32> to vector<1x16xi32>
    tpu.vector_store %arg6[%swap3A_150, %swap3A_151], %swap3A_154 {strides = array<i32>} : memref<2x128xi32, #tpu.memory_space<vmem>>, vector<1x16xi32>,
    %and3A_155 = arith.constant 16383 : i32
    %and3A_156 = vector.broadcast %and3A_155 : i32 to vector<16xi32>
    %and3A_157 = arith.andi %get3A_145, %and3A_156 : vector<16xi32>
    %swap3A_158 = arith.constant 0 : i32
    %swap3A_159 = arith.index_cast %swap3A_158 : i32 to index
    %swap3A_160 = arith.constant 80 : index
    %swap3A_161 = tpu.vector_load %arg7[%swap3A_159, %swap3A_160] {strides = array<i32>} : memref<2x128xi32, #tpu.memory_space<vmem>>, vector<1x16xi32>,
    %swap3A_162 = vector.shape_cast %swap3A_161 : vector<1x16xi32> to vector<16xi32>
    %swap3A_163 = vector.shape_cast %and3A_157 : vector<16xi32> to vector<1x16xi32>
    tpu.vector_store %arg7[%swap3A_159, %swap3A_160], %swap3A_163 {strides = array<i32>} : memref<2x128xi32, #tpu.memory_space<vmem>>, vector<1x16xi32>,
    %get3A_164 = arith.constant 0 : i32
    %get3A_165 = arith.index_cast %get3A_164 : i32 to index
    %get3A_166 = arith.constant 96 : index
    %get3A_167 = tpu.vector_load %arg5[%get3A_165, %get3A_166] {strides = array<i32>} : memref<112x128xi32, #tpu.memory_space<vmem>>, vector<1x16xi32>,
    %get3A_168 = vector.shape_cast %get3A_167 : vector<1x16xi32> to vector<16xi32>
    %shift_right_logical3A_169 = arith.constant 14 : i32
    %shift_right_logical3A_170 = vector.broadcast %shift_right_logical3A_169 : i32 to vector<16xi32>
    %shift_right_logical3A_171 = arith.shrui %get3A_168, %shift_right_logical3A_170 : vector<16xi32>
    %swap3A_172 = arith.constant 0 : i32
    %swap3A_173 = arith.index_cast %swap3A_172 : i32 to index
    %swap3A_174 = arith.constant 96 : index
    %swap3A_175 = tpu.vector_load %arg6[%swap3A_173, %swap3A_174] {strides = array<i32>} : memref<2x128xi32, #tpu.memory_space<vmem>>, vector<1x16xi32>,
    %swap3A_176 = vector.shape_cast %swap3A_175 : vector<1x16xi32> to vector<16xi32>
    %swap3A_177 = vector.shape_cast %shift_right_logical3A_171 : vector<16xi32> to vector<1x16xi32>
    tpu.vector_store %arg6[%swap3A_173, %swap3A_174], %swap3A_177 {strides = array<i32>} : memref<2x128xi32, #tpu.memory_space<vmem>>, vector<1x16xi32>,
    %and3A_178 = arith.constant 16383 : i32
    %and3A_179 = vector.broadcast %and3A_178 : i32 to vector<16xi32>
    %and3A_180 = arith.andi %get3A_168, %and3A_179 : vector<16xi32>
    %swap3A_181 = arith.constant 0 : i32
    %swap3A_182 = arith.index_cast %swap3A_181 : i32 to index
    %swap3A_183 = arith.constant 96 : index
    %swap3A_184 = tpu.vector_load %arg7[%swap3A_182, %swap3A_183] {strides = array<i32>} : memref<2x128xi32, #tpu.memory_space<vmem>>, vector<1x16xi32>,
    %swap3A_185 = vector.shape_cast %swap3A_184 : vector<1x16xi32> to vector<16xi32>
    %swap3A_186 = vector.shape_cast %and3A_180 : vector<16xi32> to vector<1x16xi32>
    tpu.vector_store %arg7[%swap3A_182, %swap3A_183], %swap3A_186 {strides = array<i32>} : memref<2x128xi32, #tpu.memory_space<vmem>>, vector<1x16xi32>,
    %get3A_187 = arith.constant 0 : i32
    %get3A_188 = arith.index_cast %get3A_187 : i32 to index
    %get3A_189 = arith.constant 112 : index
    %get3A_190 = tpu.vector_load %arg5[%get3A_188, %get3A_189] {strides = array<i32>} : memref<112x128xi32, #tpu.memory_space<vmem>>, vector<1x16xi32>,
    %get3A_191 = vector.shape_cast %get3A_190 : vector<1x16xi32> to vector<16xi32>
    %shift_right_logical3A_192 = arith.constant 14 : i32
    %shift_right_logical3A_193 = vector.broadcast %shift_right_logical3A_192 : i32 to vector<16xi32>
    %shift_right_logical3A_194 = arith.shrui %get3A_191, %shift_right_logical3A_193 : vector<16xi32>
    %swap3A_195 = arith.constant 0 : i32
    %swap3A_196 = arith.index_cast %swap3A_195 : i32 to index
    %swap3A_197 = arith.constant 112 : index
    %swap3A_198 = tpu.vector_load %arg6[%swap3A_196, %swap3A_197] {strides = array<i32>} : memref<2x128xi32, #tpu.memory_space<vmem>>, vector<1x16xi32>,
    %swap3A_199 = vector.shape_cast %swap3A_198 : vector<1x16xi32> to vector<16xi32>
    %swap3A_200 = vector.shape_cast %shift_right_logical3A_194 : vector<16xi32> to vector<1x16xi32>
    tpu.vector_store %arg6[%swap3A_196, %swap3A_197], %swap3A_200 {strides = array<i32>} : memref<2x128xi32, #tpu.memory_space<vmem>>, vector<1x16xi32>,
    %and3A_201 = arith.constant 16383 : i32
    %and3A_202 = vector.broadcast %and3A_201 : i32 to vector<16xi32>
    %and3A_203 = arith.andi %get3A_191, %and3A_202 : vector<16xi32>
    %swap3A_204 = arith.constant 0 : i32
    %swap3A_205 = arith.index_cast %swap3A_204 : i32 to index
    %swap3A_206 = arith.constant 112 : index
    %swap3A_207 = tpu.vector_load %arg7[%swap3A_205, %swap3A_206] {strides = array<i32>} : memref<2x128xi32, #tpu.memory_space<vmem>>, vector<1x16xi32>,
    %swap3A_208 = vector.shape_cast %swap3A_207 : vector<1x16xi32> to vector<16xi32>
    %swap3A_209 = vector.shape_cast %and3A_203 : vector<16xi32> to vector<1x16xi32>
    tpu.vector_store %arg7[%swap3A_205, %swap3A_206], %swap3A_209 {strides = array<i32>} : memref<2x128xi32, #tpu.memory_space<vmem>>, vector<1x16xi32>,
    %dma_start3A = arith.constant 0 : i32
    %dma_start3A_210 = arith.constant 0 : i32
    %dma_start3A_211 = tpu.memref_slice %arg6[%dma_start3A, %dma_start3A_210] : memref<2x128xi32, #tpu.memory_space<vmem>> -> memref<1x128xi32, #tpu.memory_space<vmem>>
    %dma_start3A_212 = tpu.memref_squeeze %dma_start3A_211 : memref<1x128xi32, #tpu.memory_space<vmem>> -> memref<128xi32, #tpu.memory_space<vmem>>
    %dma_start3A_213 = arith.constant 0 : i32
    %dma_start3A_214 = arith.constant 0 : i32
    %dma_start3A_215 = tpu.memref_slice %arg2[%dma_start3A_213, %dma_start3A_214] : memref<10000x128xf32, #tpu.memory_space<hbm>> -> memref<10000x128xf32, #tpu.memory_space<hbm>>
    tpu.enqueue_indirect_dma source(%dma_start3A_215 : memref<10000x128xf32, #tpu.memory_space<hbm>>) target(%arg8 : memref<128x128xf32, #tpu.memory_space<vmem>>) offsets(%dma_start3A_212 : memref<128xi32, #tpu.memory_space<vmem>>) semaphore(%arg11 : memref<!tpu.dma_semaphore, #tpu.memory_space<semaphore_mem>>)
    %add3A_216 = arith.constant 1 : i32
    %add3A_217 = arith.addi %select_n3A, %add3A_216 : i32
    %jit3A_218 = arith.constant 2 : i32
    %div3A = arith.divsi %add3A_217, %jit3A_218 : i32
    %sign3A = arith.constant 0 : i32
    %sign3A_219 = arith.cmpi sgt, %add3A_217, %sign3A : i32
    %sign3A_220 = arith.extui %sign3A_219 : i1 to i32
    %sign3A_221 = arith.constant 0 : i32
    %sign3A_222 = arith.cmpi slt, %add3A_217, %sign3A_221 : i32
    %sign3A_223 = arith.extui %sign3A_222 : i1 to i32
    %sign3A_224 = arith.subi %sign3A_220, %sign3A_223 : i32
    %sign3A_225 = arith.constant 0 : i32
    %sign3A_226 = arith.cmpi sgt, %jit3A_218, %sign3A_225 : i32
    %sign3A_227 = arith.extui %sign3A_226 : i1 to i32
    %sign3A_228 = arith.constant 0 : i32
    %sign3A_229 = arith.cmpi slt, %jit3A_218, %sign3A_228 : i32
    %sign3A_230 = arith.extui %sign3A_229 : i1 to i32
    %sign3A_231 = arith.subi %sign3A_227, %sign3A_230 : i32
    %ne3A = arith.cmpi ne, %sign3A_224, %sign3A_231 : i32
    %rem3A = arith.remsi %add3A_217, %jit3A_218 : i32
    %ne3A_232 = arith.constant 0 : i32
    %ne3A_233 = arith.cmpi ne, %rem3A, %ne3A_232 : i32
    %and3A_234 = arith.andi %ne3A, %ne3A_233 : i1
    %sub3A = arith.constant 1 : i32
    %sub3A_235 = arith.subi %div3A, %sub3A : i32
    %select_n3A_236 = arith.select %and3A_234, %sub3A_235, %div3A : i32
    %while3A = arith.constant 0 : i32
    %while3A_237 = arith.constant 0 : i32
    %while3A_238 = arith.subi %select_n3A_236, %while3A : i32
    %while3A_239 = arith.addi %while3A, %while3A_238 : i32
    %while3A_240 = arith.constant 1 : i32
    %while3A_241 = arith.divsi %while3A_238, %while3A_240 : i32
    %while3A_242 = arith.muli %while3A_241, %while3A_240 : i32
    %while3A_243 = arith.addi %while3A, %while3A_242 : i32
    %while3A_244 = arith.constant 1 : i32
    %while3A_245 = scf.for %while3A_289 = %while3A to %while3A_243 step %while3A_244 iter_args(%while3A_290 = %while3A_237) -> (i32)  : i32 {
      %mul3A_291 = arith.constant 2 : i32
      %mul3A_292 = arith.muli %mul3A_291, %while3A_289 : i32
      %add3A_293 = arith.constant 1 : i32
      %add3A_294 = arith.addi %mul3A_292, %add3A_293 : i32
      %lt3A = arith.cmpi slt, %add3A_294, %select_n3A : i32
      %convert_element_type3A = arith.extui %lt3A : i1 to i32
      %cond3A = arith.constant 0 : i32
      %cond3A_295 = arith.cmpi ne, %convert_element_type3A, %cond3A : i32
      scf.if %cond3A_295 {
        %add3A_314 = arith.constant 1 : i32
        %add3A_315 = arith.addi %mul3A_292, %add3A_314 : i32
        %get3A_316 = arith.index_cast %add3A_315 : i32 to index
        %get3A_317 = arith.constant 0 : index
        %get3A_318 = tpu.vector_load %arg5[%get3A_316, %get3A_317] {strides = array<i32>} : memref<112x128xi32, #tpu.memory_space<vmem>>, vector<1x16xi32>,
        %get3A_319 = vector.shape_cast %get3A_318 : vector<1x16xi32> to vector<16xi32>
        %shift_right_logical3A_320 = arith.constant 14 : i32
        %shift_right_logical3A_321 = vector.broadcast %shift_right_logical3A_320 : i32 to vector<16xi32>
        %shift_right_logical3A_322 = arith.shrui %get3A_319, %shift_right_logical3A_321 : vector<16xi32>
        %swap3A_323 = arith.constant 1 : i32
        %swap3A_324 = arith.index_cast %swap3A_323 : i32 to index
        %swap3A_325 = arith.constant 0 : index
        %swap3A_326 = tpu.vector_load %arg6[%swap3A_324, %swap3A_325] {strides = array<i32>} : memref<2x128xi32, #tpu.memory_space<vmem>>, vector<1x16xi32>,
        %swap3A_327 = vector.shape_cast %swap3A_326 : vector<1x16xi32> to vector<16xi32>
        %swap3A_328 = vector.shape_cast %shift_right_logical3A_322 : vector<16xi32> to vector<1x16xi32>
        tpu.vector_store %arg6[%swap3A_324, %swap3A_325], %swap3A_328 {strides = array<i32>} : memref<2x128xi32, #tpu.memory_space<vmem>>, vector<1x16xi32>,
        %and3A_329 = arith.constant 16383 : i32
        %and3A_330 = vector.broadcast %and3A_329 : i32 to vector<16xi32>
        %and3A_331 = arith.andi %get3A_319, %and3A_330 : vector<16xi32>
        %swap3A_332 = arith.constant 1 : i32
        %swap3A_333 = arith.index_cast %swap3A_332 : i32 to index
        %swap3A_334 = arith.constant 0 : index
        %swap3A_335 = tpu.vector_load %arg7[%swap3A_333, %swap3A_334] {strides = array<i32>} : memref<2x128xi32, #tpu.memory_space<vmem>>, vector<1x16xi32>,
        %swap3A_336 = vector.shape_cast %swap3A_335 : vector<1x16xi32> to vector<16xi32>
        %swap3A_337 = vector.shape_cast %and3A_331 : vector<16xi32> to vector<1x16xi32>
        tpu.vector_store %arg7[%swap3A_333, %swap3A_334], %swap3A_337 {strides = array<i32>} : memref<2x128xi32, #tpu.memory_space<vmem>>, vector<1x16xi32>,
        %get3A_338 = arith.index_cast %add3A_315 : i32 to index
        %get3A_339 = arith.constant 16 : index
        %get3A_340 = tpu.vector_load %arg5[%get3A_338, %get3A_339] {strides = array<i32>} : memref<112x128xi32, #tpu.memory_space<vmem>>, vector<1x16xi32>,
        %get3A_341 = vector.shape_cast %get3A_340 : vector<1x16xi32> to vector<16xi32>
        %shift_right_logical3A_342 = arith.constant 14 : i32
        %shift_right_logical3A_343 = vector.broadcast %shift_right_logical3A_342 : i32 to vector<16xi32>
        %shift_right_logical3A_344 = arith.shrui %get3A_341, %shift_right_logical3A_343 : vector<16xi32>
        %swap3A_345 = arith.constant 1 : i32
        %swap3A_346 = arith.index_cast %swap3A_345 : i32 to index
        %swap3A_347 = arith.constant 16 : index
        %swap3A_348 = tpu.vector_load %arg6[%swap3A_346, %swap3A_347] {strides = array<i32>} : memref<2x128xi32, #tpu.memory_space<vmem>>, vector<1x16xi32>,
        %swap3A_349 = vector.shape_cast %swap3A_348 : vector<1x16xi32> to vector<16xi32>
        %swap3A_350 = vector.shape_cast %shift_right_logical3A_344 : vector<16xi32> to vector<1x16xi32>
        tpu.vector_store %arg6[%swap3A_346, %swap3A_347], %swap3A_350 {strides = array<i32>} : memref<2x128xi32, #tpu.memory_space<vmem>>, vector<1x16xi32>,
        %and3A_351 = arith.constant 16383 : i32
        %and3A_352 = vector.broadcast %and3A_351 : i32 to vector<16xi32>
        %and3A_353 = arith.andi %get3A_341, %and3A_352 : vector<16xi32>
        %swap3A_354 = arith.constant 1 : i32
        %swap3A_355 = arith.index_cast %swap3A_354 : i32 to index
        %swap3A_356 = arith.constant 16 : index
        %swap3A_357 = tpu.vector_load %arg7[%swap3A_355, %swap3A_356] {strides = array<i32>} : memref<2x128xi32, #tpu.memory_space<vmem>>, vector<1x16xi32>,
        %swap3A_358 = vector.shape_cast %swap3A_357 : vector<1x16xi32> to vector<16xi32>
        %swap3A_359 = vector.shape_cast %and3A_353 : vector<16xi32> to vector<1x16xi32>
        tpu.vector_store %arg7[%swap3A_355, %swap3A_356], %swap3A_359 {strides = array<i32>} : memref<2x128xi32, #tpu.memory_space<vmem>>, vector<1x16xi32>,
        %get3A_360 = arith.index_cast %add3A_315 : i32 to index
        %get3A_361 = arith.constant 32 : index
        %get3A_362 = tpu.vector_load %arg5[%get3A_360, %get3A_361] {strides = array<i32>} : memref<112x128xi32, #tpu.memory_space<vmem>>, vector<1x16xi32>,
        %get3A_363 = vector.shape_cast %get3A_362 : vector<1x16xi32> to vector<16xi32>
        %shift_right_logical3A_364 = arith.constant 14 : i32
        %shift_right_logical3A_365 = vector.broadcast %shift_right_logical3A_364 : i32 to vector<16xi32>
        %shift_right_logical3A_366 = arith.shrui %get3A_363, %shift_right_logical3A_365 : vector<16xi32>
        %swap3A_367 = arith.constant 1 : i32
        %swap3A_368 = arith.index_cast %swap3A_367 : i32 to index
        %swap3A_369 = arith.constant 32 : index
        %swap3A_370 = tpu.vector_load %arg6[%swap3A_368, %swap3A_369] {strides = array<i32>} : memref<2x128xi32, #tpu.memory_space<vmem>>, vector<1x16xi32>,
        %swap3A_371 = vector.shape_cast %swap3A_370 : vector<1x16xi32> to vector<16xi32>
        %swap3A_372 = vector.shape_cast %shift_right_logical3A_366 : vector<16xi32> to vector<1x16xi32>
        tpu.vector_store %arg6[%swap3A_368, %swap3A_369], %swap3A_372 {strides = array<i32>} : memref<2x128xi32, #tpu.memory_space<vmem>>, vector<1x16xi32>,
        %and3A_373 = arith.constant 16383 : i32
        %and3A_374 = vector.broadcast %and3A_373 : i32 to vector<16xi32>
        %and3A_375 = arith.andi %get3A_363, %and3A_374 : vector<16xi32>
        %swap3A_376 = arith.constant 1 : i32
        %swap3A_377 = arith.index_cast %swap3A_376 : i32 to index
        %swap3A_378 = arith.constant 32 : index
        %swap3A_379 = tpu.vector_load %arg7[%swap3A_377, %swap3A_378] {strides = array<i32>} : memref<2x128xi32, #tpu.memory_space<vmem>>, vector<1x16xi32>,
        %swap3A_380 = vector.shape_cast %swap3A_379 : vector<1x16xi32> to vector<16xi32>
        %swap3A_381 = vector.shape_cast %and3A_375 : vector<16xi32> to vector<1x16xi32>
        tpu.vector_store %arg7[%swap3A_377, %swap3A_378], %swap3A_381 {strides = array<i32>} : memref<2x128xi32, #tpu.memory_space<vmem>>, vector<1x16xi32>,
        %get3A_382 = arith.index_cast %add3A_315 : i32 to index
        %get3A_383 = arith.constant 48 : index
        %get3A_384 = tpu.vector_load %arg5[%get3A_382, %get3A_383] {strides = array<i32>} : memref<112x128xi32, #tpu.memory_space<vmem>>, vector<1x16xi32>,
        %get3A_385 = vector.shape_cast %get3A_384 : vector<1x16xi32> to vector<16xi32>
        %shift_right_logical3A_386 = arith.constant 14 : i32
        %shift_right_logical3A_387 = vector.broadcast %shift_right_logical3A_386 : i32 to vector<16xi32>
        %shift_right_logical3A_388 = arith.shrui %get3A_385, %shift_right_logical3A_387 : vector<16xi32>
        %swap3A_389 = arith.constant 1 : i32
        %swap3A_390 = arith.index_cast %swap3A_389 : i32 to index
        %swap3A_391 = arith.constant 48 : index
        %swap3A_392 = tpu.vector_load %arg6[%swap3A_390, %swap3A_391] {strides = array<i32>} : memref<2x128xi32, #tpu.memory_space<vmem>>, vector<1x16xi32>,
        %swap3A_393 = vector.shape_cast %swap3A_392 : vector<1x16xi32> to vector<16xi32>
        %swap3A_394 = vector.shape_cast %shift_right_logical3A_388 : vector<16xi32> to vector<1x16xi32>
        tpu.vector_store %arg6[%swap3A_390, %swap3A_391], %swap3A_394 {strides = array<i32>} : memref<2x128xi32, #tpu.memory_space<vmem>>, vector<1x16xi32>,
        %and3A_395 = arith.constant 16383 : i32
        %and3A_396 = vector.broadcast %and3A_395 : i32 to vector<16xi32>
        %and3A_397 = arith.andi %get3A_385, %and3A_396 : vector<16xi32>
        %swap3A_398 = arith.constant 1 : i32
        %swap3A_399 = arith.index_cast %swap3A_398 : i32 to index
        %swap3A_400 = arith.constant 48 : index
        %swap3A_401 = tpu.vector_load %arg7[%swap3A_399, %swap3A_400] {strides = array<i32>} : memref<2x128xi32, #tpu.memory_space<vmem>>, vector<1x16xi32>,
        %swap3A_402 = vector.shape_cast %swap3A_401 : vector<1x16xi32> to vector<16xi32>
        %swap3A_403 = vector.shape_cast %and3A_397 : vector<16xi32> to vector<1x16xi32>
        tpu.vector_store %arg7[%swap3A_399, %swap3A_400], %swap3A_403 {strides = array<i32>} : memref<2x128xi32, #tpu.memory_space<vmem>>, vector<1x16xi32>,
        %get3A_404 = arith.index_cast %add3A_315 : i32 to index
        %get3A_405 = arith.constant 64 : index
        %get3A_406 = tpu.vector_load %arg5[%get3A_404, %get3A_405] {strides = array<i32>} : memref<112x128xi32, #tpu.memory_space<vmem>>, vector<1x16xi32>,
        %get3A_407 = vector.shape_cast %get3A_406 : vector<1x16xi32> to vector<16xi32>
        %shift_right_logical3A_408 = arith.constant 14 : i32
        %shift_right_logical3A_409 = vector.broadcast %shift_right_logical3A_408 : i32 to vector<16xi32>
        %shift_right_logical3A_410 = arith.shrui %get3A_407, %shift_right_logical3A_409 : vector<16xi32>
        %swap3A_411 = arith.constant 1 : i32
        %swap3A_412 = arith.index_cast %swap3A_411 : i32 to index
        %swap3A_413 = arith.constant 64 : index
        %swap3A_414 = tpu.vector_load %arg6[%swap3A_412, %swap3A_413] {strides = array<i32>} : memref<2x128xi32, #tpu.memory_space<vmem>>, vector<1x16xi32>,
        %swap3A_415 = vector.shape_cast %swap3A_414 : vector<1x16xi32> to vector<16xi32>
        %swap3A_416 = vector.shape_cast %shift_right_logical3A_410 : vector<16xi32> to vector<1x16xi32>
        tpu.vector_store %arg6[%swap3A_412, %swap3A_413], %swap3A_416 {strides = array<i32>} : memref<2x128xi32, #tpu.memory_space<vmem>>, vector<1x16xi32>,
        %and3A_417 = arith.constant 16383 : i32
        %and3A_418 = vector.broadcast %and3A_417 : i32 to vector<16xi32>
        %and3A_419 = arith.andi %get3A_407, %and3A_418 : vector<16xi32>
        %swap3A_420 = arith.constant 1 : i32
        %swap3A_421 = arith.index_cast %swap3A_420 : i32 to index
        %swap3A_422 = arith.constant 64 : index
        %swap3A_423 = tpu.vector_load %arg7[%swap3A_421, %swap3A_422] {strides = array<i32>} : memref<2x128xi32, #tpu.memory_space<vmem>>, vector<1x16xi32>,
        %swap3A_424 = vector.shape_cast %swap3A_423 : vector<1x16xi32> to vector<16xi32>
        %swap3A_425 = vector.shape_cast %and3A_419 : vector<16xi32> to vector<1x16xi32>
        tpu.vector_store %arg7[%swap3A_421, %swap3A_422], %swap3A_425 {strides = array<i32>} : memref<2x128xi32, #tpu.memory_space<vmem>>, vector<1x16xi32>,
        %get3A_426 = arith.index_cast %add3A_315 : i32 to index
        %get3A_427 = arith.constant 80 : index
        %get3A_428 = tpu.vector_load %arg5[%get3A_426, %get3A_427] {strides = array<i32>} : memref<112x128xi32, #tpu.memory_space<vmem>>, vector<1x16xi32>,
        %get3A_429 = vector.shape_cast %get3A_428 : vector<1x16xi32> to vector<16xi32>
        %shift_right_logical3A_430 = arith.constant 14 : i32
        %shift_right_logical3A_431 = vector.broadcast %shift_right_logical3A_430 : i32 to vector<16xi32>
        %shift_right_logical3A_432 = arith.shrui %get3A_429, %shift_right_logical3A_431 : vector<16xi32>
        %swap3A_433 = arith.constant 1 : i32
        %swap3A_434 = arith.index_cast %swap3A_433 : i32 to index
        %swap3A_435 = arith.constant 80 : index
        %swap3A_436 = tpu.vector_load %arg6[%swap3A_434, %swap3A_435] {strides = array<i32>} : memref<2x128xi32, #tpu.memory_space<vmem>>, vector<1x16xi32>,
        %swap3A_437 = vector.shape_cast %swap3A_436 : vector<1x16xi32> to vector<16xi32>
        %swap3A_438 = vector.shape_cast %shift_right_logical3A_432 : vector<16xi32> to vector<1x16xi32>
        tpu.vector_store %arg6[%swap3A_434, %swap3A_435], %swap3A_438 {strides = array<i32>} : memref<2x128xi32, #tpu.memory_space<vmem>>, vector<1x16xi32>,
        %and3A_439 = arith.constant 16383 : i32
        %and3A_440 = vector.broadcast %and3A_439 : i32 to vector<16xi32>
        %and3A_441 = arith.andi %get3A_429, %and3A_440 : vector<16xi32>
        %swap3A_442 = arith.constant 1 : i32
        %swap3A_443 = arith.index_cast %swap3A_442 : i32 to index
        %swap3A_444 = arith.constant 80 : index
        %swap3A_445 = tpu.vector_load %arg7[%swap3A_443, %swap3A_444] {strides = array<i32>} : memref<2x128xi32, #tpu.memory_space<vmem>>, vector<1x16xi32>,
        %swap3A_446 = vector.shape_cast %swap3A_445 : vector<1x16xi32> to vector<16xi32>
        %swap3A_447 = vector.shape_cast %and3A_441 : vector<16xi32> to vector<1x16xi32>
        tpu.vector_store %arg7[%swap3A_443, %swap3A_444], %swap3A_447 {strides = array<i32>} : memref<2x128xi32, #tpu.memory_space<vmem>>, vector<1x16xi32>,
        %get3A_448 = arith.index_cast %add3A_315 : i32 to index
        %get3A_449 = arith.constant 96 : index
        %get3A_450 = tpu.vector_load %arg5[%get3A_448, %get3A_449] {strides = array<i32>} : memref<112x128xi32, #tpu.memory_space<vmem>>, vector<1x16xi32>,
        %get3A_451 = vector.shape_cast %get3A_450 : vector<1x16xi32> to vector<16xi32>
        %shift_right_logical3A_452 = arith.constant 14 : i32
        %shift_right_logical3A_453 = vector.broadcast %shift_right_logical3A_452 : i32 to vector<16xi32>
        %shift_right_logical3A_454 = arith.shrui %get3A_451, %shift_right_logical3A_453 : vector<16xi32>
        %swap3A_455 = arith.constant 1 : i32
        %swap3A_456 = arith.index_cast %swap3A_455 : i32 to index
        %swap3A_457 = arith.constant 96 : index
        %swap3A_458 = tpu.vector_load %arg6[%swap3A_456, %swap3A_457] {strides = array<i32>} : memref<2x128xi32, #tpu.memory_space<vmem>>, vector<1x16xi32>,
        %swap3A_459 = vector.shape_cast %swap3A_458 : vector<1x16xi32> to vector<16xi32>
        %swap3A_460 = vector.shape_cast %shift_right_logical3A_454 : vector<16xi32> to vector<1x16xi32>
        tpu.vector_store %arg6[%swap3A_456, %swap3A_457], %swap3A_460 {strides = array<i32>} : memref<2x128xi32, #tpu.memory_space<vmem>>, vector<1x16xi32>,
        %and3A_461 = arith.constant 16383 : i32
        %and3A_462 = vector.broadcast %and3A_461 : i32 to vector<16xi32>
        %and3A_463 = arith.andi %get3A_451, %and3A_462 : vector<16xi32>
        %swap3A_464 = arith.constant 1 : i32
        %swap3A_465 = arith.index_cast %swap3A_464 : i32 to index
        %swap3A_466 = arith.constant 96 : index
        %swap3A_467 = tpu.vector_load %arg7[%swap3A_465, %swap3A_466] {strides = array<i32>} : memref<2x128xi32, #tpu.memory_space<vmem>>, vector<1x16xi32>,
        %swap3A_468 = vector.shape_cast %swap3A_467 : vector<1x16xi32> to vector<16xi32>
        %swap3A_469 = vector.shape_cast %and3A_463 : vector<16xi32> to vector<1x16xi32>
        tpu.vector_store %arg7[%swap3A_465, %swap3A_466], %swap3A_469 {strides = array<i32>} : memref<2x128xi32, #tpu.memory_space<vmem>>, vector<1x16xi32>,
        %get3A_470 = arith.index_cast %add3A_315 : i32 to index
        %get3A_471 = arith.constant 112 : index
        %get3A_472 = tpu.vector_load %arg5[%get3A_470, %get3A_471] {strides = array<i32>} : memref<112x128xi32, #tpu.memory_space<vmem>>, vector<1x16xi32>,
        %get3A_473 = vector.shape_cast %get3A_472 : vector<1x16xi32> to vector<16xi32>
        %shift_right_logical3A_474 = arith.constant 14 : i32
        %shift_right_logical3A_475 = vector.broadcast %shift_right_logical3A_474 : i32 to vector<16xi32>
        %shift_right_logical3A_476 = arith.shrui %get3A_473, %shift_right_logical3A_475 : vector<16xi32>
        %swap3A_477 = arith.constant 1 : i32
        %swap3A_478 = arith.index_cast %swap3A_477 : i32 to index
        %swap3A_479 = arith.constant 112 : index
        %swap3A_480 = tpu.vector_load %arg6[%swap3A_478, %swap3A_479] {strides = array<i32>} : memref<2x128xi32, #tpu.memory_space<vmem>>, vector<1x16xi32>,
        %swap3A_481 = vector.shape_cast %swap3A_480 : vector<1x16xi32> to vector<16xi32>
        %swap3A_482 = vector.shape_cast %shift_right_logical3A_476 : vector<16xi32> to vector<1x16xi32>
        tpu.vector_store %arg6[%swap3A_478, %swap3A_479], %swap3A_482 {strides = array<i32>} : memref<2x128xi32, #tpu.memory_space<vmem>>, vector<1x16xi32>,
        %and3A_483 = arith.constant 16383 : i32
        %and3A_484 = vector.broadcast %and3A_483 : i32 to vector<16xi32>
        %and3A_485 = arith.andi %get3A_473, %and3A_484 : vector<16xi32>
        %swap3A_486 = arith.constant 1 : i32
        %swap3A_487 = arith.index_cast %swap3A_486 : i32 to index
        %swap3A_488 = arith.constant 112 : index
        %swap3A_489 = tpu.vector_load %arg7[%swap3A_487, %swap3A_488] {strides = array<i32>} : memref<2x128xi32, #tpu.memory_space<vmem>>, vector<1x16xi32>,
        %swap3A_490 = vector.shape_cast %swap3A_489 : vector<1x16xi32> to vector<16xi32>
        %swap3A_491 = vector.shape_cast %and3A_485 : vector<16xi32> to vector<1x16xi32>
        tpu.vector_store %arg7[%swap3A_487, %swap3A_488], %swap3A_491 {strides = array<i32>} : memref<2x128xi32, #tpu.memory_space<vmem>>, vector<1x16xi32>,
        %dma_start3A_492 = arith.constant 1 : i32
        %dma_start3A_493 = arith.constant 0 : i32
        %dma_start3A_494 = tpu.memref_slice %arg6[%dma_start3A_492, %dma_start3A_493] : memref<2x128xi32, #tpu.memory_space<vmem>> -> memref<1x128xi32, #tpu.memory_space<vmem>>
        %dma_start3A_495 = tpu.memref_squeeze %dma_start3A_494 : memref<1x128xi32, #tpu.memory_space<vmem>> -> memref<128xi32, #tpu.memory_space<vmem>>
        %dma_start3A_496 = arith.constant 0 : i32
        %dma_start3A_497 = arith.constant 0 : i32
        %dma_start3A_498 = tpu.memref_slice %arg2[%dma_start3A_496, %dma_start3A_497] : memref<10000x128xf32, #tpu.memory_space<hbm>> -> memref<10000x128xf32, #tpu.memory_space<hbm>>
        tpu.enqueue_indirect_dma source(%dma_start3A_498 : memref<10000x128xf32, #tpu.memory_space<hbm>>) target(%arg9 : memref<128x128xf32, #tpu.memory_space<vmem>>) offsets(%dma_start3A_495 : memref<128xi32, #tpu.memory_space<vmem>>) semaphore(%arg12 : memref<!tpu.dma_semaphore, #tpu.memory_space<semaphore_mem>>)
      } else {
      }
      %dma_wait3A = arith.constant 0 : i32
      %dma_wait3A_296 = arith.constant 0 : i32
      %dma_wait3A_297 = tpu.memref_slice %arg2[%dma_wait3A, %dma_wait3A_296] : memref<10000x128xf32, #tpu.memory_space<hbm>> -> memref<128x128xf32, #tpu.memory_space<hbm>>
      %dma_wait3A_298 = arith.constant 0 : i32
      %dma_wait3A_299 = arith.constant 0 : i32
      %dma_wait3A_300 = tpu.memref_slice %arg2[%dma_wait3A_298, %dma_wait3A_299] : memref<10000x128xf32, #tpu.memory_space<hbm>> -> memref<128x128xf32, #tpu.memory_space<hbm>>
      tpu.wait_dma2 semaphore(%arg11 : memref<!tpu.dma_semaphore, #tpu.memory_space<semaphore_mem>>) src(%dma_wait3A_300 : memref<128x128xf32, #tpu.memory_space<hbm>>) dst(%arg8 : memref<128x128xf32, #tpu.memory_space<vmem>>)
      %run_scoped3A = arith.constant 0 : i32
      "tpu.region"() ({
        %run_scoped3A_314 = tpu.sem_alloc : memref<!tpu.dma_semaphore, #tpu.memory_space<semaphore_mem>>
        %dma_start3A_315 = arith.constant 0 : i32
        %dma_start3A_316 = tpu.memref_slice %arg7[%run_scoped3A, %dma_start3A_315] : memref<2x128xi32, #tpu.memory_space<vmem>> -> memref<1x128xi32, #tpu.memory_space<vmem>>
        %dma_start3A_317 = tpu.memref_squeeze %dma_start3A_316 : memref<1x128xi32, #tpu.memory_space<vmem>> -> memref<128xi32, #tpu.memory_space<vmem>>
        %dma_start3A_318 = arith.constant 0 : i32
        %dma_start3A_319 = arith.constant 0 : i32
        %dma_start3A_320 = tpu.memref_slice %arg10[%dma_start3A_318, %dma_start3A_319] : memref<10112x128xf32, #tpu.memory_space<vmem_shared>> -> memref<10112x128xf32, #tpu.memory_space<vmem_shared>>
        tpu.enqueue_indirect_dma source(%arg8 : memref<128x128xf32, #tpu.memory_space<vmem>>) target(%dma_start3A_320 : memref<10112x128xf32, #tpu.memory_space<vmem_shared>>) offsets(%dma_start3A_317 : memref<128xi32, #tpu.memory_space<vmem>>) semaphore(%run_scoped3A_314 : memref<!tpu.dma_semaphore, #tpu.memory_space<semaphore_mem>>) {add = true}
        %dma_wait3A_321 = arith.constant 0 : i32
        %dma_wait3A_322 = tpu.memref_slice %arg7[%run_scoped3A, %dma_wait3A_321] : memref<2x128xi32, #tpu.memory_space<vmem>> -> memref<1x128xi32, #tpu.memory_space<vmem>>
        %dma_wait3A_323 = tpu.memref_squeeze %dma_wait3A_322 : memref<1x128xi32, #tpu.memory_space<vmem>> -> memref<128xi32, #tpu.memory_space<vmem>>
        %dma_wait3A_324 = arith.constant 0 : i32
        %dma_wait3A_325 = arith.constant 0 : i32
        %dma_wait3A_326 = tpu.memref_slice %arg10[%dma_wait3A_324, %dma_wait3A_325] : memref<10112x128xf32, #tpu.memory_space<vmem_shared>> -> memref<10112x128xf32, #tpu.memory_space<vmem_shared>>
        tpu.wait_indirect_dma semaphore(%run_scoped3A_314 : memref<!tpu.dma_semaphore, #tpu.memory_space<semaphore_mem>>) src(%arg8 : memref<128x128xf32, #tpu.memory_space<vmem>>) dst(%dma_wait3A_326 : memref<10112x128xf32, #tpu.memory_space<vmem_shared>>)
        tpu.yield
      }) : () -> ()
      %add3A_301 = arith.constant 2 : i32
      %add3A_302 = arith.addi %mul3A_292, %add3A_301 : i32
      %lt3A_303 = arith.cmpi slt, %add3A_302, %select_n3A : i32
      %convert_element_type3A_304 = arith.extui %lt3A_303 : i1 to i32
      %cond3A_305 = arith.constant 0 : i32
      %cond3A_306 = arith.cmpi ne, %convert_element_type3A_304, %cond3A_305 : i32
      scf.if %cond3A_306 {
        %add3A_314 = arith.constant 2 : i32
        %add3A_315 = arith.addi %mul3A_292, %add3A_314 : i32
        %get3A_316 = arith.index_cast %add3A_315 : i32 to index
        %get3A_317 = arith.constant 0 : index
        %get3A_318 = tpu.vector_load %arg5[%get3A_316, %get3A_317] {strides = array<i32>} : memref<112x128xi32, #tpu.memory_space<vmem>>, vector<1x16xi32>,
        %get3A_319 = vector.shape_cast %get3A_318 : vector<1x16xi32> to vector<16xi32>
        %shift_right_logical3A_320 = arith.constant 14 : i32
        %shift_right_logical3A_321 = vector.broadcast %shift_right_logical3A_320 : i32 to vector<16xi32>
        %shift_right_logical3A_322 = arith.shrui %get3A_319, %shift_right_logical3A_321 : vector<16xi32>
        %swap3A_323 = arith.constant 0 : i32
        %swap3A_324 = arith.index_cast %swap3A_323 : i32 to index
        %swap3A_325 = arith.constant 0 : index
        %swap3A_326 = tpu.vector_load %arg6[%swap3A_324, %swap3A_325] {strides = array<i32>} : memref<2x128xi32, #tpu.memory_space<vmem>>, vector<1x16xi32>,
        %swap3A_327 = vector.shape_cast %swap3A_326 : vector<1x16xi32> to vector<16xi32>
        %swap3A_328 = vector.shape_cast %shift_right_logical3A_322 : vector<16xi32> to vector<1x16xi32>
        tpu.vector_store %arg6[%swap3A_324, %swap3A_325], %swap3A_328 {strides = array<i32>} : memref<2x128xi32, #tpu.memory_space<vmem>>, vector<1x16xi32>,
        %and3A_329 = arith.constant 16383 : i32
        %and3A_330 = vector.broadcast %and3A_329 : i32 to vector<16xi32>
        %and3A_331 = arith.andi %get3A_319, %and3A_330 : vector<16xi32>
        %swap3A_332 = arith.constant 0 : i32
        %swap3A_333 = arith.index_cast %swap3A_332 : i32 to index
        %swap3A_334 = arith.constant 0 : index
        %swap3A_335 = tpu.vector_load %arg7[%swap3A_333, %swap3A_334] {strides = array<i32>} : memref<2x128xi32, #tpu.memory_space<vmem>>, vector<1x16xi32>,
        %swap3A_336 = vector.shape_cast %swap3A_335 : vector<1x16xi32> to vector<16xi32>
        %swap3A_337 = vector.shape_cast %and3A_331 : vector<16xi32> to vector<1x16xi32>
        tpu.vector_store %arg7[%swap3A_333, %swap3A_334], %swap3A_337 {strides = array<i32>} : memref<2x128xi32, #tpu.memory_space<vmem>>, vector<1x16xi32>,
        %get3A_338 = arith.index_cast %add3A_315 : i32 to index
        %get3A_339 = arith.constant 16 : index
        %get3A_340 = tpu.vector_load %arg5[%get3A_338, %get3A_339] {strides = array<i32>} : memref<112x128xi32, #tpu.memory_space<vmem>>, vector<1x16xi32>,
        %get3A_341 = vector.shape_cast %get3A_340 : vector<1x16xi32> to vector<16xi32>
        %shift_right_logical3A_342 = arith.constant 14 : i32
        %shift_right_logical3A_343 = vector.broadcast %shift_right_logical3A_342 : i32 to vector<16xi32>
        %shift_right_logical3A_344 = arith.shrui %get3A_341, %shift_right_logical3A_343 : vector<16xi32>
        %swap3A_345 = arith.constant 0 : i32
        %swap3A_346 = arith.index_cast %swap3A_345 : i32 to index
        %swap3A_347 = arith.constant 16 : index
        %swap3A_348 = tpu.vector_load %arg6[%swap3A_346, %swap3A_347] {strides = array<i32>} : memref<2x128xi32, #tpu.memory_space<vmem>>, vector<1x16xi32>,
        %swap3A_349 = vector.shape_cast %swap3A_348 : vector<1x16xi32> to vector<16xi32>
        %swap3A_350 = vector.shape_cast %shift_right_logical3A_344 : vector<16xi32> to vector<1x16xi32>
        tpu.vector_store %arg6[%swap3A_346, %swap3A_347], %swap3A_350 {strides = array<i32>} : memref<2x128xi32, #tpu.memory_space<vmem>>, vector<1x16xi32>,
        %and3A_351 = arith.constant 16383 : i32
        %and3A_352 = vector.broadcast %and3A_351 : i32 to vector<16xi32>
        %and3A_353 = arith.andi %get3A_341, %and3A_352 : vector<16xi32>
        %swap3A_354 = arith.constant 0 : i32
        %swap3A_355 = arith.index_cast %swap3A_354 : i32 to index
        %swap3A_356 = arith.constant 16 : index
        %swap3A_357 = tpu.vector_load %arg7[%swap3A_355, %swap3A_356] {strides = array<i32>} : memref<2x128xi32, #tpu.memory_space<vmem>>, vector<1x16xi32>,
        %swap3A_358 = vector.shape_cast %swap3A_357 : vector<1x16xi32> to vector<16xi32>
        %swap3A_359 = vector.shape_cast %and3A_353 : vector<16xi32> to vector<1x16xi32>
        tpu.vector_store %arg7[%swap3A_355, %swap3A_356], %swap3A_359 {strides = array<i32>} : memref<2x128xi32, #tpu.memory_space<vmem>>, vector<1x16xi32>,
        %get3A_360 = arith.index_cast %add3A_315 : i32 to index
        %get3A_361 = arith.constant 32 : index
        %get3A_362 = tpu.vector_load %arg5[%get3A_360, %get3A_361] {strides = array<i32>} : memref<112x128xi32, #tpu.memory_space<vmem>>, vector<1x16xi32>,
        %get3A_363 = vector.shape_cast %get3A_362 : vector<1x16xi32> to vector<16xi32>
        %shift_right_logical3A_364 = arith.constant 14 : i32
        %shift_right_logical3A_365 = vector.broadcast %shift_right_logical3A_364 : i32 to vector<16xi32>
        %shift_right_logical3A_366 = arith.shrui %get3A_363, %shift_right_logical3A_365 : vector<16xi32>
        %swap3A_367 = arith.constant 0 : i32
        %swap3A_368 = arith.index_cast %swap3A_367 : i32 to index
        %swap3A_369 = arith.constant 32 : index
        %swap3A_370 = tpu.vector_load %arg6[%swap3A_368, %swap3A_369] {strides = array<i32>} : memref<2x128xi32, #tpu.memory_space<vmem>>, vector<1x16xi32>,
        %swap3A_371 = vector.shape_cast %swap3A_370 : vector<1x16xi32> to vector<16xi32>
        %swap3A_372 = vector.shape_cast %shift_right_logical3A_366 : vector<16xi32> to vector<1x16xi32>
        tpu.vector_store %arg6[%swap3A_368, %swap3A_369], %swap3A_372 {strides = array<i32>} : memref<2x128xi32, #tpu.memory_space<vmem>>, vector<1x16xi32>,
        %and3A_373 = arith.constant 16383 : i32
        %and3A_374 = vector.broadcast %and3A_373 : i32 to vector<16xi32>
        %and3A_375 = arith.andi %get3A_363, %and3A_374 : vector<16xi32>
        %swap3A_376 = arith.constant 0 : i32
        %swap3A_377 = arith.index_cast %swap3A_376 : i32 to index
        %swap3A_378 = arith.constant 32 : index
        %swap3A_379 = tpu.vector_load %arg7[%swap3A_377, %swap3A_378] {strides = array<i32>} : memref<2x128xi32, #tpu.memory_space<vmem>>, vector<1x16xi32>,
        %swap3A_380 = vector.shape_cast %swap3A_379 : vector<1x16xi32> to vector<16xi32>
        %swap3A_381 = vector.shape_cast %and3A_375 : vector<16xi32> to vector<1x16xi32>
        tpu.vector_store %arg7[%swap3A_377, %swap3A_378], %swap3A_381 {strides = array<i32>} : memref<2x128xi32, #tpu.memory_space<vmem>>, vector<1x16xi32>,
        %get3A_382 = arith.index_cast %add3A_315 : i32 to index
        %get3A_383 = arith.constant 48 : index
        %get3A_384 = tpu.vector_load %arg5[%get3A_382, %get3A_383] {strides = array<i32>} : memref<112x128xi32, #tpu.memory_space<vmem>>, vector<1x16xi32>,
        %get3A_385 = vector.shape_cast %get3A_384 : vector<1x16xi32> to vector<16xi32>
        %shift_right_logical3A_386 = arith.constant 14 : i32
        %shift_right_logical3A_387 = vector.broadcast %shift_right_logical3A_386 : i32 to vector<16xi32>
        %shift_right_logical3A_388 = arith.shrui %get3A_385, %shift_right_logical3A_387 : vector<16xi32>
        %swap3A_389 = arith.constant 0 : i32
        %swap3A_390 = arith.index_cast %swap3A_389 : i32 to index
        %swap3A_391 = arith.constant 48 : index
        %swap3A_392 = tpu.vector_load %arg6[%swap3A_390, %swap3A_391] {strides = array<i32>} : memref<2x128xi32, #tpu.memory_space<vmem>>, vector<1x16xi32>,
        %swap3A_393 = vector.shape_cast %swap3A_392 : vector<1x16xi32> to vector<16xi32>
        %swap3A_394 = vector.shape_cast %shift_right_logical3A_388 : vector<16xi32> to vector<1x16xi32>
        tpu.vector_store %arg6[%swap3A_390, %swap3A_391], %swap3A_394 {strides = array<i32>} : memref<2x128xi32, #tpu.memory_space<vmem>>, vector<1x16xi32>,
        %and3A_395 = arith.constant 16383 : i32
        %and3A_396 = vector.broadcast %and3A_395 : i32 to vector<16xi32>
        %and3A_397 = arith.andi %get3A_385, %and3A_396 : vector<16xi32>
        %swap3A_398 = arith.constant 0 : i32
        %swap3A_399 = arith.index_cast %swap3A_398 : i32 to index
        %swap3A_400 = arith.constant 48 : index
        %swap3A_401 = tpu.vector_load %arg7[%swap3A_399, %swap3A_400] {strides = array<i32>} : memref<2x128xi32, #tpu.memory_space<vmem>>, vector<1x16xi32>,
        %swap3A_402 = vector.shape_cast %swap3A_401 : vector<1x16xi32> to vector<16xi32>
        %swap3A_403 = vector.shape_cast %and3A_397 : vector<16xi32> to vector<1x16xi32>
        tpu.vector_store %arg7[%swap3A_399, %swap3A_400], %swap3A_403 {strides = array<i32>} : memref<2x128xi32, #tpu.memory_space<vmem>>, vector<1x16xi32>,
        %get3A_404 = arith.index_cast %add3A_315 : i32 to index
        %get3A_405 = arith.constant 64 : index
        %get3A_406 = tpu.vector_load %arg5[%get3A_404, %get3A_405] {strides = array<i32>} : memref<112x128xi32, #tpu.memory_space<vmem>>, vector<1x16xi32>,
        %get3A_407 = vector.shape_cast %get3A_406 : vector<1x16xi32> to vector<16xi32>
        %shift_right_logical3A_408 = arith.constant 14 : i32
        %shift_right_logical3A_409 = vector.broadcast %shift_right_logical3A_408 : i32 to vector<16xi32>
        %shift_right_logical3A_410 = arith.shrui %get3A_407, %shift_right_logical3A_409 : vector<16xi32>
        %swap3A_411 = arith.constant 0 : i32
        %swap3A_412 = arith.index_cast %swap3A_411 : i32 to index
        %swap3A_413 = arith.constant 64 : index
        %swap3A_414 = tpu.vector_load %arg6[%swap3A_412, %swap3A_413] {strides = array<i32>} : memref<2x128xi32, #tpu.memory_space<vmem>>, vector<1x16xi32>,
        %swap3A_415 = vector.shape_cast %swap3A_414 : vector<1x16xi32> to vector<16xi32>
        %swap3A_416 = vector.shape_cast %shift_right_logical3A_410 : vector<16xi32> to vector<1x16xi32>
        tpu.vector_store %arg6[%swap3A_412, %swap3A_413], %swap3A_416 {strides = array<i32>} : memref<2x128xi32, #tpu.memory_space<vmem>>, vector<1x16xi32>,
        %and3A_417 = arith.constant 16383 : i32
        %and3A_418 = vector.broadcast %and3A_417 : i32 to vector<16xi32>
        %and3A_419 = arith.andi %get3A_407, %and3A_418 : vector<16xi32>
        %swap3A_420 = arith.constant 0 : i32
        %swap3A_421 = arith.index_cast %swap3A_420 : i32 to index
        %swap3A_422 = arith.constant 64 : index
        %swap3A_423 = tpu.vector_load %arg7[%swap3A_421, %swap3A_422] {strides = array<i32>} : memref<2x128xi32, #tpu.memory_space<vmem>>, vector<1x16xi32>,
        %swap3A_424 = vector.shape_cast %swap3A_423 : vector<1x16xi32> to vector<16xi32>
        %swap3A_425 = vector.shape_cast %and3A_419 : vector<16xi32> to vector<1x16xi32>
        tpu.vector_store %arg7[%swap3A_421, %swap3A_422], %swap3A_425 {strides = array<i32>} : memref<2x128xi32, #tpu.memory_space<vmem>>, vector<1x16xi32>,
        %get3A_426 = arith.index_cast %add3A_315 : i32 to index
        %get3A_427 = arith.constant 80 : index
        %get3A_428 = tpu.vector_load %arg5[%get3A_426, %get3A_427] {strides = array<i32>} : memref<112x128xi32, #tpu.memory_space<vmem>>, vector<1x16xi32>,
        %get3A_429 = vector.shape_cast %get3A_428 : vector<1x16xi32> to vector<16xi32>
        %shift_right_logical3A_430 = arith.constant 14 : i32
        %shift_right_logical3A_431 = vector.broadcast %shift_right_logical3A_430 : i32 to vector<16xi32>
        %shift_right_logical3A_432 = arith.shrui %get3A_429, %shift_right_logical3A_431 : vector<16xi32>
        %swap3A_433 = arith.constant 0 : i32
        %swap3A_434 = arith.index_cast %swap3A_433 : i32 to index
        %swap3A_435 = arith.constant 80 : index
        %swap3A_436 = tpu.vector_load %arg6[%swap3A_434, %swap3A_435] {strides = array<i32>} : memref<2x128xi32, #tpu.memory_space<vmem>>, vector<1x16xi32>,
        %swap3A_437 = vector.shape_cast %swap3A_436 : vector<1x16xi32> to vector<16xi32>
        %swap3A_438 = vector.shape_cast %shift_right_logical3A_432 : vector<16xi32> to vector<1x16xi32>
        tpu.vector_store %arg6[%swap3A_434, %swap3A_435], %swap3A_438 {strides = array<i32>} : memref<2x128xi32, #tpu.memory_space<vmem>>, vector<1x16xi32>,
        %and3A_439 = arith.constant 16383 : i32
        %and3A_440 = vector.broadcast %and3A_439 : i32 to vector<16xi32>
        %and3A_441 = arith.andi %get3A_429, %and3A_440 : vector<16xi32>
        %swap3A_442 = arith.constant 0 : i32
        %swap3A_443 = arith.index_cast %swap3A_442 : i32 to index
        %swap3A_444 = arith.constant 80 : index
        %swap3A_445 = tpu.vector_load %arg7[%swap3A_443, %swap3A_444] {strides = array<i32>} : memref<2x128xi32, #tpu.memory_space<vmem>>, vector<1x16xi32>,
        %swap3A_446 = vector.shape_cast %swap3A_445 : vector<1x16xi32> to vector<16xi32>
        %swap3A_447 = vector.shape_cast %and3A_441 : vector<16xi32> to vector<1x16xi32>
        tpu.vector_store %arg7[%swap3A_443, %swap3A_444], %swap3A_447 {strides = array<i32>} : memref<2x128xi32, #tpu.memory_space<vmem>>, vector<1x16xi32>,
        %get3A_448 = arith.index_cast %add3A_315 : i32 to index
        %get3A_449 = arith.constant 96 : index
        %get3A_450 = tpu.vector_load %arg5[%get3A_448, %get3A_449] {strides = array<i32>} : memref<112x128xi32, #tpu.memory_space<vmem>>, vector<1x16xi32>,
        %get3A_451 = vector.shape_cast %get3A_450 : vector<1x16xi32> to vector<16xi32>
        %shift_right_logical3A_452 = arith.constant 14 : i32
        %shift_right_logical3A_453 = vector.broadcast %shift_right_logical3A_452 : i32 to vector<16xi32>
        %shift_right_logical3A_454 = arith.shrui %get3A_451, %shift_right_logical3A_453 : vector<16xi32>
        %swap3A_455 = arith.constant 0 : i32
        %swap3A_456 = arith.index_cast %swap3A_455 : i32 to index
        %swap3A_457 = arith.constant 96 : index
        %swap3A_458 = tpu.vector_load %arg6[%swap3A_456, %swap3A_457] {strides = array<i32>} : memref<2x128xi32, #tpu.memory_space<vmem>>, vector<1x16xi32>,
        %swap3A_459 = vector.shape_cast %swap3A_458 : vector<1x16xi32> to vector<16xi32>
        %swap3A_460 = vector.shape_cast %shift_right_logical3A_454 : vector<16xi32> to vector<1x16xi32>
        tpu.vector_store %arg6[%swap3A_456, %swap3A_457], %swap3A_460 {strides = array<i32>} : memref<2x128xi32, #tpu.memory_space<vmem>>, vector<1x16xi32>,
        %and3A_461 = arith.constant 16383 : i32
        %and3A_462 = vector.broadcast %and3A_461 : i32 to vector<16xi32>
        %and3A_463 = arith.andi %get3A_451, %and3A_462 : vector<16xi32>
        %swap3A_464 = arith.constant 0 : i32
        %swap3A_465 = arith.index_cast %swap3A_464 : i32 to index
        %swap3A_466 = arith.constant 96 : index
        %swap3A_467 = tpu.vector_load %arg7[%swap3A_465, %swap3A_466] {strides = array<i32>} : memref<2x128xi32, #tpu.memory_space<vmem>>, vector<1x16xi32>,
        %swap3A_468 = vector.shape_cast %swap3A_467 : vector<1x16xi32> to vector<16xi32>
        %swap3A_469 = vector.shape_cast %and3A_463 : vector<16xi32> to vector<1x16xi32>
        tpu.vector_store %arg7[%swap3A_465, %swap3A_466], %swap3A_469 {strides = array<i32>} : memref<2x128xi32, #tpu.memory_space<vmem>>, vector<1x16xi32>,
        %get3A_470 = arith.index_cast %add3A_315 : i32 to index
        %get3A_471 = arith.constant 112 : index
        %get3A_472 = tpu.vector_load %arg5[%get3A_470, %get3A_471] {strides = array<i32>} : memref<112x128xi32, #tpu.memory_space<vmem>>, vector<1x16xi32>,
        %get3A_473 = vector.shape_cast %get3A_472 : vector<1x16xi32> to vector<16xi32>
        %shift_right_logical3A_474 = arith.constant 14 : i32
        %shift_right_logical3A_475 = vector.broadcast %shift_right_logical3A_474 : i32 to vector<16xi32>
        %shift_right_logical3A_476 = arith.shrui %get3A_473, %shift_right_logical3A_475 : vector<16xi32>
        %swap3A_477 = arith.constant 0 : i32
        %swap3A_478 = arith.index_cast %swap3A_477 : i32 to index
        %swap3A_479 = arith.constant 112 : index
        %swap3A_480 = tpu.vector_load %arg6[%swap3A_478, %swap3A_479] {strides = array<i32>} : memref<2x128xi32, #tpu.memory_space<vmem>>, vector<1x16xi32>,
        %swap3A_481 = vector.shape_cast %swap3A_480 : vector<1x16xi32> to vector<16xi32>
        %swap3A_482 = vector.shape_cast %shift_right_logical3A_476 : vector<16xi32> to vector<1x16xi32>
        tpu.vector_store %arg6[%swap3A_478, %swap3A_479], %swap3A_482 {strides = array<i32>} : memref<2x128xi32, #tpu.memory_space<vmem>>, vector<1x16xi32>,
        %and3A_483 = arith.constant 16383 : i32
        %and3A_484 = vector.broadcast %and3A_483 : i32 to vector<16xi32>
        %and3A_485 = arith.andi %get3A_473, %and3A_484 : vector<16xi32>
        %swap3A_486 = arith.constant 0 : i32
        %swap3A_487 = arith.index_cast %swap3A_486 : i32 to index
        %swap3A_488 = arith.constant 112 : index
        %swap3A_489 = tpu.vector_load %arg7[%swap3A_487, %swap3A_488] {strides = array<i32>} : memref<2x128xi32, #tpu.memory_space<vmem>>, vector<1x16xi32>,
        %swap3A_490 = vector.shape_cast %swap3A_489 : vector<1x16xi32> to vector<16xi32>
        %swap3A_491 = vector.shape_cast %and3A_485 : vector<16xi32> to vector<1x16xi32>
        tpu.vector_store %arg7[%swap3A_487, %swap3A_488], %swap3A_491 {strides = array<i32>} : memref<2x128xi32, #tpu.memory_space<vmem>>, vector<1x16xi32>,
        %dma_start3A_492 = arith.constant 0 : i32
        %dma_start3A_493 = arith.constant 0 : i32
        %dma_start3A_494 = tpu.memref_slice %arg6[%dma_start3A_492, %dma_start3A_493] : memref<2x128xi32, #tpu.memory_space<vmem>> -> memref<1x128xi32, #tpu.memory_space<vmem>>
        %dma_start3A_495 = tpu.memref_squeeze %dma_start3A_494 : memref<1x128xi32, #tpu.memory_space<vmem>> -> memref<128xi32, #tpu.memory_space<vmem>>
        %dma_start3A_496 = arith.constant 0 : i32
        %dma_start3A_497 = arith.constant 0 : i32
        %dma_start3A_498 = tpu.memref_slice %arg2[%dma_start3A_496, %dma_start3A_497] : memref<10000x128xf32, #tpu.memory_space<hbm>> -> memref<10000x128xf32, #tpu.memory_space<hbm>>
        tpu.enqueue_indirect_dma source(%dma_start3A_498 : memref<10000x128xf32, #tpu.memory_space<hbm>>) target(%arg8 : memref<128x128xf32, #tpu.memory_space<vmem>>) offsets(%dma_start3A_495 : memref<128xi32, #tpu.memory_space<vmem>>) semaphore(%arg11 : memref<!tpu.dma_semaphore, #tpu.memory_space<semaphore_mem>>)
      } else {
      }
      %add3A_307 = arith.constant 1 : i32
      %add3A_308 = arith.addi %mul3A_292, %add3A_307 : i32
      %lt3A_309 = arith.cmpi slt, %add3A_308, %select_n3A : i32
      %convert_element_type3A_310 = arith.extui %lt3A_309 : i1 to i32
      %cond3A_311 = arith.constant 0 : i32
      %cond3A_312 = arith.cmpi ne, %convert_element_type3A_310, %cond3A_311 : i32
      scf.if %cond3A_312 {
        %dma_wait3A_314 = arith.constant 0 : i32
        %dma_wait3A_315 = arith.constant 0 : i32
        %dma_wait3A_316 = tpu.memref_slice %arg2[%dma_wait3A_314, %dma_wait3A_315] : memref<10000x128xf32, #tpu.memory_space<hbm>> -> memref<128x128xf32, #tpu.memory_space<hbm>>
        %dma_wait3A_317 = arith.constant 0 : i32
        %dma_wait3A_318 = arith.constant 0 : i32
        %dma_wait3A_319 = tpu.memref_slice %arg2[%dma_wait3A_317, %dma_wait3A_318] : memref<10000x128xf32, #tpu.memory_space<hbm>> -> memref<128x128xf32, #tpu.memory_space<hbm>>
        tpu.wait_dma2 semaphore(%arg12 : memref<!tpu.dma_semaphore, #tpu.memory_space<semaphore_mem>>) src(%dma_wait3A_319 : memref<128x128xf32, #tpu.memory_space<hbm>>) dst(%arg9 : memref<128x128xf32, #tpu.memory_space<vmem>>)
        %run_scoped3A_320 = arith.constant 1 : i32
        "tpu.region"() ({
          %run_scoped3A_321 = tpu.sem_alloc : memref<!tpu.dma_semaphore, #tpu.memory_space<semaphore_mem>>
          %dma_start3A_322 = arith.constant 0 : i32
          %dma_start3A_323 = tpu.memref_slice %arg7[%run_scoped3A_320, %dma_start3A_322] : memref<2x128xi32, #tpu.memory_space<vmem>> -> memref<1x128xi32, #tpu.memory_space<vmem>>
          %dma_start3A_324 = tpu.memref_squeeze %dma_start3A_323 : memref<1x128xi32, #tpu.memory_space<vmem>> -> memref<128xi32, #tpu.memory_space<vmem>>
          %dma_start3A_325 = arith.constant 0 : i32
          %dma_start3A_326 = arith.constant 0 : i32
          %dma_start3A_327 = tpu.memref_slice %arg10[%dma_start3A_325, %dma_start3A_326] : memref<10112x128xf32, #tpu.memory_space<vmem_shared>> -> memref<10112x128xf32, #tpu.memory_space<vmem_shared>>
          tpu.enqueue_indirect_dma source(%arg9 : memref<128x128xf32, #tpu.memory_space<vmem>>) target(%dma_start3A_327 : memref<10112x128xf32, #tpu.memory_space<vmem_shared>>) offsets(%dma_start3A_324 : memref<128xi32, #tpu.memory_space<vmem>>) semaphore(%run_scoped3A_321 : memref<!tpu.dma_semaphore, #tpu.memory_space<semaphore_mem>>) {add = true}
          %dma_wait3A_328 = arith.constant 0 : i32
          %dma_wait3A_329 = tpu.memref_slice %arg7[%run_scoped3A_320, %dma_wait3A_328] : memref<2x128xi32, #tpu.memory_space<vmem>> -> memref<1x128xi32, #tpu.memory_space<vmem>>
          %dma_wait3A_330 = tpu.memref_squeeze %dma_wait3A_329 : memref<1x128xi32, #tpu.memory_space<vmem>> -> memref<128xi32, #tpu.memory_space<vmem>>
          %dma_wait3A_331 = arith.constant 0 : i32
          %dma_wait3A_332 = arith.constant 0 : i32
          %dma_wait3A_333 = tpu.memref_slice %arg10[%dma_wait3A_331, %dma_wait3A_332] : memref<10112x128xf32, #tpu.memory_space<vmem_shared>> -> memref<10112x128xf32, #tpu.memory_space<vmem_shared>>
          tpu.wait_indirect_dma semaphore(%run_scoped3A_321 : memref<!tpu.dma_semaphore, #tpu.memory_space<semaphore_mem>>) src(%arg9 : memref<128x128xf32, #tpu.memory_space<vmem>>) dst(%dma_wait3A_333 : memref<10112x128xf32, #tpu.memory_space<vmem_shared>>)
          tpu.yield
        }) : () -> ()
      } else {
      }
      %while3A_313 = arith.constant 0 : i32
      scf.yield %while3A_313 : i32
    }
    %while3A_246 = arith.constant 1 : i32
    %while3A_247 = scf.for %while3A_289 = %while3A_243 to %while3A_239 step %while3A_246 iter_args(%while3A_290 = %while3A_245) -> (i32)  : i32 {
      %mul3A_291 = arith.constant 2 : i32
      %mul3A_292 = arith.muli %mul3A_291, %while3A_289 : i32
      %add3A_293 = arith.constant 1 : i32
      %add3A_294 = arith.addi %mul3A_292, %add3A_293 : i32
      %lt3A = arith.cmpi slt, %add3A_294, %select_n3A : i32
      %convert_element_type3A = arith.extui %lt3A : i1 to i32
      %cond3A = arith.constant 0 : i32
      %cond3A_295 = arith.cmpi ne, %convert_element_type3A, %cond3A : i32
      scf.if %cond3A_295 {
        %add3A_314 = arith.constant 1 : i32
        %add3A_315 = arith.addi %mul3A_292, %add3A_314 : i32
        %get3A_316 = arith.index_cast %add3A_315 : i32 to index
        %get3A_317 = arith.constant 0 : index
        %get3A_318 = tpu.vector_load %arg5[%get3A_316, %get3A_317] {strides = array<i32>} : memref<112x128xi32, #tpu.memory_space<vmem>>, vector<1x16xi32>,
        %get3A_319 = vector.shape_cast %get3A_318 : vector<1x16xi32> to vector<16xi32>
        %shift_right_logical3A_320 = arith.constant 14 : i32
        %shift_right_logical3A_321 = vector.broadcast %shift_right_logical3A_320 : i32 to vector<16xi32>
        %shift_right_logical3A_322 = arith.shrui %get3A_319, %shift_right_logical3A_321 : vector<16xi32>
        %swap3A_323 = arith.constant 1 : i32
        %swap3A_324 = arith.index_cast %swap3A_323 : i32 to index
        %swap3A_325 = arith.constant 0 : index
        %swap3A_326 = tpu.vector_load %arg6[%swap3A_324, %swap3A_325] {strides = array<i32>} : memref<2x128xi32, #tpu.memory_space<vmem>>, vector<1x16xi32>,
        %swap3A_327 = vector.shape_cast %swap3A_326 : vector<1x16xi32> to vector<16xi32>
        %swap3A_328 = vector.shape_cast %shift_right_logical3A_322 : vector<16xi32> to vector<1x16xi32>
        tpu.vector_store %arg6[%swap3A_324, %swap3A_325], %swap3A_328 {strides = array<i32>} : memref<2x128xi32, #tpu.memory_space<vmem>>, vector<1x16xi32>,
        %and3A_329 = arith.constant 16383 : i32
        %and3A_330 = vector.broadcast %and3A_329 : i32 to vector<16xi32>
        %and3A_331 = arith.andi %get3A_319, %and3A_330 : vector<16xi32>
        %swap3A_332 = arith.constant 1 : i32
        %swap3A_333 = arith.index_cast %swap3A_332 : i32 to index
        %swap3A_334 = arith.constant 0 : index
        %swap3A_335 = tpu.vector_load %arg7[%swap3A_333, %swap3A_334] {strides = array<i32>} : memref<2x128xi32, #tpu.memory_space<vmem>>, vector<1x16xi32>,
        %swap3A_336 = vector.shape_cast %swap3A_335 : vector<1x16xi32> to vector<16xi32>
        %swap3A_337 = vector.shape_cast %and3A_331 : vector<16xi32> to vector<1x16xi32>
        tpu.vector_store %arg7[%swap3A_333, %swap3A_334], %swap3A_337 {strides = array<i32>} : memref<2x128xi32, #tpu.memory_space<vmem>>, vector<1x16xi32>,
        %get3A_338 = arith.index_cast %add3A_315 : i32 to index
        %get3A_339 = arith.constant 16 : index
        %get3A_340 = tpu.vector_load %arg5[%get3A_338, %get3A_339] {strides = array<i32>} : memref<112x128xi32, #tpu.memory_space<vmem>>, vector<1x16xi32>,
        %get3A_341 = vector.shape_cast %get3A_340 : vector<1x16xi32> to vector<16xi32>
        %shift_right_logical3A_342 = arith.constant 14 : i32
        %shift_right_logical3A_343 = vector.broadcast %shift_right_logical3A_342 : i32 to vector<16xi32>
        %shift_right_logical3A_344 = arith.shrui %get3A_341, %shift_right_logical3A_343 : vector<16xi32>
        %swap3A_345 = arith.constant 1 : i32
        %swap3A_346 = arith.index_cast %swap3A_345 : i32 to index
        %swap3A_347 = arith.constant 16 : index
        %swap3A_348 = tpu.vector_load %arg6[%swap3A_346, %swap3A_347] {strides = array<i32>} : memref<2x128xi32, #tpu.memory_space<vmem>>, vector<1x16xi32>,
        %swap3A_349 = vector.shape_cast %swap3A_348 : vector<1x16xi32> to vector<16xi32>
        %swap3A_350 = vector.shape_cast %shift_right_logical3A_344 : vector<16xi32> to vector<1x16xi32>
        tpu.vector_store %arg6[%swap3A_346, %swap3A_347], %swap3A_350 {strides = array<i32>} : memref<2x128xi32, #tpu.memory_space<vmem>>, vector<1x16xi32>,
        %and3A_351 = arith.constant 16383 : i32
        %and3A_352 = vector.broadcast %and3A_351 : i32 to vector<16xi32>
        %and3A_353 = arith.andi %get3A_341, %and3A_352 : vector<16xi32>
        %swap3A_354 = arith.constant 1 : i32
        %swap3A_355 = arith.index_cast %swap3A_354 : i32 to index
        %swap3A_356 = arith.constant 16 : index
        %swap3A_357 = tpu.vector_load %arg7[%swap3A_355, %swap3A_356] {strides = array<i32>} : memref<2x128xi32, #tpu.memory_space<vmem>>, vector<1x16xi32>,
        %swap3A_358 = vector.shape_cast %swap3A_357 : vector<1x16xi32> to vector<16xi32>
        %swap3A_359 = vector.shape_cast %and3A_353 : vector<16xi32> to vector<1x16xi32>
        tpu.vector_store %arg7[%swap3A_355, %swap3A_356], %swap3A_359 {strides = array<i32>} : memref<2x128xi32, #tpu.memory_space<vmem>>, vector<1x16xi32>,
        %get3A_360 = arith.index_cast %add3A_315 : i32 to index
        %get3A_361 = arith.constant 32 : index
        %get3A_362 = tpu.vector_load %arg5[%get3A_360, %get3A_361] {strides = array<i32>} : memref<112x128xi32, #tpu.memory_space<vmem>>, vector<1x16xi32>,
        %get3A_363 = vector.shape_cast %get3A_362 : vector<1x16xi32> to vector<16xi32>
        %shift_right_logical3A_364 = arith.constant 14 : i32
        %shift_right_logical3A_365 = vector.broadcast %shift_right_logical3A_364 : i32 to vector<16xi32>
        %shift_right_logical3A_366 = arith.shrui %get3A_363, %shift_right_logical3A_365 : vector<16xi32>
        %swap3A_367 = arith.constant 1 : i32
        %swap3A_368 = arith.index_cast %swap3A_367 : i32 to index
        %swap3A_369 = arith.constant 32 : index
        %swap3A_370 = tpu.vector_load %arg6[%swap3A_368, %swap3A_369] {strides = array<i32>} : memref<2x128xi32, #tpu.memory_space<vmem>>, vector<1x16xi32>,
        %swap3A_371 = vector.shape_cast %swap3A_370 : vector<1x16xi32> to vector<16xi32>
        %swap3A_372 = vector.shape_cast %shift_right_logical3A_366 : vector<16xi32> to vector<1x16xi32>
        tpu.vector_store %arg6[%swap3A_368, %swap3A_369], %swap3A_372 {strides = array<i32>} : memref<2x128xi32, #tpu.memory_space<vmem>>, vector<1x16xi32>,
        %and3A_373 = arith.constant 16383 : i32
        %and3A_374 = vector.broadcast %and3A_373 : i32 to vector<16xi32>
        %and3A_375 = arith.andi %get3A_363, %and3A_374 : vector<16xi32>
        %swap3A_376 = arith.constant 1 : i32
        %swap3A_377 = arith.index_cast %swap3A_376 : i32 to index
        %swap3A_378 = arith.constant 32 : index
        %swap3A_379 = tpu.vector_load %arg7[%swap3A_377, %swap3A_378] {strides = array<i32>} : memref<2x128xi32, #tpu.memory_space<vmem>>, vector<1x16xi32>,
        %swap3A_380 = vector.shape_cast %swap3A_379 : vector<1x16xi32> to vector<16xi32>
        %swap3A_381 = vector.shape_cast %and3A_375 : vector<16xi32> to vector<1x16xi32>
        tpu.vector_store %arg7[%swap3A_377, %swap3A_378], %swap3A_381 {strides = array<i32>} : memref<2x128xi32, #tpu.memory_space<vmem>>, vector<1x16xi32>,
        %get3A_382 = arith.index_cast %add3A_315 : i32 to index
        %get3A_383 = arith.constant 48 : index
        %get3A_384 = tpu.vector_load %arg5[%get3A_382, %get3A_383] {strides = array<i32>} : memref<112x128xi32, #tpu.memory_space<vmem>>, vector<1x16xi32>,
        %get3A_385 = vector.shape_cast %get3A_384 : vector<1x16xi32> to vector<16xi32>
        %shift_right_logical3A_386 = arith.constant 14 : i32
        %shift_right_logical3A_387 = vector.broadcast %shift_right_logical3A_386 : i32 to vector<16xi32>
        %shift_right_logical3A_388 = arith.shrui %get3A_385, %shift_right_logical3A_387 : vector<16xi32>
        %swap3A_389 = arith.constant 1 : i32
        %swap3A_390 = arith.index_cast %swap3A_389 : i32 to index
        %swap3A_391 = arith.constant 48 : index
        %swap3A_392 = tpu.vector_load %arg6[%swap3A_390, %swap3A_391] {strides = array<i32>} : memref<2x128xi32, #tpu.memory_space<vmem>>, vector<1x16xi32>,
        %swap3A_393 = vector.shape_cast %swap3A_392 : vector<1x16xi32> to vector<16xi32>
        %swap3A_394 = vector.shape_cast %shift_right_logical3A_388 : vector<16xi32> to vector<1x16xi32>
        tpu.vector_store %arg6[%swap3A_390, %swap3A_391], %swap3A_394 {strides = array<i32>} : memref<2x128xi32, #tpu.memory_space<vmem>>, vector<1x16xi32>,
        %and3A_395 = arith.constant 16383 : i32
        %and3A_396 = vector.broadcast %and3A_395 : i32 to vector<16xi32>
        %and3A_397 = arith.andi %get3A_385, %and3A_396 : vector<16xi32>
        %swap3A_398 = arith.constant 1 : i32
        %swap3A_399 = arith.index_cast %swap3A_398 : i32 to index
        %swap3A_400 = arith.constant 48 : index
        %swap3A_401 = tpu.vector_load %arg7[%swap3A_399, %swap3A_400] {strides = array<i32>} : memref<2x128xi32, #tpu.memory_space<vmem>>, vector<1x16xi32>,
        %swap3A_402 = vector.shape_cast %swap3A_401 : vector<1x16xi32> to vector<16xi32>
        %swap3A_403 = vector.shape_cast %and3A_397 : vector<16xi32> to vector<1x16xi32>
        tpu.vector_store %arg7[%swap3A_399, %swap3A_400], %swap3A_403 {strides = array<i32>} : memref<2x128xi32, #tpu.memory_space<vmem>>, vector<1x16xi32>,
        %get3A_404 = arith.index_cast %add3A_315 : i32 to index
        %get3A_405 = arith.constant 64 : index
        %get3A_406 = tpu.vector_load %arg5[%get3A_404, %get3A_405] {strides = array<i32>} : memref<112x128xi32, #tpu.memory_space<vmem>>, vector<1x16xi32>,
        %get3A_407 = vector.shape_cast %get3A_406 : vector<1x16xi32> to vector<16xi32>
        %shift_right_logical3A_408 = arith.constant 14 : i32
        %shift_right_logical3A_409 = vector.broadcast %shift_right_logical3A_408 : i32 to vector<16xi32>
        %shift_right_logical3A_410 = arith.shrui %get3A_407, %shift_right_logical3A_409 : vector<16xi32>
        %swap3A_411 = arith.constant 1 : i32
        %swap3A_412 = arith.index_cast %swap3A_411 : i32 to index
        %swap3A_413 = arith.constant 64 : index
        %swap3A_414 = tpu.vector_load %arg6[%swap3A_412, %swap3A_413] {strides = array<i32>} : memref<2x128xi32, #tpu.memory_space<vmem>>, vector<1x16xi32>,
        %swap3A_415 = vector.shape_cast %swap3A_414 : vector<1x16xi32> to vector<16xi32>
        %swap3A_416 = vector.shape_cast %shift_right_logical3A_410 : vector<16xi32> to vector<1x16xi32>
        tpu.vector_store %arg6[%swap3A_412, %swap3A_413], %swap3A_416 {strides = array<i32>} : memref<2x128xi32, #tpu.memory_space<vmem>>, vector<1x16xi32>,
        %and3A_417 = arith.constant 16383 : i32
        %and3A_418 = vector.broadcast %and3A_417 : i32 to vector<16xi32>
        %and3A_419 = arith.andi %get3A_407, %and3A_418 : vector<16xi32>
        %swap3A_420 = arith.constant 1 : i32
        %swap3A_421 = arith.index_cast %swap3A_420 : i32 to index
        %swap3A_422 = arith.constant 64 : index
        %swap3A_423 = tpu.vector_load %arg7[%swap3A_421, %swap3A_422] {strides = array<i32>} : memref<2x128xi32, #tpu.memory_space<vmem>>, vector<1x16xi32>,
        %swap3A_424 = vector.shape_cast %swap3A_423 : vector<1x16xi32> to vector<16xi32>
        %swap3A_425 = vector.shape_cast %and3A_419 : vector<16xi32> to vector<1x16xi32>
        tpu.vector_store %arg7[%swap3A_421, %swap3A_422], %swap3A_425 {strides = array<i32>} : memref<2x128xi32, #tpu.memory_space<vmem>>, vector<1x16xi32>,
        %get3A_426 = arith.index_cast %add3A_315 : i32 to index
        %get3A_427 = arith.constant 80 : index
        %get3A_428 = tpu.vector_load %arg5[%get3A_426, %get3A_427] {strides = array<i32>} : memref<112x128xi32, #tpu.memory_space<vmem>>, vector<1x16xi32>,
        %get3A_429 = vector.shape_cast %get3A_428 : vector<1x16xi32> to vector<16xi32>
        %shift_right_logical3A_430 = arith.constant 14 : i32
        %shift_right_logical3A_431 = vector.broadcast %shift_right_logical3A_430 : i32 to vector<16xi32>
        %shift_right_logical3A_432 = arith.shrui %get3A_429, %shift_right_logical3A_431 : vector<16xi32>
        %swap3A_433 = arith.constant 1 : i32
        %swap3A_434 = arith.index_cast %swap3A_433 : i32 to index
        %swap3A_435 = arith.constant 80 : index
        %swap3A_436 = tpu.vector_load %arg6[%swap3A_434, %swap3A_435] {strides = array<i32>} : memref<2x128xi32, #tpu.memory_space<vmem>>, vector<1x16xi32>,
        %swap3A_437 = vector.shape_cast %swap3A_436 : vector<1x16xi32> to vector<16xi32>
        %swap3A_438 = vector.shape_cast %shift_right_logical3A_432 : vector<16xi32> to vector<1x16xi32>
        tpu.vector_store %arg6[%swap3A_434, %swap3A_435], %swap3A_438 {strides = array<i32>} : memref<2x128xi32, #tpu.memory_space<vmem>>, vector<1x16xi32>,
        %and3A_439 = arith.constant 16383 : i32
        %and3A_440 = vector.broadcast %and3A_439 : i32 to vector<16xi32>
        %and3A_441 = arith.andi %get3A_429, %and3A_440 : vector<16xi32>
        %swap3A_442 = arith.constant 1 : i32
        %swap3A_443 = arith.index_cast %swap3A_442 : i32 to index
        %swap3A_444 = arith.constant 80 : index
        %swap3A_445 = tpu.vector_load %arg7[%swap3A_443, %swap3A_444] {strides = array<i32>} : memref<2x128xi32, #tpu.memory_space<vmem>>, vector<1x16xi32>,
        %swap3A_446 = vector.shape_cast %swap3A_445 : vector<1x16xi32> to vector<16xi32>
        %swap3A_447 = vector.shape_cast %and3A_441 : vector<16xi32> to vector<1x16xi32>
        tpu.vector_store %arg7[%swap3A_443, %swap3A_444], %swap3A_447 {strides = array<i32>} : memref<2x128xi32, #tpu.memory_space<vmem>>, vector<1x16xi32>,
        %get3A_448 = arith.index_cast %add3A_315 : i32 to index
        %get3A_449 = arith.constant 96 : index
        %get3A_450 = tpu.vector_load %arg5[%get3A_448, %get3A_449] {strides = array<i32>} : memref<112x128xi32, #tpu.memory_space<vmem>>, vector<1x16xi32>,
        %get3A_451 = vector.shape_cast %get3A_450 : vector<1x16xi32> to vector<16xi32>
        %shift_right_logical3A_452 = arith.constant 14 : i32
        %shift_right_logical3A_453 = vector.broadcast %shift_right_logical3A_452 : i32 to vector<16xi32>
        %shift_right_logical3A_454 = arith.shrui %get3A_451, %shift_right_logical3A_453 : vector<16xi32>
        %swap3A_455 = arith.constant 1 : i32
        %swap3A_456 = arith.index_cast %swap3A_455 : i32 to index
        %swap3A_457 = arith.constant 96 : index
        %swap3A_458 = tpu.vector_load %arg6[%swap3A_456, %swap3A_457] {strides = array<i32>} : memref<2x128xi32, #tpu.memory_space<vmem>>, vector<1x16xi32>,
        %swap3A_459 = vector.shape_cast %swap3A_458 : vector<1x16xi32> to vector<16xi32>
        %swap3A_460 = vector.shape_cast %shift_right_logical3A_454 : vector<16xi32> to vector<1x16xi32>
        tpu.vector_store %arg6[%swap3A_456, %swap3A_457], %swap3A_460 {strides = array<i32>} : memref<2x128xi32, #tpu.memory_space<vmem>>, vector<1x16xi32>,
        %and3A_461 = arith.constant 16383 : i32
        %and3A_462 = vector.broadcast %and3A_461 : i32 to vector<16xi32>
        %and3A_463 = arith.andi %get3A_451, %and3A_462 : vector<16xi32>
        %swap3A_464 = arith.constant 1 : i32
        %swap3A_465 = arith.index_cast %swap3A_464 : i32 to index
        %swap3A_466 = arith.constant 96 : index
        %swap3A_467 = tpu.vector_load %arg7[%swap3A_465, %swap3A_466] {strides = array<i32>} : memref<2x128xi32, #tpu.memory_space<vmem>>, vector<1x16xi32>,
        %swap3A_468 = vector.shape_cast %swap3A_467 : vector<1x16xi32> to vector<16xi32>
        %swap3A_469 = vector.shape_cast %and3A_463 : vector<16xi32> to vector<1x16xi32>
        tpu.vector_store %arg7[%swap3A_465, %swap3A_466], %swap3A_469 {strides = array<i32>} : memref<2x128xi32, #tpu.memory_space<vmem>>, vector<1x16xi32>,
        %get3A_470 = arith.index_cast %add3A_315 : i32 to index
        %get3A_471 = arith.constant 112 : index
        %get3A_472 = tpu.vector_load %arg5[%get3A_470, %get3A_471] {strides = array<i32>} : memref<112x128xi32, #tpu.memory_space<vmem>>, vector<1x16xi32>,
        %get3A_473 = vector.shape_cast %get3A_472 : vector<1x16xi32> to vector<16xi32>
        %shift_right_logical3A_474 = arith.constant 14 : i32
        %shift_right_logical3A_475 = vector.broadcast %shift_right_logical3A_474 : i32 to vector<16xi32>
        %shift_right_logical3A_476 = arith.shrui %get3A_473, %shift_right_logical3A_475 : vector<16xi32>
        %swap3A_477 = arith.constant 1 : i32
        %swap3A_478 = arith.index_cast %swap3A_477 : i32 to index
        %swap3A_479 = arith.constant 112 : index
        %swap3A_480 = tpu.vector_load %arg6[%swap3A_478, %swap3A_479] {strides = array<i32>} : memref<2x128xi32, #tpu.memory_space<vmem>>, vector<1x16xi32>,
        %swap3A_481 = vector.shape_cast %swap3A_480 : vector<1x16xi32> to vector<16xi32>
        %swap3A_482 = vector.shape_cast %shift_right_logical3A_476 : vector<16xi32> to vector<1x16xi32>
        tpu.vector_store %arg6[%swap3A_478, %swap3A_479], %swap3A_482 {strides = array<i32>} : memref<2x128xi32, #tpu.memory_space<vmem>>, vector<1x16xi32>,
        %and3A_483 = arith.constant 16383 : i32
        %and3A_484 = vector.broadcast %and3A_483 : i32 to vector<16xi32>
        %and3A_485 = arith.andi %get3A_473, %and3A_484 : vector<16xi32>
        %swap3A_486 = arith.constant 1 : i32
        %swap3A_487 = arith.index_cast %swap3A_486 : i32 to index
        %swap3A_488 = arith.constant 112 : index
        %swap3A_489 = tpu.vector_load %arg7[%swap3A_487, %swap3A_488] {strides = array<i32>} : memref<2x128xi32, #tpu.memory_space<vmem>>, vector<1x16xi32>,
        %swap3A_490 = vector.shape_cast %swap3A_489 : vector<1x16xi32> to vector<16xi32>
        %swap3A_491 = vector.shape_cast %and3A_485 : vector<16xi32> to vector<1x16xi32>
        tpu.vector_store %arg7[%swap3A_487, %swap3A_488], %swap3A_491 {strides = array<i32>} : memref<2x128xi32, #tpu.memory_space<vmem>>, vector<1x16xi32>,
        %dma_start3A_492 = arith.constant 1 : i32
        %dma_start3A_493 = arith.constant 0 : i32
        %dma_start3A_494 = tpu.memref_slice %arg6[%dma_start3A_492, %dma_start3A_493] : memref<2x128xi32, #tpu.memory_space<vmem>> -> memref<1x128xi32, #tpu.memory_space<vmem>>
        %dma_start3A_495 = tpu.memref_squeeze %dma_start3A_494 : memref<1x128xi32, #tpu.memory_space<vmem>> -> memref<128xi32, #tpu.memory_space<vmem>>
        %dma_start3A_496 = arith.constant 0 : i32
        %dma_start3A_497 = arith.constant 0 : i32
        %dma_start3A_498 = tpu.memref_slice %arg2[%dma_start3A_496, %dma_start3A_497] : memref<10000x128xf32, #tpu.memory_space<hbm>> -> memref<10000x128xf32, #tpu.memory_space<hbm>>
        tpu.enqueue_indirect_dma source(%dma_start3A_498 : memref<10000x128xf32, #tpu.memory_space<hbm>>) target(%arg9 : memref<128x128xf32, #tpu.memory_space<vmem>>) offsets(%dma_start3A_495 : memref<128xi32, #tpu.memory_space<vmem>>) semaphore(%arg12 : memref<!tpu.dma_semaphore, #tpu.memory_space<semaphore_mem>>)
      } else {
      }
      %dma_wait3A = arith.constant 0 : i32
      %dma_wait3A_296 = arith.constant 0 : i32
      %dma_wait3A_297 = tpu.memref_slice %arg2[%dma_wait3A, %dma_wait3A_296] : memref<10000x128xf32, #tpu.memory_space<hbm>> -> memref<128x128xf32, #tpu.memory_space<hbm>>
      %dma_wait3A_298 = arith.constant 0 : i32
      %dma_wait3A_299 = arith.constant 0 : i32
      %dma_wait3A_300 = tpu.memref_slice %arg2[%dma_wait3A_298, %dma_wait3A_299] : memref<10000x128xf32, #tpu.memory_space<hbm>> -> memref<128x128xf32, #tpu.memory_space<hbm>>
      tpu.wait_dma2 semaphore(%arg11 : memref<!tpu.dma_semaphore, #tpu.memory_space<semaphore_mem>>) src(%dma_wait3A_300 : memref<128x128xf32, #tpu.memory_space<hbm>>) dst(%arg8 : memref<128x128xf32, #tpu.memory_space<vmem>>)
      %run_scoped3A = arith.constant 0 : i32
      "tpu.region"() ({
        %run_scoped3A_314 = tpu.sem_alloc : memref<!tpu.dma_semaphore, #tpu.memory_space<semaphore_mem>>
        %dma_start3A_315 = arith.constant 0 : i32
        %dma_start3A_316 = tpu.memref_slice %arg7[%run_scoped3A, %dma_start3A_315] : memref<2x128xi32, #tpu.memory_space<vmem>> -> memref<1x128xi32, #tpu.memory_space<vmem>>
        %dma_start3A_317 = tpu.memref_squeeze %dma_start3A_316 : memref<1x128xi32, #tpu.memory_space<vmem>> -> memref<128xi32, #tpu.memory_space<vmem>>
        %dma_start3A_318 = arith.constant 0 : i32
        %dma_start3A_319 = arith.constant 0 : i32
        %dma_start3A_320 = tpu.memref_slice %arg10[%dma_start3A_318, %dma_start3A_319] : memref<10112x128xf32, #tpu.memory_space<vmem_shared>> -> memref<10112x128xf32, #tpu.memory_space<vmem_shared>>
        tpu.enqueue_indirect_dma source(%arg8 : memref<128x128xf32, #tpu.memory_space<vmem>>) target(%dma_start3A_320 : memref<10112x128xf32, #tpu.memory_space<vmem_shared>>) offsets(%dma_start3A_317 : memref<128xi32, #tpu.memory_space<vmem>>) semaphore(%run_scoped3A_314 : memref<!tpu.dma_semaphore, #tpu.memory_space<semaphore_mem>>) {add = true}
        %dma_wait3A_321 = arith.constant 0 : i32
        %dma_wait3A_322 = tpu.memref_slice %arg7[%run_scoped3A, %dma_wait3A_321] : memref<2x128xi32, #tpu.memory_space<vmem>> -> memref<1x128xi32, #tpu.memory_space<vmem>>
        %dma_wait3A_323 = tpu.memref_squeeze %dma_wait3A_322 : memref<1x128xi32, #tpu.memory_space<vmem>> -> memref<128xi32, #tpu.memory_space<vmem>>
        %dma_wait3A_324 = arith.constant 0 : i32
        %dma_wait3A_325 = arith.constant 0 : i32
        %dma_wait3A_326 = tpu.memref_slice %arg10[%dma_wait3A_324, %dma_wait3A_325] : memref<10112x128xf32, #tpu.memory_space<vmem_shared>> -> memref<10112x128xf32, #tpu.memory_space<vmem_shared>>
        tpu.wait_indirect_dma semaphore(%run_scoped3A_314 : memref<!tpu.dma_semaphore, #tpu.memory_space<semaphore_mem>>) src(%arg8 : memref<128x128xf32, #tpu.memory_space<vmem>>) dst(%dma_wait3A_326 : memref<10112x128xf32, #tpu.memory_space<vmem_shared>>)
        tpu.yield
      }) : () -> ()
      %add3A_301 = arith.constant 2 : i32
      %add3A_302 = arith.addi %mul3A_292, %add3A_301 : i32
      %lt3A_303 = arith.cmpi slt, %add3A_302, %select_n3A : i32
      %convert_element_type3A_304 = arith.extui %lt3A_303 : i1 to i32
      %cond3A_305 = arith.constant 0 : i32
      %cond3A_306 = arith.cmpi ne, %convert_element_type3A_304, %cond3A_305 : i32
      scf.if %cond3A_306 {
        %add3A_314 = arith.constant 2 : i32
        %add3A_315 = arith.addi %mul3A_292, %add3A_314 : i32
        %get3A_316 = arith.index_cast %add3A_315 : i32 to index
        %get3A_317 = arith.constant 0 : index
        %get3A_318 = tpu.vector_load %arg5[%get3A_316, %get3A_317] {strides = array<i32>} : memref<112x128xi32, #tpu.memory_space<vmem>>, vector<1x16xi32>,
        %get3A_319 = vector.shape_cast %get3A_318 : vector<1x16xi32> to vector<16xi32>
        %shift_right_logical3A_320 = arith.constant 14 : i32
        %shift_right_logical3A_321 = vector.broadcast %shift_right_logical3A_320 : i32 to vector<16xi32>
        %shift_right_logical3A_322 = arith.shrui %get3A_319, %shift_right_logical3A_321 : vector<16xi32>
        %swap3A_323 = arith.constant 0 : i32
        %swap3A_324 = arith.index_cast %swap3A_323 : i32 to index
        %swap3A_325 = arith.constant 0 : index
        %swap3A_326 = tpu.vector_load %arg6[%swap3A_324, %swap3A_325] {strides = array<i32>} : memref<2x128xi32, #tpu.memory_space<vmem>>, vector<1x16xi32>,
        %swap3A_327 = vector.shape_cast %swap3A_326 : vector<1x16xi32> to vector<16xi32>
        %swap3A_328 = vector.shape_cast %shift_right_logical3A_322 : vector<16xi32> to vector<1x16xi32>
        tpu.vector_store %arg6[%swap3A_324, %swap3A_325], %swap3A_328 {strides = array<i32>} : memref<2x128xi32, #tpu.memory_space<vmem>>, vector<1x16xi32>,
        %and3A_329 = arith.constant 16383 : i32
        %and3A_330 = vector.broadcast %and3A_329 : i32 to vector<16xi32>
        %and3A_331 = arith.andi %get3A_319, %and3A_330 : vector<16xi32>
        %swap3A_332 = arith.constant 0 : i32
        %swap3A_333 = arith.index_cast %swap3A_332 : i32 to index
        %swap3A_334 = arith.constant 0 : index
        %swap3A_335 = tpu.vector_load %arg7[%swap3A_333, %swap3A_334] {strides = array<i32>} : memref<2x128xi32, #tpu.memory_space<vmem>>, vector<1x16xi32>,
        %swap3A_336 = vector.shape_cast %swap3A_335 : vector<1x16xi32> to vector<16xi32>
        %swap3A_337 = vector.shape_cast %and3A_331 : vector<16xi32> to vector<1x16xi32>
        tpu.vector_store %arg7[%swap3A_333, %swap3A_334], %swap3A_337 {strides = array<i32>} : memref<2x128xi32, #tpu.memory_space<vmem>>, vector<1x16xi32>,
        %get3A_338 = arith.index_cast %add3A_315 : i32 to index
        %get3A_339 = arith.constant 16 : index
        %get3A_340 = tpu.vector_load %arg5[%get3A_338, %get3A_339] {strides = array<i32>} : memref<112x128xi32, #tpu.memory_space<vmem>>, vector<1x16xi32>,
        %get3A_341 = vector.shape_cast %get3A_340 : vector<1x16xi32> to vector<16xi32>
        %shift_right_logical3A_342 = arith.constant 14 : i32
        %shift_right_logical3A_343 = vector.broadcast %shift_right_logical3A_342 : i32 to vector<16xi32>
        %shift_right_logical3A_344 = arith.shrui %get3A_341, %shift_right_logical3A_343 : vector<16xi32>
        %swap3A_345 = arith.constant 0 : i32
        %swap3A_346 = arith.index_cast %swap3A_345 : i32 to index
        %swap3A_347 = arith.constant 16 : index
        %swap3A_348 = tpu.vector_load %arg6[%swap3A_346, %swap3A_347] {strides = array<i32>} : memref<2x128xi32, #tpu.memory_space<vmem>>, vector<1x16xi32>,
        %swap3A_349 = vector.shape_cast %swap3A_348 : vector<1x16xi32> to vector<16xi32>
        %swap3A_350 = vector.shape_cast %shift_right_logical3A_344 : vector<16xi32> to vector<1x16xi32>
        tpu.vector_store %arg6[%swap3A_346, %swap3A_347], %swap3A_350 {strides = array<i32>} : memref<2x128xi32, #tpu.memory_space<vmem>>, vector<1x16xi32>,
        %and3A_351 = arith.constant 16383 : i32
        %and3A_352 = vector.broadcast %and3A_351 : i32 to vector<16xi32>
        %and3A_353 = arith.andi %get3A_341, %and3A_352 : vector<16xi32>
        %swap3A_354 = arith.constant 0 : i32
        %swap3A_355 = arith.index_cast %swap3A_354 : i32 to index
        %swap3A_356 = arith.constant 16 : index
        %swap3A_357 = tpu.vector_load %arg7[%swap3A_355, %swap3A_356] {strides = array<i32>} : memref<2x128xi32, #tpu.memory_space<vmem>>, vector<1x16xi32>,
        %swap3A_358 = vector.shape_cast %swap3A_357 : vector<1x16xi32> to vector<16xi32>
        %swap3A_359 = vector.shape_cast %and3A_353 : vector<16xi32> to vector<1x16xi32>
        tpu.vector_store %arg7[%swap3A_355, %swap3A_356], %swap3A_359 {strides = array<i32>} : memref<2x128xi32, #tpu.memory_space<vmem>>, vector<1x16xi32>,
        %get3A_360 = arith.index_cast %add3A_315 : i32 to index
        %get3A_361 = arith.constant 32 : index
        %get3A_362 = tpu.vector_load %arg5[%get3A_360, %get3A_361] {strides = array<i32>} : memref<112x128xi32, #tpu.memory_space<vmem>>, vector<1x16xi32>,
        %get3A_363 = vector.shape_cast %get3A_362 : vector<1x16xi32> to vector<16xi32>
        %shift_right_logical3A_364 = arith.constant 14 : i32
        %shift_right_logical3A_365 = vector.broadcast %shift_right_logical3A_364 : i32 to vector<16xi32>
        %shift_right_logical3A_366 = arith.shrui %get3A_363, %shift_right_logical3A_365 : vector<16xi32>
        %swap3A_367 = arith.constant 0 : i32
        %swap3A_368 = arith.index_cast %swap3A_367 : i32 to index
        %swap3A_369 = arith.constant 32 : index
        %swap3A_370 = tpu.vector_load %arg6[%swap3A_368, %swap3A_369] {strides = array<i32>} : memref<2x128xi32, #tpu.memory_space<vmem>>, vector<1x16xi32>,
        %swap3A_371 = vector.shape_cast %swap3A_370 : vector<1x16xi32> to vector<16xi32>
        %swap3A_372 = vector.shape_cast %shift_right_logical3A_366 : vector<16xi32> to vector<1x16xi32>
        tpu.vector_store %arg6[%swap3A_368, %swap3A_369], %swap3A_372 {strides = array<i32>} : memref<2x128xi32, #tpu.memory_space<vmem>>, vector<1x16xi32>,
        %and3A_373 = arith.constant 16383 : i32
        %and3A_374 = vector.broadcast %and3A_373 : i32 to vector<16xi32>
        %and3A_375 = arith.andi %get3A_363, %and3A_374 : vector<16xi32>
        %swap3A_376 = arith.constant 0 : i32
        %swap3A_377 = arith.index_cast %swap3A_376 : i32 to index
        %swap3A_378 = arith.constant 32 : index
        %swap3A_379 = tpu.vector_load %arg7[%swap3A_377, %swap3A_378] {strides = array<i32>} : memref<2x128xi32, #tpu.memory_space<vmem>>, vector<1x16xi32>,
        %swap3A_380 = vector.shape_cast %swap3A_379 : vector<1x16xi32> to vector<16xi32>
        %swap3A_381 = vector.shape_cast %and3A_375 : vector<16xi32> to vector<1x16xi32>
        tpu.vector_store %arg7[%swap3A_377, %swap3A_378], %swap3A_381 {strides = array<i32>} : memref<2x128xi32, #tpu.memory_space<vmem>>, vector<1x16xi32>,
        %get3A_382 = arith.index_cast %add3A_315 : i32 to index
        %get3A_383 = arith.constant 48 : index
        %get3A_384 = tpu.vector_load %arg5[%get3A_382, %get3A_383] {strides = array<i32>} : memref<112x128xi32, #tpu.memory_space<vmem>>, vector<1x16xi32>,
        %get3A_385 = vector.shape_cast %get3A_384 : vector<1x16xi32> to vector<16xi32>
        %shift_right_logical3A_386 = arith.constant 14 : i32
        %shift_right_logical3A_387 = vector.broadcast %shift_right_logical3A_386 : i32 to vector<16xi32>
        %shift_right_logical3A_388 = arith.shrui %get3A_385, %shift_right_logical3A_387 : vector<16xi32>
        %swap3A_389 = arith.constant 0 : i32
        %swap3A_390 = arith.index_cast %swap3A_389 : i32 to index
        %swap3A_391 = arith.constant 48 : index
        %swap3A_392 = tpu.vector_load %arg6[%swap3A_390, %swap3A_391] {strides = array<i32>} : memref<2x128xi32, #tpu.memory_space<vmem>>, vector<1x16xi32>,
        %swap3A_393 = vector.shape_cast %swap3A_392 : vector<1x16xi32> to vector<16xi32>
        %swap3A_394 = vector.shape_cast %shift_right_logical3A_388 : vector<16xi32> to vector<1x16xi32>
        tpu.vector_store %arg6[%swap3A_390, %swap3A_391], %swap3A_394 {strides = array<i32>} : memref<2x128xi32, #tpu.memory_space<vmem>>, vector<1x16xi32>,
        %and3A_395 = arith.constant 16383 : i32
        %and3A_396 = vector.broadcast %and3A_395 : i32 to vector<16xi32>
        %and3A_397 = arith.andi %get3A_385, %and3A_396 : vector<16xi32>
        %swap3A_398 = arith.constant 0 : i32
        %swap3A_399 = arith.index_cast %swap3A_398 : i32 to index
        %swap3A_400 = arith.constant 48 : index
        %swap3A_401 = tpu.vector_load %arg7[%swap3A_399, %swap3A_400] {strides = array<i32>} : memref<2x128xi32, #tpu.memory_space<vmem>>, vector<1x16xi32>,
        %swap3A_402 = vector.shape_cast %swap3A_401 : vector<1x16xi32> to vector<16xi32>
        %swap3A_403 = vector.shape_cast %and3A_397 : vector<16xi32> to vector<1x16xi32>
        tpu.vector_store %arg7[%swap3A_399, %swap3A_400], %swap3A_403 {strides = array<i32>} : memref<2x128xi32, #tpu.memory_space<vmem>>, vector<1x16xi32>,
        %get3A_404 = arith.index_cast %add3A_315 : i32 to index
        %get3A_405 = arith.constant 64 : index
        %get3A_406 = tpu.vector_load %arg5[%get3A_404, %get3A_405] {strides = array<i32>} : memref<112x128xi32, #tpu.memory_space<vmem>>, vector<1x16xi32>,
        %get3A_407 = vector.shape_cast %get3A_406 : vector<1x16xi32> to vector<16xi32>
        %shift_right_logical3A_408 = arith.constant 14 : i32
        %shift_right_logical3A_409 = vector.broadcast %shift_right_logical3A_408 : i32 to vector<16xi32>
        %shift_right_logical3A_410 = arith.shrui %get3A_407, %shift_right_logical3A_409 : vector<16xi32>
        %swap3A_411 = arith.constant 0 : i32
        %swap3A_412 = arith.index_cast %swap3A_411 : i32 to index
        %swap3A_413 = arith.constant 64 : index
        %swap3A_414 = tpu.vector_load %arg6[%swap3A_412, %swap3A_413] {strides = array<i32>} : memref<2x128xi32, #tpu.memory_space<vmem>>, vector<1x16xi32>,
        %swap3A_415 = vector.shape_cast %swap3A_414 : vector<1x16xi32> to vector<16xi32>
        %swap3A_416 = vector.shape_cast %shift_right_logical3A_410 : vector<16xi32> to vector<1x16xi32>
        tpu.vector_store %arg6[%swap3A_412, %swap3A_413], %swap3A_416 {strides = array<i32>} : memref<2x128xi32, #tpu.memory_space<vmem>>, vector<1x16xi32>,
        %and3A_417 = arith.constant 16383 : i32
        %and3A_418 = vector.broadcast %and3A_417 : i32 to vector<16xi32>
        %and3A_419 = arith.andi %get3A_407, %and3A_418 : vector<16xi32>
        %swap3A_420 = arith.constant 0 : i32
        %swap3A_421 = arith.index_cast %swap3A_420 : i32 to index
        %swap3A_422 = arith.constant 64 : index
        %swap3A_423 = tpu.vector_load %arg7[%swap3A_421, %swap3A_422] {strides = array<i32>} : memref<2x128xi32, #tpu.memory_space<vmem>>, vector<1x16xi32>,
        %swap3A_424 = vector.shape_cast %swap3A_423 : vector<1x16xi32> to vector<16xi32>
        %swap3A_425 = vector.shape_cast %and3A_419 : vector<16xi32> to vector<1x16xi32>
        tpu.vector_store %arg7[%swap3A_421, %swap3A_422], %swap3A_425 {strides = array<i32>} : memref<2x128xi32, #tpu.memory_space<vmem>>, vector<1x16xi32>,
        %get3A_426 = arith.index_cast %add3A_315 : i32 to index
        %get3A_427 = arith.constant 80 : index
        %get3A_428 = tpu.vector_load %arg5[%get3A_426, %get3A_427] {strides = array<i32>} : memref<112x128xi32, #tpu.memory_space<vmem>>, vector<1x16xi32>,
        %get3A_429 = vector.shape_cast %get3A_428 : vector<1x16xi32> to vector<16xi32>
        %shift_right_logical3A_430 = arith.constant 14 : i32
        %shift_right_logical3A_431 = vector.broadcast %shift_right_logical3A_430 : i32 to vector<16xi32>
        %shift_right_logical3A_432 = arith.shrui %get3A_429, %shift_right_logical3A_431 : vector<16xi32>
        %swap3A_433 = arith.constant 0 : i32
        %swap3A_434 = arith.index_cast %swap3A_433 : i32 to index
        %swap3A_435 = arith.constant 80 : index
        %swap3A_436 = tpu.vector_load %arg6[%swap3A_434, %swap3A_435] {strides = array<i32>} : memref<2x128xi32, #tpu.memory_space<vmem>>, vector<1x16xi32>,
        %swap3A_437 = vector.shape_cast %swap3A_436 : vector<1x16xi32> to vector<16xi32>
        %swap3A_438 = vector.shape_cast %shift_right_logical3A_432 : vector<16xi32> to vector<1x16xi32>
        tpu.vector_store %arg6[%swap3A_434, %swap3A_435], %swap3A_438 {strides = array<i32>} : memref<2x128xi32, #tpu.memory_space<vmem>>, vector<1x16xi32>,
        %and3A_439 = arith.constant 16383 : i32
        %and3A_440 = vector.broadcast %and3A_439 : i32 to vector<16xi32>
        %and3A_441 = arith.andi %get3A_429, %and3A_440 : vector<16xi32>
        %swap3A_442 = arith.constant 0 : i32
        %swap3A_443 = arith.index_cast %swap3A_442 : i32 to index
        %swap3A_444 = arith.constant 80 : index
        %swap3A_445 = tpu.vector_load %arg7[%swap3A_443, %swap3A_444] {strides = array<i32>} : memref<2x128xi32, #tpu.memory_space<vmem>>, vector<1x16xi32>,
        %swap3A_446 = vector.shape_cast %swap3A_445 : vector<1x16xi32> to vector<16xi32>
        %swap3A_447 = vector.shape_cast %and3A_441 : vector<16xi32> to vector<1x16xi32>
        tpu.vector_store %arg7[%swap3A_443, %swap3A_444], %swap3A_447 {strides = array<i32>} : memref<2x128xi32, #tpu.memory_space<vmem>>, vector<1x16xi32>,
        %get3A_448 = arith.index_cast %add3A_315 : i32 to index
        %get3A_449 = arith.constant 96 : index
        %get3A_450 = tpu.vector_load %arg5[%get3A_448, %get3A_449] {strides = array<i32>} : memref<112x128xi32, #tpu.memory_space<vmem>>, vector<1x16xi32>,
        %get3A_451 = vector.shape_cast %get3A_450 : vector<1x16xi32> to vector<16xi32>
        %shift_right_logical3A_452 = arith.constant 14 : i32
        %shift_right_logical3A_453 = vector.broadcast %shift_right_logical3A_452 : i32 to vector<16xi32>
        %shift_right_logical3A_454 = arith.shrui %get3A_451, %shift_right_logical3A_453 : vector<16xi32>
        %swap3A_455 = arith.constant 0 : i32
        %swap3A_456 = arith.index_cast %swap3A_455 : i32 to index
        %swap3A_457 = arith.constant 96 : index
        %swap3A_458 = tpu.vector_load %arg6[%swap3A_456, %swap3A_457] {strides = array<i32>} : memref<2x128xi32, #tpu.memory_space<vmem>>, vector<1x16xi32>,
        %swap3A_459 = vector.shape_cast %swap3A_458 : vector<1x16xi32> to vector<16xi32>
        %swap3A_460 = vector.shape_cast %shift_right_logical3A_454 : vector<16xi32> to vector<1x16xi32>
        tpu.vector_store %arg6[%swap3A_456, %swap3A_457], %swap3A_460 {strides = array<i32>} : memref<2x128xi32, #tpu.memory_space<vmem>>, vector<1x16xi32>,
        %and3A_461 = arith.constant 16383 : i32
        %and3A_462 = vector.broadcast %and3A_461 : i32 to vector<16xi32>
        %and3A_463 = arith.andi %get3A_451, %and3A_462 : vector<16xi32>
        %swap3A_464 = arith.constant 0 : i32
        %swap3A_465 = arith.index_cast %swap3A_464 : i32 to index
        %swap3A_466 = arith.constant 96 : index
        %swap3A_467 = tpu.vector_load %arg7[%swap3A_465, %swap3A_466] {strides = array<i32>} : memref<2x128xi32, #tpu.memory_space<vmem>>, vector<1x16xi32>,
        %swap3A_468 = vector.shape_cast %swap3A_467 : vector<1x16xi32> to vector<16xi32>
        %swap3A_469 = vector.shape_cast %and3A_463 : vector<16xi32> to vector<1x16xi32>
        tpu.vector_store %arg7[%swap3A_465, %swap3A_466], %swap3A_469 {strides = array<i32>} : memref<2x128xi32, #tpu.memory_space<vmem>>, vector<1x16xi32>,
        %get3A_470 = arith.index_cast %add3A_315 : i32 to index
        %get3A_471 = arith.constant 112 : index
        %get3A_472 = tpu.vector_load %arg5[%get3A_470, %get3A_471] {strides = array<i32>} : memref<112x128xi32, #tpu.memory_space<vmem>>, vector<1x16xi32>,
        %get3A_473 = vector.shape_cast %get3A_472 : vector<1x16xi32> to vector<16xi32>
        %shift_right_logical3A_474 = arith.constant 14 : i32
        %shift_right_logical3A_475 = vector.broadcast %shift_right_logical3A_474 : i32 to vector<16xi32>
        %shift_right_logical3A_476 = arith.shrui %get3A_473, %shift_right_logical3A_475 : vector<16xi32>
        %swap3A_477 = arith.constant 0 : i32
        %swap3A_478 = arith.index_cast %swap3A_477 : i32 to index
        %swap3A_479 = arith.constant 112 : index
        %swap3A_480 = tpu.vector_load %arg6[%swap3A_478, %swap3A_479] {strides = array<i32>} : memref<2x128xi32, #tpu.memory_space<vmem>>, vector<1x16xi32>,
        %swap3A_481 = vector.shape_cast %swap3A_480 : vector<1x16xi32> to vector<16xi32>
        %swap3A_482 = vector.shape_cast %shift_right_logical3A_476 : vector<16xi32> to vector<1x16xi32>
        tpu.vector_store %arg6[%swap3A_478, %swap3A_479], %swap3A_482 {strides = array<i32>} : memref<2x128xi32, #tpu.memory_space<vmem>>, vector<1x16xi32>,
        %and3A_483 = arith.constant 16383 : i32
        %and3A_484 = vector.broadcast %and3A_483 : i32 to vector<16xi32>
        %and3A_485 = arith.andi %get3A_473, %and3A_484 : vector<16xi32>
        %swap3A_486 = arith.constant 0 : i32
        %swap3A_487 = arith.index_cast %swap3A_486 : i32 to index
        %swap3A_488 = arith.constant 112 : index
        %swap3A_489 = tpu.vector_load %arg7[%swap3A_487, %swap3A_488] {strides = array<i32>} : memref<2x128xi32, #tpu.memory_space<vmem>>, vector<1x16xi32>,
        %swap3A_490 = vector.shape_cast %swap3A_489 : vector<1x16xi32> to vector<16xi32>
        %swap3A_491 = vector.shape_cast %and3A_485 : vector<16xi32> to vector<1x16xi32>
        tpu.vector_store %arg7[%swap3A_487, %swap3A_488], %swap3A_491 {strides = array<i32>} : memref<2x128xi32, #tpu.memory_space<vmem>>, vector<1x16xi32>,
        %dma_start3A_492 = arith.constant 0 : i32
        %dma_start3A_493 = arith.constant 0 : i32
        %dma_start3A_494 = tpu.memref_slice %arg6[%dma_start3A_492, %dma_start3A_493] : memref<2x128xi32, #tpu.memory_space<vmem>> -> memref<1x128xi32, #tpu.memory_space<vmem>>
        %dma_start3A_495 = tpu.memref_squeeze %dma_start3A_494 : memref<1x128xi32, #tpu.memory_space<vmem>> -> memref<128xi32, #tpu.memory_space<vmem>>
        %dma_start3A_496 = arith.constant 0 : i32
        %dma_start3A_497 = arith.constant 0 : i32
        %dma_start3A_498 = tpu.memref_slice %arg2[%dma_start3A_496, %dma_start3A_497] : memref<10000x128xf32, #tpu.memory_space<hbm>> -> memref<10000x128xf32, #tpu.memory_space<hbm>>
        tpu.enqueue_indirect_dma source(%dma_start3A_498 : memref<10000x128xf32, #tpu.memory_space<hbm>>) target(%arg8 : memref<128x128xf32, #tpu.memory_space<vmem>>) offsets(%dma_start3A_495 : memref<128xi32, #tpu.memory_space<vmem>>) semaphore(%arg11 : memref<!tpu.dma_semaphore, #tpu.memory_space<semaphore_mem>>)
      } else {
      }
      %add3A_307 = arith.constant 1 : i32
      %add3A_308 = arith.addi %mul3A_292, %add3A_307 : i32
      %lt3A_309 = arith.cmpi slt, %add3A_308, %select_n3A : i32
      %convert_element_type3A_310 = arith.extui %lt3A_309 : i1 to i32
      %cond3A_311 = arith.constant 0 : i32
      %cond3A_312 = arith.cmpi ne, %convert_element_type3A_310, %cond3A_311 : i32
      scf.if %cond3A_312 {
        %dma_wait3A_314 = arith.constant 0 : i32
        %dma_wait3A_315 = arith.constant 0 : i32
        %dma_wait3A_316 = tpu.memref_slice %arg2[%dma_wait3A_314, %dma_wait3A_315] : memref<10000x128xf32, #tpu.memory_space<hbm>> -> memref<128x128xf32, #tpu.memory_space<hbm>>
        %dma_wait3A_317 = arith.constant 0 : i32
        %dma_wait3A_318 = arith.constant 0 : i32
        %dma_wait3A_319 = tpu.memref_slice %arg2[%dma_wait3A_317, %dma_wait3A_318] : memref<10000x128xf32, #tpu.memory_space<hbm>> -> memref<128x128xf32, #tpu.memory_space<hbm>>
        tpu.wait_dma2 semaphore(%arg12 : memref<!tpu.dma_semaphore, #tpu.memory_space<semaphore_mem>>) src(%dma_wait3A_319 : memref<128x128xf32, #tpu.memory_space<hbm>>) dst(%arg9 : memref<128x128xf32, #tpu.memory_space<vmem>>)
        %run_scoped3A_320 = arith.constant 1 : i32
        "tpu.region"() ({
          %run_scoped3A_321 = tpu.sem_alloc : memref<!tpu.dma_semaphore, #tpu.memory_space<semaphore_mem>>
          %dma_start3A_322 = arith.constant 0 : i32
          %dma_start3A_323 = tpu.memref_slice %arg7[%run_scoped3A_320, %dma_start3A_322] : memref<2x128xi32, #tpu.memory_space<vmem>> -> memref<1x128xi32, #tpu.memory_space<vmem>>
          %dma_start3A_324 = tpu.memref_squeeze %dma_start3A_323 : memref<1x128xi32, #tpu.memory_space<vmem>> -> memref<128xi32, #tpu.memory_space<vmem>>
          %dma_start3A_325 = arith.constant 0 : i32
          %dma_start3A_326 = arith.constant 0 : i32
          %dma_start3A_327 = tpu.memref_slice %arg10[%dma_start3A_325, %dma_start3A_326] : memref<10112x128xf32, #tpu.memory_space<vmem_shared>> -> memref<10112x128xf32, #tpu.memory_space<vmem_shared>>
          tpu.enqueue_indirect_dma source(%arg9 : memref<128x128xf32, #tpu.memory_space<vmem>>) target(%dma_start3A_327 : memref<10112x128xf32, #tpu.memory_space<vmem_shared>>) offsets(%dma_start3A_324 : memref<128xi32, #tpu.memory_space<vmem>>) semaphore(%run_scoped3A_321 : memref<!tpu.dma_semaphore, #tpu.memory_space<semaphore_mem>>) {add = true}
          %dma_wait3A_328 = arith.constant 0 : i32
          %dma_wait3A_329 = tpu.memref_slice %arg7[%run_scoped3A_320, %dma_wait3A_328] : memref<2x128xi32, #tpu.memory_space<vmem>> -> memref<1x128xi32, #tpu.memory_space<vmem>>
          %dma_wait3A_330 = tpu.memref_squeeze %dma_wait3A_329 : memref<1x128xi32, #tpu.memory_space<vmem>> -> memref<128xi32, #tpu.memory_space<vmem>>
          %dma_wait3A_331 = arith.constant 0 : i32
          %dma_wait3A_332 = arith.constant 0 : i32
          %dma_wait3A_333 = tpu.memref_slice %arg10[%dma_wait3A_331, %dma_wait3A_332] : memref<10112x128xf32, #tpu.memory_space<vmem_shared>> -> memref<10112x128xf32, #tpu.memory_space<vmem_shared>>
          tpu.wait_indirect_dma semaphore(%run_scoped3A_321 : memref<!tpu.dma_semaphore, #tpu.memory_space<semaphore_mem>>) src(%arg9 : memref<128x128xf32, #tpu.memory_space<vmem>>) dst(%dma_wait3A_333 : memref<10112x128xf32, #tpu.memory_space<vmem_shared>>)
          tpu.yield
        }) : () -> ()
      } else {
      }
      %while3A_313 = arith.constant 0 : i32
      scf.yield %while3A_313 : i32
    }
    %barrier3A_248 = arith.constant 0 : index
    tpu.barrier barrier_id(%barrier3A_248)
    %mul3A_249 = arith.constant 632 : i32
    %mul3A_250 = arith.muli %arg1, %mul3A_249 : i32
    %add3A_251 = arith.constant 0 : i32
    %add3A_252 = arith.addi %mul3A_250, %add3A_251 : i32
    %mul3A_253 = arith.constant 632 : i32
    %mul3A_254 = arith.muli %arg1, %mul3A_253 : i32
    %add3A_255 = arith.constant 0 : i32
    %add3A_256 = arith.addi %mul3A_254, %add3A_255 : i32
    "tpu.region"() ({
      %run_scoped3A = tpu.sem_alloc : memref<!tpu.dma_semaphore, #tpu.memory_space<semaphore_mem>>
      %dma_start3A_289 = arith.constant 0 : i32
      %dma_start3A_290 = tpu.memref_slice %arg4[%arg0, %add3A_256, %dma_start3A_289] : memref<2x10112x128xf32, #tpu.memory_space<hbm>> -> memref<1x128x128xf32, #tpu.memory_space<hbm>>
      %dma_start3A_291 = tpu.memref_squeeze %dma_start3A_290 : memref<1x128x128xf32, #tpu.memory_space<hbm>> -> memref<128x128xf32, #tpu.memory_space<hbm>>
      %dma_start3A_292 = arith.constant 0 : i32
      %dma_start3A_293 = tpu.memref_slice %arg10[%add3A_252, %dma_start3A_292] : memref<10112x128xf32, #tpu.memory_space<vmem_shared>> -> memref<128x128xf32, #tpu.memory_space<vmem_shared>>
      tpu.enqueue_dma source(%dma_start3A_293 : memref<128x128xf32, #tpu.memory_space<vmem_shared>>) target(%dma_start3A_291 : memref<128x128xf32, #tpu.memory_space<hbm>>) target_semaphore(%run_scoped3A : memref<!tpu.dma_semaphore, #tpu.memory_space<semaphore_mem>>)
      %dma_wait3A = arith.constant 0 : i32
      %dma_wait3A_294 = tpu.memref_slice %arg4[%arg0, %add3A_256, %dma_wait3A] : memref<2x10112x128xf32, #tpu.memory_space<hbm>> -> memref<1x128x128xf32, #tpu.memory_space<hbm>>
      %dma_wait3A_295 = tpu.memref_squeeze %dma_wait3A_294 : memref<1x128x128xf32, #tpu.memory_space<hbm>> -> memref<128x128xf32, #tpu.memory_space<hbm>>
      %dma_wait3A_296 = arith.constant 0 : i32
      %dma_wait3A_297 = tpu.memref_slice %arg10[%add3A_252, %dma_wait3A_296] : memref<10112x128xf32, #tpu.memory_space<vmem_shared>> -> memref<128x128xf32, #tpu.memory_space<vmem_shared>>
      tpu.wait_dma2 semaphore(%run_scoped3A : memref<!tpu.dma_semaphore, #tpu.memory_space<semaphore_mem>>) src(%dma_wait3A_297 : memref<128x128xf32, #tpu.memory_space<vmem_shared>>) dst(%dma_wait3A_295 : memref<128x128xf32, #tpu.memory_space<hbm>>)
      tpu.yield
    }) : () -> ()
    %mul3A_257 = arith.constant 632 : i32
    %mul3A_258 = arith.muli %arg1, %mul3A_257 : i32
    %add3A_259 = arith.constant 128 : i32
    %add3A_260 = arith.addi %mul3A_258, %add3A_259 : i32
    %mul3A_261 = arith.constant 632 : i32
    %mul3A_262 = arith.muli %arg1, %mul3A_261 : i32
    %add3A_263 = arith.constant 128 : i32
    %add3A_264 = arith.addi %mul3A_262, %add3A_263 : i32
    "tpu.region"() ({
      %run_scoped3A = tpu.sem_alloc : memref<!tpu.dma_semaphore, #tpu.memory_space<semaphore_mem>>
      %dma_start3A_289 = arith.constant 0 : i32
      %dma_start3A_290 = tpu.memref_slice %arg4[%arg0, %add3A_264, %dma_start3A_289] : memref<2x10112x128xf32, #tpu.memory_space<hbm>> -> memref<1x128x128xf32, #tpu.memory_space<hbm>>
      %dma_start3A_291 = tpu.memref_squeeze %dma_start3A_290 : memref<1x128x128xf32, #tpu.memory_space<hbm>> -> memref<128x128xf32, #tpu.memory_space<hbm>>
      %dma_start3A_292 = arith.constant 0 : i32
      %dma_start3A_293 = tpu.memref_slice %arg10[%add3A_260, %dma_start3A_292] : memref<10112x128xf32, #tpu.memory_space<vmem_shared>> -> memref<128x128xf32, #tpu.memory_space<vmem_shared>>
      tpu.enqueue_dma source(%dma_start3A_293 : memref<128x128xf32, #tpu.memory_space<vmem_shared>>) target(%dma_start3A_291 : memref<128x128xf32, #tpu.memory_space<hbm>>) target_semaphore(%run_scoped3A : memref<!tpu.dma_semaphore, #tpu.memory_space<semaphore_mem>>)
      %dma_wait3A = arith.constant 0 : i32
      %dma_wait3A_294 = tpu.memref_slice %arg4[%arg0, %add3A_264, %dma_wait3A] : memref<2x10112x128xf32, #tpu.memory_space<hbm>> -> memref<1x128x128xf32, #tpu.memory_space<hbm>>
      %dma_wait3A_295 = tpu.memref_squeeze %dma_wait3A_294 : memref<1x128x128xf32, #tpu.memory_space<hbm>> -> memref<128x128xf32, #tpu.memory_space<hbm>>
      %dma_wait3A_296 = arith.constant 0 : i32
      %dma_wait3A_297 = tpu.memref_slice %arg10[%add3A_260, %dma_wait3A_296] : memref<10112x128xf32, #tpu.memory_space<vmem_shared>> -> memref<128x128xf32, #tpu.memory_space<vmem_shared>>
      tpu.wait_dma2 semaphore(%run_scoped3A : memref<!tpu.dma_semaphore, #tpu.memory_space<semaphore_mem>>) src(%dma_wait3A_297 : memref<128x128xf32, #tpu.memory_space<vmem_shared>>) dst(%dma_wait3A_295 : memref<128x128xf32, #tpu.memory_space<hbm>>)
      tpu.yield
    }) : () -> ()
    %mul3A_265 = arith.constant 632 : i32
    %mul3A_266 = arith.muli %arg1, %mul3A_265 : i32
    %add3A_267 = arith.constant 256 : i32
    %add3A_268 = arith.addi %mul3A_266, %add3A_267 : i32
    %mul3A_269 = arith.constant 632 : i32
    %mul3A_270 = arith.muli %arg1, %mul3A_269 : i32
    %add3A_271 = arith.constant 256 : i32
    %add3A_272 = arith.addi %mul3A_270, %add3A_271 : i32
    "tpu.region"() ({
      %run_scoped3A = tpu.sem_alloc : memref<!tpu.dma_semaphore, #tpu.memory_space<semaphore_mem>>
      %dma_start3A_289 = arith.constant 0 : i32
      %dma_start3A_290 = tpu.memref_slice %arg4[%arg0, %add3A_272, %dma_start3A_289] : memref<2x10112x128xf32, #tpu.memory_space<hbm>> -> memref<1x128x128xf32, #tpu.memory_space<hbm>>
      %dma_start3A_291 = tpu.memref_squeeze %dma_start3A_290 : memref<1x128x128xf32, #tpu.memory_space<hbm>> -> memref<128x128xf32, #tpu.memory_space<hbm>>
      %dma_start3A_292 = arith.constant 0 : i32
      %dma_start3A_293 = tpu.memref_slice %arg10[%add3A_268, %dma_start3A_292] : memref<10112x128xf32, #tpu.memory_space<vmem_shared>> -> memref<128x128xf32, #tpu.memory_space<vmem_shared>>
      tpu.enqueue_dma source(%dma_start3A_293 : memref<128x128xf32, #tpu.memory_space<vmem_shared>>) target(%dma_start3A_291 : memref<128x128xf32, #tpu.memory_space<hbm>>) target_semaphore(%run_scoped3A : memref<!tpu.dma_semaphore, #tpu.memory_space<semaphore_mem>>)
      %dma_wait3A = arith.constant 0 : i32
      %dma_wait3A_294 = tpu.memref_slice %arg4[%arg0, %add3A_272, %dma_wait3A] : memref<2x10112x128xf32, #tpu.memory_space<hbm>> -> memref<1x128x128xf32, #tpu.memory_space<hbm>>
      %dma_wait3A_295 = tpu.memref_squeeze %dma_wait3A_294 : memref<1x128x128xf32, #tpu.memory_space<hbm>> -> memref<128x128xf32, #tpu.memory_space<hbm>>
      %dma_wait3A_296 = arith.constant 0 : i32
      %dma_wait3A_297 = tpu.memref_slice %arg10[%add3A_268, %dma_wait3A_296] : memref<10112x128xf32, #tpu.memory_space<vmem_shared>> -> memref<128x128xf32, #tpu.memory_space<vmem_shared>>
      tpu.wait_dma2 semaphore(%run_scoped3A : memref<!tpu.dma_semaphore, #tpu.memory_space<semaphore_mem>>) src(%dma_wait3A_297 : memref<128x128xf32, #tpu.memory_space<vmem_shared>>) dst(%dma_wait3A_295 : memref<128x128xf32, #tpu.memory_space<hbm>>)
      tpu.yield
    }) : () -> ()
    %mul3A_273 = arith.constant 632 : i32
    %mul3A_274 = arith.muli %arg1, %mul3A_273 : i32
    %add3A_275 = arith.constant 384 : i32
    %add3A_276 = arith.addi %mul3A_274, %add3A_275 : i32
    %mul3A_277 = arith.constant 632 : i32
    %mul3A_278 = arith.muli %arg1, %mul3A_277 : i32
    %add3A_279 = arith.constant 384 : i32
    %add3A_280 = arith.addi %mul3A_278, %add3A_279 : i32
    "tpu.region"() ({
      %run_scoped3A = tpu.sem_alloc : memref<!tpu.dma_semaphore, #tpu.memory_space<semaphore_mem>>
      %dma_start3A_289 = arith.constant 0 : i32
      %dma_start3A_290 = tpu.memref_slice %arg4[%arg0, %add3A_280, %dma_start3A_289] : memref<2x10112x128xf32, #tpu.memory_space<hbm>> -> memref<1x128x128xf32, #tpu.memory_space<hbm>>
      %dma_start3A_291 = tpu.memref_squeeze %dma_start3A_290 : memref<1x128x128xf32, #tpu.memory_space<hbm>> -> memref<128x128xf32, #tpu.memory_space<hbm>>
      %dma_start3A_292 = arith.constant 0 : i32
      %dma_start3A_293 = tpu.memref_slice %arg10[%add3A_276, %dma_start3A_292] : memref<10112x128xf32, #tpu.memory_space<vmem_shared>> -> memref<128x128xf32, #tpu.memory_space<vmem_shared>>
      tpu.enqueue_dma source(%dma_start3A_293 : memref<128x128xf32, #tpu.memory_space<vmem_shared>>) target(%dma_start3A_291 : memref<128x128xf32, #tpu.memory_space<hbm>>) target_semaphore(%run_scoped3A : memref<!tpu.dma_semaphore, #tpu.memory_space<semaphore_mem>>)
      %dma_wait3A = arith.constant 0 : i32
      %dma_wait3A_294 = tpu.memref_slice %arg4[%arg0, %add3A_280, %dma_wait3A] : memref<2x10112x128xf32, #tpu.memory_space<hbm>> -> memref<1x128x128xf32, #tpu.memory_space<hbm>>
      %dma_wait3A_295 = tpu.memref_squeeze %dma_wait3A_294 : memref<1x128x128xf32, #tpu.memory_space<hbm>> -> memref<128x128xf32, #tpu.memory_space<hbm>>
      %dma_wait3A_296 = arith.constant 0 : i32
      %dma_wait3A_297 = tpu.memref_slice %arg10[%add3A_276, %dma_wait3A_296] : memref<10112x128xf32, #tpu.memory_space<vmem_shared>> -> memref<128x128xf32, #tpu.memory_space<vmem_shared>>
      tpu.wait_dma2 semaphore(%run_scoped3A : memref<!tpu.dma_semaphore, #tpu.memory_space<semaphore_mem>>) src(%dma_wait3A_297 : memref<128x128xf32, #tpu.memory_space<vmem_shared>>) dst(%dma_wait3A_295 : memref<128x128xf32, #tpu.memory_space<hbm>>)
      tpu.yield
    }) : () -> ()
    %mul3A_281 = arith.constant 632 : i32
    %mul3A_282 = arith.muli %arg1, %mul3A_281 : i32
    %add3A_283 = arith.constant 512 : i32
    %add3A_284 = arith.addi %mul3A_282, %add3A_283 : i32
    %mul3A_285 = arith.constant 632 : i32
    %mul3A_286 = arith.muli %arg1, %mul3A_285 : i32
    %add3A_287 = arith.constant 512 : i32
    %add3A_288 = arith.addi %mul3A_286, %add3A_287 : i32
    "tpu.region"() ({
      %run_scoped3A = tpu.sem_alloc : memref<!tpu.dma_semaphore, #tpu.memory_space<semaphore_mem>>
      %dma_start3A_289 = arith.constant 0 : i32
      %dma_start3A_290 = tpu.memref_slice %arg4[%arg0, %add3A_288, %dma_start3A_289] : memref<2x10112x128xf32, #tpu.memory_space<hbm>> -> memref<1x120x128xf32, #tpu.memory_space<hbm>>
      %dma_start3A_291 = tpu.memref_squeeze %dma_start3A_290 : memref<1x120x128xf32, #tpu.memory_space<hbm>> -> memref<120x128xf32, #tpu.memory_space<hbm>>
      %dma_start3A_292 = arith.constant 0 : i32
      %dma_start3A_293 = tpu.memref_slice %arg10[%add3A_284, %dma_start3A_292] : memref<10112x128xf32, #tpu.memory_space<vmem_shared>> -> memref<120x128xf32, #tpu.memory_space<vmem_shared>>
      tpu.enqueue_dma source(%dma_start3A_293 : memref<120x128xf32, #tpu.memory_space<vmem_shared>>) target(%dma_start3A_291 : memref<120x128xf32, #tpu.memory_space<hbm>>) target_semaphore(%run_scoped3A : memref<!tpu.dma_semaphore, #tpu.memory_space<semaphore_mem>>)
      %dma_wait3A = arith.constant 0 : i32
      %dma_wait3A_294 = tpu.memref_slice %arg4[%arg0, %add3A_288, %dma_wait3A] : memref<2x10112x128xf32, #tpu.memory_space<hbm>> -> memref<1x120x128xf32, #tpu.memory_space<hbm>>
      %dma_wait3A_295 = tpu.memref_squeeze %dma_wait3A_294 : memref<1x120x128xf32, #tpu.memory_space<hbm>> -> memref<120x128xf32, #tpu.memory_space<hbm>>
      %dma_wait3A_296 = arith.constant 0 : i32
      %dma_wait3A_297 = tpu.memref_slice %arg10[%add3A_284, %dma_wait3A_296] : memref<10112x128xf32, #tpu.memory_space<vmem_shared>> -> memref<120x128xf32, #tpu.memory_space<vmem_shared>>
      tpu.wait_dma2 semaphore(%run_scoped3A : memref<!tpu.dma_semaphore, #tpu.memory_space<semaphore_mem>>) src(%dma_wait3A_297 : memref<120x128xf32, #tpu.memory_space<vmem_shared>>) dst(%dma_wait3A_295 : memref<120x128xf32, #tpu.memory_space<hbm>>)
      tpu.yield
    }) : () -> ()
    return
  }
}

module attributes {stable_mosaic.version = 14 : i64} {
  func.func @_mlp_body(%arg0: memref<2x10112x128xf32, #tpu.memory_space<vmem>>, %arg1: memref<10000x128xf32, #tpu.memory_space<vmem>>, %arg2: memref<128x128xf32, #tpu.memory_space<vmem>>, %arg3: memref<1x128xf32, #tpu.memory_space<vmem>>, %arg4: memref<1x128xf32, #tpu.memory_space<vmem>>, %arg5: memref<1x128xf32, #tpu.memory_space<vmem>>, %arg6: memref<128x128xf32, #tpu.memory_space<vmem>>, %arg7: memref<1x128xf32, #tpu.memory_space<vmem>>, %arg8: memref<10000x128xf32, #tpu.memory_space<vmem>>) attributes {dimension_semantics = [], scalar_prefetch = 0 : i64, scratch_operands = 0 : i64, tpu.core_type = #tpu.core_type<tc>} {
    %get3A = arith.constant 0 : index
    %get3A_0 = arith.constant 0 : index
    %get3A_1 = arith.constant 0 : index
    %get3A_2 = vector.load %arg0[%get3A, %get3A_0, %get3A_1] : memref<2x10112x128xf32, #tpu.memory_space<vmem>>, vector<2x10112x128xf32>
    %slice3A = vector.extract_strided_slice %get3A_2 {offsets = [0, 0, 0], sizes = [1, 10000, 128], strides = [1, 1, 1]} : vector<2x10112x128xf32> to vector<1x10000x128xf32>
    %squeeze3A = vector.shape_cast %slice3A : vector<1x10000x128xf32> to vector<10000x128xf32>
    %slice3A_3 = vector.extract_strided_slice %get3A_2 {offsets = [1, 0, 0], sizes = [1, 10000, 128], strides = [1, 1, 1]} : vector<2x10112x128xf32> to vector<1x10000x128xf32>
    %squeeze3A_4 = vector.shape_cast %slice3A_3 : vector<1x10000x128xf32> to vector<10000x128xf32>
    %add3A = arith.addf %squeeze3A, %squeeze3A_4 : vector<10000x128xf32>
    %get3A_5 = arith.constant 0 : index
    %get3A_6 = arith.constant 0 : index
    %get3A_7 = vector.load %arg1[%get3A_5, %get3A_6] : memref<10000x128xf32, #tpu.memory_space<vmem>>, vector<10000x128xf32>
    %add3A_8 = arith.addf %add3A, %get3A_7 : vector<10000x128xf32>
    %get3A_9 = arith.constant 0 : index
    %get3A_10 = arith.constant 0 : index
    %get3A_11 = vector.load %arg2[%get3A_9, %get3A_10] : memref<128x128xf32, #tpu.memory_space<vmem>>, vector<128x128xf32>
    %dot_general3A = arith.constant dense<0.000000e+00> : vector<10000x128xf32>
    %dot_general3A_12 = tpu.matmul %add3A_8, %get3A_11, %dot_general3A {dimension_numbers = #tpu.dot_dimension_numbers<[1], [0], [0], [1], [0, 0, 1, 1], [], []>, transpose_lhs_hint = false} : vector<10000x128xf32>, vector<128x128xf32>, vector<10000x128xf32> -> vector<10000x128xf32>
    %get3A_13 = arith.constant 0 : index
    %get3A_14 = arith.constant 0 : index
    %get3A_15 = vector.load %arg3[%get3A_13, %get3A_14] : memref<1x128xf32, #tpu.memory_space<vmem>>, vector<1x128xf32>
    %add3A_16 = vector.broadcast %get3A_15 : vector<1x128xf32> to vector<10000x128xf32>
    %add3A_17 = arith.addf %dot_general3A_12, %add3A_16 : vector<10000x128xf32>
    %reduce_sum3A = arith.constant dense<0.000000e+00> : vector<128xf32>
    %reduce_sum3A_18 = vector.multi_reduction <add>, %add3A_17, %reduce_sum3A [0] : vector<10000x128xf32> to vector<128xf32>
    %broadcast_in_dim3A = vector.shape_cast %reduce_sum3A_18 : vector<128xf32> to vector<1x128xf32>
    %div3A = arith.constant 1.000000e+04 : f32
    %div3A_19 = vector.broadcast %div3A : f32 to vector<1x128xf32>
    %div3A_20 = arith.divf %broadcast_in_dim3A, %div3A_19 : vector<1x128xf32>
    %sub3A = vector.broadcast %div3A_20 : vector<1x128xf32> to vector<10000x128xf32>
    %sub3A_21 = arith.subf %add3A_17, %sub3A : vector<10000x128xf32>
    %square3A = arith.mulf %sub3A_21, %sub3A_21 : vector<10000x128xf32>
    %reduce_sum3A_22 = arith.constant dense<0.000000e+00> : vector<128xf32>
    %reduce_sum3A_23 = vector.multi_reduction <add>, %square3A, %reduce_sum3A_22 [0] : vector<10000x128xf32> to vector<128xf32>
    %broadcast_in_dim3A_24 = vector.shape_cast %reduce_sum3A_23 : vector<128xf32> to vector<1x128xf32>
    %div3A_25 = arith.constant 1.000000e+04 : f32
    %div3A_26 = vector.broadcast %div3A_25 : f32 to vector<1x128xf32>
    %div3A_27 = arith.divf %broadcast_in_dim3A_24, %div3A_26 : vector<1x128xf32>
    %sub3A_28 = vector.broadcast %div3A_20 : vector<1x128xf32> to vector<10000x128xf32>
    %sub3A_29 = arith.subf %add3A_17, %sub3A_28 : vector<10000x128xf32>
    %add3A_30 = arith.constant 9.99999974E-6 : f32
    %add3A_31 = vector.broadcast %add3A_30 : f32 to vector<1x128xf32>
    %add3A_32 = arith.addf %div3A_27, %add3A_31 : vector<1x128xf32>
    %rsqrt3A = math.rsqrt %add3A_32 : vector<1x128xf32>
    %mul3A = vector.broadcast %rsqrt3A : vector<1x128xf32> to vector<10000x128xf32>
    %mul3A_33 = arith.mulf %sub3A_29, %mul3A : vector<10000x128xf32>
    %get3A_34 = arith.constant 0 : index
    %get3A_35 = arith.constant 0 : index
    %get3A_36 = vector.load %arg4[%get3A_34, %get3A_35] : memref<1x128xf32, #tpu.memory_space<vmem>>, vector<1x128xf32>
    %mul3A_37 = vector.broadcast %get3A_36 : vector<1x128xf32> to vector<10000x128xf32>
    %mul3A_38 = arith.mulf %mul3A_33, %mul3A_37 : vector<10000x128xf32>
    %get3A_39 = arith.constant 0 : index
    %get3A_40 = arith.constant 0 : index
    %get3A_41 = vector.load %arg5[%get3A_39, %get3A_40] : memref<1x128xf32, #tpu.memory_space<vmem>>, vector<1x128xf32>
    %add3A_42 = vector.broadcast %get3A_41 : vector<1x128xf32> to vector<10000x128xf32>
    %add3A_43 = arith.addf %mul3A_38, %add3A_42 : vector<10000x128xf32>
    %max3A = arith.constant 0.000000e+00 : f32
    %max3A_44 = vector.broadcast %max3A : f32 to vector<10000x128xf32>
    %max3A_45 = arith.maximumf %add3A_43, %max3A_44 : vector<10000x128xf32>
    %get3A_46 = arith.constant 0 : index
    %get3A_47 = arith.constant 0 : index
    %get3A_48 = vector.load %arg6[%get3A_46, %get3A_47] : memref<128x128xf32, #tpu.memory_space<vmem>>, vector<128x128xf32>
    %dot_general3A_49 = arith.constant dense<0.000000e+00> : vector<10000x128xf32>
    %dot_general3A_50 = tpu.matmul %max3A_45, %get3A_48, %dot_general3A_49 {dimension_numbers = #tpu.dot_dimension_numbers<[1], [0], [0], [1], [0, 0, 1, 1], [], []>, transpose_lhs_hint = false} : vector<10000x128xf32>, vector<128x128xf32>, vector<10000x128xf32> -> vector<10000x128xf32>
    %get3A_51 = arith.constant 0 : index
    %get3A_52 = arith.constant 0 : index
    %get3A_53 = vector.load %arg7[%get3A_51, %get3A_52] : memref<1x128xf32, #tpu.memory_space<vmem>>, vector<1x128xf32>
    %add3A_54 = vector.broadcast %get3A_53 : vector<1x128xf32> to vector<10000x128xf32>
    %add3A_55 = arith.addf %dot_general3A_50, %add3A_54 : vector<10000x128xf32>
    %max3A_56 = arith.constant 0.000000e+00 : f32
    %max3A_57 = vector.broadcast %max3A_56 : f32 to vector<10000x128xf32>
    %max3A_58 = arith.maximumf %add3A_55, %max3A_57 : vector<10000x128xf32>
    %swap3A = arith.constant 0 : index
    %swap3A_59 = arith.constant 0 : index
    %swap3A_60 = vector.load %arg8[%swap3A, %swap3A_59] : memref<10000x128xf32, #tpu.memory_space<vmem>>, vector<10000x128xf32>
    tpu.vector_store %arg8[%swap3A, %swap3A_59], %max3A_58 {strides = array<i32>} : memref<10000x128xf32, #tpu.memory_space<vmem>>, vector<10000x128xf32>,
    return
  }
}

module attributes {stable_mosaic.version = 14 : i64} {
  func.func @_pool_body(%arg0: memref<10000x128xf32, #tpu.memory_space<vmem>>, %arg1: memref<1x10000xi32, #tpu.memory_space<vmem>>, %arg2: memref<128x128xf32, #tpu.memory_space<vmem>>, %arg3: memref<1x128xf32, #tpu.memory_space<vmem>>, %arg4: memref<128x10xf32, #tpu.memory_space<vmem>>, %arg5: memref<1x10xf32, #tpu.memory_space<vmem>>, %arg6: memref<64x10xf32, #tpu.memory_space<vmem>>) attributes {dimension_semantics = [], scalar_prefetch = 0 : i64, scratch_operands = 0 : i64, tpu.core_type = #tpu.core_type<tc>} {
    %iota3A = tpu.iota {dimensions = array<i32: 0>} : vector<64x10000xi32>
    %get3A = arith.constant 0 : index
    %get3A_0 = arith.constant 0 : index
    %get3A_1 = vector.load %arg1[%get3A, %get3A_0] : memref<1x10000xi32, #tpu.memory_space<vmem>>, vector<1x10000xi32>
    %eq3A = vector.broadcast %get3A_1 : vector<1x10000xi32> to vector<64x10000xi32>
    %eq3A_2 = arith.cmpi eq, %iota3A, %eq3A : vector<64x10000xi32>
    %jit3A = arith.constant 1.000000e+00 : f32
    %jit3A_3 = arith.constant 0.000000e+00 : f32
    %broadcast_in_dim3A = vector.broadcast %jit3A : f32 to vector<64x10000xf32>
    %broadcast_in_dim3A_4 = vector.broadcast %jit3A_3 : f32 to vector<64x10000xf32>
    %select_n3A = arith.select %eq3A_2, %broadcast_in_dim3A, %broadcast_in_dim3A_4 : vector<64x10000xi1>, vector<64x10000xf32>
    %get3A_5 = arith.constant 0 : index
    %get3A_6 = arith.constant 0 : index
    %get3A_7 = vector.load %arg0[%get3A_5, %get3A_6] : memref<10000x128xf32, #tpu.memory_space<vmem>>, vector<10000x128xf32>
    %dot_general3A = arith.constant dense<0.000000e+00> : vector<64x128xf32>
    %dot_general3A_8 = tpu.matmul %select_n3A, %get3A_7, %dot_general3A {dimension_numbers = #tpu.dot_dimension_numbers<[1], [0], [0], [1], [0, 0, 1, 1], [], []>, transpose_lhs_hint = false} : vector<64x10000xf32>, vector<10000x128xf32>, vector<64x128xf32> -> vector<64x128xf32>
    %reduce_sum3A = arith.constant dense<0.000000e+00> : vector<64xf32>
    %reduce_sum3A_9 = vector.multi_reduction <add>, %select_n3A, %reduce_sum3A [1] : vector<64x10000xf32> to vector<64xf32>
    %broadcast_in_dim3A_10 = vector.shape_cast %reduce_sum3A_9 : vector<64xf32> to vector<64x1xf32>
    %max3A = arith.constant 1.000000e+00 : f32
    %max3A_11 = vector.broadcast %max3A : f32 to vector<64x1xf32>
    %max3A_12 = arith.maximumf %broadcast_in_dim3A_10, %max3A_11 : vector<64x1xf32>
    %div3A = vector.broadcast %max3A_12 : vector<64x1xf32> to vector<64x128xf32>
    %div3A_13 = arith.divf %dot_general3A_8, %div3A : vector<64x128xf32>
    %get3A_14 = arith.constant 0 : index
    %get3A_15 = arith.constant 0 : index
    %get3A_16 = vector.load %arg2[%get3A_14, %get3A_15] : memref<128x128xf32, #tpu.memory_space<vmem>>, vector<128x128xf32>
    %dot_general3A_17 = arith.constant dense<0.000000e+00> : vector<64x128xf32>
    %dot_general3A_18 = tpu.matmul %div3A_13, %get3A_16, %dot_general3A_17 {dimension_numbers = #tpu.dot_dimension_numbers<[1], [0], [0], [1], [0, 0, 1, 1], [], []>, transpose_lhs_hint = false} : vector<64x128xf32>, vector<128x128xf32>, vector<64x128xf32> -> vector<64x128xf32>
    %get3A_19 = arith.constant 0 : index
    %get3A_20 = arith.constant 0 : index
    %get3A_21 = vector.load %arg3[%get3A_19, %get3A_20] : memref<1x128xf32, #tpu.memory_space<vmem>>, vector<1x128xf32>
    %add3A = vector.broadcast %get3A_21 : vector<1x128xf32> to vector<64x128xf32>
    %add3A_22 = arith.addf %dot_general3A_18, %add3A : vector<64x128xf32>
    %max3A_23 = arith.constant 0.000000e+00 : f32
    %max3A_24 = vector.broadcast %max3A_23 : f32 to vector<64x128xf32>
    %max3A_25 = arith.maximumf %add3A_22, %max3A_24 : vector<64x128xf32>
    %get3A_26 = arith.constant 0 : index
    %get3A_27 = arith.constant 0 : index
    %get3A_28 = vector.load %arg4[%get3A_26, %get3A_27] : memref<128x10xf32, #tpu.memory_space<vmem>>, vector<128x10xf32>
    %dot_general3A_29 = arith.constant dense<0.000000e+00> : vector<64x10xf32>
    %dot_general3A_30 = tpu.matmul %max3A_25, %get3A_28, %dot_general3A_29 {dimension_numbers = #tpu.dot_dimension_numbers<[1], [0], [0], [1], [0, 0, 1, 1], [], []>, transpose_lhs_hint = false} : vector<64x128xf32>, vector<128x10xf32>, vector<64x10xf32> -> vector<64x10xf32>
    %get3A_31 = arith.constant 0 : index
    %get3A_32 = arith.constant 0 : index
    %get3A_33 = vector.load %arg5[%get3A_31, %get3A_32] : memref<1x10xf32, #tpu.memory_space<vmem>>, vector<1x10xf32>
    %add3A_34 = vector.broadcast %get3A_33 : vector<1x10xf32> to vector<64x10xf32>
    %add3A_35 = arith.addf %dot_general3A_30, %add3A_34 : vector<64x10xf32>
    %swap3A = arith.constant 0 : index
    %swap3A_36 = arith.constant 0 : index
    %swap3A_37 = vector.load %arg6[%swap3A, %swap3A_36] : memref<64x10xf32, #tpu.memory_space<vmem>>, vector<64x10xf32>
    tpu.vector_store %arg6[%swap3A, %swap3A_36], %add3A_35 {strides = array<i32>} : memref<64x10xf32, #tpu.memory_space<vmem>>, vector<64x10xf32>,
    return
  }
}

</mosaic_0001>

<sc_bundles>
// kernel: kernel.12.cloned.1.call-start
scs
__scs_entry_jumppad:
0x0: {  	(pc) =	sbr.rel $0x88, $3  }
0x1: {  	(tag) =	ssettag $0x0;
	lr =	simm.s32 $0x1  }
0x2: {  	[smem:$0x3F88] =	sst lr;
	_ =	strace $0xD0000000  }
0x3: {  	_ = 	snop  }
0x4: {  	_ = 	snop  }
0x5: {  	_ = 	snop  }
0x6: {  	_ = 	snop  }
0x7: {  	_ = 	snop  }
__scs_overlays_trampoline_lowered:
0x8: {  	[smem:$0x3F97] =	sst s0  }
0x9: {  	[smem:$0x3F98] =	sst s1  }
0xa: {  	[smem:$0x3F99] =	sst s2  }
0xb: {  	[smem:$0x3F9A] =	sst s3  }
0xc: {  	[smem:$0x3F9B] =	sst s4  }
0xd: {  	[smem:$0x3F9C] =	sst s5  }
0xe: {  	[smem:$0x3F9D] =	sst s6  }
0xf: {  	[smem:$0x3F9E] =	sst s7  }
0x10: {  	[smem:$0x3F9F] =	sst s8  }
0x11: {  	[smem:$0x3FA0] =	sst s9;
	s0 =	simm.s32 @!p0 $0x0  }
0x12: {  	s1 =	sld [smem:$0x3F86];
	s0 =	simm.s32 @p0 $0x1  }
0x13: {  	[smem:$0x3FA1] =	sst s0;
	s0 =	simm.s32 @!p1 $0x0  }
0x14: {  	s2 =	sld [smem:$0x3F85];
	s0 =	simm.s32 @p1 $0x1  }
0x15: {  	[smem:$0x3FA2] =	sst s0;
	s0 =	simm.s32 @!p2 $0x0  }
0x16: {  	s3 =	sld [smem:$0x3FDB];
	s0 =	simm.s32 @p2 $0x1  }
0x17: {  	s4 =	simm.s32 $0x1BF5;
	[smem:$0x3FA4] =	sst s0  }
0x18: {  	s0 =	sld [smem:$0x3F87];
	_ =	swait.ge [sflag:s4], $0x0  }
0x19: {  	s7 =	sld [smem:$0x3F88]  }
0x1a: {  	s8 =	sadd.s32 $0xFFFFE003, lr  }
0x1b: {  	s9 =	sadd.s32 $0xFFFFFEF7, lr;
	s5 =	simm.s32 $0xFFFFFFFF;
	p2 =	slt.u32 s8, $0xFFFFF086  }
0x1c: {  	p1 =	slt.u32 s9, $0xF7A;
	s5 =	simm.s32 @!p2 $0x0  }
0x1d: {  	s5 =	simm.s32 @p1 $0x1;
	p0 =	seq.s32 s7, s2  }
0x1e: {  	s7 =	smul.u32 @!p0 $0xF7A, s2;
	p2 =	seq.s32 @!p0 s5, $0x0  }
0x1f: {  	s9 =	smul.u32 $0xF7A, s1;
	s8 =	simm.s32 @!p0 $0x1BF5;
	p2 =	por !p2, p0  }
0x20: {  	[sflag:s8] =	ssyncset.s32 @!p0 $0xFFFFF086;
	s6 =	sadd.s32 @!p0 s3, s7;
	s7 =	simm.s32 @!p0 $0x108  }
0x21: {  	s3 =	sadd.s32 s3, s9;
	s6 =	sadd.s32 @!p0 $0x88, s6;
	s7 =	simm.s32 @p2 $0x1082  }
0x22: {  	[simem:s7], [sflag:s8] =	dma.local @!p0 [hbm:s6], $0xF7A  }
0x23: {  	s9 =	sor.u32 $0xD0000000, s2;
	s6 =	simm.s32 $0x108;
	_ =	swait.ge @!p0 [sflag:s8], $0x0  }
0x24: {  	s3 =	sadd.s32 $0x88, s3;
	s6 =	simm.s32 @!p1 $0x1082;
	[sflag:s4] =	ssyncset.s32 $0xFFFFF086  }
0x25: {  	[simem:s6], [sflag:s4] =	dma.local [hbm:s3], $0xF7A  }
0x26: {  	[smem:$0x3F88] =	sst s1;
	(tag) =	ssettag s2;
	_ =	strace s9  }
0x27: {  	s1 =	sld [smem:$0x3F98]  }
0x28: {  	s2 =	sld [smem:$0x3F99]  }
0x29: {  	s4 =	sld [smem:$0x3F9B]  }
0x2a: {  	p0 =	seq.s32 s5, $0x0;
	s5 =	sld [smem:$0x3F9C]  }
0x2b: {  	s6 =	sld [smem:$0x3F9D]  }
0x2c: {  	s7 =	sld [smem:$0x3F9E]  }
0x2d: {  	s3 =	simm.s32 $0x108;
	s8 =	sld [smem:$0x3F9F]  }
0x2e: {  	s3 =	simm.s32 @!p0 $0x1082;
	s9 =	sld [smem:$0x3FA0]  }
0x2f: {  	lr =	sadd.s32 s0, s3;
	s0 =	sld [smem:$0x3F97]  }
0x30: {  	s3 =	sld [smem:$0x3F9A]  }
0x31: {  	[smem:$0x3FA3] =	sst s10  }
0x32: {  	s10 =	sld [smem:$0x3FA1];
	_ =	sdelay $0x3  }
0x33: {  	p0 =	seq.s32 s10, $0x1;
	s10 =	sld [smem:$0x3FA3];
	_ =	sdelay $0x3  }
0x34: {  	[smem:$0x3FA3] =	sst s10  }
0x35: {  	s10 =	sld [smem:$0x3FA2];
	_ =	sdelay $0x3  }
0x36: {  	p1 =	seq.s32 s10, $0x1;
	s10 =	sld [smem:$0x3FA3];
	_ =	sdelay $0x3  }
0x37: {  	[smem:$0x3FA3] =	sst s10  }
0x38: {  	s10 =	sld [smem:$0x3FA4]  }
0x39: {  	_ = 	snop;
	(pc) =	sbr.ind lr, $3  }
0x3a: {  	_ = 	snop  }
0x3b: {  	_ = 	snop  }
0x3c: {  	p2 =	seq.s32 s10, $0x1;
	s10 =	sld [smem:$0x3FA3]  }
0x3d: {  	_ =	shalt  }
0x3e: {  	_ =	shalt  }
0x3f: {  	_ =	shalt  }
0x40: {  	_ =	shalt  }
0x41: {  	_ =	shalt  }
0x42: {  	_ =	shalt  }
0x43: {  	_ =	shalt  }
0x44: {  	_ =	shalt  }
0x45: {  	_ =	shalt  }
0x46: {  	_ =	shalt  }
0x47: {  	_ =	shalt  }
0x48: {  	_ =	shalt  }
0x49: {  	_ =	shalt  }
0x4a: {  	_ =	shalt  }
0x4b: {  	_ =	shalt  }
0x4c: {  	_ =	shalt  }
0x4d: {  	_ =	shalt  }
0x4e: {  	_ =	shalt  }
0x4f: {  	_ =	shalt  }
0x50: {  	_ =	shalt  }
0x51: {  	_ =	shalt  }
0x52: {  	_ =	shalt  }
0x53: {  	_ =	shalt  }
0x54: {  	_ =	shalt  }
0x55: {  	_ =	shalt  }
0x56: {  	_ =	shalt  }
0x57: {  	_ =	shalt  }
0x58: {  	_ =	shalt  }
0x59: {  	_ =	shalt  }
0x5a: {  	_ =	shalt  }
0x5b: {  	_ =	shalt  }
0x5c: {  	_ =	shalt  }
0x5d: {  	_ =	shalt  }
0x5e: {  	_ =	shalt  }
0x5f: {  	_ =	shalt  }
0x60: {  	_ =	shalt  }
0x61: {  	_ =	shalt  }
0x62: {  	_ =	shalt  }
0x63: {  	_ =	shalt  }
0x64: {  	_ =	shalt  }
0x65: {  	_ =	shalt  }
0x66: {  	_ =	shalt  }
0x67: {  	_ =	shalt  }
0x68: {  	_ =	shalt  }
0x69: {  	_ =	shalt  }
0x6a: {  	_ =	shalt  }
0x6b: {  	_ =	shalt  }
0x6c: {  	_ =	shalt  }
0x6d: {  	_ =	shalt  }
0x6e: {  	_ =	shalt  }
0x6f: {  	_ =	shalt  }
0x70: {  	_ =	shalt  }
0x71: {  	_ =	shalt  }
0x72: {  	_ =	shalt  }
0x73: {  	_ =	shalt  }
0x74: {  	_ =	shalt  }
0x75: {  	_ =	shalt  }
0x76: {  	_ =	shalt  }
0x77: {  	_ =	shalt  }
0x78: {  	_ =	shalt  }
0x79: {  	_ =	shalt  }
0x7a: {  	_ =	shalt  }
0x7b: {  	_ =	shalt  }
0x7c: {  	_ =	shalt  }
0x7d: {  	_ =	shalt  }
0x7e: {  	_ =	shalt  }
0x7f: {  	_ =	shalt  }
0x80: {  	_ =	shalt  }
0x81: {  	_ =	shalt  }
0x82: {  	_ =	shalt  }
0x83: {  	_ =	shalt  }
0x84: {  	_ =	shalt  }
0x85: {  	_ =	shalt  }
0x86: {  	_ =	shalt  }
0x87: {  	_ =	shalt  }
.Lfunc_end0:
.L_simem_size_0:
called_computation.1_lowered:
.L_overlay_start_0:
0x88: {  	s2 =	sld [smem:$0x3FD9]  }
0x89: {  	s3 =	sld [smem:$0x3FFE];
	_ =	sdelay $0x1  }
0x8a: {  	s1 =	srdreg.scid  }
0x8b: {  	s0 =	sand.u32 $0x1, s1  }
0x8c: {  	s16 =	sshll.u32 s0, $0xA;
	s2 =	sadd.s32 s3, s2  }
0x8d: {  	s2 =	sadd.s32 s2, s16  }
0x8e: {  	[smem:$0x3FAF] =	sst s2  }
0x8f: {  	_ = 	snop  }
0x90: {  	(tm) =	ssettm $0x1  }
0x91: {  	s17 =	sld [smem:$0x3FFB];
	_ =	sdelay $0x3  }
0x92: {  	_ =	strace s17  }
0x93: {  	s2 =	sld [smem:$0x3FFC];
	_ =	sdelay $0x3  }
0x94: {  	_ =	strace s2  }
0x95: {  	s2 =	sld [smem:$0x3FFD];
	_ =	sdelay $0x3  }
0x96: {  	_ =	strace s2  }
0x97: {  	_ =	strace $0x8FFFFFFF  }
0x98: {  	s18 =	sld [smem:$0x3FDB];
	_ =	sdelay $0x1  }
0x99: {  	s19 =	simm.s32 $_scs_section_size  }
0x9a: {  	s4 =	simm.s32 $_size__tile_overlayer_lowered;
	s5 =	simm.s32 $_tile_overlayer_lowered  }
0x9b: {  	s22 =	simm.s32 $0x1BFF;
	s21 =	sshll.u32 s5, $0x1;
	s2 =	sadd.s32 s19, s18  }
0x9c: {  	s6 =	simm.s32 $0x0;
	s20 =	sshll.u32 s4, $0x1;
	s4 =	sadd.s32 s21, s2  }
0x9d: {  	[timem:s6], [sflag:s22] =	dma.local [hbm:s4], s20  }
0x9e: {  	_ =	swait.ge [sflag:s22], s20  }
0x9f: {  	s3 =	ssub.s32 $0x0, s20;
	[sflag:s22] =	ssyncset.done $0x0  }
0xa0: {  	[sflag:s22] =	ssyncadd.s32 s3;
	_ =	sdelay $0x1  }
0xa1: {  	s23 =	simm.s32 $0x1B8B  }
0xa2: {  	_ =	swait.ge [sflag:s23], $0x1  }
0xa3: {  	[sflag:s23] =	ssyncset.done $0x0  }
0xa4: {  	s25 =	simm.s32 $0x1B8E;
	s24 =	sld [smem:$0x3FFE];
	[sflag:s23] =	ssyncadd.s32 $0xFFFFFFFF  }
0xa5: {  	s26 =	simm.s32 $execute0_lowered;
	[smem:$0x3FD2] =	sst s25  }
0xa6: {  	s4 =	sshll.u32 s26, $0x1;
	_ =	strace $0x80000049;
	[dreg:$0x1] =	wrdreg $0xFFFFFFFF  }
0xa7: {  	s28 =	simm.s32 $_size_execute0_lowered;
	s2 =	sadd.s32 s2, s4;
	[dreg:$0x0] =	wrdreg $0x0  }
0xa8: {  	s4 =	sshll.u32 s28, $0x1;
	[dreg:$0x2] =	wrdreg s2  }
0xa9: {  	[dreg:$0x3] =	wrdreg s4  }
0xaa: {  	[dreg:$0x4] =	wrdreg $0xC0  }
0xab: {  	_ =	task [dreg:s6], $0x5FFFF  }
0xac: {  	[dreg:$0x1] =	wrdreg $0xFFFFFFFF  }
0xad: {  	[dreg:$0x0] =	wrdreg $0x60  }
0xae: {  	[dreg:$0x2] =	wrdreg s24  }
0xaf: {  	[dreg:$0x3] =	wrdreg $0xBA000  }
0xb0: {  	[dreg:$0x4] =	wrdreg $0x9  }
0xb1: {  	_ =	task.clear_ibuf [dreg:s6], $0x5FFFF;
	_ =	strace $0x90000049  }
0xb2: {  	s29 =	simm.s32 $0x9;
	_ =	strace $0x8000004B  }
0xb3: {  	_ =	swait.ge [sflag:s29], $0x1  }
0xb4: {  	[sflag:s29] =	ssyncadd.s32 $0xFFFFFFFF  }
0xb5: {  	_ =	strace $0x9000004B  }
0xb6: {  	_ =	sfence  }
0xb7: {  	s30 =	sld [smem:$0x0];
	_ =	sdelay $0x2  }
0xb8: {  	s31 =	sshll.u32 s1, $0xD;
	s1 =	sshrl.u32 s1, $0x2  }
0xb9: {  	s3 =	sand.u32 $0x4000, s31;
	s1 =	sadd.s32 s1, s30  }
0xba: {  	s0 =	sor.u32 s3, s0;
	s1 =	sshll.u32 s1, $0x11  }
0xbb: {  	s0 =	sor.u32 s1, s0  }
0xbc: {  	s0 =	sadd.s32 $0x8F2B, s0  }
0xbd: {  	[sflag:s0] =	ssyncadd.remote.s32 $0x1  }
0xbe: {  	_ =	sfence.sel $0xFFFF  }
0xbf: {  	[dreg:$0x0] =	wrdreg $0xFFFFFFFF;
	(pc) =	sbr.abs _section_cstart, $3  }
0xc0: {  	[dreg:$0x1] =	wrdreg $0xFFFFFFFF  }
0xc1: {  	_ =	task.clear_ibuf [dreg:s6], $0x2FFFF;
	_ =	strace $0x9FFFFFFF  }
0xc2: {  	(tm) =	ssettm $0x7FFFFFFF  }
0xc3: {  	_ =	shalt  }
tec
execute0_lowered:
.L_overlay_start_1:
0x0: {  	(tag) =	ssettag $0x1  }
0x1: {  	s0 =	srdreg.scid;
	s1 =	rddreg [dreg:$0x0]  }
0x2: {  	s2 =	rddreg [dreg:$0x1];
	s9 =	stileid.u32  }
0x3: {  	s3 =	simm.s32 $0x0;
	s11 =	simm.s32 $0x70;
	s19 =	simm.s32 $0x3  }
0x4: {  	s20 =	simm.s32 $0x3A00;
	s0 =	sand.u32 $0x1, s0;
	s7 =	smul.u32 $0x4F000, s9  }
0x5: {  	[smem:$0x7FF] =	sst s3;
	s12 =	smul.u32 $0x13C00, s9;
	s4 =	sshll.u32 s0, $0x4  }
0x6: {  	_ =	strace $0x8000004A;
	s6 =	ssub.s32 $0x2, s0;
	s17 =	smul.u32 $0x13C000, s0  }
0x7: {  	p0 =	seq.s32 s0, $0x0;
	s4 =	sor.u32 s9, s4;
	s8 =	sshrl.u32 s6, $0x1  }
0x8: {  	s21 =	sshrl.u32 s7, $0x2;
	s22 =	sadd.s32 $0x4000, s12;
	s14 =	sadd.s32 $0x8000, s12  }
0x9: {  	s15 =	sadd.s32 $0xC000, s12;
	s16 =	sadd.s32 $0x10000, s12;
	s11 =	simm.s32 @!p0 $0x2D  }
0xa: {  	s5 =	smul.u32 $0x700, s4;
	s4 =	sadd.s32 $0x13200, s1;
	s13 =	ssub.s32 s6, s8  }
0xb: {  	s6 =	sadd.s32 s21, s2;
	s7 =	sadd.s32 s22, s2;
	s8 =	sadd.s32 s14, s2  }
0xc: {  	s9 =	sadd.s32 s15, s2;
	s10 =	sadd.s32 s16, s2;
	s23 =	sadd.s32 s12, s17  }
0xd: {  	s24 =	sadd.s32 $0x1, s11;
	s26 =	sadd.s32 s17, s14;
	s28 =	sadd.s32 s17, s15  }
0xe: {  	s29 =	sadd.s32 s17, s16;
	s21 =	simm.s32 $0x80;
	s0 =	sshrl.u32 s23, $0x3  }
0xf: {  	s30 =	sshrl.u32 s28, $0x3;
	s31 =	sshrl.u32 s29, $0x3;
	s5 =	sadd.s32 s5, s1  }
0x10: {  	s18 =	sand.u32 $0x7E, s24;
	s1 =	sadd.s32 $0x3A400, s1;
	s5 =	sadd.s32 $0x5200, s5  }
0x11: {  	s23 =	simm.s32 $0x1;
	s0 =	sadd.s32 s1, s0;
	[dreg:$0x3] =	wrdreg s5  }
0x12: {  	s5 =	sadd.s32 s17, s22;
	[dreg:$0x4] =	wrdreg s0;
	s0 =	sshrl.u32 s26, $0x3  }
0x13: {  	s24 =	simm.s32 $0x3900;
	s5 =	sshrl.u32 s5, $0x3;
	s0 =	sadd.s32 s1, s0  }
0x14: {  	s16 =	sadd.s32 s1, s31;
	s25 =	sadd.s32 s1, s5;
	[dreg:$0x6] =	wrdreg s0  }
0x15: {  	s17 =	smax.u32 s13, $0x1;
	s0 =	sadd.s32 s1, s30;
	[dreg:$0x5] =	wrdreg s25  }
0x16: {  	v0 =	vimm.f32 $0.0e+00;
	s26 =	simm.s32 $0x0;
	[dreg:$0x7] =	wrdreg s0;
	s25 =	simm.s32 $0x4  }
.LBB2_1:
0x17: {  	s0 =	rddreg [dreg:$0x3]  }
0x18: {  	[tilespmem:s3], [sflag:$0x3] =	stream.linear.gather [hbm4b:s0+s3], $0x3800, $0x38;
	[tilespmem:$0x1F600] =	vst v63  }
0x19: {  	s31 =	sand.u32 $0xFE00, s3;
	s1 =	sand.u32 $0x70, s3;
	_ =	swait.ge [sflag:s19], $0x3800  }
0x1a: {  	s5 =	sshrl.u32 s31, $0x2;
	s0 =	simm.s32 $0x40;
	[sflag:s19] =	ssyncset.done $0x0  }
0x1b: {  	s5 =	sor.u32 s1, s5;
	s1 =	simm.s32 $0x0;
	[sflag:s19] =	ssyncadd.s32 $0xFFFFC800  }
.LBB2_2:
0x1c: {  	p0 =	sne.s32 s0, $0xFFC0  }
0x1d: {  	[tilespmem:s5+$0x3A00] =	vst v0;
	s1 =	sadd.s32 $0x10, s1;
	s5 =	smov.u32 s0;
	s0 =	sadd.s32 $0x40, s0  }
.Ltmp0:
0x1e: {  	(pc) =	sbr.rel @p0 .LBB2_2-.Ltmp0, $4  }
0x1f: {  	_ = 	snop  }
0x20: {  	s5 =	sand.u32 $0xFE00, s5  }
0x21: {  	s12 =	sand.u32 $0x70, s1;
	s5 =	sshrl.u32 s5, $0x2  }
0x22: {  	s5 =	sor.u32 s12, s5  }
0x23: {  	[tilespmem:s5+$0x3A00] =	vst v0  }
0x24: {  	[spmem:s6] =	stream.linear.scatter [tilespmem:s20], [sflag:$0x3], $0x4000, $0x38;
	[tilespmem:$0x1F600] =	vst v63  }
0x25: {  	_ =	swait.ge [sflag:s19], $0x4000  }
0x26: {  	[sflag:s19] =	ssyncset.done $0x0  }
0x27: {  	[sflag:s19] =	ssyncadd.s32 $0xFFFFC000  }
0x28: {  	[spmem:s7] =	stream.linear.scatter [tilespmem:s20], [sflag:$0x3], $0x4000, $0x38;
	[tilespmem:$0x1F600] =	vst v63  }
0x29: {  	_ =	swait.ge [sflag:s19], $0x4000  }
0x2a: {  	[sflag:s19] =	ssyncset.done $0x0  }
0x2b: {  	[sflag:s19] =	ssyncadd.s32 $0xFFFFC000  }
0x2c: {  	[spmem:s8] =	stream.linear.scatter [tilespmem:s20], [sflag:$0x3], $0x4000, $0x38;
	[tilespmem:$0x1F600] =	vst v63  }
0x2d: {  	_ =	swait.ge [sflag:s19], $0x4000  }
0x2e: {  	[sflag:s19] =	ssyncset.done $0x0  }
0x2f: {  	[sflag:s19] =	ssyncadd.s32 $0xFFFFC000  }
0x30: {  	[spmem:s9] =	stream.linear.scatter [tilespmem:s20], [sflag:$0x3], $0x4000, $0x38;
	[tilespmem:$0x1F600] =	vst v63  }
0x31: {  	_ =	swait.ge [sflag:s19], $0x4000  }
0x32: {  	[sflag:s19] =	ssyncset.done $0x0  }
0x33: {  	[sflag:s19] =	ssyncadd.s32 $0xFFFFC000  }
0x34: {  	[spmem:s10] =	stream.linear.scatter [tilespmem:s20], [sflag:$0x3], $0x3C00, $0x38;
	[tilespmem:$0x1F600] =	vst v63  }
0x35: {  	_ =	swait.ge [sflag:s19], $0x3C00  }
0x36: {  	[sflag:s19] =	ssyncset.done $0x0  }
0x37: {  	[sflag:s19] =	ssyncadd.s32 $0xFFFFC400  }
0x38: {  	[bflag:$0x0] =	sbarrier.arrive $0xFFFF  }
0x39: {  	v1 =	vld [tilespmem:$0x0];
	_ =	sdelay $0x1  }
0x3a: {  	v2 =	vld [tilespmem:$0x10];
	_ =	sdelay $0x1  }
0x3b: {  	v3 =	vld [tilespmem:$0x20]  }
0x3c: {  	v4 =	vshrl.u32 v1, $0xE  }
0x3d: {  	v62 =	vld [tilespmem:$0x30];
	v1 =	vand.u32 $0x3FFF, v1;
	[tilespmem:$0x3800] =	vst v4  }
0x3e: {  	[tilespmem:$0x3900] =	vst v1;
	v1 =	vshrl.u32 v2, $0xE  }
0x3f: {  	[tilespmem:$0x3810] =	vst v1;
	v1 =	vand.u32 $0x3FFF, v2;
	v2 =	vld [tilespmem:$0x40]  }
0x40: {  	[tilespmem:$0x3910] =	vst v1;
	v1 =	vshrl.u32 v3, $0xE  }
0x41: {  	[tilespmem:$0x3820] =	vst v1;
	v1 =	vand.u32 $0x3FFF, v3;
	v3 =	vld [tilespmem:$0x50]  }
0x42: {  	[tilespmem:$0x3920] =	vst v1;
	v1 =	vshrl.u32 v62, $0xE  }
0x43: {  	v63 =	vld [tilespmem:$0x60];
	[tilespmem:$0x3830] =	vst v1;
	v1 =	vand.u32 $0x3FFF, v62  }
0x44: {  	[tilespmem:$0x3930] =	vst v1;
	v1 =	vshrl.u32 v2, $0xE  }
0x45: {  	[tilespmem:$0x3840] =	vst v1;
	v1 =	vand.u32 $0x3FFF, v2;
	v2 =	vld [tilespmem:$0x70]  }
0x46: {  	[tilespmem:$0x3940] =	vst v1;
	v1 =	vshrl.u32 v3, $0xE  }
0x47: {  	[tilespmem:$0x3850] =	vst v1;
	v1 =	vand.u32 $0x3FFF, v3  }
0x48: {  	[tilespmem:$0x3950] =	vst v1;
	v1 =	vshrl.u32 v63, $0xE  }
0x49: {  	[tilespmem:$0x3860] =	vst v1;
	v1 =	vand.u32 $0x3FFF, v63  }
0x4a: {  	[tilespmem:$0x3960] =	vst v1;
	v1 =	vshrl.u32 v2, $0xE  }
0x4b: {  	[tilespmem:$0x3870] =	vst v1;
	v1 =	vand.u32 $0x3FFF, v2  }
0x4c: {  	s0 =	simm.s32 $0x3800;
	s28 =	simm.s32 $0xC0;
	p0 =	sle.u32 s11, $0x1;
	[tilespmem:$0x3970] =	vst v1  }
0x4d: {  	[tilespmem:s20], [sflag:$0x1] =	stream.indirect.gather [hbm4b:s4+s21], $0x80, s0, s21, $0xb8;
	[tilespmem:$0x1F600] =	vst v63  }
0x4e: {  	v1 =	vld @!p0 [tilespmem:s28+$0xFFFFFFC0];
	_ =	sdelay $0x4  }
0x4f: {  	v2 =	vshrl.u32 @!p0 v1, $0xE  }
0x50: {  	v1 =	vand.u32 @!p0 $0x3FFF, v1;
	[tilespmem:$0x3880] =	vst @!p0 v2  }
0x51: {  	[tilespmem:$0x3980] =	vst @!p0 v1  }
0x52: {  	v1 =	vld @!p0 [tilespmem:s28+$0xFFFFFFD0];
	_ =	sdelay $0x4  }
0x53: {  	v2 =	vshrl.u32 @!p0 v1, $0xE  }
0x54: {  	v1 =	vand.u32 @!p0 $0x3FFF, v1;
	[tilespmem:$0x3890] =	vst @!p0 v2  }
0x55: {  	[tilespmem:$0x3990] =	vst @!p0 v1  }
0x56: {  	v1 =	vld @!p0 [tilespmem:s28+$0xFFFFFFE0];
	_ =	sdelay $0x4  }
0x57: {  	v2 =	vshrl.u32 @!p0 v1, $0xE  }
0x58: {  	v1 =	vand.u32 @!p0 $0x3FFF, v1;
	[tilespmem:$0x38A0] =	vst @!p0 v2  }
0x59: {  	[tilespmem:$0x39A0] =	vst @!p0 v1  }
0x5a: {  	v1 =	vld @!p0 [tilespmem:s28+$0xFFFFFFF0];
	_ =	sdelay $0x4  }
0x5b: {  	v2 =	vshrl.u32 @!p0 v1, $0xE  }
0x5c: {  	v1 =	vand.u32 @!p0 $0x3FFF, v1;
	[tilespmem:$0x38B0] =	vst @!p0 v2  }
0x5d: {  	[tilespmem:$0x39B0] =	vst @!p0 v1  }
0x5e: {  	v1 =	vld @!p0 [tilespmem:s28+$0x0];
	_ =	sdelay $0x4  }
0x5f: {  	v2 =	vshrl.u32 @!p0 v1, $0xE  }
0x60: {  	v1 =	vand.u32 @!p0 $0x3FFF, v1;
	[tilespmem:$0x38C0] =	vst @!p0 v2  }
0x61: {  	[tilespmem:$0x39C0] =	vst @!p0 v1  }
0x62: {  	v1 =	vld @!p0 [tilespmem:s28+$0x10];
	_ =	sdelay $0x4  }
0x63: {  	v2 =	vshrl.u32 @!p0 v1, $0xE  }
0x64: {  	v1 =	vand.u32 @!p0 $0x3FFF, v1;
	[tilespmem:$0x38D0] =	vst @!p0 v2  }
0x65: {  	[tilespmem:$0x39D0] =	vst @!p0 v1  }
0x66: {  	v1 =	vld @!p0 [tilespmem:s28+$0x20];
	_ =	sdelay $0x4  }
0x67: {  	v2 =	vshrl.u32 @!p0 v1, $0xE  }
0x68: {  	v1 =	vand.u32 @!p0 $0x3FFF, v1;
	[tilespmem:$0x38E0] =	vst @!p0 v2  }
0x69: {  	[tilespmem:$0x39E0] =	vst @!p0 v1  }
0x6a: {  	v1 =	vld @!p0 [tilespmem:s28+$0x30];
	_ =	sdelay $0x4  }
0x6b: {  	v2 =	vshrl.u32 @!p0 v1, $0xE  }
0x6c: {  	v1 =	vand.u32 @!p0 $0x3FFF, v1;
	[tilespmem:$0x38F0] =	vst @!p0 v2  }
0x6d: {  	s31 =	simm.s32 @!p0 $0x80;
	s1 =	simm.s32 @!p0 $0x3880;
	s0 =	simm.s32 @!p0 $0x7A00;
	[tilespmem:$0x39F0] =	vst @!p0 v1  }
0x6e: {  	[tilespmem:s0], [sflag:$0x2] =	stream.indirect.gather @!p0 [hbm4b:s4+s31], $0x80, s1, s31, $0xb8;
	[tilespmem:$0x1F600] =	vst v63  }
0x6f: {  	_ =	swait.ge [sflag:s23], $0x4000  }
0x70: {  	[sflag:s23] =	ssyncset.done $0x0  }
0x71: {  	[sflag:s23] =	ssyncadd.s32 $0xFFFFC000  }
0x72: {  	[spmem:s2] =	stream.indirect.scatter.add.f32 [tilespmem:s20], [sflag:$0x4], $0x80, s24, s21, $0xb8;
	[tilespmem:$0x1F600] =	vst v63  }
0x73: {  	_ =	swait.ge [sflag:s25], $0x4000  }
0x74: {  	[sflag:s25] =	ssyncset.done $0x0  }
0x75: {  	p2 =	sle.u32 s11, $0x2;
	[sflag:s25] =	ssyncadd.s32 $0xFFFFC000  }
0x76: {  	v1 =	vld @!p2 [tilespmem:s28+$0x40];
	_ =	sdelay $0x4  }
0x77: {  	v2 =	vshrl.u32 @!p2 v1, $0xE  }
0x78: {  	v1 =	vand.u32 @!p2 $0x3FFF, v1;
	[tilespmem:$0x3800] =	vst @!p2 v2  }
0x79: {  	[tilespmem:$0x3900] =	vst @!p2 v1  }
0x7a: {  	v1 =	vld @!p2 [tilespmem:s28+$0x50];
	_ =	sdelay $0x4  }
0x7b: {  	v2 =	vshrl.u32 @!p2 v1, $0xE  }
0x7c: {  	v1 =	vand.u32 @!p2 $0x3FFF, v1;
	[tilespmem:$0x3810] =	vst @!p2 v2  }
0x7d: {  	[tilespmem:$0x3910] =	vst @!p2 v1  }
0x7e: {  	v1 =	vld @!p2 [tilespmem:s28+$0x60];
	_ =	sdelay $0x4  }
0x7f: {  	v2 =	vshrl.u32 @!p2 v1, $0xE  }
0x80: {  	v1 =	vand.u32 @!p2 $0x3FFF, v1;
	[tilespmem:$0x3820] =	vst @!p2 v2  }
0x81: {  	[tilespmem:$0x3920] =	vst @!p2 v1  }
0x82: {  	v1 =	vld @!p2 [tilespmem:s28+$0x70];
	_ =	sdelay $0x4  }
0x83: {  	v2 =	vshrl.u32 @!p2 v1, $0xE  }
0x84: {  	v1 =	vand.u32 @!p2 $0x3FFF, v1;
	[tilespmem:$0x3830] =	vst @!p2 v2  }
0x85: {  	[tilespmem:$0x3930] =	vst @!p2 v1  }
0x86: {  	v1 =	vld @!p2 [tilespmem:s28+$0x80];
	_ =	sdelay $0x4  }
0x87: {  	v2 =	vshrl.u32 @!p2 v1, $0xE  }
0x88: {  	v1 =	vand.u32 @!p2 $0x3FFF, v1;
	[tilespmem:$0x3840] =	vst @!p2 v2  }
0x89: {  	[tilespmem:$0x3940] =	vst @!p2 v1  }
0x8a: {  	v1 =	vld @!p2 [tilespmem:s28+$0x90];
	_ =	sdelay $0x4  }
0x8b: {  	v2 =	vshrl.u32 @!p2 v1, $0xE  }
0x8c: {  	v1 =	vand.u32 @!p2 $0x3FFF, v1;
	[tilespmem:$0x3850] =	vst @!p2 v2  }
0x8d: {  	[tilespmem:$0x3950] =	vst @!p2 v1  }
0x8e: {  	v1 =	vld @!p2 [tilespmem:s28+$0xA0]  }
0x8f: {  	p1 =	sne.s32 s18, $0x2  }
.Ltmp1:
0x90: {  	_ = 	snop;
	(pc) =	sbr.rel @!p1 .LBB2_5-.Ltmp1, $4  }
0x91: {  	_ = 	snop  }
0x92: {  	s29 =	simm.s32 $0x2;
	s30 =	simm.s32 $0xC0  }
0x93: {  	s5 =	simm.s32 @!p2 $0x80;
	s12 =	simm.s32 @!p2 $0x3800;
	s14 =	simm.s32 @!p2 $0x3A00;
	v2 =	vshrl.u32 @!p2 v1, $0xE  }
0x94: {  	s13 =	simm.s32 @!p0 $0x3980;
	s22 =	simm.s32 @!p0 $0x3;
	s1 =	simm.s32 @!p0 $0x2;
	v1 =	vand.u32 @!p2 $0x3FFF, v1;
	[tilespmem:$0x3860] =	vst @!p2 v2  }
.LBB2_4:
0x95: {  	[tilespmem:$0x3960] =	vst @!p2 v1;
	s30 =	sadd.s32 $0x100, s30;
	s15 =	smov.u32 s29;
	s29 =	sadd.s32 $0x2, s29  }
0x96: {  	p1 =	sne.s32 s18, s29;
	v1 =	vld @!p2 [tilespmem:s28+$0xB0];
	s28 =	smov.u32 s30;
	_ =	sdelay $0x4  }
0x97: {  	v2 =	vshrl.u32 @!p2 v1, $0xE;
	v1 =	vand.u32 @!p2 $0x3FFF, v1  }
0x98: {  	[tilespmem:$0x3870] =	vst @!p2 v2  }
0x99: {  	[tilespmem:$0x3970] =	vst @!p2 v1  }
0x9a: {  	[tilespmem:s14], [sflag:$0x1] =	stream.indirect.gather @!p2 [hbm4b:s4+s5], $0x80, s12, s5, $0xb8;
	[tilespmem:$0x1F600] =	vst v63  }
0x9b: {  	_ =	swait.ge @!p0 [sflag:s1], $0x4000  }
0x9c: {  	[sflag:s1] =	ssyncset.done @!p0 $0x0  }
0x9d: {  	[sflag:s1] =	ssyncadd.s32 @!p0 $0xFFFFC000  }
0x9e: {  	[spmem:s2] =	stream.indirect.scatter.add.f32 @!p0 [tilespmem:s0], [sflag:$0x3], $0x80, s13, s31, $0xb8;
	[tilespmem:$0x1F600] =	vst v63  }
0x9f: {  	_ =	swait.ge @!p0 [sflag:s22], $0x4000  }
0xa0: {  	s0 =	sadd.s32 $0x1, s15;
	[sflag:s22] =	ssyncset.done @!p0 $0x0  }
0xa1: {  	[sflag:s22] =	ssyncadd.s32 @!p0 $0xFFFFC000;
	p0 =	sge.u32 s0, s11  }
0xa2: {  	v1 =	vld @!p0 [tilespmem:s30+$0xFFFFFFC0];
	_ =	sdelay $0x4  }
0xa3: {  	v2 =	vshrl.u32 @!p0 v1, $0xE;
	v1 =	vand.u32 @!p0 $0x3FFF, v1  }
0xa4: {  	[tilespmem:$0x3880] =	vst @!p0 v2  }
0xa5: {  	[tilespmem:$0x3980] =	vst @!p0 v1  }
0xa6: {  	v1 =	vld @!p0 [tilespmem:s30+$0xFFFFFFD0];
	_ =	sdelay $0x4  }
0xa7: {  	v2 =	vshrl.u32 @!p0 v1, $0xE;
	v1 =	vand.u32 @!p0 $0x3FFF, v1  }
0xa8: {  	[tilespmem:$0x3890] =	vst @!p0 v2  }
0xa9: {  	[tilespmem:$0x3990] =	vst @!p0 v1  }
0xaa: {  	v1 =	vld @!p0 [tilespmem:s30+$0xFFFFFFE0];
	_ =	sdelay $0x4  }
0xab: {  	v2 =	vshrl.u32 @!p0 v1, $0xE;
	v1 =	vand.u32 @!p0 $0x3FFF, v1  }
0xac: {  	[tilespmem:$0x38A0] =	vst @!p0 v2  }
0xad: {  	[tilespmem:$0x39A0] =	vst @!p0 v1  }
0xae: {  	v1 =	vld @!p0 [tilespmem:s30+$0xFFFFFFF0];
	_ =	sdelay $0x4  }
0xaf: {  	v2 =	vshrl.u32 @!p0 v1, $0xE;
	v1 =	vand.u32 @!p0 $0x3FFF, v1  }
0xb0: {  	[tilespmem:$0x38B0] =	vst @!p0 v2  }
0xb1: {  	[tilespmem:$0x39B0] =	vst @!p0 v1  }
0xb2: {  	v1 =	vld @!p0 [tilespmem:s30+$0x0];
	_ =	sdelay $0x4  }
0xb3: {  	v2 =	vshrl.u32 @!p0 v1, $0xE;
	v1 =	vand.u32 @!p0 $0x3FFF, v1  }
0xb4: {  	[tilespmem:$0x38C0] =	vst @!p0 v2  }
0xb5: {  	[tilespmem:$0x39C0] =	vst @!p0 v1  }
0xb6: {  	v1 =	vld @!p0 [tilespmem:s30+$0x10];
	_ =	sdelay $0x4  }
0xb7: {  	v2 =	vshrl.u32 @!p0 v1, $0xE;
	v1 =	vand.u32 @!p0 $0x3FFF, v1  }
0xb8: {  	[tilespmem:$0x38D0] =	vst @!p0 v2  }
0xb9: {  	[tilespmem:$0x39D0] =	vst @!p0 v1  }
0xba: {  	v1 =	vld @!p0 [tilespmem:s30+$0x20];
	_ =	sdelay $0x4  }
0xbb: {  	v2 =	vshrl.u32 @!p0 v1, $0xE;
	v1 =	vand.u32 @!p0 $0x3FFF, v1  }
0xbc: {  	[tilespmem:$0x38E0] =	vst @!p0 v2  }
0xbd: {  	s31 =	simm.s32 @!p0 $0x80;
	s1 =	simm.s32 @!p0 $0x3880;
	s0 =	simm.s32 @!p0 $0x7A00;
	[tilespmem:$0x39E0] =	vst @!p0 v1  }
0xbe: {  	v1 =	vld @!p0 [tilespmem:s30+$0x30];
	_ =	sdelay $0x4  }
0xbf: {  	v2 =	vshrl.u32 @!p0 v1, $0xE;
	v1 =	vand.u32 @!p0 $0x3FFF, v1  }
0xc0: {  	[tilespmem:$0x38F0] =	vst @!p0 v2  }
0xc1: {  	[tilespmem:$0x39F0] =	vst @!p0 v1  }
0xc2: {  	[tilespmem:s0], [sflag:$0x2] =	stream.indirect.gather @!p0 [hbm4b:s4+s31], $0x80, s1, s31, $0xb8;
	[tilespmem:$0x1F600] =	vst v63  }
0xc3: {  	_ =	swait.ge [sflag:s23], $0x4000  }
0xc4: {  	[sflag:s23] =	ssyncset.done $0x0  }
0xc5: {  	[sflag:s23] =	ssyncadd.s32 $0xFFFFC000  }
0xc6: {  	[spmem:s2] =	stream.indirect.scatter.add.f32 [tilespmem:s20], [sflag:$0x4], $0x80, s24, s21, $0xb8;
	[tilespmem:$0x1F600] =	vst v63  }
0xc7: {  	_ =	swait.ge [sflag:s25], $0x4000  }
0xc8: {  	[sflag:s25] =	ssyncset.done $0x0  }
0xc9: {  	p2 =	sge.u32 s29, s11;
	[sflag:s25] =	ssyncadd.s32 $0xFFFFC000  }
0xca: {  	v1 =	vld @!p2 [tilespmem:s30+$0x40];
	_ =	sdelay $0x4  }
0xcb: {  	v2 =	vshrl.u32 @!p2 v1, $0xE;
	v1 =	vand.u32 @!p2 $0x3FFF, v1  }
0xcc: {  	[tilespmem:$0x3800] =	vst @!p2 v2  }
0xcd: {  	[tilespmem:$0x3900] =	vst @!p2 v1  }
0xce: {  	v1 =	vld @!p2 [tilespmem:s30+$0x50];
	_ =	sdelay $0x4  }
0xcf: {  	v2 =	vshrl.u32 @!p2 v1, $0xE;
	v1 =	vand.u32 @!p2 $0x3FFF, v1  }
0xd0: {  	[tilespmem:$0x3810] =	vst @!p2 v2  }
0xd1: {  	[tilespmem:$0x3910] =	vst @!p2 v1  }
0xd2: {  	v1 =	vld @!p2 [tilespmem:s30+$0x60];
	_ =	sdelay $0x4  }
0xd3: {  	v2 =	vshrl.u32 @!p2 v1, $0xE;
	v1 =	vand.u32 @!p2 $0x3FFF, v1  }
0xd4: {  	[tilespmem:$0x3820] =	vst @!p2 v2  }
0xd5: {  	[tilespmem:$0x3920] =	vst @!p2 v1  }
0xd6: {  	v1 =	vld @!p2 [tilespmem:s30+$0x70];
	_ =	sdelay $0x4  }
0xd7: {  	v2 =	vshrl.u32 @!p2 v1, $0xE;
	v1 =	vand.u32 @!p2 $0x3FFF, v1  }
0xd8: {  	[tilespmem:$0x3830] =	vst @!p2 v2  }
0xd9: {  	[tilespmem:$0x3930] =	vst @!p2 v1  }
0xda: {  	v1 =	vld @!p2 [tilespmem:s30+$0x80];
	_ =	sdelay $0x4  }
0xdb: {  	v2 =	vshrl.u32 @!p2 v1, $0xE;
	v1 =	vand.u32 @!p2 $0x3FFF, v1  }
0xdc: {  	[tilespmem:$0x3840] =	vst @!p2 v2  }
0xdd: {  	[tilespmem:$0x3940] =	vst @!p2 v1  }
0xde: {  	v1 =	vld @!p2 [tilespmem:s30+$0x90];
	_ =	sdelay $0x4  }
0xdf: {  	v2 =	vshrl.u32 @!p2 v1, $0xE;
	v1 =	vand.u32 @!p2 $0x3FFF, v1  }
0xe0: {  	[tilespmem:$0x3850] =	vst @!p2 v2  }
0xe1: {  	s5 =	simm.s32 @!p2 $0x80;
	s12 =	simm.s32 @!p2 $0x3800;
	s14 =	simm.s32 @!p2 $0x3A00;
	[tilespmem:$0x3950] =	vst @!p2 v1  }
0xe2: {  	s1 =	simm.s32 @!p0 $0x2;
	v1 =	vld @!p2 [tilespmem:s30+$0xA0];
	_ =	sdelay $0x1  }
.Ltmp2:
0xe3: {  	(pc) =	sbr.rel @p1 .LBB2_4-.Ltmp2, $4  }
0xe4: {  	s13 =	simm.s32 @!p0 $0x3980  }
0xe5: {  	s22 =	simm.s32 @!p0 $0x3  }
0xe6: {  	v2 =	vshrl.u32 @!p2 v1, $0xE;
	v1 =	vand.u32 @!p2 $0x3FFF, v1  }
0xe7: {  	[tilespmem:$0x3860] =	vst @!p2 v2  }
.LBB2_5:
0xe8: {  	[tilespmem:$0x3960] =	vst @!p2 v1  }
0xe9: {  	v1 =	vld @!p2 [tilespmem:s28+$0xB0];
	_ =	sdelay $0x4  }
0xea: {  	v2 =	vshrl.u32 @!p2 v1, $0xE  }
0xeb: {  	v1 =	vand.u32 @!p2 $0x3FFF, v1;
	[tilespmem:$0x3870] =	vst @!p2 v2  }
0xec: {  	[tilespmem:$0x3970] =	vst @!p2 v1  }
0xed: {  	[tilespmem:s14], [sflag:$0x1] =	stream.indirect.gather @!p2 [hbm4b:s4+s5], $0x80, s12, s5, $0xb8;
	[tilespmem:$0x1F600] =	vst v63  }
0xee: {  	_ =	swait.ge @!p0 [sflag:s1], $0x4000  }
0xef: {  	[sflag:s1] =	ssyncset.done @!p0 $0x0  }
0xf0: {  	[sflag:s1] =	ssyncadd.s32 @!p0 $0xFFFFC000  }
0xf1: {  	[spmem:s2] =	stream.indirect.scatter.add.f32 @!p0 [tilespmem:s0], [sflag:$0x3], $0x80, s13, s31, $0xb8;
	[tilespmem:$0x1F600] =	vst v63  }
0xf2: {  	_ =	swait.ge @!p0 [sflag:s22], $0x4000  }
0xf3: {  	[sflag:s22] =	ssyncset.done @!p0 $0x0  }
0xf4: {  	s5 =	stileid.u32;
	[sflag:s22] =	ssyncadd.s32 @!p0 $0xFFFFC000  }
0xf5: {  	s0 =	sshll.u32 s5, $0x6;
	[bflag:$0x0] =	sbarrier.arrive $0xFFFF  }
0xf6: {  	s12 =	sshrl.u32 s6, $0x3;
	s0 =	sor.u32 $0x1C03, s0;
	s13 =	rddreg [dreg:$0x4]  }
0xf7: {  	[hbm:s13], [sflag:s0] =	dma.local [spmem:s12], $0x800  }
0xf8: {  	_ =	swait.ge [sflag:s19], $0x800  }
0xf9: {  	[sflag:s19] =	ssyncset.done $0x0  }
0xfa: {  	s14 =	sshrl.u32 s7, $0x3;
	s15 =	rddreg [dreg:$0x5];
	[sflag:s19] =	ssyncadd.s32 $0xFFFFF800  }
0xfb: {  	[hbm:s15], [sflag:s0] =	dma.local [spmem:s14], $0x800  }
0xfc: {  	_ =	swait.ge [sflag:s19], $0x800  }
0xfd: {  	[sflag:s19] =	ssyncset.done $0x0  }
0xfe: {  	s22 =	sshrl.u32 s8, $0x3;
	s28 =	rddreg [dreg:$0x6];
	[sflag:s19] =	ssyncadd.s32 $0xFFFFF800  }
0xff: {  	[hbm:s28], [sflag:s0] =	dma.local [spmem:s22], $0x800  }
0x100: {  	_ =	swait.ge [sflag:s19], $0x800  }
0x101: {  	[sflag:s19] =	ssyncset.done $0x0  }
0x102: {  	s29 =	sshrl.u32 s9, $0x3;
	s30 =	rddreg [dreg:$0x7];
	[sflag:s19] =	ssyncadd.s32 $0xFFFFF800  }
0x103: {  	[hbm:s30], [sflag:s0] =	dma.local [spmem:s29], $0x800  }
0x104: {  	s26 =	sadd.s32 $0x1, s26;
	_ =	swait.ge [sflag:s19], $0x800  }
0x105: {  	p0 =	sne.s32 s26, s17;
	[sflag:s19] =	ssyncset.done $0x0  }
.Ltmp3:
0x106: {  	s31 =	sshrl.u32 s10, $0x3;
	[sflag:s19] =	ssyncadd.s32 $0xFFFFF800;
	(pc) =	sbr.rel @p0 .LBB2_1-.Ltmp3, $4  }
0x107: {  	[hbm:s16], [sflag:s0] =	dma.local [spmem:s31], $0x780  }
0x108: {  	_ =	swait.ge [sflag:s19], $0x780  }
0x109: {  	[sflag:s19] =	ssyncset.done $0x0  }
0x10a: {  	[sflag:s19] =	ssyncadd.s32 $0xFFFFF880  }
0x10b: {  	_ =	sfence.sel $0x180000  }
0x10c: {  	[bflag:$0x0] =	sbarrier.arrive $0xFFFF  }
0x10d: {  	_ =	strace $0x9000004A  }
0x10e: {  	s0 =	stileid.u32;
	[bflag:$0x2] =	sbarrier.arrive $0xFFFF  }
0x10f: {  	p0 =	sne.s32 s0, $0x0;
	s0 =	rddreg [dreg:$0x2]  }
0x110: {  	s0 =	sadd.s32 @!p0 $0x100000, s0  }
0x111: {  	[sflag:s0] =	ssyncadd.tile.s32 @!p0 $0x1;
	_ =	shalt  }
.Lfunc_end2:
_tile_overlayer_lowered:
.L_overlay_start_2:
0x112: {  	(tag) =	ssettag $0x2  }
0x113: {  	s0 =	rddreg [dreg:$0x0];
	s2 =	stileid.u32  }
0x114: {  	s1 =	rddreg [dreg:$0x1];
	p0 =	sne.s32 s2, $0x0  }
0x115: {  	s3 =	rddreg [dreg:$0x2];
	[bflag:$0x3] =	sbarrier.arrive $0xFFFF;
	s2 =	simm.s32 @!p0 $0x1C03  }
0x116: {  	[timem:s3], [sflag:s2] =	dma.local @!p0 [hbm:s0], s1  }
0x117: {  	s0 =	simm.s32 @!p0 $0x3  }
0x118: {  	_ =	swait.ge @!p0 [sflag:s0], s1  }
0x119: {  	s1 =	ssub.s32 @!p0 $0x0, s1;
	[sflag:s0] =	ssyncset.done @!p0 $0x0  }
0x11a: {  	[sflag:s0] =	ssyncadd.s32 @!p0 s1  }
0x11b: {  	[bflag:$0x3] =	sbarrier.arrive $0xFFFF  }
0x11c: {  	_ =	shalt  }

// kernel: kernel.15.cloned.1.call-start
scs
__scs_entry_jumppad:
0x0: {  	(pc) =	sbr.rel $0x88, $3  }
0x1: {  	(tag) =	ssettag $0x0;
	lr =	simm.s32 $0x1  }
0x2: {  	[smem:$0x3F88] =	sst lr;
	_ =	strace $0xD0000000  }
0x3: {  	_ = 	snop  }
0x4: {  	_ = 	snop  }
0x5: {  	_ = 	snop  }
0x6: {  	_ = 	snop  }
0x7: {  	_ = 	snop  }
__scs_overlays_trampoline_lowered:
0x8: {  	[smem:$0x3F97] =	sst s0  }
0x9: {  	[smem:$0x3F98] =	sst s1  }
0xa: {  	[smem:$0x3F99] =	sst s2  }
0xb: {  	[smem:$0x3F9A] =	sst s3  }
0xc: {  	[smem:$0x3F9B] =	sst s4  }
0xd: {  	[smem:$0x3F9C] =	sst s5  }
0xe: {  	[smem:$0x3F9D] =	sst s6  }
0xf: {  	[smem:$0x3F9E] =	sst s7  }
0x10: {  	[smem:$0x3F9F] =	sst s8  }
0x11: {  	[smem:$0x3FA0] =	sst s9;
	s0 =	simm.s32 @!p0 $0x0  }
0x12: {  	s1 =	sld [smem:$0x3F86];
	s0 =	simm.s32 @p0 $0x1  }
0x13: {  	[smem:$0x3FA1] =	sst s0;
	s0 =	simm.s32 @!p1 $0x0  }
0x14: {  	s2 =	sld [smem:$0x3F85];
	s0 =	simm.s32 @p1 $0x1  }
0x15: {  	[smem:$0x3FA2] =	sst s0;
	s0 =	simm.s32 @!p2 $0x0  }
0x16: {  	s3 =	sld [smem:$0x3FDB];
	s0 =	simm.s32 @p2 $0x1  }
0x17: {  	s4 =	simm.s32 $0x1BF5;
	[smem:$0x3FA4] =	sst s0  }
0x18: {  	s0 =	sld [smem:$0x3F87];
	_ =	swait.ge [sflag:s4], $0x0  }
0x19: {  	s7 =	sld [smem:$0x3F88]  }
0x1a: {  	s8 =	sadd.s32 $0xFFFFE003, lr  }
0x1b: {  	s9 =	sadd.s32 $0xFFFFFEF7, lr;
	s5 =	simm.s32 $0xFFFFFFFF;
	p2 =	slt.u32 s8, $0xFFFFF086  }
0x1c: {  	p1 =	slt.u32 s9, $0xF7A;
	s5 =	simm.s32 @!p2 $0x0  }
0x1d: {  	s5 =	simm.s32 @p1 $0x1;
	p0 =	seq.s32 s7, s2  }
0x1e: {  	s7 =	smul.u32 @!p0 $0xF7A, s2;
	p2 =	seq.s32 @!p0 s5, $0x0  }
0x1f: {  	s9 =	smul.u32 $0xF7A, s1;
	s8 =	simm.s32 @!p0 $0x1BF5;
	p2 =	por !p2, p0  }
0x20: {  	[sflag:s8] =	ssyncset.s32 @!p0 $0xFFFFF086;
	s6 =	sadd.s32 @!p0 s3, s7;
	s7 =	simm.s32 @!p0 $0x108  }
0x21: {  	s3 =	sadd.s32 s3, s9;
	s6 =	sadd.s32 @!p0 $0x88, s6;
	s7 =	simm.s32 @p2 $0x1082  }
0x22: {  	[simem:s7], [sflag:s8] =	dma.local @!p0 [hbm:s6], $0xF7A  }
0x23: {  	s9 =	sor.u32 $0xD0000000, s2;
	s6 =	simm.s32 $0x108;
	_ =	swait.ge @!p0 [sflag:s8], $0x0  }
0x24: {  	s3 =	sadd.s32 $0x88, s3;
	s6 =	simm.s32 @!p1 $0x1082;
	[sflag:s4] =	ssyncset.s32 $0xFFFFF086  }
0x25: {  	[simem:s6], [sflag:s4] =	dma.local [hbm:s3], $0xF7A  }
0x26: {  	[smem:$0x3F88] =	sst s1;
	(tag) =	ssettag s2;
	_ =	strace s9  }
0x27: {  	s1 =	sld [smem:$0x3F98]  }
0x28: {  	s2 =	sld [smem:$0x3F99]  }
0x29: {  	s4 =	sld [smem:$0x3F9B]  }
0x2a: {  	p0 =	seq.s32 s5, $0x0;
	s5 =	sld [smem:$0x3F9C]  }
0x2b: {  	s6 =	sld [smem:$0x3F9D]  }
0x2c: {  	s7 =	sld [smem:$0x3F9E]  }
0x2d: {  	s3 =	simm.s32 $0x108;
	s8 =	sld [smem:$0x3F9F]  }
0x2e: {  	s3 =	simm.s32 @!p0 $0x1082;
	s9 =	sld [smem:$0x3FA0]  }
0x2f: {  	lr =	sadd.s32 s0, s3;
	s0 =	sld [smem:$0x3F97]  }
0x30: {  	s3 =	sld [smem:$0x3F9A]  }
0x31: {  	[smem:$0x3FA3] =	sst s10  }
0x32: {  	s10 =	sld [smem:$0x3FA1];
	_ =	sdelay $0x3  }
0x33: {  	p0 =	seq.s32 s10, $0x1;
	s10 =	sld [smem:$0x3FA3];
	_ =	sdelay $0x3  }
0x34: {  	[smem:$0x3FA3] =	sst s10  }
0x35: {  	s10 =	sld [smem:$0x3FA2];
	_ =	sdelay $0x3  }
0x36: {  	p1 =	seq.s32 s10, $0x1;
	s10 =	sld [smem:$0x3FA3];
	_ =	sdelay $0x3  }
0x37: {  	[smem:$0x3FA3] =	sst s10  }
0x38: {  	s10 =	sld [smem:$0x3FA4]  }
0x39: {  	_ = 	snop;
	(pc) =	sbr.ind lr, $3  }
0x3a: {  	_ = 	snop  }
0x3b: {  	_ = 	snop  }
0x3c: {  	p2 =	seq.s32 s10, $0x1;
	s10 =	sld [smem:$0x3FA3]  }
0x3d: {  	_ =	shalt  }
0x3e: {  	_ =	shalt  }
0x3f: {  	_ =	shalt  }
0x40: {  	_ =	shalt  }
0x41: {  	_ =	shalt  }
0x42: {  	_ =	shalt  }
0x43: {  	_ =	shalt  }
0x44: {  	_ =	shalt  }
0x45: {  	_ =	shalt  }
0x46: {  	_ =	shalt  }
0x47: {  	_ =	shalt  }
0x48: {  	_ =	shalt  }
0x49: {  	_ =	shalt  }
0x4a: {  	_ =	shalt  }
0x4b: {  	_ =	shalt  }
0x4c: {  	_ =	shalt  }
0x4d: {  	_ =	shalt  }
0x4e: {  	_ =	shalt  }
0x4f: {  	_ =	shalt  }
0x50: {  	_ =	shalt  }
0x51: {  	_ =	shalt  }
0x52: {  	_ =	shalt  }
0x53: {  	_ =	shalt  }
0x54: {  	_ =	shalt  }
0x55: {  	_ =	shalt  }
0x56: {  	_ =	shalt  }
0x57: {  	_ =	shalt  }
0x58: {  	_ =	shalt  }
0x59: {  	_ =	shalt  }
0x5a: {  	_ =	shalt  }
0x5b: {  	_ =	shalt  }
0x5c: {  	_ =	shalt  }
0x5d: {  	_ =	shalt  }
0x5e: {  	_ =	shalt  }
0x5f: {  	_ =	shalt  }
0x60: {  	_ =	shalt  }
0x61: {  	_ =	shalt  }
0x62: {  	_ =	shalt  }
0x63: {  	_ =	shalt  }
0x64: {  	_ =	shalt  }
0x65: {  	_ =	shalt  }
0x66: {  	_ =	shalt  }
0x67: {  	_ =	shalt  }
0x68: {  	_ =	shalt  }
0x69: {  	_ =	shalt  }
0x6a: {  	_ =	shalt  }
0x6b: {  	_ =	shalt  }
0x6c: {  	_ =	shalt  }
0x6d: {  	_ =	shalt  }
0x6e: {  	_ =	shalt  }
0x6f: {  	_ =	shalt  }
0x70: {  	_ =	shalt  }
0x71: {  	_ =	shalt  }
0x72: {  	_ =	shalt  }
0x73: {  	_ =	shalt  }
0x74: {  	_ =	shalt  }
0x75: {  	_ =	shalt  }
0x76: {  	_ =	shalt  }
0x77: {  	_ =	shalt  }
0x78: {  	_ =	shalt  }
0x79: {  	_ =	shalt  }
0x7a: {  	_ =	shalt  }
0x7b: {  	_ =	shalt  }
0x7c: {  	_ =	shalt  }
0x7d: {  	_ =	shalt  }
0x7e: {  	_ =	shalt  }
0x7f: {  	_ =	shalt  }
0x80: {  	_ =	shalt  }
0x81: {  	_ =	shalt  }
0x82: {  	_ =	shalt  }
0x83: {  	_ =	shalt  }
0x84: {  	_ =	shalt  }
0x85: {  	_ =	shalt  }
0x86: {  	_ =	shalt  }
0x87: {  	_ =	shalt  }
.Lfunc_end0:
.L_simem_size_0:
called_computation.2_lowered:
.L_overlay_start_0:
0x88: {  	s2 =	sld [smem:$0x3FD9]  }
0x89: {  	s3 =	sld [smem:$0x3FFE];
	_ =	sdelay $0x1  }
0x8a: {  	s1 =	srdreg.scid  }
0x8b: {  	s0 =	sand.u32 $0x1, s1  }
0x8c: {  	s16 =	sshll.u32 s0, $0xA;
	s2 =	sadd.s32 s3, s2  }
0x8d: {  	s2 =	sadd.s32 s2, s16  }
0x8e: {  	[smem:$0x3FAF] =	sst s2  }
0x8f: {  	_ = 	snop  }
0x90: {  	(tm) =	ssettm $0x1  }
0x91: {  	s17 =	sld [smem:$0x3FFB];
	_ =	sdelay $0x3  }
0x92: {  	_ =	strace s17  }
0x93: {  	s2 =	sld [smem:$0x3FFC];
	_ =	sdelay $0x3  }
0x94: {  	_ =	strace s2  }
0x95: {  	s2 =	sld [smem:$0x3FFD];
	_ =	sdelay $0x3  }
0x96: {  	_ =	strace s2  }
0x97: {  	_ =	strace $0x8FFFFFFF  }
0x98: {  	s18 =	sld [smem:$0x3FDB];
	_ =	sdelay $0x1  }
0x99: {  	s19 =	simm.s32 $_scs_section_size  }
0x9a: {  	s4 =	simm.s32 $_size__tile_overlayer_lowered;
	s5 =	simm.s32 $_tile_overlayer_lowered  }
0x9b: {  	s22 =	simm.s32 $0x1BFF;
	s21 =	sshll.u32 s5, $0x1;
	s2 =	sadd.s32 s19, s18  }
0x9c: {  	s6 =	simm.s32 $0x0;
	s20 =	sshll.u32 s4, $0x1;
	s4 =	sadd.s32 s21, s2  }
0x9d: {  	[timem:s6], [sflag:s22] =	dma.local [hbm:s4], s20  }
0x9e: {  	_ =	swait.ge [sflag:s22], s20  }
0x9f: {  	s3 =	ssub.s32 $0x0, s20;
	[sflag:s22] =	ssyncset.done $0x0  }
0xa0: {  	[sflag:s22] =	ssyncadd.s32 s3;
	_ =	sdelay $0x1  }
0xa1: {  	s23 =	simm.s32 $0x1B8B  }
0xa2: {  	_ =	swait.ge [sflag:s23], $0x1  }
0xa3: {  	[sflag:s23] =	ssyncset.done $0x0  }
0xa4: {  	s25 =	simm.s32 $0x1B8E;
	s24 =	sld [smem:$0x3FFE];
	[sflag:s23] =	ssyncadd.s32 $0xFFFFFFFF  }
0xa5: {  	s26 =	simm.s32 $execute0_lowered;
	[smem:$0x3FD2] =	sst s25  }
0xa6: {  	s4 =	sshll.u32 s26, $0x1;
	_ =	strace $0x8000004C;
	[dreg:$0x1] =	wrdreg $0xFFFFFFFF  }
0xa7: {  	s28 =	simm.s32 $_size_execute0_lowered;
	s2 =	sadd.s32 s2, s4;
	[dreg:$0x0] =	wrdreg $0x0  }
0xa8: {  	s4 =	sshll.u32 s28, $0x1;
	[dreg:$0x2] =	wrdreg s2  }
0xa9: {  	[dreg:$0x3] =	wrdreg s4  }
0xaa: {  	[dreg:$0x4] =	wrdreg $0xC0  }
0xab: {  	_ =	task [dreg:s6], $0x5FFFF  }
0xac: {  	[dreg:$0x1] =	wrdreg $0xFFFFFFFF  }
0xad: {  	[dreg:$0x0] =	wrdreg $0x60  }
0xae: {  	[dreg:$0x2] =	wrdreg s24  }
0xaf: {  	[dreg:$0x3] =	wrdreg $0xBA000  }
0xb0: {  	[dreg:$0x4] =	wrdreg $0x9  }
0xb1: {  	_ =	task.clear_ibuf [dreg:s6], $0x5FFFF;
	_ =	strace $0x9000004C  }
0xb2: {  	s29 =	simm.s32 $0x9;
	_ =	strace $0x8000004E  }
0xb3: {  	_ =	swait.ge [sflag:s29], $0x1  }
0xb4: {  	[sflag:s29] =	ssyncadd.s32 $0xFFFFFFFF  }
0xb5: {  	_ =	strace $0x9000004E  }
0xb6: {  	_ =	sfence  }
0xb7: {  	s30 =	sld [smem:$0x0];
	_ =	sdelay $0x2  }
0xb8: {  	s31 =	sshll.u32 s1, $0xD;
	s1 =	sshrl.u32 s1, $0x2  }
0xb9: {  	s3 =	sand.u32 $0x4000, s31;
	s1 =	sadd.s32 s1, s30  }
0xba: {  	s0 =	sor.u32 s3, s0;
	s1 =	sshll.u32 s1, $0x11  }
0xbb: {  	s0 =	sor.u32 s1, s0  }
0xbc: {  	s0 =	sadd.s32 $0x8F2B, s0  }
0xbd: {  	[sflag:s0] =	ssyncadd.remote.s32 $0x1  }
0xbe: {  	_ =	sfence.sel $0xFFFF  }
0xbf: {  	[dreg:$0x0] =	wrdreg $0xFFFFFFFF;
	(pc) =	sbr.abs _section_cstart, $3  }
0xc0: {  	[dreg:$0x1] =	wrdreg $0xFFFFFFFF  }
0xc1: {  	_ =	task.clear_ibuf [dreg:s6], $0x2FFFF;
	_ =	strace $0x9FFFFFFF  }
0xc2: {  	(tm) =	ssettm $0x7FFFFFFF  }
0xc3: {  	_ =	shalt  }
tec
execute0_lowered:
.L_overlay_start_1:
0x0: {  	(tag) =	ssettag $0x1  }
0x1: {  	s0 =	srdreg.scid;
	s1 =	rddreg [dreg:$0x0]  }
0x2: {  	s2 =	rddreg [dreg:$0x1];
	s9 =	stileid.u32  }
0x3: {  	s3 =	simm.s32 $0x0;
	s11 =	simm.s32 $0x70;
	s19 =	simm.s32 $0x3  }
0x4: {  	s20 =	simm.s32 $0x3A00;
	s0 =	sand.u32 $0x1, s0;
	s7 =	smul.u32 $0x4F000, s9  }
0x5: {  	[smem:$0x7FF] =	sst s3;
	s12 =	smul.u32 $0x13C00, s9;
	s4 =	sshll.u32 s0, $0x4  }
0x6: {  	_ =	strace $0x8000004D;
	s6 =	ssub.s32 $0x2, s0;
	s17 =	smul.u32 $0x13C000, s0  }
0x7: {  	p0 =	seq.s32 s0, $0x0;
	s4 =	sor.u32 s9, s4;
	s8 =	sshrl.u32 s6, $0x1  }
0x8: {  	s21 =	sshrl.u32 s7, $0x2;
	s22 =	sadd.s32 $0x4000, s12;
	s14 =	sadd.s32 $0x8000, s12  }
0x9: {  	s15 =	sadd.s32 $0xC000, s12;
	s16 =	sadd.s32 $0x10000, s12;
	s11 =	simm.s32 @!p0 $0x2D  }
0xa: {  	s5 =	smul.u32 $0x700, s4;
	s4 =	sadd.s32 $0x13200, s1;
	s13 =	ssub.s32 s6, s8  }
0xb: {  	s6 =	sadd.s32 s21, s2;
	s7 =	sadd.s32 s22, s2;
	s8 =	sadd.s32 s14, s2  }
0xc: {  	s9 =	sadd.s32 s15, s2;
	s10 =	sadd.s32 s16, s2;
	s23 =	sadd.s32 s12, s17  }
0xd: {  	s24 =	sadd.s32 $0x1, s11;
	s26 =	sadd.s32 s17, s14;
	s28 =	sadd.s32 s17, s15  }
0xe: {  	s29 =	sadd.s32 s17, s16;
	s21 =	simm.s32 $0x80;
	s0 =	sshrl.u32 s23, $0x3  }
0xf: {  	s30 =	sshrl.u32 s28, $0x3;
	s31 =	sshrl.u32 s29, $0x3;
	s5 =	sadd.s32 s5, s1  }
0x10: {  	s18 =	sand.u32 $0x7E, s24;
	s1 =	sadd.s32 $0x3A400, s1;
	s5 =	sadd.s32 $0x5200, s5  }
0x11: {  	s23 =	simm.s32 $0x1;
	s0 =	sadd.s32 s1, s0;
	[dreg:$0x3] =	wrdreg s5  }
0x12: {  	s5 =	sadd.s32 s17, s22;
	[dreg:$0x4] =	wrdreg s0;
	s0 =	sshrl.u32 s26, $0x3  }
0x13: {  	s24 =	simm.s32 $0x3900;
	s5 =	sshrl.u32 s5, $0x3;
	s0 =	sadd.s32 s1, s0  }
0x14: {  	s16 =	sadd.s32 s1, s31;
	s25 =	sadd.s32 s1, s5;
	[dreg:$0x6] =	wrdreg s0  }
0x15: {  	s17 =	smax.u32 s13, $0x1;
	s0 =	sadd.s32 s1, s30;
	[dreg:$0x5] =	wrdreg s25  }
0x16: {  	v0 =	vimm.f32 $0.0e+00;
	s26 =	simm.s32 $0x0;
	[dreg:$0x7] =	wrdreg s0;
	s25 =	simm.s32 $0x4  }
.LBB2_1:
0x17: {  	s0 =	rddreg [dreg:$0x3]  }
0x18: {  	[tilespmem:s3], [sflag:$0x3] =	stream.linear.gather [hbm4b:s0+s3], $0x3800, $0x38;
	[tilespmem:$0x1F600] =	vst v63  }
0x19: {  	s31 =	sand.u32 $0xFE00, s3;
	s1 =	sand.u32 $0x70, s3;
	_ =	swait.ge [sflag:s19], $0x3800  }
0x1a: {  	s5 =	sshrl.u32 s31, $0x2;
	s0 =	simm.s32 $0x40;
	[sflag:s19] =	ssyncset.done $0x0  }
0x1b: {  	s5 =	sor.u32 s1, s5;
	s1 =	simm.s32 $0x0;
	[sflag:s19] =	ssyncadd.s32 $0xFFFFC800  }
.LBB2_2:
0x1c: {  	p0 =	sne.s32 s0, $0xFFC0  }
0x1d: {  	[tilespmem:s5+$0x3A00] =	vst v0;
	s1 =	sadd.s32 $0x10, s1;
	s5 =	smov.u32 s0;
	s0 =	sadd.s32 $0x40, s0  }
.Ltmp0:
0x1e: {  	(pc) =	sbr.rel @p0 .LBB2_2-.Ltmp0, $4  }
0x1f: {  	_ = 	snop  }
0x20: {  	s5 =	sand.u32 $0xFE00, s5  }
0x21: {  	s12 =	sand.u32 $0x70, s1;
	s5 =	sshrl.u32 s5, $0x2  }
0x22: {  	s5 =	sor.u32 s12, s5  }
0x23: {  	[tilespmem:s5+$0x3A00] =	vst v0  }
0x24: {  	[spmem:s6] =	stream.linear.scatter [tilespmem:s20], [sflag:$0x3], $0x4000, $0x38;
	[tilespmem:$0x1F600] =	vst v63  }
0x25: {  	_ =	swait.ge [sflag:s19], $0x4000  }
0x26: {  	[sflag:s19] =	ssyncset.done $0x0  }
0x27: {  	[sflag:s19] =	ssyncadd.s32 $0xFFFFC000  }
0x28: {  	[spmem:s7] =	stream.linear.scatter [tilespmem:s20], [sflag:$0x3], $0x4000, $0x38;
	[tilespmem:$0x1F600] =	vst v63  }
0x29: {  	_ =	swait.ge [sflag:s19], $0x4000  }
0x2a: {  	[sflag:s19] =	ssyncset.done $0x0  }
0x2b: {  	[sflag:s19] =	ssyncadd.s32 $0xFFFFC000  }
0x2c: {  	[spmem:s8] =	stream.linear.scatter [tilespmem:s20], [sflag:$0x3], $0x4000, $0x38;
	[tilespmem:$0x1F600] =	vst v63  }
0x2d: {  	_ =	swait.ge [sflag:s19], $0x4000  }
0x2e: {  	[sflag:s19] =	ssyncset.done $0x0  }
0x2f: {  	[sflag:s19] =	ssyncadd.s32 $0xFFFFC000  }
0x30: {  	[spmem:s9] =	stream.linear.scatter [tilespmem:s20], [sflag:$0x3], $0x4000, $0x38;
	[tilespmem:$0x1F600] =	vst v63  }
0x31: {  	_ =	swait.ge [sflag:s19], $0x4000  }
0x32: {  	[sflag:s19] =	ssyncset.done $0x0  }
0x33: {  	[sflag:s19] =	ssyncadd.s32 $0xFFFFC000  }
0x34: {  	[spmem:s10] =	stream.linear.scatter [tilespmem:s20], [sflag:$0x3], $0x3C00, $0x38;
	[tilespmem:$0x1F600] =	vst v63  }
0x35: {  	_ =	swait.ge [sflag:s19], $0x3C00  }
0x36: {  	[sflag:s19] =	ssyncset.done $0x0  }
0x37: {  	[sflag:s19] =	ssyncadd.s32 $0xFFFFC400  }
0x38: {  	[bflag:$0x0] =	sbarrier.arrive $0xFFFF  }
0x39: {  	v1 =	vld [tilespmem:$0x0];
	_ =	sdelay $0x1  }
0x3a: {  	v2 =	vld [tilespmem:$0x10];
	_ =	sdelay $0x1  }
0x3b: {  	v3 =	vld [tilespmem:$0x20]  }
0x3c: {  	v4 =	vshrl.u32 v1, $0xE  }
0x3d: {  	v62 =	vld [tilespmem:$0x30];
	v1 =	vand.u32 $0x3FFF, v1;
	[tilespmem:$0x3800] =	vst v4  }
0x3e: {  	[tilespmem:$0x3900] =	vst v1;
	v1 =	vshrl.u32 v2, $0xE  }
0x3f: {  	[tilespmem:$0x3810] =	vst v1;
	v1 =	vand.u32 $0x3FFF, v2;
	v2 =	vld [tilespmem:$0x40]  }
0x40: {  	[tilespmem:$0x3910] =	vst v1;
	v1 =	vshrl.u32 v3, $0xE  }
0x41: {  	[tilespmem:$0x3820] =	vst v1;
	v1 =	vand.u32 $0x3FFF, v3;
	v3 =	vld [tilespmem:$0x50]  }
0x42: {  	[tilespmem:$0x3920] =	vst v1;
	v1 =	vshrl.u32 v62, $0xE  }
0x43: {  	v63 =	vld [tilespmem:$0x60];
	[tilespmem:$0x3830] =	vst v1;
	v1 =	vand.u32 $0x3FFF, v62  }
0x44: {  	[tilespmem:$0x3930] =	vst v1;
	v1 =	vshrl.u32 v2, $0xE  }
0x45: {  	[tilespmem:$0x3840] =	vst v1;
	v1 =	vand.u32 $0x3FFF, v2;
	v2 =	vld [tilespmem:$0x70]  }
0x46: {  	[tilespmem:$0x3940] =	vst v1;
	v1 =	vshrl.u32 v3, $0xE  }
0x47: {  	[tilespmem:$0x3850] =	vst v1;
	v1 =	vand.u32 $0x3FFF, v3  }
0x48: {  	[tilespmem:$0x3950] =	vst v1;
	v1 =	vshrl.u32 v63, $0xE  }
0x49: {  	[tilespmem:$0x3860] =	vst v1;
	v1 =	vand.u32 $0x3FFF, v63  }
0x4a: {  	[tilespmem:$0x3960] =	vst v1;
	v1 =	vshrl.u32 v2, $0xE  }
0x4b: {  	[tilespmem:$0x3870] =	vst v1;
	v1 =	vand.u32 $0x3FFF, v2  }
0x4c: {  	s0 =	simm.s32 $0x3800;
	s28 =	simm.s32 $0xC0;
	p0 =	sle.u32 s11, $0x1;
	[tilespmem:$0x3970] =	vst v1  }
0x4d: {  	[tilespmem:s20], [sflag:$0x1] =	stream.indirect.gather [hbm4b:s4+s21], $0x80, s0, s21, $0xb8;
	[tilespmem:$0x1F600] =	vst v63  }
0x4e: {  	v1 =	vld @!p0 [tilespmem:s28+$0xFFFFFFC0];
	_ =	sdelay $0x4  }
0x4f: {  	v2 =	vshrl.u32 @!p0 v1, $0xE  }
0x50: {  	v1 =	vand.u32 @!p0 $0x3FFF, v1;
	[tilespmem:$0x3880] =	vst @!p0 v2  }
0x51: {  	[tilespmem:$0x3980] =	vst @!p0 v1  }
0x52: {  	v1 =	vld @!p0 [tilespmem:s28+$0xFFFFFFD0];
	_ =	sdelay $0x4  }
0x53: {  	v2 =	vshrl.u32 @!p0 v1, $0xE  }
0x54: {  	v1 =	vand.u32 @!p0 $0x3FFF, v1;
	[tilespmem:$0x3890] =	vst @!p0 v2  }
0x55: {  	[tilespmem:$0x3990] =	vst @!p0 v1  }
0x56: {  	v1 =	vld @!p0 [tilespmem:s28+$0xFFFFFFE0];
	_ =	sdelay $0x4  }
0x57: {  	v2 =	vshrl.u32 @!p0 v1, $0xE  }
0x58: {  	v1 =	vand.u32 @!p0 $0x3FFF, v1;
	[tilespmem:$0x38A0] =	vst @!p0 v2  }
0x59: {  	[tilespmem:$0x39A0] =	vst @!p0 v1  }
0x5a: {  	v1 =	vld @!p0 [tilespmem:s28+$0xFFFFFFF0];
	_ =	sdelay $0x4  }
0x5b: {  	v2 =	vshrl.u32 @!p0 v1, $0xE  }
0x5c: {  	v1 =	vand.u32 @!p0 $0x3FFF, v1;
	[tilespmem:$0x38B0] =	vst @!p0 v2  }
0x5d: {  	[tilespmem:$0x39B0] =	vst @!p0 v1  }
0x5e: {  	v1 =	vld @!p0 [tilespmem:s28+$0x0];
	_ =	sdelay $0x4  }
0x5f: {  	v2 =	vshrl.u32 @!p0 v1, $0xE  }
0x60: {  	v1 =	vand.u32 @!p0 $0x3FFF, v1;
	[tilespmem:$0x38C0] =	vst @!p0 v2  }
0x61: {  	[tilespmem:$0x39C0] =	vst @!p0 v1  }
0x62: {  	v1 =	vld @!p0 [tilespmem:s28+$0x10];
	_ =	sdelay $0x4  }
0x63: {  	v2 =	vshrl.u32 @!p0 v1, $0xE  }
0x64: {  	v1 =	vand.u32 @!p0 $0x3FFF, v1;
	[tilespmem:$0x38D0] =	vst @!p0 v2  }
0x65: {  	[tilespmem:$0x39D0] =	vst @!p0 v1  }
0x66: {  	v1 =	vld @!p0 [tilespmem:s28+$0x20];
	_ =	sdelay $0x4  }
0x67: {  	v2 =	vshrl.u32 @!p0 v1, $0xE  }
0x68: {  	v1 =	vand.u32 @!p0 $0x3FFF, v1;
	[tilespmem:$0x38E0] =	vst @!p0 v2  }
0x69: {  	[tilespmem:$0x39E0] =	vst @!p0 v1  }
0x6a: {  	v1 =	vld @!p0 [tilespmem:s28+$0x30];
	_ =	sdelay $0x4  }
0x6b: {  	v2 =	vshrl.u32 @!p0 v1, $0xE  }
0x6c: {  	v1 =	vand.u32 @!p0 $0x3FFF, v1;
	[tilespmem:$0x38F0] =	vst @!p0 v2  }
0x6d: {  	s31 =	simm.s32 @!p0 $0x80;
	s1 =	simm.s32 @!p0 $0x3880;
	s0 =	simm.s32 @!p0 $0x7A00;
	[tilespmem:$0x39F0] =	vst @!p0 v1  }
0x6e: {  	[tilespmem:s0], [sflag:$0x2] =	stream.indirect.gather @!p0 [hbm4b:s4+s31], $0x80, s1, s31, $0xb8;
	[tilespmem:$0x1F600] =	vst v63  }
0x6f: {  	_ =	swait.ge [sflag:s23], $0x4000  }
0x70: {  	[sflag:s23] =	ssyncset.done $0x0  }
0x71: {  	[sflag:s23] =	ssyncadd.s32 $0xFFFFC000  }
0x72: {  	[spmem:s2] =	stream.indirect.scatter.add.f32 [tilespmem:s20], [sflag:$0x4], $0x80, s24, s21, $0xb8;
	[tilespmem:$0x1F600] =	vst v63  }
0x73: {  	_ =	swait.ge [sflag:s25], $0x4000  }
0x74: {  	[sflag:s25] =	ssyncset.done $0x0  }
0x75: {  	p2 =	sle.u32 s11, $0x2;
	[sflag:s25] =	ssyncadd.s32 $0xFFFFC000  }
0x76: {  	v1 =	vld @!p2 [tilespmem:s28+$0x40];
	_ =	sdelay $0x4  }
0x77: {  	v2 =	vshrl.u32 @!p2 v1, $0xE  }
0x78: {  	v1 =	vand.u32 @!p2 $0x3FFF, v1;
	[tilespmem:$0x3800] =	vst @!p2 v2  }
0x79: {  	[tilespmem:$0x3900] =	vst @!p2 v1  }
0x7a: {  	v1 =	vld @!p2 [tilespmem:s28+$0x50];
	_ =	sdelay $0x4  }
0x7b: {  	v2 =	vshrl.u32 @!p2 v1, $0xE  }
0x7c: {  	v1 =	vand.u32 @!p2 $0x3FFF, v1;
	[tilespmem:$0x3810] =	vst @!p2 v2  }
0x7d: {  	[tilespmem:$0x3910] =	vst @!p2 v1  }
0x7e: {  	v1 =	vld @!p2 [tilespmem:s28+$0x60];
	_ =	sdelay $0x4  }
0x7f: {  	v2 =	vshrl.u32 @!p2 v1, $0xE  }
0x80: {  	v1 =	vand.u32 @!p2 $0x3FFF, v1;
	[tilespmem:$0x3820] =	vst @!p2 v2  }
0x81: {  	[tilespmem:$0x3920] =	vst @!p2 v1  }
0x82: {  	v1 =	vld @!p2 [tilespmem:s28+$0x70];
	_ =	sdelay $0x4  }
0x83: {  	v2 =	vshrl.u32 @!p2 v1, $0xE  }
0x84: {  	v1 =	vand.u32 @!p2 $0x3FFF, v1;
	[tilespmem:$0x3830] =	vst @!p2 v2  }
0x85: {  	[tilespmem:$0x3930] =	vst @!p2 v1  }
0x86: {  	v1 =	vld @!p2 [tilespmem:s28+$0x80];
	_ =	sdelay $0x4  }
0x87: {  	v2 =	vshrl.u32 @!p2 v1, $0xE  }
0x88: {  	v1 =	vand.u32 @!p2 $0x3FFF, v1;
	[tilespmem:$0x3840] =	vst @!p2 v2  }
0x89: {  	[tilespmem:$0x3940] =	vst @!p2 v1  }
0x8a: {  	v1 =	vld @!p2 [tilespmem:s28+$0x90];
	_ =	sdelay $0x4  }
0x8b: {  	v2 =	vshrl.u32 @!p2 v1, $0xE  }
0x8c: {  	v1 =	vand.u32 @!p2 $0x3FFF, v1;
	[tilespmem:$0x3850] =	vst @!p2 v2  }
0x8d: {  	[tilespmem:$0x3950] =	vst @!p2 v1  }
0x8e: {  	v1 =	vld @!p2 [tilespmem:s28+$0xA0]  }
0x8f: {  	p1 =	sne.s32 s18, $0x2  }
.Ltmp1:
0x90: {  	_ = 	snop;
	(pc) =	sbr.rel @!p1 .LBB2_5-.Ltmp1, $4  }
0x91: {  	_ = 	snop  }
0x92: {  	s29 =	simm.s32 $0x2;
	s30 =	simm.s32 $0xC0  }
0x93: {  	s5 =	simm.s32 @!p2 $0x80;
	s12 =	simm.s32 @!p2 $0x3800;
	s14 =	simm.s32 @!p2 $0x3A00;
	v2 =	vshrl.u32 @!p2 v1, $0xE  }
0x94: {  	s13 =	simm.s32 @!p0 $0x3980;
	s22 =	simm.s32 @!p0 $0x3;
	s1 =	simm.s32 @!p0 $0x2;
	v1 =	vand.u32 @!p2 $0x3FFF, v1;
	[tilespmem:$0x3860] =	vst @!p2 v2  }
.LBB2_4:
0x95: {  	[tilespmem:$0x3960] =	vst @!p2 v1;
	s30 =	sadd.s32 $0x100, s30;
	s15 =	smov.u32 s29;
	s29 =	sadd.s32 $0x2, s29  }
0x96: {  	p1 =	sne.s32 s18, s29;
	v1 =	vld @!p2 [tilespmem:s28+$0xB0];
	s28 =	smov.u32 s30;
	_ =	sdelay $0x4  }
0x97: {  	v2 =	vshrl.u32 @!p2 v1, $0xE;
	v1 =	vand.u32 @!p2 $0x3FFF, v1  }
0x98: {  	[tilespmem:$0x3870] =	vst @!p2 v2  }
0x99: {  	[tilespmem:$0x3970] =	vst @!p2 v1  }
0x9a: {  	[tilespmem:s14], [sflag:$0x1] =	stream.indirect.gather @!p2 [hbm4b:s4+s5], $0x80, s12, s5, $0xb8;
	[tilespmem:$0x1F600] =	vst v63  }
0x9b: {  	_ =	swait.ge @!p0 [sflag:s1], $0x4000  }
0x9c: {  	[sflag:s1] =	ssyncset.done @!p0 $0x0  }
0x9d: {  	[sflag:s1] =	ssyncadd.s32 @!p0 $0xFFFFC000  }
0x9e: {  	[spmem:s2] =	stream.indirect.scatter.add.f32 @!p0 [tilespmem:s0], [sflag:$0x3], $0x80, s13, s31, $0xb8;
	[tilespmem:$0x1F600] =	vst v63  }
0x9f: {  	_ =	swait.ge @!p0 [sflag:s22], $0x4000  }
0xa0: {  	s0 =	sadd.s32 $0x1, s15;
	[sflag:s22] =	ssyncset.done @!p0 $0x0  }
0xa1: {  	[sflag:s22] =	ssyncadd.s32 @!p0 $0xFFFFC000;
	p0 =	sge.u32 s0, s11  }
0xa2: {  	v1 =	vld @!p0 [tilespmem:s30+$0xFFFFFFC0];
	_ =	sdelay $0x4  }
0xa3: {  	v2 =	vshrl.u32 @!p0 v1, $0xE;
	v1 =	vand.u32 @!p0 $0x3FFF, v1  }
0xa4: {  	[tilespmem:$0x3880] =	vst @!p0 v2  }
0xa5: {  	[tilespmem:$0x3980] =	vst @!p0 v1  }
0xa6: {  	v1 =	vld @!p0 [tilespmem:s30+$0xFFFFFFD0];
	_ =	sdelay $0x4  }
0xa7: {  	v2 =	vshrl.u32 @!p0 v1, $0xE;
	v1 =	vand.u32 @!p0 $0x3FFF, v1  }
0xa8: {  	[tilespmem:$0x3890] =	vst @!p0 v2  }
0xa9: {  	[tilespmem:$0x3990] =	vst @!p0 v1  }
0xaa: {  	v1 =	vld @!p0 [tilespmem:s30+$0xFFFFFFE0];
	_ =	sdelay $0x4  }
0xab: {  	v2 =	vshrl.u32 @!p0 v1, $0xE;
	v1 =	vand.u32 @!p0 $0x3FFF, v1  }
0xac: {  	[tilespmem:$0x38A0] =	vst @!p0 v2  }
0xad: {  	[tilespmem:$0x39A0] =	vst @!p0 v1  }
0xae: {  	v1 =	vld @!p0 [tilespmem:s30+$0xFFFFFFF0];
	_ =	sdelay $0x4  }
0xaf: {  	v2 =	vshrl.u32 @!p0 v1, $0xE;
	v1 =	vand.u32 @!p0 $0x3FFF, v1  }
0xb0: {  	[tilespmem:$0x38B0] =	vst @!p0 v2  }
0xb1: {  	[tilespmem:$0x39B0] =	vst @!p0 v1  }
0xb2: {  	v1 =	vld @!p0 [tilespmem:s30+$0x0];
	_ =	sdelay $0x4  }
0xb3: {  	v2 =	vshrl.u32 @!p0 v1, $0xE;
	v1 =	vand.u32 @!p0 $0x3FFF, v1  }
0xb4: {  	[tilespmem:$0x38C0] =	vst @!p0 v2  }
0xb5: {  	[tilespmem:$0x39C0] =	vst @!p0 v1  }
0xb6: {  	v1 =	vld @!p0 [tilespmem:s30+$0x10];
	_ =	sdelay $0x4  }
0xb7: {  	v2 =	vshrl.u32 @!p0 v1, $0xE;
	v1 =	vand.u32 @!p0 $0x3FFF, v1  }
0xb8: {  	[tilespmem:$0x38D0] =	vst @!p0 v2  }
0xb9: {  	[tilespmem:$0x39D0] =	vst @!p0 v1  }
0xba: {  	v1 =	vld @!p0 [tilespmem:s30+$0x20];
	_ =	sdelay $0x4  }
0xbb: {  	v2 =	vshrl.u32 @!p0 v1, $0xE;
	v1 =	vand.u32 @!p0 $0x3FFF, v1  }
0xbc: {  	[tilespmem:$0x38E0] =	vst @!p0 v2  }
0xbd: {  	s31 =	simm.s32 @!p0 $0x80;
	s1 =	simm.s32 @!p0 $0x3880;
	s0 =	simm.s32 @!p0 $0x7A00;
	[tilespmem:$0x39E0] =	vst @!p0 v1  }
0xbe: {  	v1 =	vld @!p0 [tilespmem:s30+$0x30];
	_ =	sdelay $0x4  }
0xbf: {  	v2 =	vshrl.u32 @!p0 v1, $0xE;
	v1 =	vand.u32 @!p0 $0x3FFF, v1  }
0xc0: {  	[tilespmem:$0x38F0] =	vst @!p0 v2  }
0xc1: {  	[tilespmem:$0x39F0] =	vst @!p0 v1  }
0xc2: {  	[tilespmem:s0], [sflag:$0x2] =	stream.indirect.gather @!p0 [hbm4b:s4+s31], $0x80, s1, s31, $0xb8;
	[tilespmem:$0x1F600] =	vst v63  }
0xc3: {  	_ =	swait.ge [sflag:s23], $0x4000  }
0xc4: {  	[sflag:s23] =	ssyncset.done $0x0  }
0xc5: {  	[sflag:s23] =	ssyncadd.s32 $0xFFFFC000  }
0xc6: {  	[spmem:s2] =	stream.indirect.scatter.add.f32 [tilespmem:s20], [sflag:$0x4], $0x80, s24, s21, $0xb8;
	[tilespmem:$0x1F600] =	vst v63  }
0xc7: {  	_ =	swait.ge [sflag:s25], $0x4000  }
0xc8: {  	[sflag:s25] =	ssyncset.done $0x0  }
0xc9: {  	p2 =	sge.u32 s29, s11;
	[sflag:s25] =	ssyncadd.s32 $0xFFFFC000  }
0xca: {  	v1 =	vld @!p2 [tilespmem:s30+$0x40];
	_ =	sdelay $0x4  }
0xcb: {  	v2 =	vshrl.u32 @!p2 v1, $0xE;
	v1 =	vand.u32 @!p2 $0x3FFF, v1  }
0xcc: {  	[tilespmem:$0x3800] =	vst @!p2 v2  }
0xcd: {  	[tilespmem:$0x3900] =	vst @!p2 v1  }
0xce: {  	v1 =	vld @!p2 [tilespmem:s30+$0x50];
	_ =	sdelay $0x4  }
0xcf: {  	v2 =	vshrl.u32 @!p2 v1, $0xE;
	v1 =	vand.u32 @!p2 $0x3FFF, v1  }
0xd0: {  	[tilespmem:$0x3810] =	vst @!p2 v2  }
0xd1: {  	[tilespmem:$0x3910] =	vst @!p2 v1  }
0xd2: {  	v1 =	vld @!p2 [tilespmem:s30+$0x60];
	_ =	sdelay $0x4  }
0xd3: {  	v2 =	vshrl.u32 @!p2 v1, $0xE;
	v1 =	vand.u32 @!p2 $0x3FFF, v1  }
0xd4: {  	[tilespmem:$0x3820] =	vst @!p2 v2  }
0xd5: {  	[tilespmem:$0x3920] =	vst @!p2 v1  }
0xd6: {  	v1 =	vld @!p2 [tilespmem:s30+$0x70];
	_ =	sdelay $0x4  }
0xd7: {  	v2 =	vshrl.u32 @!p2 v1, $0xE;
	v1 =	vand.u32 @!p2 $0x3FFF, v1  }
0xd8: {  	[tilespmem:$0x3830] =	vst @!p2 v2  }
0xd9: {  	[tilespmem:$0x3930] =	vst @!p2 v1  }
0xda: {  	v1 =	vld @!p2 [tilespmem:s30+$0x80];
	_ =	sdelay $0x4  }
0xdb: {  	v2 =	vshrl.u32 @!p2 v1, $0xE;
	v1 =	vand.u32 @!p2 $0x3FFF, v1  }
0xdc: {  	[tilespmem:$0x3840] =	vst @!p2 v2  }
0xdd: {  	[tilespmem:$0x3940] =	vst @!p2 v1  }
0xde: {  	v1 =	vld @!p2 [tilespmem:s30+$0x90];
	_ =	sdelay $0x4  }
0xdf: {  	v2 =	vshrl.u32 @!p2 v1, $0xE;
	v1 =	vand.u32 @!p2 $0x3FFF, v1  }
0xe0: {  	[tilespmem:$0x3850] =	vst @!p2 v2  }
0xe1: {  	s5 =	simm.s32 @!p2 $0x80;
	s12 =	simm.s32 @!p2 $0x3800;
	s14 =	simm.s32 @!p2 $0x3A00;
	[tilespmem:$0x3950] =	vst @!p2 v1  }
0xe2: {  	s1 =	simm.s32 @!p0 $0x2;
	v1 =	vld @!p2 [tilespmem:s30+$0xA0];
	_ =	sdelay $0x1  }
.Ltmp2:
0xe3: {  	(pc) =	sbr.rel @p1 .LBB2_4-.Ltmp2, $4  }
0xe4: {  	s13 =	simm.s32 @!p0 $0x3980  }
0xe5: {  	s22 =	simm.s32 @!p0 $0x3  }
0xe6: {  	v2 =	vshrl.u32 @!p2 v1, $0xE;
	v1 =	vand.u32 @!p2 $0x3FFF, v1  }
0xe7: {  	[tilespmem:$0x3860] =	vst @!p2 v2  }
.LBB2_5:
0xe8: {  	[tilespmem:$0x3960] =	vst @!p2 v1  }
0xe9: {  	v1 =	vld @!p2 [tilespmem:s28+$0xB0];
	_ =	sdelay $0x4  }
0xea: {  	v2 =	vshrl.u32 @!p2 v1, $0xE  }
0xeb: {  	v1 =	vand.u32 @!p2 $0x3FFF, v1;
	[tilespmem:$0x3870] =	vst @!p2 v2  }
0xec: {  	[tilespmem:$0x3970] =	vst @!p2 v1  }
0xed: {  	[tilespmem:s14], [sflag:$0x1] =	stream.indirect.gather @!p2 [hbm4b:s4+s5], $0x80, s12, s5, $0xb8;
	[tilespmem:$0x1F600] =	vst v63  }
0xee: {  	_ =	swait.ge @!p0 [sflag:s1], $0x4000  }
0xef: {  	[sflag:s1] =	ssyncset.done @!p0 $0x0  }
0xf0: {  	[sflag:s1] =	ssyncadd.s32 @!p0 $0xFFFFC000  }
0xf1: {  	[spmem:s2] =	stream.indirect.scatter.add.f32 @!p0 [tilespmem:s0], [sflag:$0x3], $0x80, s13, s31, $0xb8;
	[tilespmem:$0x1F600] =	vst v63  }
0xf2: {  	_ =	swait.ge @!p0 [sflag:s22], $0x4000  }
0xf3: {  	[sflag:s22] =	ssyncset.done @!p0 $0x0  }
0xf4: {  	s5 =	stileid.u32;
	[sflag:s22] =	ssyncadd.s32 @!p0 $0xFFFFC000  }
0xf5: {  	s0 =	sshll.u32 s5, $0x6;
	[bflag:$0x0] =	sbarrier.arrive $0xFFFF  }
0xf6: {  	s12 =	sshrl.u32 s6, $0x3;
	s0 =	sor.u32 $0x1C03, s0;
	s13 =	rddreg [dreg:$0x4]  }
0xf7: {  	[hbm:s13], [sflag:s0] =	dma.local [spmem:s12], $0x800  }
0xf8: {  	_ =	swait.ge [sflag:s19], $0x800  }
0xf9: {  	[sflag:s19] =	ssyncset.done $0x0  }
0xfa: {  	s14 =	sshrl.u32 s7, $0x3;
	s15 =	rddreg [dreg:$0x5];
	[sflag:s19] =	ssyncadd.s32 $0xFFFFF800  }
0xfb: {  	[hbm:s15], [sflag:s0] =	dma.local [spmem:s14], $0x800  }
0xfc: {  	_ =	swait.ge [sflag:s19], $0x800  }
0xfd: {  	[sflag:s19] =	ssyncset.done $0x0  }
0xfe: {  	s22 =	sshrl.u32 s8, $0x3;
	s28 =	rddreg [dreg:$0x6];
	[sflag:s19] =	ssyncadd.s32 $0xFFFFF800  }
0xff: {  	[hbm:s28], [sflag:s0] =	dma.local [spmem:s22], $0x800  }
0x100: {  	_ =	swait.ge [sflag:s19], $0x800  }
0x101: {  	[sflag:s19] =	ssyncset.done $0x0  }
0x102: {  	s29 =	sshrl.u32 s9, $0x3;
	s30 =	rddreg [dreg:$0x7];
	[sflag:s19] =	ssyncadd.s32 $0xFFFFF800  }
0x103: {  	[hbm:s30], [sflag:s0] =	dma.local [spmem:s29], $0x800  }
0x104: {  	s26 =	sadd.s32 $0x1, s26;
	_ =	swait.ge [sflag:s19], $0x800  }
0x105: {  	p0 =	sne.s32 s26, s17;
	[sflag:s19] =	ssyncset.done $0x0  }
.Ltmp3:
0x106: {  	s31 =	sshrl.u32 s10, $0x3;
	[sflag:s19] =	ssyncadd.s32 $0xFFFFF800;
	(pc) =	sbr.rel @p0 .LBB2_1-.Ltmp3, $4  }
0x107: {  	[hbm:s16], [sflag:s0] =	dma.local [spmem:s31], $0x780  }
0x108: {  	_ =	swait.ge [sflag:s19], $0x780  }
0x109: {  	[sflag:s19] =	ssyncset.done $0x0  }
0x10a: {  	[sflag:s19] =	ssyncadd.s32 $0xFFFFF880  }
0x10b: {  	_ =	sfence.sel $0x180000  }
0x10c: {  	[bflag:$0x0] =	sbarrier.arrive $0xFFFF  }
0x10d: {  	_ =	strace $0x9000004D  }
0x10e: {  	s0 =	stileid.u32;
	[bflag:$0x2] =	sbarrier.arrive $0xFFFF  }
0x10f: {  	p0 =	sne.s32 s0, $0x0;
	s0 =	rddreg [dreg:$0x2]  }
0x110: {  	s0 =	sadd.s32 @!p0 $0x100000, s0  }
0x111: {  	[sflag:s0] =	ssyncadd.tile.s32 @!p0 $0x1;
	_ =	shalt  }
.Lfunc_end2:
_tile_overlayer_lowered:
.L_overlay_start_2:
0x112: {  	(tag) =	ssettag $0x2  }
0x113: {  	s0 =	rddreg [dreg:$0x0];
	s2 =	stileid.u32  }
0x114: {  	s1 =	rddreg [dreg:$0x1];
	p0 =	sne.s32 s2, $0x0  }
0x115: {  	s3 =	rddreg [dreg:$0x2];
	[bflag:$0x3] =	sbarrier.arrive $0xFFFF;
	s2 =	simm.s32 @!p0 $0x1C03  }
0x116: {  	[timem:s3], [sflag:s2] =	dma.local @!p0 [hbm:s0], s1  }
0x117: {  	s0 =	simm.s32 @!p0 $0x3  }
0x118: {  	_ =	swait.ge @!p0 [sflag:s0], s1  }
0x119: {  	s1 =	ssub.s32 @!p0 $0x0, s1;
	[sflag:s0] =	ssyncset.done @!p0 $0x0  }
0x11a: {  	[sflag:s0] =	ssyncadd.s32 @!p0 s1  }
0x11b: {  	[bflag:$0x3] =	sbarrier.arrive $0xFFFF  }
0x11c: {  	_ =	shalt  }

// kernel: kernel.9.cloned.1.call-start
scs
__scs_entry_jumppad:
0x0: {  	(pc) =	sbr.rel $0x88, $3  }
0x1: {  	(tag) =	ssettag $0x0;
	lr =	simm.s32 $0x1  }
0x2: {  	[smem:$0x3F88] =	sst lr;
	_ =	strace $0xD0000000  }
0x3: {  	_ = 	snop  }
0x4: {  	_ = 	snop  }
0x5: {  	_ = 	snop  }
0x6: {  	_ = 	snop  }
0x7: {  	_ = 	snop  }
__scs_overlays_trampoline_lowered:
0x8: {  	[smem:$0x3F97] =	sst s0  }
0x9: {  	[smem:$0x3F98] =	sst s1  }
0xa: {  	[smem:$0x3F99] =	sst s2  }
0xb: {  	[smem:$0x3F9A] =	sst s3  }
0xc: {  	[smem:$0x3F9B] =	sst s4  }
0xd: {  	[smem:$0x3F9C] =	sst s5  }
0xe: {  	[smem:$0x3F9D] =	sst s6  }
0xf: {  	[smem:$0x3F9E] =	sst s7  }
0x10: {  	[smem:$0x3F9F] =	sst s8  }
0x11: {  	[smem:$0x3FA0] =	sst s9;
	s0 =	simm.s32 @!p0 $0x0  }
0x12: {  	s1 =	sld [smem:$0x3F86];
	s0 =	simm.s32 @p0 $0x1  }
0x13: {  	[smem:$0x3FA1] =	sst s0;
	s0 =	simm.s32 @!p1 $0x0  }
0x14: {  	s2 =	sld [smem:$0x3F85];
	s0 =	simm.s32 @p1 $0x1  }
0x15: {  	[smem:$0x3FA2] =	sst s0;
	s0 =	simm.s32 @!p2 $0x0  }
0x16: {  	s3 =	sld [smem:$0x3FDB];
	s0 =	simm.s32 @p2 $0x1  }
0x17: {  	s4 =	simm.s32 $0x1BF5;
	[smem:$0x3FA4] =	sst s0  }
0x18: {  	s0 =	sld [smem:$0x3F87];
	_ =	swait.ge [sflag:s4], $0x0  }
0x19: {  	s7 =	sld [smem:$0x3F88]  }
0x1a: {  	s8 =	sadd.s32 $0xFFFFE003, lr  }
0x1b: {  	s9 =	sadd.s32 $0xFFFFFEF7, lr;
	s5 =	simm.s32 $0xFFFFFFFF;
	p2 =	slt.u32 s8, $0xFFFFF086  }
0x1c: {  	p1 =	slt.u32 s9, $0xF7A;
	s5 =	simm.s32 @!p2 $0x0  }
0x1d: {  	s5 =	simm.s32 @p1 $0x1;
	p0 =	seq.s32 s7, s2  }
0x1e: {  	s7 =	smul.u32 @!p0 $0xF7A, s2;
	p2 =	seq.s32 @!p0 s5, $0x0  }
0x1f: {  	s9 =	smul.u32 $0xF7A, s1;
	s8 =	simm.s32 @!p0 $0x1BF5;
	p2 =	por !p2, p0  }
0x20: {  	[sflag:s8] =	ssyncset.s32 @!p0 $0xFFFFF086;
	s6 =	sadd.s32 @!p0 s3, s7;
	s7 =	simm.s32 @!p0 $0x108  }
0x21: {  	s3 =	sadd.s32 s3, s9;
	s6 =	sadd.s32 @!p0 $0x88, s6;
	s7 =	simm.s32 @p2 $0x1082  }
0x22: {  	[simem:s7], [sflag:s8] =	dma.local @!p0 [hbm:s6], $0xF7A  }
0x23: {  	s9 =	sor.u32 $0xD0000000, s2;
	s6 =	simm.s32 $0x108;
	_ =	swait.ge @!p0 [sflag:s8], $0x0  }
0x24: {  	s3 =	sadd.s32 $0x88, s3;
	s6 =	simm.s32 @!p1 $0x1082;
	[sflag:s4] =	ssyncset.s32 $0xFFFFF086  }
0x25: {  	[simem:s6], [sflag:s4] =	dma.local [hbm:s3], $0xF7A  }
0x26: {  	[smem:$0x3F88] =	sst s1;
	(tag) =	ssettag s2;
	_ =	strace s9  }
0x27: {  	s1 =	sld [smem:$0x3F98]  }
0x28: {  	s2 =	sld [smem:$0x3F99]  }
0x29: {  	s4 =	sld [smem:$0x3F9B]  }
0x2a: {  	p0 =	seq.s32 s5, $0x0;
	s5 =	sld [smem:$0x3F9C]  }
0x2b: {  	s6 =	sld [smem:$0x3F9D]  }
0x2c: {  	s7 =	sld [smem:$0x3F9E]  }
0x2d: {  	s3 =	simm.s32 $0x108;
	s8 =	sld [smem:$0x3F9F]  }
0x2e: {  	s3 =	simm.s32 @!p0 $0x1082;
	s9 =	sld [smem:$0x3FA0]  }
0x2f: {  	lr =	sadd.s32 s0, s3;
	s0 =	sld [smem:$0x3F97]  }
0x30: {  	s3 =	sld [smem:$0x3F9A]  }
0x31: {  	[smem:$0x3FA3] =	sst s10  }
0x32: {  	s10 =	sld [smem:$0x3FA1];
	_ =	sdelay $0x3  }
0x33: {  	p0 =	seq.s32 s10, $0x1;
	s10 =	sld [smem:$0x3FA3];
	_ =	sdelay $0x3  }
0x34: {  	[smem:$0x3FA3] =	sst s10  }
0x35: {  	s10 =	sld [smem:$0x3FA2];
	_ =	sdelay $0x3  }
0x36: {  	p1 =	seq.s32 s10, $0x1;
	s10 =	sld [smem:$0x3FA3];
	_ =	sdelay $0x3  }
0x37: {  	[smem:$0x3FA3] =	sst s10  }
0x38: {  	s10 =	sld [smem:$0x3FA4]  }
0x39: {  	_ = 	snop;
	(pc) =	sbr.ind lr, $3  }
0x3a: {  	_ = 	snop  }
0x3b: {  	_ = 	snop  }
0x3c: {  	p2 =	seq.s32 s10, $0x1;
	s10 =	sld [smem:$0x3FA3]  }
0x3d: {  	_ =	shalt  }
0x3e: {  	_ =	shalt  }
0x3f: {  	_ =	shalt  }
0x40: {  	_ =	shalt  }
0x41: {  	_ =	shalt  }
0x42: {  	_ =	shalt  }
0x43: {  	_ =	shalt  }
0x44: {  	_ =	shalt  }
0x45: {  	_ =	shalt  }
0x46: {  	_ =	shalt  }
0x47: {  	_ =	shalt  }
0x48: {  	_ =	shalt  }
0x49: {  	_ =	shalt  }
0x4a: {  	_ =	shalt  }
0x4b: {  	_ =	shalt  }
0x4c: {  	_ =	shalt  }
0x4d: {  	_ =	shalt  }
0x4e: {  	_ =	shalt  }
0x4f: {  	_ =	shalt  }
0x50: {  	_ =	shalt  }
0x51: {  	_ =	shalt  }
0x52: {  	_ =	shalt  }
0x53: {  	_ =	shalt  }
0x54: {  	_ =	shalt  }
0x55: {  	_ =	shalt  }
0x56: {  	_ =	shalt  }
0x57: {  	_ =	shalt  }
0x58: {  	_ =	shalt  }
0x59: {  	_ =	shalt  }
0x5a: {  	_ =	shalt  }
0x5b: {  	_ =	shalt  }
0x5c: {  	_ =	shalt  }
0x5d: {  	_ =	shalt  }
0x5e: {  	_ =	shalt  }
0x5f: {  	_ =	shalt  }
0x60: {  	_ =	shalt  }
0x61: {  	_ =	shalt  }
0x62: {  	_ =	shalt  }
0x63: {  	_ =	shalt  }
0x64: {  	_ =	shalt  }
0x65: {  	_ =	shalt  }
0x66: {  	_ =	shalt  }
0x67: {  	_ =	shalt  }
0x68: {  	_ =	shalt  }
0x69: {  	_ =	shalt  }
0x6a: {  	_ =	shalt  }
0x6b: {  	_ =	shalt  }
0x6c: {  	_ =	shalt  }
0x6d: {  	_ =	shalt  }
0x6e: {  	_ =	shalt  }
0x6f: {  	_ =	shalt  }
0x70: {  	_ =	shalt  }
0x71: {  	_ =	shalt  }
0x72: {  	_ =	shalt  }
0x73: {  	_ =	shalt  }
0x74: {  	_ =	shalt  }
0x75: {  	_ =	shalt  }
0x76: {  	_ =	shalt  }
0x77: {  	_ =	shalt  }
0x78: {  	_ =	shalt  }
0x79: {  	_ =	shalt  }
0x7a: {  	_ =	shalt  }
0x7b: {  	_ =	shalt  }
0x7c: {  	_ =	shalt  }
0x7d: {  	_ =	shalt  }
0x7e: {  	_ =	shalt  }
0x7f: {  	_ =	shalt  }
0x80: {  	_ =	shalt  }
0x81: {  	_ =	shalt  }
0x82: {  	_ =	shalt  }
0x83: {  	_ =	shalt  }
0x84: {  	_ =	shalt  }
0x85: {  	_ =	shalt  }
0x86: {  	_ =	shalt  }
0x87: {  	_ =	shalt  }
.Lfunc_end0:
.L_simem_size_0:
called_computation_lowered:
.L_overlay_start_0:
0x88: {  	s2 =	sld [smem:$0x3FD9]  }
0x89: {  	s3 =	sld [smem:$0x3FFE];
	_ =	sdelay $0x1  }
0x8a: {  	s1 =	srdreg.scid  }
0x8b: {  	s0 =	sand.u32 $0x1, s1  }
0x8c: {  	s17 =	sshll.u32 s0, $0xA;
	s2 =	sadd.s32 s3, s2  }
0x8d: {  	s2 =	sadd.s32 s2, s17  }
0x8e: {  	[smem:$0x3FAF] =	sst s2  }
0x8f: {  	_ = 	snop  }
0x90: {  	s2 =	sld [smem:$0x3FC9];
	(tm) =	ssettm $0x1  }
0x91: {  	s18 =	sld [smem:$0x3FFB];
	_ =	sdelay $0x3  }
0x92: {  	_ =	strace s18  }
0x93: {  	s3 =	sld [smem:$0x3FFC];
	_ =	sdelay $0x3  }
0x94: {  	_ =	strace s3  }
0x95: {  	s3 =	sld [smem:$0x3FFD];
	_ =	sdelay $0x3  }
0x96: {  	_ =	strace s3  }
0x97: {  	_ =	strace $0x8FFFFFFF  }
0x98: {  	s19 =	sld [smem:$0x3FDB];
	_ =	sdelay $0x1  }
0x99: {  	s4 =	simm.s32 $_scs_section_size  }
0x9a: {  	s5 =	simm.s32 $_size__tile_overlayer_lowered;
	s6 =	simm.s32 $_tile_overlayer_lowered  }
0x9b: {  	s22 =	simm.s32 $0x1BFF;
	s21 =	sshll.u32 s6, $0x1;
	s3 =	sadd.s32 s4, s19  }
0x9c: {  	s7 =	simm.s32 $0x0;
	s20 =	sshll.u32 s5, $0x1;
	s5 =	sadd.s32 s21, s3  }
0x9d: {  	[timem:s7], [sflag:s22] =	dma.local [hbm:s5], s20  }
0x9e: {  	_ =	swait.ge [sflag:s22], s20  }
0x9f: {  	s4 =	ssub.s32 $0x0, s20;
	[sflag:s22] =	ssyncset.done $0x0  }
0xa0: {  	[sflag:s22] =	ssyncadd.s32 s4;
	_ =	sdelay $0x1  }
0xa1: {  	s23 =	simm.s32 $0x1B8B  }
0xa2: {  	_ =	swait.ge [sflag:s23], $0x1  }
0xa3: {  	[sflag:s23] =	ssyncset.done $0x0  }
0xa4: {  	s25 =	simm.s32 $0x1B8E;
	s24 =	sld [smem:$0x3FFE];
	[sflag:s23] =	ssyncadd.s32 $0xFFFFFFFF  }
0xa5: {  	s26 =	simm.s32 $execute0_lowered;
	[smem:$0x3FD2] =	sst s25  }
0xa6: {  	s5 =	sshll.u32 s26, $0x1;
	_ =	strace $0x80000046;
	[dreg:$0x1] =	wrdreg $0xFFFFFFFF  }
0xa7: {  	s28 =	simm.s32 $_size_execute0_lowered;
	s3 =	sadd.s32 s3, s5;
	[dreg:$0x0] =	wrdreg $0x0  }
0xa8: {  	s5 =	sshll.u32 s28, $0x1;
	[dreg:$0x2] =	wrdreg s3  }
0xa9: {  	[dreg:$0x3] =	wrdreg s5  }
0xaa: {  	[dreg:$0x4] =	wrdreg $0xC0  }
0xab: {  	_ =	task [dreg:s7], $0x5FFFF  }
0xac: {  	[dreg:$0x1] =	wrdreg $0xFFFFFFFF  }
0xad: {  	[dreg:$0x0] =	wrdreg $0x60  }
0xae: {  	[dreg:$0x2] =	wrdreg s2  }
0xaf: {  	[dreg:$0x3] =	wrdreg s24  }
0xb0: {  	[dreg:$0x4] =	wrdreg $0xBA000  }
0xb1: {  	[dreg:$0x5] =	wrdreg $0x9  }
0xb2: {  	_ =	task.clear_ibuf [dreg:s7], $0x6FFFF;
	_ =	strace $0x90000046  }
0xb3: {  	s29 =	simm.s32 $0x9;
	_ =	strace $0x80000048  }
0xb4: {  	_ =	swait.ge [sflag:s29], $0x1  }
0xb5: {  	[sflag:s29] =	ssyncadd.s32 $0xFFFFFFFF  }
0xb6: {  	_ =	strace $0x90000048  }
0xb7: {  	_ =	sfence  }
0xb8: {  	s30 =	sld [smem:$0x0];
	_ =	sdelay $0x2  }
0xb9: {  	s31 =	sshll.u32 s1, $0xD;
	s1 =	sshrl.u32 s1, $0x2  }
0xba: {  	s3 =	sand.u32 $0x4000, s31;
	s1 =	sadd.s32 s1, s30  }
0xbb: {  	s0 =	sor.u32 s3, s0;
	s1 =	sshll.u32 s1, $0x11  }
0xbc: {  	s0 =	sor.u32 s1, s0  }
0xbd: {  	s0 =	sadd.s32 $0x8F2B, s0  }
0xbe: {  	[sflag:s0] =	ssyncadd.remote.s32 $0x1  }
0xbf: {  	_ =	sfence.sel $0xFFFF  }
0xc0: {  	[dreg:$0x0] =	wrdreg $0xFFFFFFFF;
	(pc) =	sbr.abs _section_cstart, $3  }
0xc1: {  	[dreg:$0x1] =	wrdreg $0xFFFFFFFF  }
0xc2: {  	_ =	task.clear_ibuf [dreg:s7], $0x2FFFF;
	_ =	strace $0x9FFFFFFF  }
0xc3: {  	(tm) =	ssettm $0x7FFFFFFF  }
tec
execute0_lowered:
.L_overlay_start_1:
0x0: {  	(tag) =	ssettag $0x1  }
0x1: {  	s0 =	rddreg [dreg:$0x0]  }
0x2: {  	s2 =	rddreg [dreg:$0x1]  }
0x3: {  	s1 =	srdreg.scid;
	s3 =	rddreg [dreg:$0x2]  }
0x4: {  	s9 =	stileid.u32;
	s4 =	simm.s32 $0x0;
	s11 =	simm.s32 $0x70  }
0x5: {  	s19 =	simm.s32 $0x3;
	s20 =	simm.s32 $0x3A00;
	s7 =	smul.u32 $0x4F000, s9  }
0x6: {  	s1 =	sand.u32 $0x1, s1;
	[smem:$0x7FF] =	sst s4;
	s12 =	smul.u32 $0x13C00, s9  }
0x7: {  	s5 =	sshll.u32 s1, $0x4;
	_ =	strace $0x80000047;
	s6 =	ssub.s32 $0x2, s1  }
0x8: {  	s17 =	smul.u32 $0x13C000, s1;
	p0 =	seq.s32 s1, $0x0;
	s5 =	sor.u32 s9, s5  }
0x9: {  	s8 =	sshrl.u32 s6, $0x1;
	s21 =	sshrl.u32 s7, $0x2;
	s22 =	sadd.s32 $0x4000, s12  }
0xa: {  	s14 =	sadd.s32 $0x8000, s12;
	s15 =	sadd.s32 $0xC000, s12;
	s16 =	sadd.s32 $0x10000, s12  }
0xb: {  	s11 =	simm.s32 @!p0 $0x2D;
	s5 =	smul.u32 $0x700, s5;
	s13 =	ssub.s32 s6, s8  }
0xc: {  	s6 =	sadd.s32 s21, s3;
	s7 =	sadd.s32 s22, s3;
	s8 =	sadd.s32 s14, s3  }
0xd: {  	s9 =	sadd.s32 s15, s3;
	s10 =	sadd.s32 s16, s3;
	s23 =	sadd.s32 s12, s17  }
0xe: {  	s24 =	sadd.s32 $0x1, s11;
	s26 =	sadd.s32 s17, s14;
	s28 =	sadd.s32 s17, s15  }
0xf: {  	s29 =	sadd.s32 s17, s16;
	s21 =	simm.s32 $0x80;
	s1 =	sshrl.u32 s23, $0x3  }
0x10: {  	s30 =	sshrl.u32 s28, $0x3;
	s31 =	sshrl.u32 s29, $0x3;
	s5 =	sadd.s32 s5, s2  }
0x11: {  	s18 =	sand.u32 $0x7E, s24;
	s2 =	sadd.s32 $0x13200, s2;
	s5 =	sadd.s32 $0x5200, s5  }
0x12: {  	s23 =	simm.s32 $0x1;
	s1 =	sadd.s32 s2, s1;
	[dreg:$0x4] =	wrdreg s5  }
0x13: {  	s5 =	sadd.s32 s17, s22;
	[dreg:$0x5] =	wrdreg s1;
	s1 =	sshrl.u32 s26, $0x3  }
0x14: {  	s24 =	simm.s32 $0x3900;
	s5 =	sshrl.u32 s5, $0x3;
	s1 =	sadd.s32 s2, s1  }
0x15: {  	s16 =	sadd.s32 s2, s31;
	s25 =	sadd.s32 s2, s5;
	[dreg:$0x7] =	wrdreg s1  }
0x16: {  	s17 =	smax.u32 s13, $0x1;
	s1 =	sadd.s32 s2, s30;
	[dreg:$0x6] =	wrdreg s25  }
0x17: {  	v0 =	vimm.f32 $0.0e+00;
	s26 =	simm.s32 $0x0;
	[dreg:$0x8] =	wrdreg s1;
	s25 =	simm.s32 $0x4  }
.LBB2_1:
0x18: {  	s1 =	rddreg [dreg:$0x4]  }
0x19: {  	[tilespmem:s4], [sflag:$0x3] =	stream.linear.gather [hbm4b:s1+s4], $0x3800, $0x38;
	[tilespmem:$0x1F600] =	vst v63  }
0x1a: {  	s31 =	sand.u32 $0xFE00, s4;
	s2 =	sand.u32 $0x70, s4;
	_ =	swait.ge [sflag:s19], $0x3800  }
0x1b: {  	s5 =	sshrl.u32 s31, $0x2;
	s1 =	simm.s32 $0x40;
	[sflag:s19] =	ssyncset.done $0x0  }
0x1c: {  	s5 =	sor.u32 s2, s5;
	s2 =	simm.s32 $0x0;
	[sflag:s19] =	ssyncadd.s32 $0xFFFFC800  }
.LBB2_2:
0x1d: {  	p0 =	sne.s32 s1, $0xFFC0  }
0x1e: {  	[tilespmem:s5+$0x3A00] =	vst v0;
	s2 =	sadd.s32 $0x10, s2;
	s5 =	smov.u32 s1;
	s1 =	sadd.s32 $0x40, s1  }
.Ltmp0:
0x1f: {  	(pc) =	sbr.rel @p0 .LBB2_2-.Ltmp0, $4  }
0x20: {  	_ = 	snop  }
0x21: {  	s5 =	sand.u32 $0xFE00, s5  }
0x22: {  	s12 =	sand.u32 $0x70, s2;
	s5 =	sshrl.u32 s5, $0x2  }
0x23: {  	s5 =	sor.u32 s12, s5  }
0x24: {  	[tilespmem:s5+$0x3A00] =	vst v0  }
0x25: {  	[spmem:s6] =	stream.linear.scatter [tilespmem:s20], [sflag:$0x3], $0x4000, $0x38;
	[tilespmem:$0x1F600] =	vst v63  }
0x26: {  	_ =	swait.ge [sflag:s19], $0x4000  }
0x27: {  	[sflag:s19] =	ssyncset.done $0x0  }
0x28: {  	[sflag:s19] =	ssyncadd.s32 $0xFFFFC000  }
0x29: {  	[spmem:s7] =	stream.linear.scatter [tilespmem:s20], [sflag:$0x3], $0x4000, $0x38;
	[tilespmem:$0x1F600] =	vst v63  }
0x2a: {  	_ =	swait.ge [sflag:s19], $0x4000  }
0x2b: {  	[sflag:s19] =	ssyncset.done $0x0  }
0x2c: {  	[sflag:s19] =	ssyncadd.s32 $0xFFFFC000  }
0x2d: {  	[spmem:s8] =	stream.linear.scatter [tilespmem:s20], [sflag:$0x3], $0x4000, $0x38;
	[tilespmem:$0x1F600] =	vst v63  }
0x2e: {  	_ =	swait.ge [sflag:s19], $0x4000  }
0x2f: {  	[sflag:s19] =	ssyncset.done $0x0  }
0x30: {  	[sflag:s19] =	ssyncadd.s32 $0xFFFFC000  }
0x31: {  	[spmem:s9] =	stream.linear.scatter [tilespmem:s20], [sflag:$0x3], $0x4000, $0x38;
	[tilespmem:$0x1F600] =	vst v63  }
0x32: {  	_ =	swait.ge [sflag:s19], $0x4000  }
0x33: {  	[sflag:s19] =	ssyncset.done $0x0  }
0x34: {  	[sflag:s19] =	ssyncadd.s32 $0xFFFFC000  }
0x35: {  	[spmem:s10] =	stream.linear.scatter [tilespmem:s20], [sflag:$0x3], $0x3C00, $0x38;
	[tilespmem:$0x1F600] =	vst v63  }
0x36: {  	_ =	swait.ge [sflag:s19], $0x3C00  }
0x37: {  	[sflag:s19] =	ssyncset.done $0x0  }
0x38: {  	[sflag:s19] =	ssyncadd.s32 $0xFFFFC400  }
0x39: {  	[bflag:$0x0] =	sbarrier.arrive $0xFFFF  }
0x3a: {  	v1 =	vld [tilespmem:$0x0];
	_ =	sdelay $0x1  }
0x3b: {  	v2 =	vld [tilespmem:$0x10];
	_ =	sdelay $0x1  }
0x3c: {  	v3 =	vld [tilespmem:$0x20]  }
0x3d: {  	v4 =	vshrl.u32 v1, $0xE  }
0x3e: {  	v62 =	vld [tilespmem:$0x30];
	v1 =	vand.u32 $0x3FFF, v1;
	[tilespmem:$0x3800] =	vst v4  }
0x3f: {  	[tilespmem:$0x3900] =	vst v1;
	v1 =	vshrl.u32 v2, $0xE  }
0x40: {  	[tilespmem:$0x3810] =	vst v1;
	v1 =	vand.u32 $0x3FFF, v2;
	v2 =	vld [tilespmem:$0x40]  }
0x41: {  	[tilespmem:$0x3910] =	vst v1;
	v1 =	vshrl.u32 v3, $0xE  }
0x42: {  	[tilespmem:$0x3820] =	vst v1;
	v1 =	vand.u32 $0x3FFF, v3;
	v3 =	vld [tilespmem:$0x50]  }
0x43: {  	[tilespmem:$0x3920] =	vst v1;
	v1 =	vshrl.u32 v62, $0xE  }
0x44: {  	v63 =	vld [tilespmem:$0x60];
	[tilespmem:$0x3830] =	vst v1;
	v1 =	vand.u32 $0x3FFF, v62  }
0x45: {  	[tilespmem:$0x3930] =	vst v1;
	v1 =	vshrl.u32 v2, $0xE  }
0x46: {  	[tilespmem:$0x3840] =	vst v1;
	v1 =	vand.u32 $0x3FFF, v2;
	v2 =	vld [tilespmem:$0x70]  }
0x47: {  	[tilespmem:$0x3940] =	vst v1;
	v1 =	vshrl.u32 v3, $0xE  }
0x48: {  	[tilespmem:$0x3850] =	vst v1;
	v1 =	vand.u32 $0x3FFF, v3  }
0x49: {  	[tilespmem:$0x3950] =	vst v1;
	v1 =	vshrl.u32 v63, $0xE  }
0x4a: {  	[tilespmem:$0x3860] =	vst v1;
	v1 =	vand.u32 $0x3FFF, v63  }
0x4b: {  	[tilespmem:$0x3960] =	vst v1;
	v1 =	vshrl.u32 v2, $0xE  }
0x4c: {  	[tilespmem:$0x3870] =	vst v1;
	v1 =	vand.u32 $0x3FFF, v2  }
0x4d: {  	s1 =	simm.s32 $0x3800;
	s28 =	simm.s32 $0xC0;
	p0 =	sle.u32 s11, $0x1;
	[tilespmem:$0x3970] =	vst v1  }
0x4e: {  	[tilespmem:s20], [sflag:$0x1] =	stream.indirect.gather [hbm4b:s0+s21], $0x80, s1, s21, $0xb8;
	[tilespmem:$0x1F600] =	vst v63  }
0x4f: {  	v1 =	vld @!p0 [tilespmem:s28+$0xFFFFFFC0];
	_ =	sdelay $0x4  }
0x50: {  	v2 =	vshrl.u32 @!p0 v1, $0xE  }
0x51: {  	v1 =	vand.u32 @!p0 $0x3FFF, v1;
	[tilespmem:$0x3880] =	vst @!p0 v2  }
0x52: {  	[tilespmem:$0x3980] =	vst @!p0 v1  }
0x53: {  	v1 =	vld @!p0 [tilespmem:s28+$0xFFFFFFD0];
	_ =	sdelay $0x4  }
0x54: {  	v2 =	vshrl.u32 @!p0 v1, $0xE  }
0x55: {  	v1 =	vand.u32 @!p0 $0x3FFF, v1;
	[tilespmem:$0x3890] =	vst @!p0 v2  }
0x56: {  	[tilespmem:$0x3990] =	vst @!p0 v1  }
0x57: {  	v1 =	vld @!p0 [tilespmem:s28+$0xFFFFFFE0];
	_ =	sdelay $0x4  }
0x58: {  	v2 =	vshrl.u32 @!p0 v1, $0xE  }
0x59: {  	v1 =	vand.u32 @!p0 $0x3FFF, v1;
	[tilespmem:$0x38A0] =	vst @!p0 v2  }
0x5a: {  	[tilespmem:$0x39A0] =	vst @!p0 v1  }
0x5b: {  	v1 =	vld @!p0 [tilespmem:s28+$0xFFFFFFF0];
	_ =	sdelay $0x4  }
0x5c: {  	v2 =	vshrl.u32 @!p0 v1, $0xE  }
0x5d: {  	v1 =	vand.u32 @!p0 $0x3FFF, v1;
	[tilespmem:$0x38B0] =	vst @!p0 v2  }
0x5e: {  	[tilespmem:$0x39B0] =	vst @!p0 v1  }
0x5f: {  	v1 =	vld @!p0 [tilespmem:s28+$0x0];
	_ =	sdelay $0x4  }
0x60: {  	v2 =	vshrl.u32 @!p0 v1, $0xE  }
0x61: {  	v1 =	vand.u32 @!p0 $0x3FFF, v1;
	[tilespmem:$0x38C0] =	vst @!p0 v2  }
0x62: {  	[tilespmem:$0x39C0] =	vst @!p0 v1  }
0x63: {  	v1 =	vld @!p0 [tilespmem:s28+$0x10];
	_ =	sdelay $0x4  }
0x64: {  	v2 =	vshrl.u32 @!p0 v1, $0xE  }
0x65: {  	v1 =	vand.u32 @!p0 $0x3FFF, v1;
	[tilespmem:$0x38D0] =	vst @!p0 v2  }
0x66: {  	[tilespmem:$0x39D0] =	vst @!p0 v1  }
0x67: {  	v1 =	vld @!p0 [tilespmem:s28+$0x20];
	_ =	sdelay $0x4  }
0x68: {  	v2 =	vshrl.u32 @!p0 v1, $0xE  }
0x69: {  	v1 =	vand.u32 @!p0 $0x3FFF, v1;
	[tilespmem:$0x38E0] =	vst @!p0 v2  }
0x6a: {  	[tilespmem:$0x39E0] =	vst @!p0 v1  }
0x6b: {  	v1 =	vld @!p0 [tilespmem:s28+$0x30];
	_ =	sdelay $0x4  }
0x6c: {  	v2 =	vshrl.u32 @!p0 v1, $0xE  }
0x6d: {  	v1 =	vand.u32 @!p0 $0x3FFF, v1;
	[tilespmem:$0x38F0] =	vst @!p0 v2  }
0x6e: {  	s31 =	simm.s32 @!p0 $0x80;
	s2 =	simm.s32 @!p0 $0x3880;
	s1 =	simm.s32 @!p0 $0x7A00;
	[tilespmem:$0x39F0] =	vst @!p0 v1  }
0x6f: {  	[tilespmem:s1], [sflag:$0x2] =	stream.indirect.gather @!p0 [hbm4b:s0+s31], $0x80, s2, s31, $0xb8;
	[tilespmem:$0x1F600] =	vst v63  }
0x70: {  	_ =	swait.ge [sflag:s23], $0x4000  }
0x71: {  	[sflag:s23] =	ssyncset.done $0x0  }
0x72: {  	[sflag:s23] =	ssyncadd.s32 $0xFFFFC000  }
0x73: {  	[spmem:s3] =	stream.indirect.scatter.add.f32 [tilespmem:s20], [sflag:$0x4], $0x80, s24, s21, $0xb8;
	[tilespmem:$0x1F600] =	vst v63  }
0x74: {  	_ =	swait.ge [sflag:s25], $0x4000  }
0x75: {  	[sflag:s25] =	ssyncset.done $0x0  }
0x76: {  	p2 =	sle.u32 s11, $0x2;
	[sflag:s25] =	ssyncadd.s32 $0xFFFFC000  }
0x77: {  	v1 =	vld @!p2 [tilespmem:s28+$0x40];
	_ =	sdelay $0x4  }
0x78: {  	v2 =	vshrl.u32 @!p2 v1, $0xE  }
0x79: {  	v1 =	vand.u32 @!p2 $0x3FFF, v1;
	[tilespmem:$0x3800] =	vst @!p2 v2  }
0x7a: {  	[tilespmem:$0x3900] =	vst @!p2 v1  }
0x7b: {  	v1 =	vld @!p2 [tilespmem:s28+$0x50];
	_ =	sdelay $0x4  }
0x7c: {  	v2 =	vshrl.u32 @!p2 v1, $0xE  }
0x7d: {  	v1 =	vand.u32 @!p2 $0x3FFF, v1;
	[tilespmem:$0x3810] =	vst @!p2 v2  }
0x7e: {  	[tilespmem:$0x3910] =	vst @!p2 v1  }
0x7f: {  	v1 =	vld @!p2 [tilespmem:s28+$0x60];
	_ =	sdelay $0x4  }
0x80: {  	v2 =	vshrl.u32 @!p2 v1, $0xE  }
0x81: {  	v1 =	vand.u32 @!p2 $0x3FFF, v1;
	[tilespmem:$0x3820] =	vst @!p2 v2  }
0x82: {  	[tilespmem:$0x3920] =	vst @!p2 v1  }
0x83: {  	v1 =	vld @!p2 [tilespmem:s28+$0x70];
	_ =	sdelay $0x4  }
0x84: {  	v2 =	vshrl.u32 @!p2 v1, $0xE  }
0x85: {  	v1 =	vand.u32 @!p2 $0x3FFF, v1;
	[tilespmem:$0x3830] =	vst @!p2 v2  }
0x86: {  	[tilespmem:$0x3930] =	vst @!p2 v1  }
0x87: {  	v1 =	vld @!p2 [tilespmem:s28+$0x80];
	_ =	sdelay $0x4  }
0x88: {  	v2 =	vshrl.u32 @!p2 v1, $0xE  }
0x89: {  	v1 =	vand.u32 @!p2 $0x3FFF, v1;
	[tilespmem:$0x3840] =	vst @!p2 v2  }
0x8a: {  	[tilespmem:$0x3940] =	vst @!p2 v1  }
0x8b: {  	v1 =	vld @!p2 [tilespmem:s28+$0x90];
	_ =	sdelay $0x4  }
0x8c: {  	v2 =	vshrl.u32 @!p2 v1, $0xE  }
0x8d: {  	v1 =	vand.u32 @!p2 $0x3FFF, v1;
	[tilespmem:$0x3850] =	vst @!p2 v2  }
0x8e: {  	[tilespmem:$0x3950] =	vst @!p2 v1  }
0x8f: {  	v1 =	vld @!p2 [tilespmem:s28+$0xA0]  }
0x90: {  	p1 =	sne.s32 s18, $0x2  }
.Ltmp1:
0x91: {  	_ = 	snop;
	(pc) =	sbr.rel @!p1 .LBB2_5-.Ltmp1, $4  }
0x92: {  	_ = 	snop  }
0x93: {  	s29 =	simm.s32 $0x2;
	s30 =	simm.s32 $0xC0  }
0x94: {  	s5 =	simm.s32 @!p2 $0x80;
	s12 =	simm.s32 @!p2 $0x3800;
	s14 =	simm.s32 @!p2 $0x3A00;
	v2 =	vshrl.u32 @!p2 v1, $0xE  }
0x95: {  	s13 =	simm.s32 @!p0 $0x3980;
	s22 =	simm.s32 @!p0 $0x3;
	s2 =	simm.s32 @!p0 $0x2;
	v1 =	vand.u32 @!p2 $0x3FFF, v1;
	[tilespmem:$0x3860] =	vst @!p2 v2  }
.LBB2_4:
0x96: {  	[tilespmem:$0x3960] =	vst @!p2 v1;
	s30 =	sadd.s32 $0x100, s30;
	s15 =	smov.u32 s29;
	s29 =	sadd.s32 $0x2, s29  }
0x97: {  	p1 =	sne.s32 s18, s29;
	v1 =	vld @!p2 [tilespmem:s28+$0xB0];
	s28 =	smov.u32 s30;
	_ =	sdelay $0x4  }
0x98: {  	v2 =	vshrl.u32 @!p2 v1, $0xE;
	v1 =	vand.u32 @!p2 $0x3FFF, v1  }
0x99: {  	[tilespmem:$0x3870] =	vst @!p2 v2  }
0x9a: {  	[tilespmem:$0x3970] =	vst @!p2 v1  }
0x9b: {  	[tilespmem:s14], [sflag:$0x1] =	stream.indirect.gather @!p2 [hbm4b:s0+s5], $0x80, s12, s5, $0xb8;
	[tilespmem:$0x1F600] =	vst v63  }
0x9c: {  	_ =	swait.ge @!p0 [sflag:s2], $0x4000  }
0x9d: {  	[sflag:s2] =	ssyncset.done @!p0 $0x0  }
0x9e: {  	[sflag:s2] =	ssyncadd.s32 @!p0 $0xFFFFC000  }
0x9f: {  	[spmem:s3] =	stream.indirect.scatter.add.f32 @!p0 [tilespmem:s1], [sflag:$0x3], $0x80, s13, s31, $0xb8;
	[tilespmem:$0x1F600] =	vst v63  }
0xa0: {  	_ =	swait.ge @!p0 [sflag:s22], $0x4000  }
0xa1: {  	s1 =	sadd.s32 $0x1, s15;
	[sflag:s22] =	ssyncset.done @!p0 $0x0  }
0xa2: {  	[sflag:s22] =	ssyncadd.s32 @!p0 $0xFFFFC000;
	p0 =	sge.u32 s1, s11  }
0xa3: {  	v1 =	vld @!p0 [tilespmem:s30+$0xFFFFFFC0];
	_ =	sdelay $0x4  }
0xa4: {  	v2 =	vshrl.u32 @!p0 v1, $0xE;
	v1 =	vand.u32 @!p0 $0x3FFF, v1  }
0xa5: {  	[tilespmem:$0x3880] =	vst @!p0 v2  }
0xa6: {  	[tilespmem:$0x3980] =	vst @!p0 v1  }
0xa7: {  	v1 =	vld @!p0 [tilespmem:s30+$0xFFFFFFD0];
	_ =	sdelay $0x4  }
0xa8: {  	v2 =	vshrl.u32 @!p0 v1, $0xE;
	v1 =	vand.u32 @!p0 $0x3FFF, v1  }
0xa9: {  	[tilespmem:$0x3890] =	vst @!p0 v2  }
0xaa: {  	[tilespmem:$0x3990] =	vst @!p0 v1  }
0xab: {  	v1 =	vld @!p0 [tilespmem:s30+$0xFFFFFFE0];
	_ =	sdelay $0x4  }
0xac: {  	v2 =	vshrl.u32 @!p0 v1, $0xE;
	v1 =	vand.u32 @!p0 $0x3FFF, v1  }
0xad: {  	[tilespmem:$0x38A0] =	vst @!p0 v2  }
0xae: {  	[tilespmem:$0x39A0] =	vst @!p0 v1  }
0xaf: {  	v1 =	vld @!p0 [tilespmem:s30+$0xFFFFFFF0];
	_ =	sdelay $0x4  }
0xb0: {  	v2 =	vshrl.u32 @!p0 v1, $0xE;
	v1 =	vand.u32 @!p0 $0x3FFF, v1  }
0xb1: {  	[tilespmem:$0x38B0] =	vst @!p0 v2  }
0xb2: {  	[tilespmem:$0x39B0] =	vst @!p0 v1  }
0xb3: {  	v1 =	vld @!p0 [tilespmem:s30+$0x0];
	_ =	sdelay $0x4  }
0xb4: {  	v2 =	vshrl.u32 @!p0 v1, $0xE;
	v1 =	vand.u32 @!p0 $0x3FFF, v1  }
0xb5: {  	[tilespmem:$0x38C0] =	vst @!p0 v2  }
0xb6: {  	[tilespmem:$0x39C0] =	vst @!p0 v1  }
0xb7: {  	v1 =	vld @!p0 [tilespmem:s30+$0x10];
	_ =	sdelay $0x4  }
0xb8: {  	v2 =	vshrl.u32 @!p0 v1, $0xE;
	v1 =	vand.u32 @!p0 $0x3FFF, v1  }
0xb9: {  	[tilespmem:$0x38D0] =	vst @!p0 v2  }
0xba: {  	[tilespmem:$0x39D0] =	vst @!p0 v1  }
0xbb: {  	v1 =	vld @!p0 [tilespmem:s30+$0x20];
	_ =	sdelay $0x4  }
0xbc: {  	v2 =	vshrl.u32 @!p0 v1, $0xE;
	v1 =	vand.u32 @!p0 $0x3FFF, v1  }
0xbd: {  	[tilespmem:$0x38E0] =	vst @!p0 v2  }
0xbe: {  	s31 =	simm.s32 @!p0 $0x80;
	s2 =	simm.s32 @!p0 $0x3880;
	s1 =	simm.s32 @!p0 $0x7A00;
	[tilespmem:$0x39E0] =	vst @!p0 v1  }
0xbf: {  	v1 =	vld @!p0 [tilespmem:s30+$0x30];
	_ =	sdelay $0x4  }
0xc0: {  	v2 =	vshrl.u32 @!p0 v1, $0xE;
	v1 =	vand.u32 @!p0 $0x3FFF, v1  }
0xc1: {  	[tilespmem:$0x38F0] =	vst @!p0 v2  }
0xc2: {  	[tilespmem:$0x39F0] =	vst @!p0 v1  }
0xc3: {  	[tilespmem:s1], [sflag:$0x2] =	stream.indirect.gather @!p0 [hbm4b:s0+s31], $0x80, s2, s31, $0xb8;
	[tilespmem:$0x1F600] =	vst v63  }
0xc4: {  	_ =	swait.ge [sflag:s23], $0x4000  }
0xc5: {  	[sflag:s23] =	ssyncset.done $0x0  }
0xc6: {  	[sflag:s23] =	ssyncadd.s32 $0xFFFFC000  }
0xc7: {  	[spmem:s3] =	stream.indirect.scatter.add.f32 [tilespmem:s20], [sflag:$0x4], $0x80, s24, s21, $0xb8;
	[tilespmem:$0x1F600] =	vst v63  }
0xc8: {  	_ =	swait.ge [sflag:s25], $0x4000  }
0xc9: {  	[sflag:s25] =	ssyncset.done $0x0  }
0xca: {  	p2 =	sge.u32 s29, s11;
	[sflag:s25] =	ssyncadd.s32 $0xFFFFC000  }
0xcb: {  	v1 =	vld @!p2 [tilespmem:s30+$0x40];
	_ =	sdelay $0x4  }
0xcc: {  	v2 =	vshrl.u32 @!p2 v1, $0xE;
	v1 =	vand.u32 @!p2 $0x3FFF, v1  }
0xcd: {  	[tilespmem:$0x3800] =	vst @!p2 v2  }
0xce: {  	[tilespmem:$0x3900] =	vst @!p2 v1  }
0xcf: {  	v1 =	vld @!p2 [tilespmem:s30+$0x50];
	_ =	sdelay $0x4  }
0xd0: {  	v2 =	vshrl.u32 @!p2 v1, $0xE;
	v1 =	vand.u32 @!p2 $0x3FFF, v1  }
0xd1: {  	[tilespmem:$0x3810] =	vst @!p2 v2  }
0xd2: {  	[tilespmem:$0x3910] =	vst @!p2 v1  }
0xd3: {  	v1 =	vld @!p2 [tilespmem:s30+$0x60];
	_ =	sdelay $0x4  }
0xd4: {  	v2 =	vshrl.u32 @!p2 v1, $0xE;
	v1 =	vand.u32 @!p2 $0x3FFF, v1  }
0xd5: {  	[tilespmem:$0x3820] =	vst @!p2 v2  }
0xd6: {  	[tilespmem:$0x3920] =	vst @!p2 v1  }
0xd7: {  	v1 =	vld @!p2 [tilespmem:s30+$0x70];
	_ =	sdelay $0x4  }
0xd8: {  	v2 =	vshrl.u32 @!p2 v1, $0xE;
	v1 =	vand.u32 @!p2 $0x3FFF, v1  }
0xd9: {  	[tilespmem:$0x3830] =	vst @!p2 v2  }
0xda: {  	[tilespmem:$0x3930] =	vst @!p2 v1  }
0xdb: {  	v1 =	vld @!p2 [tilespmem:s30+$0x80];
	_ =	sdelay $0x4  }
0xdc: {  	v2 =	vshrl.u32 @!p2 v1, $0xE;
	v1 =	vand.u32 @!p2 $0x3FFF, v1  }
0xdd: {  	[tilespmem:$0x3840] =	vst @!p2 v2  }
0xde: {  	[tilespmem:$0x3940] =	vst @!p2 v1  }
0xdf: {  	v1 =	vld @!p2 [tilespmem:s30+$0x90];
	_ =	sdelay $0x4  }
0xe0: {  	v2 =	vshrl.u32 @!p2 v1, $0xE;
	v1 =	vand.u32 @!p2 $0x3FFF, v1  }
0xe1: {  	[tilespmem:$0x3850] =	vst @!p2 v2  }
0xe2: {  	s5 =	simm.s32 @!p2 $0x80;
	s12 =	simm.s32 @!p2 $0x3800;
	s14 =	simm.s32 @!p2 $0x3A00;
	[tilespmem:$0x3950] =	vst @!p2 v1  }
0xe3: {  	s2 =	simm.s32 @!p0 $0x2;
	v1 =	vld @!p2 [tilespmem:s30+$0xA0];
	_ =	sdelay $0x1  }
.Ltmp2:
0xe4: {  	(pc) =	sbr.rel @p1 .LBB2_4-.Ltmp2, $4  }
0xe5: {  	s13 =	simm.s32 @!p0 $0x3980  }
0xe6: {  	s22 =	simm.s32 @!p0 $0x3  }
0xe7: {  	v2 =	vshrl.u32 @!p2 v1, $0xE;
	v1 =	vand.u32 @!p2 $0x3FFF, v1  }
0xe8: {  	[tilespmem:$0x3860] =	vst @!p2 v2  }
.LBB2_5:
0xe9: {  	[tilespmem:$0x3960] =	vst @!p2 v1  }
0xea: {  	v1 =	vld @!p2 [tilespmem:s28+$0xB0];
	_ =	sdelay $0x4  }
0xeb: {  	v2 =	vshrl.u32 @!p2 v1, $0xE  }
0xec: {  	v1 =	vand.u32 @!p2 $0x3FFF, v1;
	[tilespmem:$0x3870] =	vst @!p2 v2  }
0xed: {  	[tilespmem:$0x3970] =	vst @!p2 v1  }
0xee: {  	[tilespmem:s14], [sflag:$0x1] =	stream.indirect.gather @!p2 [hbm4b:s0+s5], $0x80, s12, s5, $0xb8;
	[tilespmem:$0x1F600] =	vst v63  }
0xef: {  	_ =	swait.ge @!p0 [sflag:s2], $0x4000  }
0xf0: {  	[sflag:s2] =	ssyncset.done @!p0 $0x0  }
0xf1: {  	[sflag:s2] =	ssyncadd.s32 @!p0 $0xFFFFC000  }
0xf2: {  	[spmem:s3] =	stream.indirect.scatter.add.f32 @!p0 [tilespmem:s1], [sflag:$0x3], $0x80, s13, s31, $0xb8;
	[tilespmem:$0x1F600] =	vst v63  }
0xf3: {  	_ =	swait.ge @!p0 [sflag:s22], $0x4000  }
0xf4: {  	[sflag:s22] =	ssyncset.done @!p0 $0x0  }
0xf5: {  	s5 =	stileid.u32;
	[sflag:s22] =	ssyncadd.s32 @!p0 $0xFFFFC000  }
0xf6: {  	s1 =	sshll.u32 s5, $0x6;
	[bflag:$0x0] =	sbarrier.arrive $0xFFFF  }
0xf7: {  	s12 =	sshrl.u32 s6, $0x3;
	s1 =	sor.u32 $0x1C03, s1;
	s13 =	rddreg [dreg:$0x5]  }
0xf8: {  	[hbm:s13], [sflag:s1] =	dma.local [spmem:s12], $0x800  }
0xf9: {  	_ =	swait.ge [sflag:s19], $0x800  }
0xfa: {  	[sflag:s19] =	ssyncset.done $0x0  }
0xfb: {  	s14 =	sshrl.u32 s7, $0x3;
	s15 =	rddreg [dreg:$0x6];
	[sflag:s19] =	ssyncadd.s32 $0xFFFFF800  }
0xfc: {  	[hbm:s15], [sflag:s1] =	dma.local [spmem:s14], $0x800  }
0xfd: {  	_ =	swait.ge [sflag:s19], $0x800  }
0xfe: {  	[sflag:s19] =	ssyncset.done $0x0  }
0xff: {  	s22 =	sshrl.u32 s8, $0x3;
	s28 =	rddreg [dreg:$0x7];
	[sflag:s19] =	ssyncadd.s32 $0xFFFFF800  }
0x100: {  	[hbm:s28], [sflag:s1] =	dma.local [spmem:s22], $0x800  }
0x101: {  	_ =	swait.ge [sflag:s19], $0x800  }
0x102: {  	[sflag:s19] =	ssyncset.done $0x0  }
0x103: {  	s29 =	sshrl.u32 s9, $0x3;
	s30 =	rddreg [dreg:$0x8];
	[sflag:s19] =	ssyncadd.s32 $0xFFFFF800  }
0x104: {  	[hbm:s30], [sflag:s1] =	dma.local [spmem:s29], $0x800  }
0x105: {  	s26 =	sadd.s32 $0x1, s26;
	_ =	swait.ge [sflag:s19], $0x800  }
0x106: {  	p0 =	sne.s32 s26, s17;
	[sflag:s19] =	ssyncset.done $0x0  }
.Ltmp3:
0x107: {  	s31 =	sshrl.u32 s10, $0x3;
	[sflag:s19] =	ssyncadd.s32 $0xFFFFF800;
	(pc) =	sbr.rel @p0 .LBB2_1-.Ltmp3, $4  }
0x108: {  	[hbm:s16], [sflag:s1] =	dma.local [spmem:s31], $0x780  }
0x109: {  	_ =	swait.ge [sflag:s19], $0x780  }
0x10a: {  	[sflag:s19] =	ssyncset.done $0x0  }
0x10b: {  	[sflag:s19] =	ssyncadd.s32 $0xFFFFF880  }
0x10c: {  	_ =	sfence.sel $0x180000  }
0x10d: {  	[bflag:$0x0] =	sbarrier.arrive $0xFFFF  }
0x10e: {  	_ =	strace $0x90000047  }
0x10f: {  	s0 =	stileid.u32;
	[bflag:$0x2] =	sbarrier.arrive $0xFFFF  }
0x110: {  	p0 =	sne.s32 s0, $0x0;
	s0 =	rddreg [dreg:$0x3]  }
0x111: {  	s0 =	sadd.s32 @!p0 $0x100000, s0  }
0x112: {  	[sflag:s0] =	ssyncadd.tile.s32 @!p0 $0x1;
	_ =	shalt  }
.Lfunc_end2:
_tile_overlayer_lowered:
.L_overlay_start_2:
0x113: {  	(tag) =	ssettag $0x2  }
0x114: {  	s0 =	rddreg [dreg:$0x0];
	s2 =	stileid.u32  }
0x115: {  	s1 =	rddreg [dreg:$0x1];
	p0 =	sne.s32 s2, $0x0  }
0x116: {  	s3 =	rddreg [dreg:$0x2];
	[bflag:$0x3] =	sbarrier.arrive $0xFFFF;
	s2 =	simm.s32 @!p0 $0x1C03  }
0x117: {  	[timem:s3], [sflag:s2] =	dma.local @!p0 [hbm:s0], s1  }
0x118: {  	s0 =	simm.s32 @!p0 $0x3  }
0x119: {  	_ =	swait.ge @!p0 [sflag:s0], s1  }
0x11a: {  	s1 =	ssub.s32 @!p0 $0x0, s1;
	[sflag:s0] =	ssyncset.done @!p0 $0x0  }
0x11b: {  	[sflag:s0] =	ssyncadd.s32 @!p0 s1  }
0x11c: {  	[bflag:$0x3] =	sbarrier.arrive $0xFFFF  }
0x11d: {  	_ =	shalt  }

</sc_bundles>
